<compile_context>
chip_gen: v7x
topology: tpu7x:2x2x1
jax: 0.10.2.dev20260603
libtpu: 0.0.44.dev20260713+nightly
codegen_flags: <defaults>
</compile_context>

<pallas_src>
import jax
import jax.numpy as jnp
from jax import lax
from jax.experimental import pallas as pl
from jax.experimental.pallas import tpu as pltpu
from jax.experimental.pallas import tpu_sc as plsc

N_USERS = 5000
N_ITEMS = 5000
N = N_USERS + N_ITEMS
D = 128
N_LAYERS = 3
E = 320000
BATCH = 16384

NC = 2
NS = 16
NW = NC * NS
NPAD = 10240
NH = NPAD // NC
AGG_ROWS = 5248
RPT = AGG_ROWS // NS
GARB_LOCAL = 5120
GATHER_PAD = 10100
CHUNK = 128
CPT = 80
EPT = CPT * CHUNK
EPAD = EPT * NW

GB = 49152
GPT = GB // NW
GCPT = GPT // CHUNK

_mesh = plsc.VectorSubcoreMesh(core_axis_name="c", subcore_axis_name="s",
                               num_cores=NC, num_subcores=NS)


def _fill_rows(ref, nrows, width, value):
    def body(i, _):
        for j in range(width // 16):
            ref[i, pl.ds(j * 16, 16)] = jnp.full((16,), value, jnp.float32)
        return 0
    lax.fori_loop(0, nrows, body, 0)


def _zero_shared_rows(shared, zbuf, base, total, zrows):
    off = 0
    while off < total:
        sz = min(zrows, total - off)
        pltpu.sync_copy(zbuf.at[pl.ds(0, sz)], shared.at[pl.ds(base + off, sz)])
        off += sz


def _deg_body(rowsd4, degp, idx_v, ones_v, zbuf, agg):
    c = lax.axis_index("c")
    s = lax.axis_index("s")
    wid = s * NC + c
    base = s * RPT

    _fill_rows(zbuf, CHUNK, D, 0.0)
    _fill_rows(ones_v, CHUNK, D, 1.0)
    _zero_shared_rows(agg, zbuf, base, RPT, CHUNK)
    pltpu.sync_copy(rowsd4.at[c, wid], idx_v)
    plsc.subcore_barrier()

    def body(j, _):
        pltpu.sync_copy(ones_v, agg.at[idx_v.at[j]], add=True)
        return 0
    lax.fori_loop(0, CPT, body, 0)

    plsc.subcore_barrier()
    pltpu.sync_copy(agg.at[pl.ds(base, RPT)], degp.at[c, pl.ds(base, RPT)])


_deg_call = pl.kernel(
    _deg_body,
    out_type=jax.ShapeDtypeStruct((NC, AGG_ROWS, D), jnp.float32),
    mesh=_mesh,
    scratch_types=[
        pltpu.VMEM((CPT, CHUNK), jnp.int32),
        pltpu.VMEM((CHUNK, D), jnp.float32),
        pltpu.VMEM((CHUNK, D), jnp.float32),
        pltpu.VMEM_SHARED((AGG_ROWS, D), jnp.float32),
    ],
)


def _prop_body(t_hbm, rows4, cols4, p_out,
               rows_v, cols_v, b0, b1, b2, b3, agg,
               sem0, sem1, sem2, sem3):
    c = lax.axis_index("c")
    s = lax.axis_index("s")
    wid = s * NC + c
    base = s * RPT
    bufs = (b0, b1, b2, b3)
    sems = (sem0, sem1, sem2, sem3)

    _fill_rows(b0, CHUNK, D, 0.0)
    _zero_shared_rows(agg, b0, base, RPT, CHUNK)

    pltpu.sync_copy(rows4.at[c, wid], rows_v)
    pltpu.sync_copy(cols4.at[c, wid], cols_v)
    plsc.subcore_barrier()

    for b in range(3):
        pltpu.async_copy(t_hbm.at[rows_v.at[b]], bufs[b], sems[b])

    def body(i, _):
        j = 4 * i
        for b in range(4):
            jb = j + b
            pltpu.make_async_copy(t_hbm.at[rows_v.at[jb]],
                                  bufs[b], sems[b]).wait()
            pltpu.sync_copy(bufs[b], agg.at[cols_v.at[jb]], add=True)

            @pl.when(jb + 3 < CPT)
            def _():
                pltpu.async_copy(t_hbm.at[rows_v.at[jb + 3]],
                                 bufs[(b + 3) % 4], sems[(b + 3) % 4])
        return 0
    lax.fori_loop(0, CPT // 4, body, 0)

    plsc.subcore_barrier()
    pltpu.sync_copy(agg.at[pl.ds(base, RPT)], p_out.at[c, pl.ds(base, RPT)])


_prop_call = pl.kernel(
    _prop_body,
    out_type=jax.ShapeDtypeStruct((NC, AGG_ROWS, D), jnp.float32),
    mesh=_mesh,
    scratch_types=[
        pltpu.VMEM((CPT, CHUNK), jnp.int32),
        pltpu.VMEM((CPT, CHUNK), jnp.int32),
        pltpu.VMEM((CHUNK, D), jnp.float32),
        pltpu.VMEM((CHUNK, D), jnp.float32),
        pltpu.VMEM((CHUNK, D), jnp.float32),
        pltpu.VMEM((CHUNK, D), jnp.float32),
        pltpu.VMEM_SHARED((AGG_ROWS, D), jnp.float32),
        pltpu.SemaphoreType.DMA,
        pltpu.SemaphoreType.DMA,
        pltpu.SemaphoreType.DMA,
        pltpu.SemaphoreType.DMA,
    ],
)


def _gather_body(out_hbm, idx3, g_out, idx_v, b0, b1, sem0, sem1):
    c = lax.axis_index("c")
    s = lax.axis_index("s")
    wid = s * NC + c
    base = wid * GPT

    pltpu.sync_copy(idx3.at[wid], idx_v)
    pltpu.async_copy(out_hbm.at[idx_v.at[0]], b0, sem0)

    def body(i, _):
        j = 2 * i
        pltpu.async_copy(out_hbm.at[idx_v.at[j + 1]], b1, sem1)
        pltpu.make_async_copy(out_hbm.at[idx_v.at[j]], b0, sem0).wait()
        pltpu.sync_copy(b0, g_out.at[pl.ds(base + j * CHUNK, CHUNK)])

        @pl.when(i < GCPT // 2 - 1)
        def _():
            pltpu.async_copy(out_hbm.at[idx_v.at[j + 2]], b0, sem0)

        pltpu.make_async_copy(out_hbm.at[idx_v.at[j + 1]], b1, sem1).wait()
        pltpu.sync_copy(b1, g_out.at[pl.ds(base + (j + 1) * CHUNK, CHUNK)])
        return 0
    lax.fori_loop(0, GCPT // 2, body, 0)


_gather_call = pl.kernel(
    _gather_body,
    out_type=jax.ShapeDtypeStruct((GB, D), jnp.float32),
    mesh=_mesh,
    scratch_types=[
        pltpu.VMEM((GCPT, CHUNK), jnp.int32),
        pltpu.VMEM((CHUNK, D), jnp.float32),
        pltpu.VMEM((CHUNK, D), jnp.float32),
        pltpu.SemaphoreType.DMA,
        pltpu.SemaphoreType.DMA,
    ],
)


_RB = NPAD // 4


def _half_spec():
    return pl.BlockSpec((1, _RB, D), lambda i: (i // 2, i % 2, 0))


def _row_spec():
    return pl.BlockSpec((_RB, D), lambda i: (i, 0))


def _scale_body(degp_ref, x0_ref, dinv_ref, dinv2_ref, t0_ref):
    d0 = degp_ref[0][:, 0:1]
    dinv = jnp.where(d0 > 0.0, lax.rsqrt(d0), 0.0)
    dinvf = jnp.broadcast_to(dinv, (d0.shape[0], D))
    dinv_ref[...] = dinvf
    dinv2_ref[...] = dinvf * dinvf
    t0_ref[...] = x0_ref[...] * dinvf


def _scale_call(degp, x0p):
    return pl.pallas_call(
        _scale_body,
        grid=(4,),
        in_specs=[_half_spec(), _row_spec()],
        out_specs=[_row_spec(), _row_spec(), _row_spec()],
        out_shape=[
            jax.ShapeDtypeStruct((NPAD, D), jnp.float32),
            jax.ShapeDtypeStruct((NPAD, D), jnp.float32),
            jax.ShapeDtypeStruct((NPAD, D), jnp.float32),
        ],
    )(degp, x0p)


def _combine_body(p_ref, dinv2_ref, asum_ref, t_ref, asum_out_ref):
    agg = p_ref[0]
    t_ref[...] = dinv2_ref[...] * agg
    asum_out_ref[...] = asum_ref[...] + agg


def _combine_call(p, dinv2f, asum):
    return pl.pallas_call(
        _combine_body,
        grid=(4,),
        in_specs=[_half_spec(), _row_spec(), _row_spec()],
        out_specs=[_row_spec(), _row_spec()],
        out_shape=[
            jax.ShapeDtypeStruct((NPAD, D), jnp.float32),
            jax.ShapeDtypeStruct((NPAD, D), jnp.float32),
        ],
    )(p, dinv2f, asum)


def _final_out_body(p_ref, x0_ref, dinv_ref, asum_ref, out_ref):
    agg = p_ref[0]
    out_ref[...] = (x0_ref[...] + dinv_ref[...] * (asum_ref[...] + agg)) * 0.25


def _final_out_call(p, x0p, dinvf, asum):
    return pl.pallas_call(
        _final_out_body,
        grid=(4,),
        in_specs=[_half_spec(), _row_spec(), _row_spec(), _row_spec()],
        out_specs=_row_spec(),
        out_shape=jax.ShapeDtypeStruct((NPAD, D), jnp.float32),
    )(p, x0p, dinvf, asum)


_LB = BATCH // 8


def _loss_body(u_ref, p_ref, n_ref, out_ref):
    i = pl.program_id(0)
    u = u_ref[0]
    d = jnp.sum(u * (p_ref[0] - n_ref[0]), axis=1)
    sp = jnp.maximum(-d, 0.0) + jnp.log(1.0 + jnp.exp(-jnp.abs(d)))
    part = jnp.sum(sp)

    @pl.when(i == 0)
    def _():
        out_ref[...] = jnp.zeros((1, 1), jnp.float32)

    out_ref[...] = out_ref[...] + part / BATCH


def _loss_call(g3):
    return pl.pallas_call(
        _loss_body,
        grid=(8,),
        in_specs=[
            pl.BlockSpec((1, _LB, D), lambda i: (0, i, 0)),
            pl.BlockSpec((1, _LB, D), lambda i: (1, i, 0)),
            pl.BlockSpec((1, _LB, D), lambda i: (2, i, 0)),
        ],
        out_specs=pl.BlockSpec((1, 1), lambda i: (0, 0)),
        out_shape=jax.ShapeDtypeStruct((1, 1), jnp.float32),
    )(g3, g3, g3)


def _clamp_to_halves(idx):
    garb = GARB_LOCAL + (jnp.arange(idx.shape[0], dtype=jnp.int32) % 128)
    locs = []
    for c in range(NC):
        lc = idx - c * NH
        locs.append(jnp.where((lc >= 0) & (lc < NH), lc, garb))
    return jnp.stack(locs).reshape(NC, NW, CPT, CHUNK)


@jax.jit
def _run(users, pos_items, neg_items, edge_index, embedding_weight):
    ei = edge_index.astype(jnp.int32)
    pad = jnp.full((EPAD - E,), GATHER_PAD, jnp.int32)
    rows = jnp.concatenate([ei[0], pad])
    cols = jnp.concatenate([ei[1], pad])
    rows3 = rows.reshape(NW, CPT, CHUNK)
    cols4 = _clamp_to_halves(cols)
    rowsd4 = _clamp_to_halves(rows)
    rows4 = jnp.stack([rows3, jnp.roll(rows3, CPT // 2, axis=1)])
    cols4 = jnp.stack([cols4[0], jnp.roll(cols4[1], CPT // 2, axis=1)])

    x0p = jnp.pad(embedding_weight.astype(jnp.float32),
                  ((0, NPAD - N), (0, 0)))

    degp = _deg_call(rowsd4)
    dinvf, dinv2f, t = _scale_call(degp, x0p)

    asum = jnp.zeros((NPAD, D), jnp.float32)
    for _ in range(N_LAYERS - 1):
        p = _prop_call(t, rows4, cols4)
        t, asum = _combine_call(p, dinv2f, asum)
    p = _prop_call(t, rows4, cols4)
    out = _final_out_call(p, x0p, dinvf, asum)

    idx_all = jnp.concatenate([
        users.astype(jnp.int32),
        pos_items.astype(jnp.int32) + N_USERS,
        neg_items.astype(jnp.int32) + N_USERS,
    ]).reshape(NW, GCPT, CHUNK)
    g = _gather_call(out, idx_all)
    loss = _loss_call(g.reshape(3, BATCH, D))
    return loss[0, 0]


def kernel(users, pos_items, neg_items, edge_index, embedding_weight):
    return _run(users, pos_items, neg_items, edge_index, embedding_weight)

# --- scband reference (transcript-rebuilt; emitter-appended) ---
"""Pipeline reference for scband-light-gcn-52458730553910 (READ-ONLY COPY).

The authoritative reference and input builder live on the scoring server;
editing this copy changes nothing except your own understanding.
"""

import jax, jax.numpy as jnp
import numpy as np

NUM_USERS = 5000
NUM_ITEMS = 5000
NUM_NODES = NUM_USERS + NUM_ITEMS
EMBEDDING_DIM = 128
LAYERS = 3
NUM_EDGES = 320000
BATCH = 16384


def setup_inputs(seed: int = 0) -> dict:
    key = jax.random.key(seed)
    k1, k2, k3, k4, k5 = jax.random.split(key, 5)
    users = jax.random.randint(k1, (BATCH,), 0, NUM_USERS, dtype=jnp.int64) if jax.config.jax_enable_x64 else jax.random.randint(k1, (BATCH,), 0, NUM_USERS)
    pos_items = jax.random.randint(k2, (BATCH,), 0, NUM_ITEMS)
    neg_items = jax.random.randint(k3, (BATCH,), 0, NUM_ITEMS)
    edge_index = jax.random.randint(k4, (2, NUM_EDGES), 0, NUM_NODES)
    # xavier_uniform init for embedding table [NUM_NODES, EMBEDDING_DIM]
    limit = float(np.sqrt(6.0 / (NUM_NODES + EMBEDDING_DIM)))
    embedding_weight = jax.random.uniform(k5, (NUM_NODES, EMBEDDING_DIM), minval=-limit, maxval=limit, dtype=jnp.float32)
    return {
        "users": users,
        "pos_items": pos_items,
        "neg_items": neg_items,
        "edge_index": edge_index,
        "embedding_weight": embedding_weight,
    }


def reference(users, pos_items, neg_items, edge_index, embedding_weight):
    rows = edge_index[0]
    cols = edge_index[1]
    deg = jnp.bincount(rows, length=NUM_NODES).astype(jnp.float32)
    deg_inv_sqrt = jnp.where(deg > 0, deg ** -0.5, 0.0)
    deg_inv_sqrt_rows = deg_inv_sqrt[rows][:, None]
    deg_inv_sqrt_cols = deg_inv_sqrt[:, None]

    x = embedding_weight
    embs = [x]
    for _ in range(LAYERS):
        msg = x[rows] * deg_inv_sqrt_rows
        agg = jnp.zeros_like(x).at[cols].add(msg)
        x = agg * deg_inv_sqrt_cols
        embs.append(x)
    out = jnp.stack(embs, axis=0).mean(axis=0)

    users_emb = out[:NUM_USERS]
    items_emb = out[NUM_USERS:]
    u = users_emb[users]
    pos = items_emb[pos_items]
    neg = items_emb[neg_items]
    pos_score = jnp.sum(u * pos, axis=1)
    neg_score = jnp.sum(u * neg, axis=1)
    loss = -jnp.mean(jnp.log(jax.nn.sigmoid(pos_score - neg_score)))
    return loss

if __name__ == "__main__":
    import jax
    _d = setup_inputs()
    print(jax.jit(kernel)(*tuple(_d.values())))

</pallas_src>

<mosaic_0001>
#map = affine_map<(d0, d1) -> (0, 0)>
#map1 = affine_map<(d0, d1) -> (0, 0, 0, 0)>
#map2 = affine_map<(d0, d1) -> (0, 0, 0)>
module attributes {stable_mosaic.version = 14 : i64} {
  func.func @_prop_body(%arg0: i32, %arg1: i32, %arg2: memref<10240x128xf32, #tpu.memory_space<hbm>>, %arg3: memref<2x32x80x128xi32, #tpu.memory_space<hbm>>, %arg4: memref<2x32x80x128xi32, #tpu.memory_space<hbm>>, %arg5: memref<2x5248x128xf32, #tpu.memory_space<hbm>>, %arg6: memref<80x128xi32, #tpu.memory_space<vmem>>, %arg7: memref<80x128xi32, #tpu.memory_space<vmem>>, %arg8: memref<128x128xf32, #tpu.memory_space<vmem>>, %arg9: memref<128x128xf32, #tpu.memory_space<vmem>>, %arg10: memref<128x128xf32, #tpu.memory_space<vmem>>, %arg11: memref<128x128xf32, #tpu.memory_space<vmem>>, %arg12: memref<5248x128xf32, #tpu.memory_space<vmem_shared>>, %arg13: memref<!tpu.dma_semaphore, #tpu.memory_space<semaphore_mem>>, %arg14: memref<!tpu.dma_semaphore, #tpu.memory_space<semaphore_mem>>, %arg15: memref<!tpu.dma_semaphore, #tpu.memory_space<semaphore_mem>>, %arg16: memref<!tpu.dma_semaphore, #tpu.memory_space<semaphore_mem>>) attributes {dimension_semantics = [#tpu.dimension_semantics<core_parallel>, #tpu.dimension_semantics<subcore_parallel>], iteration_bounds = array<i64: 2, 16>, scalar_prefetch = 0 : i64, scratch_operands = 11 : i64, tpu.core_type = #tpu.core_type<sc_vector_subcore>, window_params = [{transform_indices = #map}, {transform_indices = #map1}, {transform_indices = #map1}, {transform_indices = #map2}]} {
    %mul3A = arith.constant 2 : i32
    %mul3A_0 = arith.muli %arg1, %mul3A : i32
    %add3A = arith.addi %mul3A_0, %arg0 : i32
    %mul3A_1 = arith.constant 328 : i32
    %mul3A_2 = arith.muli %arg1, %mul3A_1 : i32
    %scan3A = arith.constant 0 : i32
    %scan3A_3 = arith.constant 0 : i32
    %scan3A_4 = arith.constant 128 : i32
    %scan3A_5 = arith.addi %scan3A_3, %scan3A_4 : i32
    %scan3A_6 = arith.constant 1 : i32
    %scan3A_7 = scf.for %scan3A_43 = %scan3A_3 to %scan3A_5 step %scan3A_6 iter_args(%scan3A_44 = %scan3A) -> (i32)  : i32 {
      %broadcast_in_dim3A = arith.constant 0.000000e+00 : f32
      %broadcast_in_dim3A_45 = vector.broadcast %broadcast_in_dim3A : f32 to vector<16xf32>
      %swap3A = arith.index_cast %scan3A_43 : i32 to index
      %swap3A_46 = arith.constant 0 : index
      %swap3A_47 = tpu.vector_load %arg8[%swap3A, %swap3A_46] {strides = array<i32>} : memref<128x128xf32, #tpu.memory_space<vmem>>, vector<1x16xf32>,
      %swap3A_48 = vector.shape_cast %swap3A_47 : vector<1x16xf32> to vector<16xf32>
      %swap3A_49 = vector.shape_cast %broadcast_in_dim3A_45 : vector<16xf32> to vector<1x16xf32>
      tpu.vector_store %arg8[%swap3A, %swap3A_46], %swap3A_49 {strides = array<i32>} : memref<128x128xf32, #tpu.memory_space<vmem>>, vector<1x16xf32>,
      %broadcast_in_dim3A_50 = arith.constant 0.000000e+00 : f32
      %broadcast_in_dim3A_51 = vector.broadcast %broadcast_in_dim3A_50 : f32 to vector<16xf32>
      %swap3A_52 = arith.index_cast %scan3A_43 : i32 to index
      %swap3A_53 = arith.constant 16 : index
      %swap3A_54 = tpu.vector_load %arg8[%swap3A_52, %swap3A_53] {strides = array<i32>} : memref<128x128xf32, #tpu.memory_space<vmem>>, vector<1x16xf32>,
      %swap3A_55 = vector.shape_cast %swap3A_54 : vector<1x16xf32> to vector<16xf32>
      %swap3A_56 = vector.shape_cast %broadcast_in_dim3A_51 : vector<16xf32> to vector<1x16xf32>
      tpu.vector_store %arg8[%swap3A_52, %swap3A_53], %swap3A_56 {strides = array<i32>} : memref<128x128xf32, #tpu.memory_space<vmem>>, vector<1x16xf32>,
      %broadcast_in_dim3A_57 = arith.constant 0.000000e+00 : f32
      %broadcast_in_dim3A_58 = vector.broadcast %broadcast_in_dim3A_57 : f32 to vector<16xf32>
      %swap3A_59 = arith.index_cast %scan3A_43 : i32 to index
      %swap3A_60 = arith.constant 32 : index
      %swap3A_61 = tpu.vector_load %arg8[%swap3A_59, %swap3A_60] {strides = array<i32>} : memref<128x128xf32, #tpu.memory_space<vmem>>, vector<1x16xf32>,
      %swap3A_62 = vector.shape_cast %swap3A_61 : vector<1x16xf32> to vector<16xf32>
      %swap3A_63 = vector.shape_cast %broadcast_in_dim3A_58 : vector<16xf32> to vector<1x16xf32>
      tpu.vector_store %arg8[%swap3A_59, %swap3A_60], %swap3A_63 {strides = array<i32>} : memref<128x128xf32, #tpu.memory_space<vmem>>, vector<1x16xf32>,
      %broadcast_in_dim3A_64 = arith.constant 0.000000e+00 : f32
      %broadcast_in_dim3A_65 = vector.broadcast %broadcast_in_dim3A_64 : f32 to vector<16xf32>
      %swap3A_66 = arith.index_cast %scan3A_43 : i32 to index
      %swap3A_67 = arith.constant 48 : index
      %swap3A_68 = tpu.vector_load %arg8[%swap3A_66, %swap3A_67] {strides = array<i32>} : memref<128x128xf32, #tpu.memory_space<vmem>>, vector<1x16xf32>,
      %swap3A_69 = vector.shape_cast %swap3A_68 : vector<1x16xf32> to vector<16xf32>
      %swap3A_70 = vector.shape_cast %broadcast_in_dim3A_65 : vector<16xf32> to vector<1x16xf32>
      tpu.vector_store %arg8[%swap3A_66, %swap3A_67], %swap3A_70 {strides = array<i32>} : memref<128x128xf32, #tpu.memory_space<vmem>>, vector<1x16xf32>,
      %broadcast_in_dim3A_71 = arith.constant 0.000000e+00 : f32
      %broadcast_in_dim3A_72 = vector.broadcast %broadcast_in_dim3A_71 : f32 to vector<16xf32>
      %swap3A_73 = arith.index_cast %scan3A_43 : i32 to index
      %swap3A_74 = arith.constant 64 : index
      %swap3A_75 = tpu.vector_load %arg8[%swap3A_73, %swap3A_74] {strides = array<i32>} : memref<128x128xf32, #tpu.memory_space<vmem>>, vector<1x16xf32>,
      %swap3A_76 = vector.shape_cast %swap3A_75 : vector<1x16xf32> to vector<16xf32>
      %swap3A_77 = vector.shape_cast %broadcast_in_dim3A_72 : vector<16xf32> to vector<1x16xf32>
      tpu.vector_store %arg8[%swap3A_73, %swap3A_74], %swap3A_77 {strides = array<i32>} : memref<128x128xf32, #tpu.memory_space<vmem>>, vector<1x16xf32>,
      %broadcast_in_dim3A_78 = arith.constant 0.000000e+00 : f32
      %broadcast_in_dim3A_79 = vector.broadcast %broadcast_in_dim3A_78 : f32 to vector<16xf32>
      %swap3A_80 = arith.index_cast %scan3A_43 : i32 to index
      %swap3A_81 = arith.constant 80 : index
      %swap3A_82 = tpu.vector_load %arg8[%swap3A_80, %swap3A_81] {strides = array<i32>} : memref<128x128xf32, #tpu.memory_space<vmem>>, vector<1x16xf32>,
      %swap3A_83 = vector.shape_cast %swap3A_82 : vector<1x16xf32> to vector<16xf32>
      %swap3A_84 = vector.shape_cast %broadcast_in_dim3A_79 : vector<16xf32> to vector<1x16xf32>
      tpu.vector_store %arg8[%swap3A_80, %swap3A_81], %swap3A_84 {strides = array<i32>} : memref<128x128xf32, #tpu.memory_space<vmem>>, vector<1x16xf32>,
      %broadcast_in_dim3A_85 = arith.constant 0.000000e+00 : f32
      %broadcast_in_dim3A_86 = vector.broadcast %broadcast_in_dim3A_85 : f32 to vector<16xf32>
      %swap3A_87 = arith.index_cast %scan3A_43 : i32 to index
      %swap3A_88 = arith.constant 96 : index
      %swap3A_89 = tpu.vector_load %arg8[%swap3A_87, %swap3A_88] {strides = array<i32>} : memref<128x128xf32, #tpu.memory_space<vmem>>, vector<1x16xf32>,
      %swap3A_90 = vector.shape_cast %swap3A_89 : vector<1x16xf32> to vector<16xf32>
      %swap3A_91 = vector.shape_cast %broadcast_in_dim3A_86 : vector<16xf32> to vector<1x16xf32>
      tpu.vector_store %arg8[%swap3A_87, %swap3A_88], %swap3A_91 {strides = array<i32>} : memref<128x128xf32, #tpu.memory_space<vmem>>, vector<1x16xf32>,
      %broadcast_in_dim3A_92 = arith.constant 0.000000e+00 : f32
      %broadcast_in_dim3A_93 = vector.broadcast %broadcast_in_dim3A_92 : f32 to vector<16xf32>
      %swap3A_94 = arith.index_cast %scan3A_43 : i32 to index
      %swap3A_95 = arith.constant 112 : index
      %swap3A_96 = tpu.vector_load %arg8[%swap3A_94, %swap3A_95] {strides = array<i32>} : memref<128x128xf32, #tpu.memory_space<vmem>>, vector<1x16xf32>,
      %swap3A_97 = vector.shape_cast %swap3A_96 : vector<1x16xf32> to vector<16xf32>
      %swap3A_98 = vector.shape_cast %broadcast_in_dim3A_93 : vector<16xf32> to vector<1x16xf32>
      tpu.vector_store %arg8[%swap3A_94, %swap3A_95], %swap3A_98 {strides = array<i32>} : memref<128x128xf32, #tpu.memory_space<vmem>>, vector<1x16xf32>,
      %scan3A_99 = arith.constant 0 : i32
      scf.yield %scan3A_99 : i32
    }
    %scan3A_8 = arith.constant 128 : i32
    %add3A_9 = arith.constant 0 : i32
    %add3A_10 = arith.addi %mul3A_2, %add3A_9 : i32
    "tpu.region"() ({
      %run_scoped3A = tpu.sem_alloc : memref<!tpu.dma_semaphore, #tpu.memory_space<semaphore_mem>>
      %dma_start3A_43 = arith.constant 0 : i32
      %dma_start3A_44 = arith.constant 0 : i32
      %dma_start3A_45 = tpu.memref_slice %arg8[%dma_start3A_43, %dma_start3A_44] : memref<128x128xf32, #tpu.memory_space<vmem>> -> memref<128x128xf32, #tpu.memory_space<vmem>>
      %dma_start3A_46 = arith.constant 0 : i32
      %dma_start3A_47 = tpu.memref_slice %arg12[%add3A_10, %dma_start3A_46] : memref<5248x128xf32, #tpu.memory_space<vmem_shared>> -> memref<128x128xf32, #tpu.memory_space<vmem_shared>>
      %dma_start3A_48 = arith.constant 0 : i32
      %dma_start3A_49 = tpu.memref_slice %arg12[%add3A_10, %dma_start3A_48] : memref<5248x128xf32, #tpu.memory_space<vmem_shared>> -> memref<128x128xf32, #tpu.memory_space<vmem_shared>>
      %dma_start3A_50 = arith.constant 0 : i32
      %dma_start3A_51 = arith.constant 0 : i32
      %dma_start3A_52 = tpu.memref_slice %arg8[%dma_start3A_50, %dma_start3A_51] : memref<128x128xf32, #tpu.memory_space<vmem>> -> memref<128x128xf32, #tpu.memory_space<vmem>>
      tpu.enqueue_dma source(%dma_start3A_52 : memref<128x128xf32, #tpu.memory_space<vmem>>) target(%dma_start3A_49 : memref<128x128xf32, #tpu.memory_space<vmem_shared>>) target_semaphore(%run_scoped3A : memref<!tpu.dma_semaphore, #tpu.memory_space<semaphore_mem>>)
      %dma_wait3A = arith.constant 0 : i32
      %dma_wait3A_53 = arith.constant 0 : i32
      %dma_wait3A_54 = tpu.memref_slice %arg8[%dma_wait3A, %dma_wait3A_53] : memref<128x128xf32, #tpu.memory_space<vmem>> -> memref<128x128xf32, #tpu.memory_space<vmem>>
      %dma_wait3A_55 = arith.constant 0 : i32
      %dma_wait3A_56 = tpu.memref_slice %arg12[%add3A_10, %dma_wait3A_55] : memref<5248x128xf32, #tpu.memory_space<vmem_shared>> -> memref<128x128xf32, #tpu.memory_space<vmem_shared>>
      %dma_wait3A_57 = arith.constant 0 : i32
      %dma_wait3A_58 = tpu.memref_slice %arg12[%add3A_10, %dma_wait3A_57] : memref<5248x128xf32, #tpu.memory_space<vmem_shared>> -> memref<128x128xf32, #tpu.memory_space<vmem_shared>>
      %dma_wait3A_59 = arith.constant 0 : i32
      %dma_wait3A_60 = arith.constant 0 : i32
      %dma_wait3A_61 = tpu.memref_slice %arg8[%dma_wait3A_59, %dma_wait3A_60] : memref<128x128xf32, #tpu.memory_space<vmem>> -> memref<128x128xf32, #tpu.memory_space<vmem>>
      tpu.wait_dma2 semaphore(%run_scoped3A : memref<!tpu.dma_semaphore, #tpu.memory_space<semaphore_mem>>) src(%dma_wait3A_61 : memref<128x128xf32, #tpu.memory_space<vmem>>) dst(%dma_wait3A_58 : memref<128x128xf32, #tpu.memory_space<vmem_shared>>)
      tpu.yield
    }) : () -> ()
    %add3A_11 = arith.constant 128 : i32
    %add3A_12 = arith.addi %mul3A_2, %add3A_11 : i32
    "tpu.region"() ({
      %run_scoped3A = tpu.sem_alloc : memref<!tpu.dma_semaphore, #tpu.memory_space<semaphore_mem>>
      %dma_start3A_43 = arith.constant 0 : i32
      %dma_start3A_44 = arith.constant 0 : i32
      %dma_start3A_45 = tpu.memref_slice %arg8[%dma_start3A_43, %dma_start3A_44] : memref<128x128xf32, #tpu.memory_space<vmem>> -> memref<128x128xf32, #tpu.memory_space<vmem>>
      %dma_start3A_46 = arith.constant 0 : i32
      %dma_start3A_47 = tpu.memref_slice %arg12[%add3A_12, %dma_start3A_46] : memref<5248x128xf32, #tpu.memory_space<vmem_shared>> -> memref<128x128xf32, #tpu.memory_space<vmem_shared>>
      %dma_start3A_48 = arith.constant 0 : i32
      %dma_start3A_49 = tpu.memref_slice %arg12[%add3A_12, %dma_start3A_48] : memref<5248x128xf32, #tpu.memory_space<vmem_shared>> -> memref<128x128xf32, #tpu.memory_space<vmem_shared>>
      %dma_start3A_50 = arith.constant 0 : i32
      %dma_start3A_51 = arith.constant 0 : i32
      %dma_start3A_52 = tpu.memref_slice %arg8[%dma_start3A_50, %dma_start3A_51] : memref<128x128xf32, #tpu.memory_space<vmem>> -> memref<128x128xf32, #tpu.memory_space<vmem>>
      tpu.enqueue_dma source(%dma_start3A_52 : memref<128x128xf32, #tpu.memory_space<vmem>>) target(%dma_start3A_49 : memref<128x128xf32, #tpu.memory_space<vmem_shared>>) target_semaphore(%run_scoped3A : memref<!tpu.dma_semaphore, #tpu.memory_space<semaphore_mem>>)
      %dma_wait3A = arith.constant 0 : i32
      %dma_wait3A_53 = arith.constant 0 : i32
      %dma_wait3A_54 = tpu.memref_slice %arg8[%dma_wait3A, %dma_wait3A_53] : memref<128x128xf32, #tpu.memory_space<vmem>> -> memref<128x128xf32, #tpu.memory_space<vmem>>
      %dma_wait3A_55 = arith.constant 0 : i32
      %dma_wait3A_56 = tpu.memref_slice %arg12[%add3A_12, %dma_wait3A_55] : memref<5248x128xf32, #tpu.memory_space<vmem_shared>> -> memref<128x128xf32, #tpu.memory_space<vmem_shared>>
      %dma_wait3A_57 = arith.constant 0 : i32
      %dma_wait3A_58 = tpu.memref_slice %arg12[%add3A_12, %dma_wait3A_57] : memref<5248x128xf32, #tpu.memory_space<vmem_shared>> -> memref<128x128xf32, #tpu.memory_space<vmem_shared>>
      %dma_wait3A_59 = arith.constant 0 : i32
      %dma_wait3A_60 = arith.constant 0 : i32
      %dma_wait3A_61 = tpu.memref_slice %arg8[%dma_wait3A_59, %dma_wait3A_60] : memref<128x128xf32, #tpu.memory_space<vmem>> -> memref<128x128xf32, #tpu.memory_space<vmem>>
      tpu.wait_dma2 semaphore(%run_scoped3A : memref<!tpu.dma_semaphore, #tpu.memory_space<semaphore_mem>>) src(%dma_wait3A_61 : memref<128x128xf32, #tpu.memory_space<vmem>>) dst(%dma_wait3A_58 : memref<128x128xf32, #tpu.memory_space<vmem_shared>>)
      tpu.yield
    }) : () -> ()
    %add3A_13 = arith.constant 256 : i32
    %add3A_14 = arith.addi %mul3A_2, %add3A_13 : i32
    "tpu.region"() ({
      %run_scoped3A = tpu.sem_alloc : memref<!tpu.dma_semaphore, #tpu.memory_space<semaphore_mem>>
      %dma_start3A_43 = arith.constant 0 : i32
      %dma_start3A_44 = arith.constant 0 : i32
      %dma_start3A_45 = tpu.memref_slice %arg8[%dma_start3A_43, %dma_start3A_44] : memref<128x128xf32, #tpu.memory_space<vmem>> -> memref<72x128xf32, #tpu.memory_space<vmem>>
      %dma_start3A_46 = arith.constant 0 : i32
      %dma_start3A_47 = tpu.memref_slice %arg12[%add3A_14, %dma_start3A_46] : memref<5248x128xf32, #tpu.memory_space<vmem_shared>> -> memref<72x128xf32, #tpu.memory_space<vmem_shared>>
      %dma_start3A_48 = arith.constant 0 : i32
      %dma_start3A_49 = tpu.memref_slice %arg12[%add3A_14, %dma_start3A_48] : memref<5248x128xf32, #tpu.memory_space<vmem_shared>> -> memref<72x128xf32, #tpu.memory_space<vmem_shared>>
      %dma_start3A_50 = arith.constant 0 : i32
      %dma_start3A_51 = arith.constant 0 : i32
      %dma_start3A_52 = tpu.memref_slice %arg8[%dma_start3A_50, %dma_start3A_51] : memref<128x128xf32, #tpu.memory_space<vmem>> -> memref<72x128xf32, #tpu.memory_space<vmem>>
      tpu.enqueue_dma source(%dma_start3A_52 : memref<72x128xf32, #tpu.memory_space<vmem>>) target(%dma_start3A_49 : memref<72x128xf32, #tpu.memory_space<vmem_shared>>) target_semaphore(%run_scoped3A : memref<!tpu.dma_semaphore, #tpu.memory_space<semaphore_mem>>)
      %dma_wait3A = arith.constant 0 : i32
      %dma_wait3A_53 = arith.constant 0 : i32
      %dma_wait3A_54 = tpu.memref_slice %arg8[%dma_wait3A, %dma_wait3A_53] : memref<128x128xf32, #tpu.memory_space<vmem>> -> memref<72x128xf32, #tpu.memory_space<vmem>>
      %dma_wait3A_55 = arith.constant 0 : i32
      %dma_wait3A_56 = tpu.memref_slice %arg12[%add3A_14, %dma_wait3A_55] : memref<5248x128xf32, #tpu.memory_space<vmem_shared>> -> memref<72x128xf32, #tpu.memory_space<vmem_shared>>
      %dma_wait3A_57 = arith.constant 0 : i32
      %dma_wait3A_58 = tpu.memref_slice %arg12[%add3A_14, %dma_wait3A_57] : memref<5248x128xf32, #tpu.memory_space<vmem_shared>> -> memref<72x128xf32, #tpu.memory_space<vmem_shared>>
      %dma_wait3A_59 = arith.constant 0 : i32
      %dma_wait3A_60 = arith.constant 0 : i32
      %dma_wait3A_61 = tpu.memref_slice %arg8[%dma_wait3A_59, %dma_wait3A_60] : memref<128x128xf32, #tpu.memory_space<vmem>> -> memref<72x128xf32, #tpu.memory_space<vmem>>
      tpu.wait_dma2 semaphore(%run_scoped3A : memref<!tpu.dma_semaphore, #tpu.memory_space<semaphore_mem>>) src(%dma_wait3A_61 : memref<72x128xf32, #tpu.memory_space<vmem>>) dst(%dma_wait3A_58 : memref<72x128xf32, #tpu.memory_space<vmem_shared>>)
      tpu.yield
    }) : () -> ()
    "tpu.region"() ({
      %run_scoped3A = tpu.sem_alloc : memref<!tpu.dma_semaphore, #tpu.memory_space<semaphore_mem>>
      %dma_start3A_43 = arith.constant 0 : i32
      %dma_start3A_44 = arith.constant 0 : i32
      %dma_start3A_45 = tpu.memref_slice %arg3[%arg0, %add3A, %dma_start3A_43, %dma_start3A_44] : memref<2x32x80x128xi32, #tpu.memory_space<hbm>> -> memref<1x1x80x128xi32, #tpu.memory_space<hbm>>
      %dma_start3A_46 = tpu.memref_squeeze %dma_start3A_45 : memref<1x1x80x128xi32, #tpu.memory_space<hbm>> -> memref<80x128xi32, #tpu.memory_space<hbm>>
      %dma_start3A_47 = arith.constant 0 : i32
      %dma_start3A_48 = arith.constant 0 : i32
      %dma_start3A_49 = tpu.memref_slice %arg3[%arg0, %add3A, %dma_start3A_47, %dma_start3A_48] : memref<2x32x80x128xi32, #tpu.memory_space<hbm>> -> memref<1x1x80x128xi32, #tpu.memory_space<hbm>>
      %dma_start3A_50 = tpu.memref_squeeze %dma_start3A_49 : memref<1x1x80x128xi32, #tpu.memory_space<hbm>> -> memref<80x128xi32, #tpu.memory_space<hbm>>
      tpu.enqueue_dma source(%dma_start3A_50 : memref<80x128xi32, #tpu.memory_space<hbm>>) target(%arg6 : memref<80x128xi32, #tpu.memory_space<vmem>>) target_semaphore(%run_scoped3A : memref<!tpu.dma_semaphore, #tpu.memory_space<semaphore_mem>>)
      %dma_wait3A = arith.constant 0 : i32
      %dma_wait3A_51 = arith.constant 0 : i32
      %dma_wait3A_52 = tpu.memref_slice %arg3[%arg0, %add3A, %dma_wait3A, %dma_wait3A_51] : memref<2x32x80x128xi32, #tpu.memory_space<hbm>> -> memref<1x1x80x128xi32, #tpu.memory_space<hbm>>
      %dma_wait3A_53 = tpu.memref_squeeze %dma_wait3A_52 : memref<1x1x80x128xi32, #tpu.memory_space<hbm>> -> memref<80x128xi32, #tpu.memory_space<hbm>>
      %dma_wait3A_54 = arith.constant 0 : i32
      %dma_wait3A_55 = arith.constant 0 : i32
      %dma_wait3A_56 = tpu.memref_slice %arg3[%arg0, %add3A, %dma_wait3A_54, %dma_wait3A_55] : memref<2x32x80x128xi32, #tpu.memory_space<hbm>> -> memref<1x1x80x128xi32, #tpu.memory_space<hbm>>
      %dma_wait3A_57 = tpu.memref_squeeze %dma_wait3A_56 : memref<1x1x80x128xi32, #tpu.memory_space<hbm>> -> memref<80x128xi32, #tpu.memory_space<hbm>>
      tpu.wait_dma2 semaphore(%run_scoped3A : memref<!tpu.dma_semaphore, #tpu.memory_space<semaphore_mem>>) src(%dma_wait3A_57 : memref<80x128xi32, #tpu.memory_space<hbm>>) dst(%arg6 : memref<80x128xi32, #tpu.memory_space<vmem>>)
      tpu.yield
    }) : () -> ()
    "tpu.region"() ({
      %run_scoped3A = tpu.sem_alloc : memref<!tpu.dma_semaphore, #tpu.memory_space<semaphore_mem>>
      %dma_start3A_43 = arith.constant 0 : i32
      %dma_start3A_44 = arith.constant 0 : i32
      %dma_start3A_45 = tpu.memref_slice %arg4[%arg0, %add3A, %dma_start3A_43, %dma_start3A_44] : memref<2x32x80x128xi32, #tpu.memory_space<hbm>> -> memref<1x1x80x128xi32, #tpu.memory_space<hbm>>
      %dma_start3A_46 = tpu.memref_squeeze %dma_start3A_45 : memref<1x1x80x128xi32, #tpu.memory_space<hbm>> -> memref<80x128xi32, #tpu.memory_space<hbm>>
      %dma_start3A_47 = arith.constant 0 : i32
      %dma_start3A_48 = arith.constant 0 : i32
      %dma_start3A_49 = tpu.memref_slice %arg4[%arg0, %add3A, %dma_start3A_47, %dma_start3A_48] : memref<2x32x80x128xi32, #tpu.memory_space<hbm>> -> memref<1x1x80x128xi32, #tpu.memory_space<hbm>>
      %dma_start3A_50 = tpu.memref_squeeze %dma_start3A_49 : memref<1x1x80x128xi32, #tpu.memory_space<hbm>> -> memref<80x128xi32, #tpu.memory_space<hbm>>
      tpu.enqueue_dma source(%dma_start3A_50 : memref<80x128xi32, #tpu.memory_space<hbm>>) target(%arg7 : memref<80x128xi32, #tpu.memory_space<vmem>>) target_semaphore(%run_scoped3A : memref<!tpu.dma_semaphore, #tpu.memory_space<semaphore_mem>>)
      %dma_wait3A = arith.constant 0 : i32
      %dma_wait3A_51 = arith.constant 0 : i32
      %dma_wait3A_52 = tpu.memref_slice %arg4[%arg0, %add3A, %dma_wait3A, %dma_wait3A_51] : memref<2x32x80x128xi32, #tpu.memory_space<hbm>> -> memref<1x1x80x128xi32, #tpu.memory_space<hbm>>
      %dma_wait3A_53 = tpu.memref_squeeze %dma_wait3A_52 : memref<1x1x80x128xi32, #tpu.memory_space<hbm>> -> memref<80x128xi32, #tpu.memory_space<hbm>>
      %dma_wait3A_54 = arith.constant 0 : i32
      %dma_wait3A_55 = arith.constant 0 : i32
      %dma_wait3A_56 = tpu.memref_slice %arg4[%arg0, %add3A, %dma_wait3A_54, %dma_wait3A_55] : memref<2x32x80x128xi32, #tpu.memory_space<hbm>> -> memref<1x1x80x128xi32, #tpu.memory_space<hbm>>
      %dma_wait3A_57 = tpu.memref_squeeze %dma_wait3A_56 : memref<1x1x80x128xi32, #tpu.memory_space<hbm>> -> memref<80x128xi32, #tpu.memory_space<hbm>>
      tpu.wait_dma2 semaphore(%run_scoped3A : memref<!tpu.dma_semaphore, #tpu.memory_space<semaphore_mem>>) src(%dma_wait3A_57 : memref<80x128xi32, #tpu.memory_space<hbm>>) dst(%arg7 : memref<80x128xi32, #tpu.memory_space<vmem>>)
      tpu.yield
    }) : () -> ()
    %barrier3A = arith.constant 0 : index
    tpu.barrier barrier_id(%barrier3A)
    %dma_start3A = arith.constant 0 : i32
    %dma_start3A_15 = arith.constant 0 : i32
    %dma_start3A_16 = tpu.memref_slice %arg6[%dma_start3A, %dma_start3A_15] : memref<80x128xi32, #tpu.memory_space<vmem>> -> memref<1x128xi32, #tpu.memory_space<vmem>>
    %dma_start3A_17 = tpu.memref_squeeze %dma_start3A_16 : memref<1x128xi32, #tpu.memory_space<vmem>> -> memref<128xi32, #tpu.memory_space<vmem>>
    %dma_start3A_18 = arith.constant 0 : i32
    %dma_start3A_19 = arith.constant 0 : i32
    %dma_start3A_20 = tpu.memref_slice %arg2[%dma_start3A_18, %dma_start3A_19] : memref<10240x128xf32, #tpu.memory_space<hbm>> -> memref<10240x128xf32, #tpu.memory_space<hbm>>
    tpu.enqueue_indirect_dma source(%dma_start3A_20 : memref<10240x128xf32, #tpu.memory_space<hbm>>) target(%arg8 : memref<128x128xf32, #tpu.memory_space<vmem>>) offsets(%dma_start3A_17 : memref<128xi32, #tpu.memory_space<vmem>>) semaphore(%arg13 : memref<!tpu.dma_semaphore, #tpu.memory_space<semaphore_mem>>)
    %dma_start3A_21 = arith.constant 1 : i32
    %dma_start3A_22 = arith.constant 0 : i32
    %dma_start3A_23 = tpu.memref_slice %arg6[%dma_start3A_21, %dma_start3A_22] : memref<80x128xi32, #tpu.memory_space<vmem>> -> memref<1x128xi32, #tpu.memory_space<vmem>>
    %dma_start3A_24 = tpu.memref_squeeze %dma_start3A_23 : memref<1x128xi32, #tpu.memory_space<vmem>> -> memref<128xi32, #tpu.memory_space<vmem>>
    %dma_start3A_25 = arith.constant 0 : i32
    %dma_start3A_26 = arith.constant 0 : i32
    %dma_start3A_27 = tpu.memref_slice %arg2[%dma_start3A_25, %dma_start3A_26] : memref<10240x128xf32, #tpu.memory_space<hbm>> -> memref<10240x128xf32, #tpu.memory_space<hbm>>
    tpu.enqueue_indirect_dma source(%dma_start3A_27 : memref<10240x128xf32, #tpu.memory_space<hbm>>) target(%arg9 : memref<128x128xf32, #tpu.memory_space<vmem>>) offsets(%dma_start3A_24 : memref<128xi32, #tpu.memory_space<vmem>>) semaphore(%arg14 : memref<!tpu.dma_semaphore, #tpu.memory_space<semaphore_mem>>)
    %dma_start3A_28 = arith.constant 2 : i32
    %dma_start3A_29 = arith.constant 0 : i32
    %dma_start3A_30 = tpu.memref_slice %arg6[%dma_start3A_28, %dma_start3A_29] : memref<80x128xi32, #tpu.memory_space<vmem>> -> memref<1x128xi32, #tpu.memory_space<vmem>>
    %dma_start3A_31 = tpu.memref_squeeze %dma_start3A_30 : memref<1x128xi32, #tpu.memory_space<vmem>> -> memref<128xi32, #tpu.memory_space<vmem>>
    %dma_start3A_32 = arith.constant 0 : i32
    %dma_start3A_33 = arith.constant 0 : i32
    %dma_start3A_34 = tpu.memref_slice %arg2[%dma_start3A_32, %dma_start3A_33] : memref<10240x128xf32, #tpu.memory_space<hbm>> -> memref<10240x128xf32, #tpu.memory_space<hbm>>
    tpu.enqueue_indirect_dma source(%dma_start3A_34 : memref<10240x128xf32, #tpu.memory_space<hbm>>) target(%arg10 : memref<128x128xf32, #tpu.memory_space<vmem>>) offsets(%dma_start3A_31 : memref<128xi32, #tpu.memory_space<vmem>>) semaphore(%arg15 : memref<!tpu.dma_semaphore, #tpu.memory_space<semaphore_mem>>)
    %scan3A_35 = arith.constant 0 : i32
    %scan3A_36 = arith.constant 0 : i32
    %scan3A_37 = arith.constant 20 : i32
    %scan3A_38 = arith.addi %scan3A_36, %scan3A_37 : i32
    %scan3A_39 = arith.constant 1 : i32
    %scan3A_40 = scf.for %scan3A_43 = %scan3A_36 to %scan3A_38 step %scan3A_39 iter_args(%scan3A_44 = %scan3A_35) -> (i32)  : i32 {
      %mul3A_45 = arith.constant 4 : i32
      %mul3A_46 = arith.muli %mul3A_45, %scan3A_43 : i32
      %add3A_47 = arith.constant 0 : i32
      %add3A_48 = arith.addi %mul3A_46, %add3A_47 : i32
      %dma_wait3A = arith.constant 0 : i32
      %dma_wait3A_49 = tpu.memref_slice %arg6[%add3A_48, %dma_wait3A] : memref<80x128xi32, #tpu.memory_space<vmem>> -> memref<1x128xi32, #tpu.memory_space<vmem>>
      %dma_wait3A_50 = tpu.memref_squeeze %dma_wait3A_49 : memref<1x128xi32, #tpu.memory_space<vmem>> -> memref<128xi32, #tpu.memory_space<vmem>>
      %dma_wait3A_51 = arith.constant 0 : i32
      %dma_wait3A_52 = arith.constant 0 : i32
      %dma_wait3A_53 = tpu.memref_slice %arg2[%dma_wait3A_51, %dma_wait3A_52] : memref<10240x128xf32, #tpu.memory_space<hbm>> -> memref<10240x128xf32, #tpu.memory_space<hbm>>
      tpu.wait_indirect_dma semaphore(%arg13 : memref<!tpu.dma_semaphore, #tpu.memory_space<semaphore_mem>>) src(%dma_wait3A_53 : memref<10240x128xf32, #tpu.memory_space<hbm>>) dst(%arg8 : memref<128x128xf32, #tpu.memory_space<vmem>>)
      "tpu.region"() ({
        %run_scoped3A = tpu.sem_alloc : memref<!tpu.dma_semaphore, #tpu.memory_space<semaphore_mem>>
        %dma_start3A_104 = arith.constant 0 : i32
        %dma_start3A_105 = tpu.memref_slice %arg7[%add3A_48, %dma_start3A_104] : memref<80x128xi32, #tpu.memory_space<vmem>> -> memref<1x128xi32, #tpu.memory_space<vmem>>
        %dma_start3A_106 = tpu.memref_squeeze %dma_start3A_105 : memref<1x128xi32, #tpu.memory_space<vmem>> -> memref<128xi32, #tpu.memory_space<vmem>>
        %dma_start3A_107 = arith.constant 0 : i32
        %dma_start3A_108 = arith.constant 0 : i32
        %dma_start3A_109 = tpu.memref_slice %arg12[%dma_start3A_107, %dma_start3A_108] : memref<5248x128xf32, #tpu.memory_space<vmem_shared>> -> memref<5248x128xf32, #tpu.memory_space<vmem_shared>>
        tpu.enqueue_indirect_dma source(%arg8 : memref<128x128xf32, #tpu.memory_space<vmem>>) target(%dma_start3A_109 : memref<5248x128xf32, #tpu.memory_space<vmem_shared>>) offsets(%dma_start3A_106 : memref<128xi32, #tpu.memory_space<vmem>>) semaphore(%run_scoped3A : memref<!tpu.dma_semaphore, #tpu.memory_space<semaphore_mem>>) {add = true}
        %dma_wait3A_110 = arith.constant 0 : i32
        %dma_wait3A_111 = tpu.memref_slice %arg7[%add3A_48, %dma_wait3A_110] : memref<80x128xi32, #tpu.memory_space<vmem>> -> memref<1x128xi32, #tpu.memory_space<vmem>>
        %dma_wait3A_112 = tpu.memref_squeeze %dma_wait3A_111 : memref<1x128xi32, #tpu.memory_space<vmem>> -> memref<128xi32, #tpu.memory_space<vmem>>
        %dma_wait3A_113 = arith.constant 0 : i32
        %dma_wait3A_114 = arith.constant 0 : i32
        %dma_wait3A_115 = tpu.memref_slice %arg12[%dma_wait3A_113, %dma_wait3A_114] : memref<5248x128xf32, #tpu.memory_space<vmem_shared>> -> memref<5248x128xf32, #tpu.memory_space<vmem_shared>>
        tpu.wait_indirect_dma semaphore(%run_scoped3A : memref<!tpu.dma_semaphore, #tpu.memory_space<semaphore_mem>>) src(%arg8 : memref<128x128xf32, #tpu.memory_space<vmem>>) dst(%dma_wait3A_115 : memref<5248x128xf32, #tpu.memory_space<vmem_shared>>)
        tpu.yield
      }) : () -> ()
      %add3A_54 = arith.constant 3 : i32
      %add3A_55 = arith.addi %add3A_48, %add3A_54 : i32
      %lt3A = arith.constant 80 : i32
      %lt3A_56 = arith.cmpi slt, %add3A_55, %lt3A : i32
      %convert_element_type3A = arith.extui %lt3A_56 : i1 to i32
      %cond3A = arith.constant 0 : i32
      %cond3A_57 = arith.cmpi ne, %convert_element_type3A, %cond3A : i32
      scf.if %cond3A_57 {
        %add3A_104 = arith.constant 3 : i32
        %add3A_105 = arith.addi %add3A_48, %add3A_104 : i32
        %dma_start3A_106 = arith.constant 0 : i32
        %dma_start3A_107 = tpu.memref_slice %arg6[%add3A_105, %dma_start3A_106] : memref<80x128xi32, #tpu.memory_space<vmem>> -> memref<1x128xi32, #tpu.memory_space<vmem>>
        %dma_start3A_108 = tpu.memref_squeeze %dma_start3A_107 : memref<1x128xi32, #tpu.memory_space<vmem>> -> memref<128xi32, #tpu.memory_space<vmem>>
        %dma_start3A_109 = arith.constant 0 : i32
        %dma_start3A_110 = arith.constant 0 : i32
        %dma_start3A_111 = tpu.memref_slice %arg2[%dma_start3A_109, %dma_start3A_110] : memref<10240x128xf32, #tpu.memory_space<hbm>> -> memref<10240x128xf32, #tpu.memory_space<hbm>>
        tpu.enqueue_indirect_dma source(%dma_start3A_111 : memref<10240x128xf32, #tpu.memory_space<hbm>>) target(%arg11 : memref<128x128xf32, #tpu.memory_space<vmem>>) offsets(%dma_start3A_108 : memref<128xi32, #tpu.memory_space<vmem>>) semaphore(%arg16 : memref<!tpu.dma_semaphore, #tpu.memory_space<semaphore_mem>>)
      } else {
      }
      %add3A_58 = arith.constant 1 : i32
      %add3A_59 = arith.addi %mul3A_46, %add3A_58 : i32
      %dma_wait3A_60 = arith.constant 0 : i32
      %dma_wait3A_61 = tpu.memref_slice %arg6[%add3A_59, %dma_wait3A_60] : memref<80x128xi32, #tpu.memory_space<vmem>> -> memref<1x128xi32, #tpu.memory_space<vmem>>
      %dma_wait3A_62 = tpu.memref_squeeze %dma_wait3A_61 : memref<1x128xi32, #tpu.memory_space<vmem>> -> memref<128xi32, #tpu.memory_space<vmem>>
      %dma_wait3A_63 = arith.constant 0 : i32
      %dma_wait3A_64 = arith.constant 0 : i32
      %dma_wait3A_65 = tpu.memref_slice %arg2[%dma_wait3A_63, %dma_wait3A_64] : memref<10240x128xf32, #tpu.memory_space<hbm>> -> memref<10240x128xf32, #tpu.memory_space<hbm>>
      tpu.wait_indirect_dma semaphore(%arg14 : memref<!tpu.dma_semaphore, #tpu.memory_space<semaphore_mem>>) src(%dma_wait3A_65 : memref<10240x128xf32, #tpu.memory_space<hbm>>) dst(%arg9 : memref<128x128xf32, #tpu.memory_space<vmem>>)
      "tpu.region"() ({
        %run_scoped3A = tpu.sem_alloc : memref<!tpu.dma_semaphore, #tpu.memory_space<semaphore_mem>>
        %dma_start3A_104 = arith.constant 0 : i32
        %dma_start3A_105 = tpu.memref_slice %arg7[%add3A_59, %dma_start3A_104] : memref<80x128xi32, #tpu.memory_space<vmem>> -> memref<1x128xi32, #tpu.memory_space<vmem>>
        %dma_start3A_106 = tpu.memref_squeeze %dma_start3A_105 : memref<1x128xi32, #tpu.memory_space<vmem>> -> memref<128xi32, #tpu.memory_space<vmem>>
        %dma_start3A_107 = arith.constant 0 : i32
        %dma_start3A_108 = arith.constant 0 : i32
        %dma_start3A_109 = tpu.memref_slice %arg12[%dma_start3A_107, %dma_start3A_108] : memref<5248x128xf32, #tpu.memory_space<vmem_shared>> -> memref<5248x128xf32, #tpu.memory_space<vmem_shared>>
        tpu.enqueue_indirect_dma source(%arg9 : memref<128x128xf32, #tpu.memory_space<vmem>>) target(%dma_start3A_109 : memref<5248x128xf32, #tpu.memory_space<vmem_shared>>) offsets(%dma_start3A_106 : memref<128xi32, #tpu.memory_space<vmem>>) semaphore(%run_scoped3A : memref<!tpu.dma_semaphore, #tpu.memory_space<semaphore_mem>>) {add = true}
        %dma_wait3A_110 = arith.constant 0 : i32
        %dma_wait3A_111 = tpu.memref_slice %arg7[%add3A_59, %dma_wait3A_110] : memref<80x128xi32, #tpu.memory_space<vmem>> -> memref<1x128xi32, #tpu.memory_space<vmem>>
        %dma_wait3A_112 = tpu.memref_squeeze %dma_wait3A_111 : memref<1x128xi32, #tpu.memory_space<vmem>> -> memref<128xi32, #tpu.memory_space<vmem>>
        %dma_wait3A_113 = arith.constant 0 : i32
        %dma_wait3A_114 = arith.constant 0 : i32
        %dma_wait3A_115 = tpu.memref_slice %arg12[%dma_wait3A_113, %dma_wait3A_114] : memref<5248x128xf32, #tpu.memory_space<vmem_shared>> -> memref<5248x128xf32, #tpu.memory_space<vmem_shared>>
        tpu.wait_indirect_dma semaphore(%run_scoped3A : memref<!tpu.dma_semaphore, #tpu.memory_space<semaphore_mem>>) src(%arg9 : memref<128x128xf32, #tpu.memory_space<vmem>>) dst(%dma_wait3A_115 : memref<5248x128xf32, #tpu.memory_space<vmem_shared>>)
        tpu.yield
      }) : () -> ()
      %add3A_66 = arith.constant 3 : i32
      %add3A_67 = arith.addi %add3A_59, %add3A_66 : i32
      %lt3A_68 = arith.constant 80 : i32
      %lt3A_69 = arith.cmpi slt, %add3A_67, %lt3A_68 : i32
      %convert_element_type3A_70 = arith.extui %lt3A_69 : i1 to i32
      %cond3A_71 = arith.constant 0 : i32
      %cond3A_72 = arith.cmpi ne, %convert_element_type3A_70, %cond3A_71 : i32
      scf.if %cond3A_72 {
        %add3A_104 = arith.constant 3 : i32
        %add3A_105 = arith.addi %add3A_59, %add3A_104 : i32
        %dma_start3A_106 = arith.constant 0 : i32
        %dma_start3A_107 = tpu.memref_slice %arg6[%add3A_105, %dma_start3A_106] : memref<80x128xi32, #tpu.memory_space<vmem>> -> memref<1x128xi32, #tpu.memory_space<vmem>>
        %dma_start3A_108 = tpu.memref_squeeze %dma_start3A_107 : memref<1x128xi32, #tpu.memory_space<vmem>> -> memref<128xi32, #tpu.memory_space<vmem>>
        %dma_start3A_109 = arith.constant 0 : i32
        %dma_start3A_110 = arith.constant 0 : i32
        %dma_start3A_111 = tpu.memref_slice %arg2[%dma_start3A_109, %dma_start3A_110] : memref<10240x128xf32, #tpu.memory_space<hbm>> -> memref<10240x128xf32, #tpu.memory_space<hbm>>
        tpu.enqueue_indirect_dma source(%dma_start3A_111 : memref<10240x128xf32, #tpu.memory_space<hbm>>) target(%arg8 : memref<128x128xf32, #tpu.memory_space<vmem>>) offsets(%dma_start3A_108 : memref<128xi32, #tpu.memory_space<vmem>>) semaphore(%arg13 : memref<!tpu.dma_semaphore, #tpu.memory_space<semaphore_mem>>)
      } else {
      }
      %add3A_73 = arith.constant 2 : i32
      %add3A_74 = arith.addi %mul3A_46, %add3A_73 : i32
      %dma_wait3A_75 = arith.constant 0 : i32
      %dma_wait3A_76 = tpu.memref_slice %arg6[%add3A_74, %dma_wait3A_75] : memref<80x128xi32, #tpu.memory_space<vmem>> -> memref<1x128xi32, #tpu.memory_space<vmem>>
      %dma_wait3A_77 = tpu.memref_squeeze %dma_wait3A_76 : memref<1x128xi32, #tpu.memory_space<vmem>> -> memref<128xi32, #tpu.memory_space<vmem>>
      %dma_wait3A_78 = arith.constant 0 : i32
      %dma_wait3A_79 = arith.constant 0 : i32
      %dma_wait3A_80 = tpu.memref_slice %arg2[%dma_wait3A_78, %dma_wait3A_79] : memref<10240x128xf32, #tpu.memory_space<hbm>> -> memref<10240x128xf32, #tpu.memory_space<hbm>>
      tpu.wait_indirect_dma semaphore(%arg15 : memref<!tpu.dma_semaphore, #tpu.memory_space<semaphore_mem>>) src(%dma_wait3A_80 : memref<10240x128xf32, #tpu.memory_space<hbm>>) dst(%arg10 : memref<128x128xf32, #tpu.memory_space<vmem>>)
      "tpu.region"() ({
        %run_scoped3A = tpu.sem_alloc : memref<!tpu.dma_semaphore, #tpu.memory_space<semaphore_mem>>
        %dma_start3A_104 = arith.constant 0 : i32
        %dma_start3A_105 = tpu.memref_slice %arg7[%add3A_74, %dma_start3A_104] : memref<80x128xi32, #tpu.memory_space<vmem>> -> memref<1x128xi32, #tpu.memory_space<vmem>>
        %dma_start3A_106 = tpu.memref_squeeze %dma_start3A_105 : memref<1x128xi32, #tpu.memory_space<vmem>> -> memref<128xi32, #tpu.memory_space<vmem>>
        %dma_start3A_107 = arith.constant 0 : i32
        %dma_start3A_108 = arith.constant 0 : i32
        %dma_start3A_109 = tpu.memref_slice %arg12[%dma_start3A_107, %dma_start3A_108] : memref<5248x128xf32, #tpu.memory_space<vmem_shared>> -> memref<5248x128xf32, #tpu.memory_space<vmem_shared>>
        tpu.enqueue_indirect_dma source(%arg10 : memref<128x128xf32, #tpu.memory_space<vmem>>) target(%dma_start3A_109 : memref<5248x128xf32, #tpu.memory_space<vmem_shared>>) offsets(%dma_start3A_106 : memref<128xi32, #tpu.memory_space<vmem>>) semaphore(%run_scoped3A : memref<!tpu.dma_semaphore, #tpu.memory_space<semaphore_mem>>) {add = true}
        %dma_wait3A_110 = arith.constant 0 : i32
        %dma_wait3A_111 = tpu.memref_slice %arg7[%add3A_74, %dma_wait3A_110] : memref<80x128xi32, #tpu.memory_space<vmem>> -> memref<1x128xi32, #tpu.memory_space<vmem>>
        %dma_wait3A_112 = tpu.memref_squeeze %dma_wait3A_111 : memref<1x128xi32, #tpu.memory_space<vmem>> -> memref<128xi32, #tpu.memory_space<vmem>>
        %dma_wait3A_113 = arith.constant 0 : i32
        %dma_wait3A_114 = arith.constant 0 : i32
        %dma_wait3A_115 = tpu.memref_slice %arg12[%dma_wait3A_113, %dma_wait3A_114] : memref<5248x128xf32, #tpu.memory_space<vmem_shared>> -> memref<5248x128xf32, #tpu.memory_space<vmem_shared>>
        tpu.wait_indirect_dma semaphore(%run_scoped3A : memref<!tpu.dma_semaphore, #tpu.memory_space<semaphore_mem>>) src(%arg10 : memref<128x128xf32, #tpu.memory_space<vmem>>) dst(%dma_wait3A_115 : memref<5248x128xf32, #tpu.memory_space<vmem_shared>>)
        tpu.yield
      }) : () -> ()
      %add3A_81 = arith.constant 3 : i32
      %add3A_82 = arith.addi %add3A_74, %add3A_81 : i32
      %lt3A_83 = arith.constant 80 : i32
      %lt3A_84 = arith.cmpi slt, %add3A_82, %lt3A_83 : i32
      %convert_element_type3A_85 = arith.extui %lt3A_84 : i1 to i32
      %cond3A_86 = arith.constant 0 : i32
      %cond3A_87 = arith.cmpi ne, %convert_element_type3A_85, %cond3A_86 : i32
      scf.if %cond3A_87 {
        %add3A_104 = arith.constant 3 : i32
        %add3A_105 = arith.addi %add3A_74, %add3A_104 : i32
        %dma_start3A_106 = arith.constant 0 : i32
        %dma_start3A_107 = tpu.memref_slice %arg6[%add3A_105, %dma_start3A_106] : memref<80x128xi32, #tpu.memory_space<vmem>> -> memref<1x128xi32, #tpu.memory_space<vmem>>
        %dma_start3A_108 = tpu.memref_squeeze %dma_start3A_107 : memref<1x128xi32, #tpu.memory_space<vmem>> -> memref<128xi32, #tpu.memory_space<vmem>>
        %dma_start3A_109 = arith.constant 0 : i32
        %dma_start3A_110 = arith.constant 0 : i32
        %dma_start3A_111 = tpu.memref_slice %arg2[%dma_start3A_109, %dma_start3A_110] : memref<10240x128xf32, #tpu.memory_space<hbm>> -> memref<10240x128xf32, #tpu.memory_space<hbm>>
        tpu.enqueue_indirect_dma source(%dma_start3A_111 : memref<10240x128xf32, #tpu.memory_space<hbm>>) target(%arg9 : memref<128x128xf32, #tpu.memory_space<vmem>>) offsets(%dma_start3A_108 : memref<128xi32, #tpu.memory_space<vmem>>) semaphore(%arg14 : memref<!tpu.dma_semaphore, #tpu.memory_space<semaphore_mem>>)
      } else {
      }
      %add3A_88 = arith.constant 3 : i32
      %add3A_89 = arith.addi %mul3A_46, %add3A_88 : i32
      %dma_wait3A_90 = arith.constant 0 : i32
      %dma_wait3A_91 = tpu.memref_slice %arg6[%add3A_89, %dma_wait3A_90] : memref<80x128xi32, #tpu.memory_space<vmem>> -> memref<1x128xi32, #tpu.memory_space<vmem>>
      %dma_wait3A_92 = tpu.memref_squeeze %dma_wait3A_91 : memref<1x128xi32, #tpu.memory_space<vmem>> -> memref<128xi32, #tpu.memory_space<vmem>>
      %dma_wait3A_93 = arith.constant 0 : i32
      %dma_wait3A_94 = arith.constant 0 : i32
      %dma_wait3A_95 = tpu.memref_slice %arg2[%dma_wait3A_93, %dma_wait3A_94] : memref<10240x128xf32, #tpu.memory_space<hbm>> -> memref<10240x128xf32, #tpu.memory_space<hbm>>
      tpu.wait_indirect_dma semaphore(%arg16 : memref<!tpu.dma_semaphore, #tpu.memory_space<semaphore_mem>>) src(%dma_wait3A_95 : memref<10240x128xf32, #tpu.memory_space<hbm>>) dst(%arg11 : memref<128x128xf32, #tpu.memory_space<vmem>>)
      "tpu.region"() ({
        %run_scoped3A = tpu.sem_alloc : memref<!tpu.dma_semaphore, #tpu.memory_space<semaphore_mem>>
        %dma_start3A_104 = arith.constant 0 : i32
        %dma_start3A_105 = tpu.memref_slice %arg7[%add3A_89, %dma_start3A_104] : memref<80x128xi32, #tpu.memory_space<vmem>> -> memref<1x128xi32, #tpu.memory_space<vmem>>
        %dma_start3A_106 = tpu.memref_squeeze %dma_start3A_105 : memref<1x128xi32, #tpu.memory_space<vmem>> -> memref<128xi32, #tpu.memory_space<vmem>>
        %dma_start3A_107 = arith.constant 0 : i32
        %dma_start3A_108 = arith.constant 0 : i32
        %dma_start3A_109 = tpu.memref_slice %arg12[%dma_start3A_107, %dma_start3A_108] : memref<5248x128xf32, #tpu.memory_space<vmem_shared>> -> memref<5248x128xf32, #tpu.memory_space<vmem_shared>>
        tpu.enqueue_indirect_dma source(%arg11 : memref<128x128xf32, #tpu.memory_space<vmem>>) target(%dma_start3A_109 : memref<5248x128xf32, #tpu.memory_space<vmem_shared>>) offsets(%dma_start3A_106 : memref<128xi32, #tpu.memory_space<vmem>>) semaphore(%run_scoped3A : memref<!tpu.dma_semaphore, #tpu.memory_space<semaphore_mem>>) {add = true}
        %dma_wait3A_110 = arith.constant 0 : i32
        %dma_wait3A_111 = tpu.memref_slice %arg7[%add3A_89, %dma_wait3A_110] : memref<80x128xi32, #tpu.memory_space<vmem>> -> memref<1x128xi32, #tpu.memory_space<vmem>>
        %dma_wait3A_112 = tpu.memref_squeeze %dma_wait3A_111 : memref<1x128xi32, #tpu.memory_space<vmem>> -> memref<128xi32, #tpu.memory_space<vmem>>
        %dma_wait3A_113 = arith.constant 0 : i32
        %dma_wait3A_114 = arith.constant 0 : i32
        %dma_wait3A_115 = tpu.memref_slice %arg12[%dma_wait3A_113, %dma_wait3A_114] : memref<5248x128xf32, #tpu.memory_space<vmem_shared>> -> memref<5248x128xf32, #tpu.memory_space<vmem_shared>>
        tpu.wait_indirect_dma semaphore(%run_scoped3A : memref<!tpu.dma_semaphore, #tpu.memory_space<semaphore_mem>>) src(%arg11 : memref<128x128xf32, #tpu.memory_space<vmem>>) dst(%dma_wait3A_115 : memref<5248x128xf32, #tpu.memory_space<vmem_shared>>)
        tpu.yield
      }) : () -> ()
      %add3A_96 = arith.constant 3 : i32
      %add3A_97 = arith.addi %add3A_89, %add3A_96 : i32
      %lt3A_98 = arith.constant 80 : i32
      %lt3A_99 = arith.cmpi slt, %add3A_97, %lt3A_98 : i32
      %convert_element_type3A_100 = arith.extui %lt3A_99 : i1 to i32
      %cond3A_101 = arith.constant 0 : i32
      %cond3A_102 = arith.cmpi ne, %convert_element_type3A_100, %cond3A_101 : i32
      scf.if %cond3A_102 {
        %add3A_104 = arith.constant 3 : i32
        %add3A_105 = arith.addi %add3A_89, %add3A_104 : i32
        %dma_start3A_106 = arith.constant 0 : i32
        %dma_start3A_107 = tpu.memref_slice %arg6[%add3A_105, %dma_start3A_106] : memref<80x128xi32, #tpu.memory_space<vmem>> -> memref<1x128xi32, #tpu.memory_space<vmem>>
        %dma_start3A_108 = tpu.memref_squeeze %dma_start3A_107 : memref<1x128xi32, #tpu.memory_space<vmem>> -> memref<128xi32, #tpu.memory_space<vmem>>
        %dma_start3A_109 = arith.constant 0 : i32
        %dma_start3A_110 = arith.constant 0 : i32
        %dma_start3A_111 = tpu.memref_slice %arg2[%dma_start3A_109, %dma_start3A_110] : memref<10240x128xf32, #tpu.memory_space<hbm>> -> memref<10240x128xf32, #tpu.memory_space<hbm>>
        tpu.enqueue_indirect_dma source(%dma_start3A_111 : memref<10240x128xf32, #tpu.memory_space<hbm>>) target(%arg10 : memref<128x128xf32, #tpu.memory_space<vmem>>) offsets(%dma_start3A_108 : memref<128xi32, #tpu.memory_space<vmem>>) semaphore(%arg15 : memref<!tpu.dma_semaphore, #tpu.memory_space<semaphore_mem>>)
      } else {
      }
      %scan3A_103 = arith.constant 0 : i32
      scf.yield %scan3A_103 : i32
    }
    %scan3A_41 = arith.constant 20 : i32
    %barrier3A_42 = arith.constant 0 : index
    tpu.barrier barrier_id(%barrier3A_42)
    "tpu.region"() ({
      %run_scoped3A = tpu.sem_alloc : memref<!tpu.dma_semaphore, #tpu.memory_space<semaphore_mem>>
      %dma_start3A_43 = arith.constant 0 : i32
      %dma_start3A_44 = tpu.memref_slice %arg5[%arg0, %mul3A_2, %dma_start3A_43] : memref<2x5248x128xf32, #tpu.memory_space<hbm>> -> memref<1x328x128xf32, #tpu.memory_space<hbm>>
      %dma_start3A_45 = tpu.memref_squeeze %dma_start3A_44 : memref<1x328x128xf32, #tpu.memory_space<hbm>> -> memref<328x128xf32, #tpu.memory_space<hbm>>
      %dma_start3A_46 = arith.constant 0 : i32
      %dma_start3A_47 = tpu.memref_slice %arg12[%mul3A_2, %dma_start3A_46] : memref<5248x128xf32, #tpu.memory_space<vmem_shared>> -> memref<328x128xf32, #tpu.memory_space<vmem_shared>>
      tpu.enqueue_dma source(%dma_start3A_47 : memref<328x128xf32, #tpu.memory_space<vmem_shared>>) target(%dma_start3A_45 : memref<328x128xf32, #tpu.memory_space<hbm>>) target_semaphore(%run_scoped3A : memref<!tpu.dma_semaphore, #tpu.memory_space<semaphore_mem>>)
      %dma_wait3A = arith.constant 0 : i32
      %dma_wait3A_48 = tpu.memref_slice %arg5[%arg0, %mul3A_2, %dma_wait3A] : memref<2x5248x128xf32, #tpu.memory_space<hbm>> -> memref<1x328x128xf32, #tpu.memory_space<hbm>>
      %dma_wait3A_49 = tpu.memref_squeeze %dma_wait3A_48 : memref<1x328x128xf32, #tpu.memory_space<hbm>> -> memref<328x128xf32, #tpu.memory_space<hbm>>
      %dma_wait3A_50 = arith.constant 0 : i32
      %dma_wait3A_51 = tpu.memref_slice %arg12[%mul3A_2, %dma_wait3A_50] : memref<5248x128xf32, #tpu.memory_space<vmem_shared>> -> memref<328x128xf32, #tpu.memory_space<vmem_shared>>
      tpu.wait_dma2 semaphore(%run_scoped3A : memref<!tpu.dma_semaphore, #tpu.memory_space<semaphore_mem>>) src(%dma_wait3A_51 : memref<328x128xf32, #tpu.memory_space<vmem_shared>>) dst(%dma_wait3A_49 : memref<328x128xf32, #tpu.memory_space<hbm>>)
      tpu.yield
    }) : () -> ()
    return
  }
}

#map = affine_map<(d0, d1) -> (0, 0, 0, 0)>
#map1 = affine_map<(d0, d1) -> (0, 0, 0)>
module attributes {stable_mosaic.version = 14 : i64} {
  func.func @_deg_body(%arg0: i32, %arg1: i32, %arg2: memref<2x32x80x128xi32, #tpu.memory_space<hbm>>, %arg3: memref<2x5248x128xf32, #tpu.memory_space<hbm>>, %arg4: memref<80x128xi32, #tpu.memory_space<vmem>>, %arg5: memref<128x128xf32, #tpu.memory_space<vmem>>, %arg6: memref<128x128xf32, #tpu.memory_space<vmem>>, %arg7: memref<5248x128xf32, #tpu.memory_space<vmem_shared>>) attributes {dimension_semantics = [#tpu.dimension_semantics<core_parallel>, #tpu.dimension_semantics<subcore_parallel>], iteration_bounds = array<i64: 2, 16>, scalar_prefetch = 0 : i64, scratch_operands = 4 : i64, tpu.core_type = #tpu.core_type<sc_vector_subcore>, window_params = [{transform_indices = #map}, {transform_indices = #map1}]} {
    %mul3A = arith.constant 2 : i32
    %mul3A_0 = arith.muli %arg1, %mul3A : i32
    %add3A = arith.addi %mul3A_0, %arg0 : i32
    %mul3A_1 = arith.constant 328 : i32
    %mul3A_2 = arith.muli %arg1, %mul3A_1 : i32
    %scan3A = arith.constant 0 : i32
    %scan3A_3 = arith.constant 0 : i32
    %scan3A_4 = arith.constant 128 : i32
    %scan3A_5 = arith.addi %scan3A_3, %scan3A_4 : i32
    %scan3A_6 = arith.constant 1 : i32
    %scan3A_7 = scf.for %scan3A_30 = %scan3A_3 to %scan3A_5 step %scan3A_6 iter_args(%scan3A_31 = %scan3A) -> (i32)  : i32 {
      %broadcast_in_dim3A = arith.constant 0.000000e+00 : f32
      %broadcast_in_dim3A_32 = vector.broadcast %broadcast_in_dim3A : f32 to vector<16xf32>
      %swap3A = arith.index_cast %scan3A_30 : i32 to index
      %swap3A_33 = arith.constant 0 : index
      %swap3A_34 = tpu.vector_load %arg6[%swap3A, %swap3A_33] {strides = array<i32>} : memref<128x128xf32, #tpu.memory_space<vmem>>, vector<1x16xf32>,
      %swap3A_35 = vector.shape_cast %swap3A_34 : vector<1x16xf32> to vector<16xf32>
      %swap3A_36 = vector.shape_cast %broadcast_in_dim3A_32 : vector<16xf32> to vector<1x16xf32>
      tpu.vector_store %arg6[%swap3A, %swap3A_33], %swap3A_36 {strides = array<i32>} : memref<128x128xf32, #tpu.memory_space<vmem>>, vector<1x16xf32>,
      %broadcast_in_dim3A_37 = arith.constant 0.000000e+00 : f32
      %broadcast_in_dim3A_38 = vector.broadcast %broadcast_in_dim3A_37 : f32 to vector<16xf32>
      %swap3A_39 = arith.index_cast %scan3A_30 : i32 to index
      %swap3A_40 = arith.constant 16 : index
      %swap3A_41 = tpu.vector_load %arg6[%swap3A_39, %swap3A_40] {strides = array<i32>} : memref<128x128xf32, #tpu.memory_space<vmem>>, vector<1x16xf32>,
      %swap3A_42 = vector.shape_cast %swap3A_41 : vector<1x16xf32> to vector<16xf32>
      %swap3A_43 = vector.shape_cast %broadcast_in_dim3A_38 : vector<16xf32> to vector<1x16xf32>
      tpu.vector_store %arg6[%swap3A_39, %swap3A_40], %swap3A_43 {strides = array<i32>} : memref<128x128xf32, #tpu.memory_space<vmem>>, vector<1x16xf32>,
      %broadcast_in_dim3A_44 = arith.constant 0.000000e+00 : f32
      %broadcast_in_dim3A_45 = vector.broadcast %broadcast_in_dim3A_44 : f32 to vector<16xf32>
      %swap3A_46 = arith.index_cast %scan3A_30 : i32 to index
      %swap3A_47 = arith.constant 32 : index
      %swap3A_48 = tpu.vector_load %arg6[%swap3A_46, %swap3A_47] {strides = array<i32>} : memref<128x128xf32, #tpu.memory_space<vmem>>, vector<1x16xf32>,
      %swap3A_49 = vector.shape_cast %swap3A_48 : vector<1x16xf32> to vector<16xf32>
      %swap3A_50 = vector.shape_cast %broadcast_in_dim3A_45 : vector<16xf32> to vector<1x16xf32>
      tpu.vector_store %arg6[%swap3A_46, %swap3A_47], %swap3A_50 {strides = array<i32>} : memref<128x128xf32, #tpu.memory_space<vmem>>, vector<1x16xf32>,
      %broadcast_in_dim3A_51 = arith.constant 0.000000e+00 : f32
      %broadcast_in_dim3A_52 = vector.broadcast %broadcast_in_dim3A_51 : f32 to vector<16xf32>
      %swap3A_53 = arith.index_cast %scan3A_30 : i32 to index
      %swap3A_54 = arith.constant 48 : index
      %swap3A_55 = tpu.vector_load %arg6[%swap3A_53, %swap3A_54] {strides = array<i32>} : memref<128x128xf32, #tpu.memory_space<vmem>>, vector<1x16xf32>,
      %swap3A_56 = vector.shape_cast %swap3A_55 : vector<1x16xf32> to vector<16xf32>
      %swap3A_57 = vector.shape_cast %broadcast_in_dim3A_52 : vector<16xf32> to vector<1x16xf32>
      tpu.vector_store %arg6[%swap3A_53, %swap3A_54], %swap3A_57 {strides = array<i32>} : memref<128x128xf32, #tpu.memory_space<vmem>>, vector<1x16xf32>,
      %broadcast_in_dim3A_58 = arith.constant 0.000000e+00 : f32
      %broadcast_in_dim3A_59 = vector.broadcast %broadcast_in_dim3A_58 : f32 to vector<16xf32>
      %swap3A_60 = arith.index_cast %scan3A_30 : i32 to index
      %swap3A_61 = arith.constant 64 : index
      %swap3A_62 = tpu.vector_load %arg6[%swap3A_60, %swap3A_61] {strides = array<i32>} : memref<128x128xf32, #tpu.memory_space<vmem>>, vector<1x16xf32>,
      %swap3A_63 = vector.shape_cast %swap3A_62 : vector<1x16xf32> to vector<16xf32>
      %swap3A_64 = vector.shape_cast %broadcast_in_dim3A_59 : vector<16xf32> to vector<1x16xf32>
      tpu.vector_store %arg6[%swap3A_60, %swap3A_61], %swap3A_64 {strides = array<i32>} : memref<128x128xf32, #tpu.memory_space<vmem>>, vector<1x16xf32>,
      %broadcast_in_dim3A_65 = arith.constant 0.000000e+00 : f32
      %broadcast_in_dim3A_66 = vector.broadcast %broadcast_in_dim3A_65 : f32 to vector<16xf32>
      %swap3A_67 = arith.index_cast %scan3A_30 : i32 to index
      %swap3A_68 = arith.constant 80 : index
      %swap3A_69 = tpu.vector_load %arg6[%swap3A_67, %swap3A_68] {strides = array<i32>} : memref<128x128xf32, #tpu.memory_space<vmem>>, vector<1x16xf32>,
      %swap3A_70 = vector.shape_cast %swap3A_69 : vector<1x16xf32> to vector<16xf32>
      %swap3A_71 = vector.shape_cast %broadcast_in_dim3A_66 : vector<16xf32> to vector<1x16xf32>
      tpu.vector_store %arg6[%swap3A_67, %swap3A_68], %swap3A_71 {strides = array<i32>} : memref<128x128xf32, #tpu.memory_space<vmem>>, vector<1x16xf32>,
      %broadcast_in_dim3A_72 = arith.constant 0.000000e+00 : f32
      %broadcast_in_dim3A_73 = vector.broadcast %broadcast_in_dim3A_72 : f32 to vector<16xf32>
      %swap3A_74 = arith.index_cast %scan3A_30 : i32 to index
      %swap3A_75 = arith.constant 96 : index
      %swap3A_76 = tpu.vector_load %arg6[%swap3A_74, %swap3A_75] {strides = array<i32>} : memref<128x128xf32, #tpu.memory_space<vmem>>, vector<1x16xf32>,
      %swap3A_77 = vector.shape_cast %swap3A_76 : vector<1x16xf32> to vector<16xf32>
      %swap3A_78 = vector.shape_cast %broadcast_in_dim3A_73 : vector<16xf32> to vector<1x16xf32>
      tpu.vector_store %arg6[%swap3A_74, %swap3A_75], %swap3A_78 {strides = array<i32>} : memref<128x128xf32, #tpu.memory_space<vmem>>, vector<1x16xf32>,
      %broadcast_in_dim3A_79 = arith.constant 0.000000e+00 : f32
      %broadcast_in_dim3A_80 = vector.broadcast %broadcast_in_dim3A_79 : f32 to vector<16xf32>
      %swap3A_81 = arith.index_cast %scan3A_30 : i32 to index
      %swap3A_82 = arith.constant 112 : index
      %swap3A_83 = tpu.vector_load %arg6[%swap3A_81, %swap3A_82] {strides = array<i32>} : memref<128x128xf32, #tpu.memory_space<vmem>>, vector<1x16xf32>,
      %swap3A_84 = vector.shape_cast %swap3A_83 : vector<1x16xf32> to vector<16xf32>
      %swap3A_85 = vector.shape_cast %broadcast_in_dim3A_80 : vector<16xf32> to vector<1x16xf32>
      tpu.vector_store %arg6[%swap3A_81, %swap3A_82], %swap3A_85 {strides = array<i32>} : memref<128x128xf32, #tpu.memory_space<vmem>>, vector<1x16xf32>,
      %scan3A_86 = arith.constant 0 : i32
      scf.yield %scan3A_86 : i32
    }
    %scan3A_8 = arith.constant 128 : i32
    %scan3A_9 = arith.constant 0 : i32
    %scan3A_10 = arith.constant 0 : i32
    %scan3A_11 = arith.constant 128 : i32
    %scan3A_12 = arith.addi %scan3A_10, %scan3A_11 : i32
    %scan3A_13 = arith.constant 1 : i32
    %scan3A_14 = scf.for %scan3A_30 = %scan3A_10 to %scan3A_12 step %scan3A_13 iter_args(%scan3A_31 = %scan3A_9) -> (i32)  : i32 {
      %broadcast_in_dim3A = arith.constant 1.000000e+00 : f32
      %broadcast_in_dim3A_32 = vector.broadcast %broadcast_in_dim3A : f32 to vector<16xf32>
      %swap3A = arith.index_cast %scan3A_30 : i32 to index
      %swap3A_33 = arith.constant 0 : index
      %swap3A_34 = tpu.vector_load %arg5[%swap3A, %swap3A_33] {strides = array<i32>} : memref<128x128xf32, #tpu.memory_space<vmem>>, vector<1x16xf32>,
      %swap3A_35 = vector.shape_cast %swap3A_34 : vector<1x16xf32> to vector<16xf32>
      %swap3A_36 = vector.shape_cast %broadcast_in_dim3A_32 : vector<16xf32> to vector<1x16xf32>
      tpu.vector_store %arg5[%swap3A, %swap3A_33], %swap3A_36 {strides = array<i32>} : memref<128x128xf32, #tpu.memory_space<vmem>>, vector<1x16xf32>,
      %broadcast_in_dim3A_37 = arith.constant 1.000000e+00 : f32
      %broadcast_in_dim3A_38 = vector.broadcast %broadcast_in_dim3A_37 : f32 to vector<16xf32>
      %swap3A_39 = arith.index_cast %scan3A_30 : i32 to index
      %swap3A_40 = arith.constant 16 : index
      %swap3A_41 = tpu.vector_load %arg5[%swap3A_39, %swap3A_40] {strides = array<i32>} : memref<128x128xf32, #tpu.memory_space<vmem>>, vector<1x16xf32>,
      %swap3A_42 = vector.shape_cast %swap3A_41 : vector<1x16xf32> to vector<16xf32>
      %swap3A_43 = vector.shape_cast %broadcast_in_dim3A_38 : vector<16xf32> to vector<1x16xf32>
      tpu.vector_store %arg5[%swap3A_39, %swap3A_40], %swap3A_43 {strides = array<i32>} : memref<128x128xf32, #tpu.memory_space<vmem>>, vector<1x16xf32>,
      %broadcast_in_dim3A_44 = arith.constant 1.000000e+00 : f32
      %broadcast_in_dim3A_45 = vector.broadcast %broadcast_in_dim3A_44 : f32 to vector<16xf32>
      %swap3A_46 = arith.index_cast %scan3A_30 : i32 to index
      %swap3A_47 = arith.constant 32 : index
      %swap3A_48 = tpu.vector_load %arg5[%swap3A_46, %swap3A_47] {strides = array<i32>} : memref<128x128xf32, #tpu.memory_space<vmem>>, vector<1x16xf32>,
      %swap3A_49 = vector.shape_cast %swap3A_48 : vector<1x16xf32> to vector<16xf32>
      %swap3A_50 = vector.shape_cast %broadcast_in_dim3A_45 : vector<16xf32> to vector<1x16xf32>
      tpu.vector_store %arg5[%swap3A_46, %swap3A_47], %swap3A_50 {strides = array<i32>} : memref<128x128xf32, #tpu.memory_space<vmem>>, vector<1x16xf32>,
      %broadcast_in_dim3A_51 = arith.constant 1.000000e+00 : f32
      %broadcast_in_dim3A_52 = vector.broadcast %broadcast_in_dim3A_51 : f32 to vector<16xf32>
      %swap3A_53 = arith.index_cast %scan3A_30 : i32 to index
      %swap3A_54 = arith.constant 48 : index
      %swap3A_55 = tpu.vector_load %arg5[%swap3A_53, %swap3A_54] {strides = array<i32>} : memref<128x128xf32, #tpu.memory_space<vmem>>, vector<1x16xf32>,
      %swap3A_56 = vector.shape_cast %swap3A_55 : vector<1x16xf32> to vector<16xf32>
      %swap3A_57 = vector.shape_cast %broadcast_in_dim3A_52 : vector<16xf32> to vector<1x16xf32>
      tpu.vector_store %arg5[%swap3A_53, %swap3A_54], %swap3A_57 {strides = array<i32>} : memref<128x128xf32, #tpu.memory_space<vmem>>, vector<1x16xf32>,
      %broadcast_in_dim3A_58 = arith.constant 1.000000e+00 : f32
      %broadcast_in_dim3A_59 = vector.broadcast %broadcast_in_dim3A_58 : f32 to vector<16xf32>
      %swap3A_60 = arith.index_cast %scan3A_30 : i32 to index
      %swap3A_61 = arith.constant 64 : index
      %swap3A_62 = tpu.vector_load %arg5[%swap3A_60, %swap3A_61] {strides = array<i32>} : memref<128x128xf32, #tpu.memory_space<vmem>>, vector<1x16xf32>,
      %swap3A_63 = vector.shape_cast %swap3A_62 : vector<1x16xf32> to vector<16xf32>
      %swap3A_64 = vector.shape_cast %broadcast_in_dim3A_59 : vector<16xf32> to vector<1x16xf32>
      tpu.vector_store %arg5[%swap3A_60, %swap3A_61], %swap3A_64 {strides = array<i32>} : memref<128x128xf32, #tpu.memory_space<vmem>>, vector<1x16xf32>,
      %broadcast_in_dim3A_65 = arith.constant 1.000000e+00 : f32
      %broadcast_in_dim3A_66 = vector.broadcast %broadcast_in_dim3A_65 : f32 to vector<16xf32>
      %swap3A_67 = arith.index_cast %scan3A_30 : i32 to index
      %swap3A_68 = arith.constant 80 : index
      %swap3A_69 = tpu.vector_load %arg5[%swap3A_67, %swap3A_68] {strides = array<i32>} : memref<128x128xf32, #tpu.memory_space<vmem>>, vector<1x16xf32>,
      %swap3A_70 = vector.shape_cast %swap3A_69 : vector<1x16xf32> to vector<16xf32>
      %swap3A_71 = vector.shape_cast %broadcast_in_dim3A_66 : vector<16xf32> to vector<1x16xf32>
      tpu.vector_store %arg5[%swap3A_67, %swap3A_68], %swap3A_71 {strides = array<i32>} : memref<128x128xf32, #tpu.memory_space<vmem>>, vector<1x16xf32>,
      %broadcast_in_dim3A_72 = arith.constant 1.000000e+00 : f32
      %broadcast_in_dim3A_73 = vector.broadcast %broadcast_in_dim3A_72 : f32 to vector<16xf32>
      %swap3A_74 = arith.index_cast %scan3A_30 : i32 to index
      %swap3A_75 = arith.constant 96 : index
      %swap3A_76 = tpu.vector_load %arg5[%swap3A_74, %swap3A_75] {strides = array<i32>} : memref<128x128xf32, #tpu.memory_space<vmem>>, vector<1x16xf32>,
      %swap3A_77 = vector.shape_cast %swap3A_76 : vector<1x16xf32> to vector<16xf32>
      %swap3A_78 = vector.shape_cast %broadcast_in_dim3A_73 : vector<16xf32> to vector<1x16xf32>
      tpu.vector_store %arg5[%swap3A_74, %swap3A_75], %swap3A_78 {strides = array<i32>} : memref<128x128xf32, #tpu.memory_space<vmem>>, vector<1x16xf32>,
      %broadcast_in_dim3A_79 = arith.constant 1.000000e+00 : f32
      %broadcast_in_dim3A_80 = vector.broadcast %broadcast_in_dim3A_79 : f32 to vector<16xf32>
      %swap3A_81 = arith.index_cast %scan3A_30 : i32 to index
      %swap3A_82 = arith.constant 112 : index
      %swap3A_83 = tpu.vector_load %arg5[%swap3A_81, %swap3A_82] {strides = array<i32>} : memref<128x128xf32, #tpu.memory_space<vmem>>, vector<1x16xf32>,
      %swap3A_84 = vector.shape_cast %swap3A_83 : vector<1x16xf32> to vector<16xf32>
      %swap3A_85 = vector.shape_cast %broadcast_in_dim3A_80 : vector<16xf32> to vector<1x16xf32>
      tpu.vector_store %arg5[%swap3A_81, %swap3A_82], %swap3A_85 {strides = array<i32>} : memref<128x128xf32, #tpu.memory_space<vmem>>, vector<1x16xf32>,
      %scan3A_86 = arith.constant 0 : i32
      scf.yield %scan3A_86 : i32
    }
    %scan3A_15 = arith.constant 128 : i32
    %add3A_16 = arith.constant 0 : i32
    %add3A_17 = arith.addi %mul3A_2, %add3A_16 : i32
    "tpu.region"() ({
      %run_scoped3A = tpu.sem_alloc : memref<!tpu.dma_semaphore, #tpu.memory_space<semaphore_mem>>
      %dma_start3A = arith.constant 0 : i32
      %dma_start3A_30 = arith.constant 0 : i32
      %dma_start3A_31 = tpu.memref_slice %arg6[%dma_start3A, %dma_start3A_30] : memref<128x128xf32, #tpu.memory_space<vmem>> -> memref<128x128xf32, #tpu.memory_space<vmem>>
      %dma_start3A_32 = arith.constant 0 : i32
      %dma_start3A_33 = tpu.memref_slice %arg7[%add3A_17, %dma_start3A_32] : memref<5248x128xf32, #tpu.memory_space<vmem_shared>> -> memref<128x128xf32, #tpu.memory_space<vmem_shared>>
      %dma_start3A_34 = arith.constant 0 : i32
      %dma_start3A_35 = tpu.memref_slice %arg7[%add3A_17, %dma_start3A_34] : memref<5248x128xf32, #tpu.memory_space<vmem_shared>> -> memref<128x128xf32, #tpu.memory_space<vmem_shared>>
      %dma_start3A_36 = arith.constant 0 : i32
      %dma_start3A_37 = arith.constant 0 : i32
      %dma_start3A_38 = tpu.memref_slice %arg6[%dma_start3A_36, %dma_start3A_37] : memref<128x128xf32, #tpu.memory_space<vmem>> -> memref<128x128xf32, #tpu.memory_space<vmem>>
      tpu.enqueue_dma source(%dma_start3A_38 : memref<128x128xf32, #tpu.memory_space<vmem>>) target(%dma_start3A_35 : memref<128x128xf32, #tpu.memory_space<vmem_shared>>) target_semaphore(%run_scoped3A : memref<!tpu.dma_semaphore, #tpu.memory_space<semaphore_mem>>)
      %dma_wait3A = arith.constant 0 : i32
      %dma_wait3A_39 = arith.constant 0 : i32
      %dma_wait3A_40 = tpu.memref_slice %arg6[%dma_wait3A, %dma_wait3A_39] : memref<128x128xf32, #tpu.memory_space<vmem>> -> memref<128x128xf32, #tpu.memory_space<vmem>>
      %dma_wait3A_41 = arith.constant 0 : i32
      %dma_wait3A_42 = tpu.memref_slice %arg7[%add3A_17, %dma_wait3A_41] : memref<5248x128xf32, #tpu.memory_space<vmem_shared>> -> memref<128x128xf32, #tpu.memory_space<vmem_shared>>
      %dma_wait3A_43 = arith.constant 0 : i32
      %dma_wait3A_44 = tpu.memref_slice %arg7[%add3A_17, %dma_wait3A_43] : memref<5248x128xf32, #tpu.memory_space<vmem_shared>> -> memref<128x128xf32, #tpu.memory_space<vmem_shared>>
      %dma_wait3A_45 = arith.constant 0 : i32
      %dma_wait3A_46 = arith.constant 0 : i32
      %dma_wait3A_47 = tpu.memref_slice %arg6[%dma_wait3A_45, %dma_wait3A_46] : memref<128x128xf32, #tpu.memory_space<vmem>> -> memref<128x128xf32, #tpu.memory_space<vmem>>
      tpu.wait_dma2 semaphore(%run_scoped3A : memref<!tpu.dma_semaphore, #tpu.memory_space<semaphore_mem>>) src(%dma_wait3A_47 : memref<128x128xf32, #tpu.memory_space<vmem>>) dst(%dma_wait3A_44 : memref<128x128xf32, #tpu.memory_space<vmem_shared>>)
      tpu.yield
    }) : () -> ()
    %add3A_18 = arith.constant 128 : i32
    %add3A_19 = arith.addi %mul3A_2, %add3A_18 : i32
    "tpu.region"() ({
      %run_scoped3A = tpu.sem_alloc : memref<!tpu.dma_semaphore, #tpu.memory_space<semaphore_mem>>
      %dma_start3A = arith.constant 0 : i32
      %dma_start3A_30 = arith.constant 0 : i32
      %dma_start3A_31 = tpu.memref_slice %arg6[%dma_start3A, %dma_start3A_30] : memref<128x128xf32, #tpu.memory_space<vmem>> -> memref<128x128xf32, #tpu.memory_space<vmem>>
      %dma_start3A_32 = arith.constant 0 : i32
      %dma_start3A_33 = tpu.memref_slice %arg7[%add3A_19, %dma_start3A_32] : memref<5248x128xf32, #tpu.memory_space<vmem_shared>> -> memref<128x128xf32, #tpu.memory_space<vmem_shared>>
      %dma_start3A_34 = arith.constant 0 : i32
      %dma_start3A_35 = tpu.memref_slice %arg7[%add3A_19, %dma_start3A_34] : memref<5248x128xf32, #tpu.memory_space<vmem_shared>> -> memref<128x128xf32, #tpu.memory_space<vmem_shared>>
      %dma_start3A_36 = arith.constant 0 : i32
      %dma_start3A_37 = arith.constant 0 : i32
      %dma_start3A_38 = tpu.memref_slice %arg6[%dma_start3A_36, %dma_start3A_37] : memref<128x128xf32, #tpu.memory_space<vmem>> -> memref<128x128xf32, #tpu.memory_space<vmem>>
      tpu.enqueue_dma source(%dma_start3A_38 : memref<128x128xf32, #tpu.memory_space<vmem>>) target(%dma_start3A_35 : memref<128x128xf32, #tpu.memory_space<vmem_shared>>) target_semaphore(%run_scoped3A : memref<!tpu.dma_semaphore, #tpu.memory_space<semaphore_mem>>)
      %dma_wait3A = arith.constant 0 : i32
      %dma_wait3A_39 = arith.constant 0 : i32
      %dma_wait3A_40 = tpu.memref_slice %arg6[%dma_wait3A, %dma_wait3A_39] : memref<128x128xf32, #tpu.memory_space<vmem>> -> memref<128x128xf32, #tpu.memory_space<vmem>>
      %dma_wait3A_41 = arith.constant 0 : i32
      %dma_wait3A_42 = tpu.memref_slice %arg7[%add3A_19, %dma_wait3A_41] : memref<5248x128xf32, #tpu.memory_space<vmem_shared>> -> memref<128x128xf32, #tpu.memory_space<vmem_shared>>
      %dma_wait3A_43 = arith.constant 0 : i32
      %dma_wait3A_44 = tpu.memref_slice %arg7[%add3A_19, %dma_wait3A_43] : memref<5248x128xf32, #tpu.memory_space<vmem_shared>> -> memref<128x128xf32, #tpu.memory_space<vmem_shared>>
      %dma_wait3A_45 = arith.constant 0 : i32
      %dma_wait3A_46 = arith.constant 0 : i32
      %dma_wait3A_47 = tpu.memref_slice %arg6[%dma_wait3A_45, %dma_wait3A_46] : memref<128x128xf32, #tpu.memory_space<vmem>> -> memref<128x128xf32, #tpu.memory_space<vmem>>
      tpu.wait_dma2 semaphore(%run_scoped3A : memref<!tpu.dma_semaphore, #tpu.memory_space<semaphore_mem>>) src(%dma_wait3A_47 : memref<128x128xf32, #tpu.memory_space<vmem>>) dst(%dma_wait3A_44 : memref<128x128xf32, #tpu.memory_space<vmem_shared>>)
      tpu.yield
    }) : () -> ()
    %add3A_20 = arith.constant 256 : i32
    %add3A_21 = arith.addi %mul3A_2, %add3A_20 : i32
    "tpu.region"() ({
      %run_scoped3A = tpu.sem_alloc : memref<!tpu.dma_semaphore, #tpu.memory_space<semaphore_mem>>
      %dma_start3A = arith.constant 0 : i32
      %dma_start3A_30 = arith.constant 0 : i32
      %dma_start3A_31 = tpu.memref_slice %arg6[%dma_start3A, %dma_start3A_30] : memref<128x128xf32, #tpu.memory_space<vmem>> -> memref<72x128xf32, #tpu.memory_space<vmem>>
      %dma_start3A_32 = arith.constant 0 : i32
      %dma_start3A_33 = tpu.memref_slice %arg7[%add3A_21, %dma_start3A_32] : memref<5248x128xf32, #tpu.memory_space<vmem_shared>> -> memref<72x128xf32, #tpu.memory_space<vmem_shared>>
      %dma_start3A_34 = arith.constant 0 : i32
      %dma_start3A_35 = tpu.memref_slice %arg7[%add3A_21, %dma_start3A_34] : memref<5248x128xf32, #tpu.memory_space<vmem_shared>> -> memref<72x128xf32, #tpu.memory_space<vmem_shared>>
      %dma_start3A_36 = arith.constant 0 : i32
      %dma_start3A_37 = arith.constant 0 : i32
      %dma_start3A_38 = tpu.memref_slice %arg6[%dma_start3A_36, %dma_start3A_37] : memref<128x128xf32, #tpu.memory_space<vmem>> -> memref<72x128xf32, #tpu.memory_space<vmem>>
      tpu.enqueue_dma source(%dma_start3A_38 : memref<72x128xf32, #tpu.memory_space<vmem>>) target(%dma_start3A_35 : memref<72x128xf32, #tpu.memory_space<vmem_shared>>) target_semaphore(%run_scoped3A : memref<!tpu.dma_semaphore, #tpu.memory_space<semaphore_mem>>)
      %dma_wait3A = arith.constant 0 : i32
      %dma_wait3A_39 = arith.constant 0 : i32
      %dma_wait3A_40 = tpu.memref_slice %arg6[%dma_wait3A, %dma_wait3A_39] : memref<128x128xf32, #tpu.memory_space<vmem>> -> memref<72x128xf32, #tpu.memory_space<vmem>>
      %dma_wait3A_41 = arith.constant 0 : i32
      %dma_wait3A_42 = tpu.memref_slice %arg7[%add3A_21, %dma_wait3A_41] : memref<5248x128xf32, #tpu.memory_space<vmem_shared>> -> memref<72x128xf32, #tpu.memory_space<vmem_shared>>
      %dma_wait3A_43 = arith.constant 0 : i32
      %dma_wait3A_44 = tpu.memref_slice %arg7[%add3A_21, %dma_wait3A_43] : memref<5248x128xf32, #tpu.memory_space<vmem_shared>> -> memref<72x128xf32, #tpu.memory_space<vmem_shared>>
      %dma_wait3A_45 = arith.constant 0 : i32
      %dma_wait3A_46 = arith.constant 0 : i32
      %dma_wait3A_47 = tpu.memref_slice %arg6[%dma_wait3A_45, %dma_wait3A_46] : memref<128x128xf32, #tpu.memory_space<vmem>> -> memref<72x128xf32, #tpu.memory_space<vmem>>
      tpu.wait_dma2 semaphore(%run_scoped3A : memref<!tpu.dma_semaphore, #tpu.memory_space<semaphore_mem>>) src(%dma_wait3A_47 : memref<72x128xf32, #tpu.memory_space<vmem>>) dst(%dma_wait3A_44 : memref<72x128xf32, #tpu.memory_space<vmem_shared>>)
      tpu.yield
    }) : () -> ()
    "tpu.region"() ({
      %run_scoped3A = tpu.sem_alloc : memref<!tpu.dma_semaphore, #tpu.memory_space<semaphore_mem>>
      %dma_start3A = arith.constant 0 : i32
      %dma_start3A_30 = arith.constant 0 : i32
      %dma_start3A_31 = tpu.memref_slice %arg2[%arg0, %add3A, %dma_start3A, %dma_start3A_30] : memref<2x32x80x128xi32, #tpu.memory_space<hbm>> -> memref<1x1x80x128xi32, #tpu.memory_space<hbm>>
      %dma_start3A_32 = tpu.memref_squeeze %dma_start3A_31 : memref<1x1x80x128xi32, #tpu.memory_space<hbm>> -> memref<80x128xi32, #tpu.memory_space<hbm>>
      %dma_start3A_33 = arith.constant 0 : i32
      %dma_start3A_34 = arith.constant 0 : i32
      %dma_start3A_35 = tpu.memref_slice %arg2[%arg0, %add3A, %dma_start3A_33, %dma_start3A_34] : memref<2x32x80x128xi32, #tpu.memory_space<hbm>> -> memref<1x1x80x128xi32, #tpu.memory_space<hbm>>
      %dma_start3A_36 = tpu.memref_squeeze %dma_start3A_35 : memref<1x1x80x128xi32, #tpu.memory_space<hbm>> -> memref<80x128xi32, #tpu.memory_space<hbm>>
      tpu.enqueue_dma source(%dma_start3A_36 : memref<80x128xi32, #tpu.memory_space<hbm>>) target(%arg4 : memref<80x128xi32, #tpu.memory_space<vmem>>) target_semaphore(%run_scoped3A : memref<!tpu.dma_semaphore, #tpu.memory_space<semaphore_mem>>)
      %dma_wait3A = arith.constant 0 : i32
      %dma_wait3A_37 = arith.constant 0 : i32
      %dma_wait3A_38 = tpu.memref_slice %arg2[%arg0, %add3A, %dma_wait3A, %dma_wait3A_37] : memref<2x32x80x128xi32, #tpu.memory_space<hbm>> -> memref<1x1x80x128xi32, #tpu.memory_space<hbm>>
      %dma_wait3A_39 = tpu.memref_squeeze %dma_wait3A_38 : memref<1x1x80x128xi32, #tpu.memory_space<hbm>> -> memref<80x128xi32, #tpu.memory_space<hbm>>
      %dma_wait3A_40 = arith.constant 0 : i32
      %dma_wait3A_41 = arith.constant 0 : i32
      %dma_wait3A_42 = tpu.memref_slice %arg2[%arg0, %add3A, %dma_wait3A_40, %dma_wait3A_41] : memref<2x32x80x128xi32, #tpu.memory_space<hbm>> -> memref<1x1x80x128xi32, #tpu.memory_space<hbm>>
      %dma_wait3A_43 = tpu.memref_squeeze %dma_wait3A_42 : memref<1x1x80x128xi32, #tpu.memory_space<hbm>> -> memref<80x128xi32, #tpu.memory_space<hbm>>
      tpu.wait_dma2 semaphore(%run_scoped3A : memref<!tpu.dma_semaphore, #tpu.memory_space<semaphore_mem>>) src(%dma_wait3A_43 : memref<80x128xi32, #tpu.memory_space<hbm>>) dst(%arg4 : memref<80x128xi32, #tpu.memory_space<vmem>>)
      tpu.yield
    }) : () -> ()
    %barrier3A = arith.constant 0 : index
    tpu.barrier barrier_id(%barrier3A)
    %scan3A_22 = arith.constant 0 : i32
    %scan3A_23 = arith.constant 0 : i32
    %scan3A_24 = arith.constant 80 : i32
    %scan3A_25 = arith.addi %scan3A_23, %scan3A_24 : i32
    %scan3A_26 = arith.constant 1 : i32
    %scan3A_27 = scf.for %scan3A_30 = %scan3A_23 to %scan3A_25 step %scan3A_26 iter_args(%scan3A_31 = %scan3A_22) -> (i32)  : i32 {
      "tpu.region"() ({
        %run_scoped3A = tpu.sem_alloc : memref<!tpu.dma_semaphore, #tpu.memory_space<semaphore_mem>>
        %dma_start3A = arith.constant 0 : i32
        %dma_start3A_33 = tpu.memref_slice %arg4[%scan3A_30, %dma_start3A] : memref<80x128xi32, #tpu.memory_space<vmem>> -> memref<1x128xi32, #tpu.memory_space<vmem>>
        %dma_start3A_34 = tpu.memref_squeeze %dma_start3A_33 : memref<1x128xi32, #tpu.memory_space<vmem>> -> memref<128xi32, #tpu.memory_space<vmem>>
        %dma_start3A_35 = arith.constant 0 : i32
        %dma_start3A_36 = arith.constant 0 : i32
        %dma_start3A_37 = tpu.memref_slice %arg7[%dma_start3A_35, %dma_start3A_36] : memref<5248x128xf32, #tpu.memory_space<vmem_shared>> -> memref<5248x128xf32, #tpu.memory_space<vmem_shared>>
        tpu.enqueue_indirect_dma source(%arg5 : memref<128x128xf32, #tpu.memory_space<vmem>>) target(%dma_start3A_37 : memref<5248x128xf32, #tpu.memory_space<vmem_shared>>) offsets(%dma_start3A_34 : memref<128xi32, #tpu.memory_space<vmem>>) semaphore(%run_scoped3A : memref<!tpu.dma_semaphore, #tpu.memory_space<semaphore_mem>>) {add = true}
        %dma_wait3A = arith.constant 0 : i32
        %dma_wait3A_38 = tpu.memref_slice %arg4[%scan3A_30, %dma_wait3A] : memref<80x128xi32, #tpu.memory_space<vmem>> -> memref<1x128xi32, #tpu.memory_space<vmem>>
        %dma_wait3A_39 = tpu.memref_squeeze %dma_wait3A_38 : memref<1x128xi32, #tpu.memory_space<vmem>> -> memref<128xi32, #tpu.memory_space<vmem>>
        %dma_wait3A_40 = arith.constant 0 : i32
        %dma_wait3A_41 = arith.constant 0 : i32
        %dma_wait3A_42 = tpu.memref_slice %arg7[%dma_wait3A_40, %dma_wait3A_41] : memref<5248x128xf32, #tpu.memory_space<vmem_shared>> -> memref<5248x128xf32, #tpu.memory_space<vmem_shared>>
        tpu.wait_indirect_dma semaphore(%run_scoped3A : memref<!tpu.dma_semaphore, #tpu.memory_space<semaphore_mem>>) src(%arg5 : memref<128x128xf32, #tpu.memory_space<vmem>>) dst(%dma_wait3A_42 : memref<5248x128xf32, #tpu.memory_space<vmem_shared>>)
        tpu.yield
      }) : () -> ()
      %scan3A_32 = arith.constant 0 : i32
      scf.yield %scan3A_32 : i32
    }
    %scan3A_28 = arith.constant 80 : i32
    %barrier3A_29 = arith.constant 0 : index
    tpu.barrier barrier_id(%barrier3A_29)
    "tpu.region"() ({
      %run_scoped3A = tpu.sem_alloc : memref<!tpu.dma_semaphore, #tpu.memory_space<semaphore_mem>>
      %dma_start3A = arith.constant 0 : i32
      %dma_start3A_30 = tpu.memref_slice %arg3[%arg0, %mul3A_2, %dma_start3A] : memref<2x5248x128xf32, #tpu.memory_space<hbm>> -> memref<1x328x128xf32, #tpu.memory_space<hbm>>
      %dma_start3A_31 = tpu.memref_squeeze %dma_start3A_30 : memref<1x328x128xf32, #tpu.memory_space<hbm>> -> memref<328x128xf32, #tpu.memory_space<hbm>>
      %dma_start3A_32 = arith.constant 0 : i32
      %dma_start3A_33 = tpu.memref_slice %arg7[%mul3A_2, %dma_start3A_32] : memref<5248x128xf32, #tpu.memory_space<vmem_shared>> -> memref<328x128xf32, #tpu.memory_space<vmem_shared>>
      tpu.enqueue_dma source(%dma_start3A_33 : memref<328x128xf32, #tpu.memory_space<vmem_shared>>) target(%dma_start3A_31 : memref<328x128xf32, #tpu.memory_space<hbm>>) target_semaphore(%run_scoped3A : memref<!tpu.dma_semaphore, #tpu.memory_space<semaphore_mem>>)
      %dma_wait3A = arith.constant 0 : i32
      %dma_wait3A_34 = tpu.memref_slice %arg3[%arg0, %mul3A_2, %dma_wait3A] : memref<2x5248x128xf32, #tpu.memory_space<hbm>> -> memref<1x328x128xf32, #tpu.memory_space<hbm>>
      %dma_wait3A_35 = tpu.memref_squeeze %dma_wait3A_34 : memref<1x328x128xf32, #tpu.memory_space<hbm>> -> memref<328x128xf32, #tpu.memory_space<hbm>>
      %dma_wait3A_36 = arith.constant 0 : i32
      %dma_wait3A_37 = tpu.memref_slice %arg7[%mul3A_2, %dma_wait3A_36] : memref<5248x128xf32, #tpu.memory_space<vmem_shared>> -> memref<328x128xf32, #tpu.memory_space<vmem_shared>>
      tpu.wait_dma2 semaphore(%run_scoped3A : memref<!tpu.dma_semaphore, #tpu.memory_space<semaphore_mem>>) src(%dma_wait3A_37 : memref<328x128xf32, #tpu.memory_space<vmem_shared>>) dst(%dma_wait3A_35 : memref<328x128xf32, #tpu.memory_space<hbm>>)
      tpu.yield
    }) : () -> ()
    return
  }
}

#map = affine_map<(d0, d1) -> (0, 0)>
#map1 = affine_map<(d0, d1) -> (0, 0, 0, 0)>
#map2 = affine_map<(d0, d1) -> (0, 0, 0)>
module attributes {stable_mosaic.version = 14 : i64} {
  func.func @_prop_body(%arg0: i32, %arg1: i32, %arg2: memref<10240x128xf32, #tpu.memory_space<hbm>>, %arg3: memref<2x32x80x128xi32, #tpu.memory_space<hbm>>, %arg4: memref<2x32x80x128xi32, #tpu.memory_space<hbm>>, %arg5: memref<2x5248x128xf32, #tpu.memory_space<hbm>>, %arg6: memref<80x128xi32, #tpu.memory_space<vmem>>, %arg7: memref<80x128xi32, #tpu.memory_space<vmem>>, %arg8: memref<128x128xf32, #tpu.memory_space<vmem>>, %arg9: memref<128x128xf32, #tpu.memory_space<vmem>>, %arg10: memref<128x128xf32, #tpu.memory_space<vmem>>, %arg11: memref<128x128xf32, #tpu.memory_space<vmem>>, %arg12: memref<5248x128xf32, #tpu.memory_space<vmem_shared>>, %arg13: memref<!tpu.dma_semaphore, #tpu.memory_space<semaphore_mem>>, %arg14: memref<!tpu.dma_semaphore, #tpu.memory_space<semaphore_mem>>, %arg15: memref<!tpu.dma_semaphore, #tpu.memory_space<semaphore_mem>>, %arg16: memref<!tpu.dma_semaphore, #tpu.memory_space<semaphore_mem>>) attributes {dimension_semantics = [#tpu.dimension_semantics<core_parallel>, #tpu.dimension_semantics<subcore_parallel>], iteration_bounds = array<i64: 2, 16>, scalar_prefetch = 0 : i64, scratch_operands = 11 : i64, tpu.core_type = #tpu.core_type<sc_vector_subcore>, window_params = [{transform_indices = #map}, {transform_indices = #map1}, {transform_indices = #map1}, {transform_indices = #map2}]} {
    %mul3A = arith.constant 2 : i32
    %mul3A_0 = arith.muli %arg1, %mul3A : i32
    %add3A = arith.addi %mul3A_0, %arg0 : i32
    %mul3A_1 = arith.constant 328 : i32
    %mul3A_2 = arith.muli %arg1, %mul3A_1 : i32
    %scan3A = arith.constant 0 : i32
    %scan3A_3 = arith.constant 0 : i32
    %scan3A_4 = arith.constant 128 : i32
    %scan3A_5 = arith.addi %scan3A_3, %scan3A_4 : i32
    %scan3A_6 = arith.constant 1 : i32
    %scan3A_7 = scf.for %scan3A_43 = %scan3A_3 to %scan3A_5 step %scan3A_6 iter_args(%scan3A_44 = %scan3A) -> (i32)  : i32 {
      %broadcast_in_dim3A = arith.constant 0.000000e+00 : f32
      %broadcast_in_dim3A_45 = vector.broadcast %broadcast_in_dim3A : f32 to vector<16xf32>
      %swap3A = arith.index_cast %scan3A_43 : i32 to index
      %swap3A_46 = arith.constant 0 : index
      %swap3A_47 = tpu.vector_load %arg8[%swap3A, %swap3A_46] {strides = array<i32>} : memref<128x128xf32, #tpu.memory_space<vmem>>, vector<1x16xf32>,
      %swap3A_48 = vector.shape_cast %swap3A_47 : vector<1x16xf32> to vector<16xf32>
      %swap3A_49 = vector.shape_cast %broadcast_in_dim3A_45 : vector<16xf32> to vector<1x16xf32>
      tpu.vector_store %arg8[%swap3A, %swap3A_46], %swap3A_49 {strides = array<i32>} : memref<128x128xf32, #tpu.memory_space<vmem>>, vector<1x16xf32>,
      %broadcast_in_dim3A_50 = arith.constant 0.000000e+00 : f32
      %broadcast_in_dim3A_51 = vector.broadcast %broadcast_in_dim3A_50 : f32 to vector<16xf32>
      %swap3A_52 = arith.index_cast %scan3A_43 : i32 to index
      %swap3A_53 = arith.constant 16 : index
      %swap3A_54 = tpu.vector_load %arg8[%swap3A_52, %swap3A_53] {strides = array<i32>} : memref<128x128xf32, #tpu.memory_space<vmem>>, vector<1x16xf32>,
      %swap3A_55 = vector.shape_cast %swap3A_54 : vector<1x16xf32> to vector<16xf32>
      %swap3A_56 = vector.shape_cast %broadcast_in_dim3A_51 : vector<16xf32> to vector<1x16xf32>
      tpu.vector_store %arg8[%swap3A_52, %swap3A_53], %swap3A_56 {strides = array<i32>} : memref<128x128xf32, #tpu.memory_space<vmem>>, vector<1x16xf32>,
      %broadcast_in_dim3A_57 = arith.constant 0.000000e+00 : f32
      %broadcast_in_dim3A_58 = vector.broadcast %broadcast_in_dim3A_57 : f32 to vector<16xf32>
      %swap3A_59 = arith.index_cast %scan3A_43 : i32 to index
      %swap3A_60 = arith.constant 32 : index
      %swap3A_61 = tpu.vector_load %arg8[%swap3A_59, %swap3A_60] {strides = array<i32>} : memref<128x128xf32, #tpu.memory_space<vmem>>, vector<1x16xf32>,
      %swap3A_62 = vector.shape_cast %swap3A_61 : vector<1x16xf32> to vector<16xf32>
      %swap3A_63 = vector.shape_cast %broadcast_in_dim3A_58 : vector<16xf32> to vector<1x16xf32>
      tpu.vector_store %arg8[%swap3A_59, %swap3A_60], %swap3A_63 {strides = array<i32>} : memref<128x128xf32, #tpu.memory_space<vmem>>, vector<1x16xf32>,
      %broadcast_in_dim3A_64 = arith.constant 0.000000e+00 : f32
      %broadcast_in_dim3A_65 = vector.broadcast %broadcast_in_dim3A_64 : f32 to vector<16xf32>
      %swap3A_66 = arith.index_cast %scan3A_43 : i32 to index
      %swap3A_67 = arith.constant 48 : index
      %swap3A_68 = tpu.vector_load %arg8[%swap3A_66, %swap3A_67] {strides = array<i32>} : memref<128x128xf32, #tpu.memory_space<vmem>>, vector<1x16xf32>,
      %swap3A_69 = vector.shape_cast %swap3A_68 : vector<1x16xf32> to vector<16xf32>
      %swap3A_70 = vector.shape_cast %broadcast_in_dim3A_65 : vector<16xf32> to vector<1x16xf32>
      tpu.vector_store %arg8[%swap3A_66, %swap3A_67], %swap3A_70 {strides = array<i32>} : memref<128x128xf32, #tpu.memory_space<vmem>>, vector<1x16xf32>,
      %broadcast_in_dim3A_71 = arith.constant 0.000000e+00 : f32
      %broadcast_in_dim3A_72 = vector.broadcast %broadcast_in_dim3A_71 : f32 to vector<16xf32>
      %swap3A_73 = arith.index_cast %scan3A_43 : i32 to index
      %swap3A_74 = arith.constant 64 : index
      %swap3A_75 = tpu.vector_load %arg8[%swap3A_73, %swap3A_74] {strides = array<i32>} : memref<128x128xf32, #tpu.memory_space<vmem>>, vector<1x16xf32>,
      %swap3A_76 = vector.shape_cast %swap3A_75 : vector<1x16xf32> to vector<16xf32>
      %swap3A_77 = vector.shape_cast %broadcast_in_dim3A_72 : vector<16xf32> to vector<1x16xf32>
      tpu.vector_store %arg8[%swap3A_73, %swap3A_74], %swap3A_77 {strides = array<i32>} : memref<128x128xf32, #tpu.memory_space<vmem>>, vector<1x16xf32>,
      %broadcast_in_dim3A_78 = arith.constant 0.000000e+00 : f32
      %broadcast_in_dim3A_79 = vector.broadcast %broadcast_in_dim3A_78 : f32 to vector<16xf32>
      %swap3A_80 = arith.index_cast %scan3A_43 : i32 to index
      %swap3A_81 = arith.constant 80 : index
      %swap3A_82 = tpu.vector_load %arg8[%swap3A_80, %swap3A_81] {strides = array<i32>} : memref<128x128xf32, #tpu.memory_space<vmem>>, vector<1x16xf32>,
      %swap3A_83 = vector.shape_cast %swap3A_82 : vector<1x16xf32> to vector<16xf32>
      %swap3A_84 = vector.shape_cast %broadcast_in_dim3A_79 : vector<16xf32> to vector<1x16xf32>
      tpu.vector_store %arg8[%swap3A_80, %swap3A_81], %swap3A_84 {strides = array<i32>} : memref<128x128xf32, #tpu.memory_space<vmem>>, vector<1x16xf32>,
      %broadcast_in_dim3A_85 = arith.constant 0.000000e+00 : f32
      %broadcast_in_dim3A_86 = vector.broadcast %broadcast_in_dim3A_85 : f32 to vector<16xf32>
      %swap3A_87 = arith.index_cast %scan3A_43 : i32 to index
      %swap3A_88 = arith.constant 96 : index
      %swap3A_89 = tpu.vector_load %arg8[%swap3A_87, %swap3A_88] {strides = array<i32>} : memref<128x128xf32, #tpu.memory_space<vmem>>, vector<1x16xf32>,
      %swap3A_90 = vector.shape_cast %swap3A_89 : vector<1x16xf32> to vector<16xf32>
      %swap3A_91 = vector.shape_cast %broadcast_in_dim3A_86 : vector<16xf32> to vector<1x16xf32>
      tpu.vector_store %arg8[%swap3A_87, %swap3A_88], %swap3A_91 {strides = array<i32>} : memref<128x128xf32, #tpu.memory_space<vmem>>, vector<1x16xf32>,
      %broadcast_in_dim3A_92 = arith.constant 0.000000e+00 : f32
      %broadcast_in_dim3A_93 = vector.broadcast %broadcast_in_dim3A_92 : f32 to vector<16xf32>
      %swap3A_94 = arith.index_cast %scan3A_43 : i32 to index
      %swap3A_95 = arith.constant 112 : index
      %swap3A_96 = tpu.vector_load %arg8[%swap3A_94, %swap3A_95] {strides = array<i32>} : memref<128x128xf32, #tpu.memory_space<vmem>>, vector<1x16xf32>,
      %swap3A_97 = vector.shape_cast %swap3A_96 : vector<1x16xf32> to vector<16xf32>
      %swap3A_98 = vector.shape_cast %broadcast_in_dim3A_93 : vector<16xf32> to vector<1x16xf32>
      tpu.vector_store %arg8[%swap3A_94, %swap3A_95], %swap3A_98 {strides = array<i32>} : memref<128x128xf32, #tpu.memory_space<vmem>>, vector<1x16xf32>,
      %scan3A_99 = arith.constant 0 : i32
      scf.yield %scan3A_99 : i32
    }
    %scan3A_8 = arith.constant 128 : i32
    %add3A_9 = arith.constant 0 : i32
    %add3A_10 = arith.addi %mul3A_2, %add3A_9 : i32
    "tpu.region"() ({
      %run_scoped3A = tpu.sem_alloc : memref<!tpu.dma_semaphore, #tpu.memory_space<semaphore_mem>>
      %dma_start3A_43 = arith.constant 0 : i32
      %dma_start3A_44 = arith.constant 0 : i32
      %dma_start3A_45 = tpu.memref_slice %arg8[%dma_start3A_43, %dma_start3A_44] : memref<128x128xf32, #tpu.memory_space<vmem>> -> memref<128x128xf32, #tpu.memory_space<vmem>>
      %dma_start3A_46 = arith.constant 0 : i32
      %dma_start3A_47 = tpu.memref_slice %arg12[%add3A_10, %dma_start3A_46] : memref<5248x128xf32, #tpu.memory_space<vmem_shared>> -> memref<128x128xf32, #tpu.memory_space<vmem_shared>>
      %dma_start3A_48 = arith.constant 0 : i32
      %dma_start3A_49 = tpu.memref_slice %arg12[%add3A_10, %dma_start3A_48] : memref<5248x128xf32, #tpu.memory_space<vmem_shared>> -> memref<128x128xf32, #tpu.memory_space<vmem_shared>>
      %dma_start3A_50 = arith.constant 0 : i32
      %dma_start3A_51 = arith.constant 0 : i32
      %dma_start3A_52 = tpu.memref_slice %arg8[%dma_start3A_50, %dma_start3A_51] : memref<128x128xf32, #tpu.memory_space<vmem>> -> memref<128x128xf32, #tpu.memory_space<vmem>>
      tpu.enqueue_dma source(%dma_start3A_52 : memref<128x128xf32, #tpu.memory_space<vmem>>) target(%dma_start3A_49 : memref<128x128xf32, #tpu.memory_space<vmem_shared>>) target_semaphore(%run_scoped3A : memref<!tpu.dma_semaphore, #tpu.memory_space<semaphore_mem>>)
      %dma_wait3A = arith.constant 0 : i32
      %dma_wait3A_53 = arith.constant 0 : i32
      %dma_wait3A_54 = tpu.memref_slice %arg8[%dma_wait3A, %dma_wait3A_53] : memref<128x128xf32, #tpu.memory_space<vmem>> -> memref<128x128xf32, #tpu.memory_space<vmem>>
      %dma_wait3A_55 = arith.constant 0 : i32
      %dma_wait3A_56 = tpu.memref_slice %arg12[%add3A_10, %dma_wait3A_55] : memref<5248x128xf32, #tpu.memory_space<vmem_shared>> -> memref<128x128xf32, #tpu.memory_space<vmem_shared>>
      %dma_wait3A_57 = arith.constant 0 : i32
      %dma_wait3A_58 = tpu.memref_slice %arg12[%add3A_10, %dma_wait3A_57] : memref<5248x128xf32, #tpu.memory_space<vmem_shared>> -> memref<128x128xf32, #tpu.memory_space<vmem_shared>>
      %dma_wait3A_59 = arith.constant 0 : i32
      %dma_wait3A_60 = arith.constant 0 : i32
      %dma_wait3A_61 = tpu.memref_slice %arg8[%dma_wait3A_59, %dma_wait3A_60] : memref<128x128xf32, #tpu.memory_space<vmem>> -> memref<128x128xf32, #tpu.memory_space<vmem>>
      tpu.wait_dma2 semaphore(%run_scoped3A : memref<!tpu.dma_semaphore, #tpu.memory_space<semaphore_mem>>) src(%dma_wait3A_61 : memref<128x128xf32, #tpu.memory_space<vmem>>) dst(%dma_wait3A_58 : memref<128x128xf32, #tpu.memory_space<vmem_shared>>)
      tpu.yield
    }) : () -> ()
    %add3A_11 = arith.constant 128 : i32
    %add3A_12 = arith.addi %mul3A_2, %add3A_11 : i32
    "tpu.region"() ({
      %run_scoped3A = tpu.sem_alloc : memref<!tpu.dma_semaphore, #tpu.memory_space<semaphore_mem>>
      %dma_start3A_43 = arith.constant 0 : i32
      %dma_start3A_44 = arith.constant 0 : i32
      %dma_start3A_45 = tpu.memref_slice %arg8[%dma_start3A_43, %dma_start3A_44] : memref<128x128xf32, #tpu.memory_space<vmem>> -> memref<128x128xf32, #tpu.memory_space<vmem>>
      %dma_start3A_46 = arith.constant 0 : i32
      %dma_start3A_47 = tpu.memref_slice %arg12[%add3A_12, %dma_start3A_46] : memref<5248x128xf32, #tpu.memory_space<vmem_shared>> -> memref<128x128xf32, #tpu.memory_space<vmem_shared>>
      %dma_start3A_48 = arith.constant 0 : i32
      %dma_start3A_49 = tpu.memref_slice %arg12[%add3A_12, %dma_start3A_48] : memref<5248x128xf32, #tpu.memory_space<vmem_shared>> -> memref<128x128xf32, #tpu.memory_space<vmem_shared>>
      %dma_start3A_50 = arith.constant 0 : i32
      %dma_start3A_51 = arith.constant 0 : i32
      %dma_start3A_52 = tpu.memref_slice %arg8[%dma_start3A_50, %dma_start3A_51] : memref<128x128xf32, #tpu.memory_space<vmem>> -> memref<128x128xf32, #tpu.memory_space<vmem>>
      tpu.enqueue_dma source(%dma_start3A_52 : memref<128x128xf32, #tpu.memory_space<vmem>>) target(%dma_start3A_49 : memref<128x128xf32, #tpu.memory_space<vmem_shared>>) target_semaphore(%run_scoped3A : memref<!tpu.dma_semaphore, #tpu.memory_space<semaphore_mem>>)
      %dma_wait3A = arith.constant 0 : i32
      %dma_wait3A_53 = arith.constant 0 : i32
      %dma_wait3A_54 = tpu.memref_slice %arg8[%dma_wait3A, %dma_wait3A_53] : memref<128x128xf32, #tpu.memory_space<vmem>> -> memref<128x128xf32, #tpu.memory_space<vmem>>
      %dma_wait3A_55 = arith.constant 0 : i32
      %dma_wait3A_56 = tpu.memref_slice %arg12[%add3A_12, %dma_wait3A_55] : memref<5248x128xf32, #tpu.memory_space<vmem_shared>> -> memref<128x128xf32, #tpu.memory_space<vmem_shared>>
      %dma_wait3A_57 = arith.constant 0 : i32
      %dma_wait3A_58 = tpu.memref_slice %arg12[%add3A_12, %dma_wait3A_57] : memref<5248x128xf32, #tpu.memory_space<vmem_shared>> -> memref<128x128xf32, #tpu.memory_space<vmem_shared>>
      %dma_wait3A_59 = arith.constant 0 : i32
      %dma_wait3A_60 = arith.constant 0 : i32
      %dma_wait3A_61 = tpu.memref_slice %arg8[%dma_wait3A_59, %dma_wait3A_60] : memref<128x128xf32, #tpu.memory_space<vmem>> -> memref<128x128xf32, #tpu.memory_space<vmem>>
      tpu.wait_dma2 semaphore(%run_scoped3A : memref<!tpu.dma_semaphore, #tpu.memory_space<semaphore_mem>>) src(%dma_wait3A_61 : memref<128x128xf32, #tpu.memory_space<vmem>>) dst(%dma_wait3A_58 : memref<128x128xf32, #tpu.memory_space<vmem_shared>>)
      tpu.yield
    }) : () -> ()
    %add3A_13 = arith.constant 256 : i32
    %add3A_14 = arith.addi %mul3A_2, %add3A_13 : i32
    "tpu.region"() ({
      %run_scoped3A = tpu.sem_alloc : memref<!tpu.dma_semaphore, #tpu.memory_space<semaphore_mem>>
      %dma_start3A_43 = arith.constant 0 : i32
      %dma_start3A_44 = arith.constant 0 : i32
      %dma_start3A_45 = tpu.memref_slice %arg8[%dma_start3A_43, %dma_start3A_44] : memref<128x128xf32, #tpu.memory_space<vmem>> -> memref<72x128xf32, #tpu.memory_space<vmem>>
      %dma_start3A_46 = arith.constant 0 : i32
      %dma_start3A_47 = tpu.memref_slice %arg12[%add3A_14, %dma_start3A_46] : memref<5248x128xf32, #tpu.memory_space<vmem_shared>> -> memref<72x128xf32, #tpu.memory_space<vmem_shared>>
      %dma_start3A_48 = arith.constant 0 : i32
      %dma_start3A_49 = tpu.memref_slice %arg12[%add3A_14, %dma_start3A_48] : memref<5248x128xf32, #tpu.memory_space<vmem_shared>> -> memref<72x128xf32, #tpu.memory_space<vmem_shared>>
      %dma_start3A_50 = arith.constant 0 : i32
      %dma_start3A_51 = arith.constant 0 : i32
      %dma_start3A_52 = tpu.memref_slice %arg8[%dma_start3A_50, %dma_start3A_51] : memref<128x128xf32, #tpu.memory_space<vmem>> -> memref<72x128xf32, #tpu.memory_space<vmem>>
      tpu.enqueue_dma source(%dma_start3A_52 : memref<72x128xf32, #tpu.memory_space<vmem>>) target(%dma_start3A_49 : memref<72x128xf32, #tpu.memory_space<vmem_shared>>) target_semaphore(%run_scoped3A : memref<!tpu.dma_semaphore, #tpu.memory_space<semaphore_mem>>)
      %dma_wait3A = arith.constant 0 : i32
      %dma_wait3A_53 = arith.constant 0 : i32
      %dma_wait3A_54 = tpu.memref_slice %arg8[%dma_wait3A, %dma_wait3A_53] : memref<128x128xf32, #tpu.memory_space<vmem>> -> memref<72x128xf32, #tpu.memory_space<vmem>>
      %dma_wait3A_55 = arith.constant 0 : i32
      %dma_wait3A_56 = tpu.memref_slice %arg12[%add3A_14, %dma_wait3A_55] : memref<5248x128xf32, #tpu.memory_space<vmem_shared>> -> memref<72x128xf32, #tpu.memory_space<vmem_shared>>
      %dma_wait3A_57 = arith.constant 0 : i32
      %dma_wait3A_58 = tpu.memref_slice %arg12[%add3A_14, %dma_wait3A_57] : memref<5248x128xf32, #tpu.memory_space<vmem_shared>> -> memref<72x128xf32, #tpu.memory_space<vmem_shared>>
      %dma_wait3A_59 = arith.constant 0 : i32
      %dma_wait3A_60 = arith.constant 0 : i32
      %dma_wait3A_61 = tpu.memref_slice %arg8[%dma_wait3A_59, %dma_wait3A_60] : memref<128x128xf32, #tpu.memory_space<vmem>> -> memref<72x128xf32, #tpu.memory_space<vmem>>
      tpu.wait_dma2 semaphore(%run_scoped3A : memref<!tpu.dma_semaphore, #tpu.memory_space<semaphore_mem>>) src(%dma_wait3A_61 : memref<72x128xf32, #tpu.memory_space<vmem>>) dst(%dma_wait3A_58 : memref<72x128xf32, #tpu.memory_space<vmem_shared>>)
      tpu.yield
    }) : () -> ()
    "tpu.region"() ({
      %run_scoped3A = tpu.sem_alloc : memref<!tpu.dma_semaphore, #tpu.memory_space<semaphore_mem>>
      %dma_start3A_43 = arith.constant 0 : i32
      %dma_start3A_44 = arith.constant 0 : i32
      %dma_start3A_45 = tpu.memref_slice %arg3[%arg0, %add3A, %dma_start3A_43, %dma_start3A_44] : memref<2x32x80x128xi32, #tpu.memory_space<hbm>> -> memref<1x1x80x128xi32, #tpu.memory_space<hbm>>
      %dma_start3A_46 = tpu.memref_squeeze %dma_start3A_45 : memref<1x1x80x128xi32, #tpu.memory_space<hbm>> -> memref<80x128xi32, #tpu.memory_space<hbm>>
      %dma_start3A_47 = arith.constant 0 : i32
      %dma_start3A_48 = arith.constant 0 : i32
      %dma_start3A_49 = tpu.memref_slice %arg3[%arg0, %add3A, %dma_start3A_47, %dma_start3A_48] : memref<2x32x80x128xi32, #tpu.memory_space<hbm>> -> memref<1x1x80x128xi32, #tpu.memory_space<hbm>>
      %dma_start3A_50 = tpu.memref_squeeze %dma_start3A_49 : memref<1x1x80x128xi32, #tpu.memory_space<hbm>> -> memref<80x128xi32, #tpu.memory_space<hbm>>
      tpu.enqueue_dma source(%dma_start3A_50 : memref<80x128xi32, #tpu.memory_space<hbm>>) target(%arg6 : memref<80x128xi32, #tpu.memory_space<vmem>>) target_semaphore(%run_scoped3A : memref<!tpu.dma_semaphore, #tpu.memory_space<semaphore_mem>>)
      %dma_wait3A = arith.constant 0 : i32
      %dma_wait3A_51 = arith.constant 0 : i32
      %dma_wait3A_52 = tpu.memref_slice %arg3[%arg0, %add3A, %dma_wait3A, %dma_wait3A_51] : memref<2x32x80x128xi32, #tpu.memory_space<hbm>> -> memref<1x1x80x128xi32, #tpu.memory_space<hbm>>
      %dma_wait3A_53 = tpu.memref_squeeze %dma_wait3A_52 : memref<1x1x80x128xi32, #tpu.memory_space<hbm>> -> memref<80x128xi32, #tpu.memory_space<hbm>>
      %dma_wait3A_54 = arith.constant 0 : i32
      %dma_wait3A_55 = arith.constant 0 : i32
      %dma_wait3A_56 = tpu.memref_slice %arg3[%arg0, %add3A, %dma_wait3A_54, %dma_wait3A_55] : memref<2x32x80x128xi32, #tpu.memory_space<hbm>> -> memref<1x1x80x128xi32, #tpu.memory_space<hbm>>
      %dma_wait3A_57 = tpu.memref_squeeze %dma_wait3A_56 : memref<1x1x80x128xi32, #tpu.memory_space<hbm>> -> memref<80x128xi32, #tpu.memory_space<hbm>>
      tpu.wait_dma2 semaphore(%run_scoped3A : memref<!tpu.dma_semaphore, #tpu.memory_space<semaphore_mem>>) src(%dma_wait3A_57 : memref<80x128xi32, #tpu.memory_space<hbm>>) dst(%arg6 : memref<80x128xi32, #tpu.memory_space<vmem>>)
      tpu.yield
    }) : () -> ()
    "tpu.region"() ({
      %run_scoped3A = tpu.sem_alloc : memref<!tpu.dma_semaphore, #tpu.memory_space<semaphore_mem>>
      %dma_start3A_43 = arith.constant 0 : i32
      %dma_start3A_44 = arith.constant 0 : i32
      %dma_start3A_45 = tpu.memref_slice %arg4[%arg0, %add3A, %dma_start3A_43, %dma_start3A_44] : memref<2x32x80x128xi32, #tpu.memory_space<hbm>> -> memref<1x1x80x128xi32, #tpu.memory_space<hbm>>
      %dma_start3A_46 = tpu.memref_squeeze %dma_start3A_45 : memref<1x1x80x128xi32, #tpu.memory_space<hbm>> -> memref<80x128xi32, #tpu.memory_space<hbm>>
      %dma_start3A_47 = arith.constant 0 : i32
      %dma_start3A_48 = arith.constant 0 : i32
      %dma_start3A_49 = tpu.memref_slice %arg4[%arg0, %add3A, %dma_start3A_47, %dma_start3A_48] : memref<2x32x80x128xi32, #tpu.memory_space<hbm>> -> memref<1x1x80x128xi32, #tpu.memory_space<hbm>>
      %dma_start3A_50 = tpu.memref_squeeze %dma_start3A_49 : memref<1x1x80x128xi32, #tpu.memory_space<hbm>> -> memref<80x128xi32, #tpu.memory_space<hbm>>
      tpu.enqueue_dma source(%dma_start3A_50 : memref<80x128xi32, #tpu.memory_space<hbm>>) target(%arg7 : memref<80x128xi32, #tpu.memory_space<vmem>>) target_semaphore(%run_scoped3A : memref<!tpu.dma_semaphore, #tpu.memory_space<semaphore_mem>>)
      %dma_wait3A = arith.constant 0 : i32
      %dma_wait3A_51 = arith.constant 0 : i32
      %dma_wait3A_52 = tpu.memref_slice %arg4[%arg0, %add3A, %dma_wait3A, %dma_wait3A_51] : memref<2x32x80x128xi32, #tpu.memory_space<hbm>> -> memref<1x1x80x128xi32, #tpu.memory_space<hbm>>
      %dma_wait3A_53 = tpu.memref_squeeze %dma_wait3A_52 : memref<1x1x80x128xi32, #tpu.memory_space<hbm>> -> memref<80x128xi32, #tpu.memory_space<hbm>>
      %dma_wait3A_54 = arith.constant 0 : i32
      %dma_wait3A_55 = arith.constant 0 : i32
      %dma_wait3A_56 = tpu.memref_slice %arg4[%arg0, %add3A, %dma_wait3A_54, %dma_wait3A_55] : memref<2x32x80x128xi32, #tpu.memory_space<hbm>> -> memref<1x1x80x128xi32, #tpu.memory_space<hbm>>
      %dma_wait3A_57 = tpu.memref_squeeze %dma_wait3A_56 : memref<1x1x80x128xi32, #tpu.memory_space<hbm>> -> memref<80x128xi32, #tpu.memory_space<hbm>>
      tpu.wait_dma2 semaphore(%run_scoped3A : memref<!tpu.dma_semaphore, #tpu.memory_space<semaphore_mem>>) src(%dma_wait3A_57 : memref<80x128xi32, #tpu.memory_space<hbm>>) dst(%arg7 : memref<80x128xi32, #tpu.memory_space<vmem>>)
      tpu.yield
    }) : () -> ()
    %barrier3A = arith.constant 0 : index
    tpu.barrier barrier_id(%barrier3A)
    %dma_start3A = arith.constant 0 : i32
    %dma_start3A_15 = arith.constant 0 : i32
    %dma_start3A_16 = tpu.memref_slice %arg6[%dma_start3A, %dma_start3A_15] : memref<80x128xi32, #tpu.memory_space<vmem>> -> memref<1x128xi32, #tpu.memory_space<vmem>>
    %dma_start3A_17 = tpu.memref_squeeze %dma_start3A_16 : memref<1x128xi32, #tpu.memory_space<vmem>> -> memref<128xi32, #tpu.memory_space<vmem>>
    %dma_start3A_18 = arith.constant 0 : i32
    %dma_start3A_19 = arith.constant 0 : i32
    %dma_start3A_20 = tpu.memref_slice %arg2[%dma_start3A_18, %dma_start3A_19] : memref<10240x128xf32, #tpu.memory_space<hbm>> -> memref<10240x128xf32, #tpu.memory_space<hbm>>
    tpu.enqueue_indirect_dma source(%dma_start3A_20 : memref<10240x128xf32, #tpu.memory_space<hbm>>) target(%arg8 : memref<128x128xf32, #tpu.memory_space<vmem>>) offsets(%dma_start3A_17 : memref<128xi32, #tpu.memory_space<vmem>>) semaphore(%arg13 : memref<!tpu.dma_semaphore, #tpu.memory_space<semaphore_mem>>)
    %dma_start3A_21 = arith.constant 1 : i32
    %dma_start3A_22 = arith.constant 0 : i32
    %dma_start3A_23 = tpu.memref_slice %arg6[%dma_start3A_21, %dma_start3A_22] : memref<80x128xi32, #tpu.memory_space<vmem>> -> memref<1x128xi32, #tpu.memory_space<vmem>>
    %dma_start3A_24 = tpu.memref_squeeze %dma_start3A_23 : memref<1x128xi32, #tpu.memory_space<vmem>> -> memref<128xi32, #tpu.memory_space<vmem>>
    %dma_start3A_25 = arith.constant 0 : i32
    %dma_start3A_26 = arith.constant 0 : i32
    %dma_start3A_27 = tpu.memref_slice %arg2[%dma_start3A_25, %dma_start3A_26] : memref<10240x128xf32, #tpu.memory_space<hbm>> -> memref<10240x128xf32, #tpu.memory_space<hbm>>
    tpu.enqueue_indirect_dma source(%dma_start3A_27 : memref<10240x128xf32, #tpu.memory_space<hbm>>) target(%arg9 : memref<128x128xf32, #tpu.memory_space<vmem>>) offsets(%dma_start3A_24 : memref<128xi32, #tpu.memory_space<vmem>>) semaphore(%arg14 : memref<!tpu.dma_semaphore, #tpu.memory_space<semaphore_mem>>)
    %dma_start3A_28 = arith.constant 2 : i32
    %dma_start3A_29 = arith.constant 0 : i32
    %dma_start3A_30 = tpu.memref_slice %arg6[%dma_start3A_28, %dma_start3A_29] : memref<80x128xi32, #tpu.memory_space<vmem>> -> memref<1x128xi32, #tpu.memory_space<vmem>>
    %dma_start3A_31 = tpu.memref_squeeze %dma_start3A_30 : memref<1x128xi32, #tpu.memory_space<vmem>> -> memref<128xi32, #tpu.memory_space<vmem>>
    %dma_start3A_32 = arith.constant 0 : i32
    %dma_start3A_33 = arith.constant 0 : i32
    %dma_start3A_34 = tpu.memref_slice %arg2[%dma_start3A_32, %dma_start3A_33] : memref<10240x128xf32, #tpu.memory_space<hbm>> -> memref<10240x128xf32, #tpu.memory_space<hbm>>
    tpu.enqueue_indirect_dma source(%dma_start3A_34 : memref<10240x128xf32, #tpu.memory_space<hbm>>) target(%arg10 : memref<128x128xf32, #tpu.memory_space<vmem>>) offsets(%dma_start3A_31 : memref<128xi32, #tpu.memory_space<vmem>>) semaphore(%arg15 : memref<!tpu.dma_semaphore, #tpu.memory_space<semaphore_mem>>)
    %scan3A_35 = arith.constant 0 : i32
    %scan3A_36 = arith.constant 0 : i32
    %scan3A_37 = arith.constant 20 : i32
    %scan3A_38 = arith.addi %scan3A_36, %scan3A_37 : i32
    %scan3A_39 = arith.constant 1 : i32
    %scan3A_40 = scf.for %scan3A_43 = %scan3A_36 to %scan3A_38 step %scan3A_39 iter_args(%scan3A_44 = %scan3A_35) -> (i32)  : i32 {
      %mul3A_45 = arith.constant 4 : i32
      %mul3A_46 = arith.muli %mul3A_45, %scan3A_43 : i32
      %add3A_47 = arith.constant 0 : i32
      %add3A_48 = arith.addi %mul3A_46, %add3A_47 : i32
      %dma_wait3A = arith.constant 0 : i32
      %dma_wait3A_49 = tpu.memref_slice %arg6[%add3A_48, %dma_wait3A] : memref<80x128xi32, #tpu.memory_space<vmem>> -> memref<1x128xi32, #tpu.memory_space<vmem>>
      %dma_wait3A_50 = tpu.memref_squeeze %dma_wait3A_49 : memref<1x128xi32, #tpu.memory_space<vmem>> -> memref<128xi32, #tpu.memory_space<vmem>>
      %dma_wait3A_51 = arith.constant 0 : i32
      %dma_wait3A_52 = arith.constant 0 : i32
      %dma_wait3A_53 = tpu.memref_slice %arg2[%dma_wait3A_51, %dma_wait3A_52] : memref<10240x128xf32, #tpu.memory_space<hbm>> -> memref<10240x128xf32, #tpu.memory_space<hbm>>
      tpu.wait_indirect_dma semaphore(%arg13 : memref<!tpu.dma_semaphore, #tpu.memory_space<semaphore_mem>>) src(%dma_wait3A_53 : memref<10240x128xf32, #tpu.memory_space<hbm>>) dst(%arg8 : memref<128x128xf32, #tpu.memory_space<vmem>>)
      "tpu.region"() ({
        %run_scoped3A = tpu.sem_alloc : memref<!tpu.dma_semaphore, #tpu.memory_space<semaphore_mem>>
        %dma_start3A_104 = arith.constant 0 : i32
        %dma_start3A_105 = tpu.memref_slice %arg7[%add3A_48, %dma_start3A_104] : memref<80x128xi32, #tpu.memory_space<vmem>> -> memref<1x128xi32, #tpu.memory_space<vmem>>
        %dma_start3A_106 = tpu.memref_squeeze %dma_start3A_105 : memref<1x128xi32, #tpu.memory_space<vmem>> -> memref<128xi32, #tpu.memory_space<vmem>>
        %dma_start3A_107 = arith.constant 0 : i32
        %dma_start3A_108 = arith.constant 0 : i32
        %dma_start3A_109 = tpu.memref_slice %arg12[%dma_start3A_107, %dma_start3A_108] : memref<5248x128xf32, #tpu.memory_space<vmem_shared>> -> memref<5248x128xf32, #tpu.memory_space<vmem_shared>>
        tpu.enqueue_indirect_dma source(%arg8 : memref<128x128xf32, #tpu.memory_space<vmem>>) target(%dma_start3A_109 : memref<5248x128xf32, #tpu.memory_space<vmem_shared>>) offsets(%dma_start3A_106 : memref<128xi32, #tpu.memory_space<vmem>>) semaphore(%run_scoped3A : memref<!tpu.dma_semaphore, #tpu.memory_space<semaphore_mem>>) {add = true}
        %dma_wait3A_110 = arith.constant 0 : i32
        %dma_wait3A_111 = tpu.memref_slice %arg7[%add3A_48, %dma_wait3A_110] : memref<80x128xi32, #tpu.memory_space<vmem>> -> memref<1x128xi32, #tpu.memory_space<vmem>>
        %dma_wait3A_112 = tpu.memref_squeeze %dma_wait3A_111 : memref<1x128xi32, #tpu.memory_space<vmem>> -> memref<128xi32, #tpu.memory_space<vmem>>
        %dma_wait3A_113 = arith.constant 0 : i32
        %dma_wait3A_114 = arith.constant 0 : i32
        %dma_wait3A_115 = tpu.memref_slice %arg12[%dma_wait3A_113, %dma_wait3A_114] : memref<5248x128xf32, #tpu.memory_space<vmem_shared>> -> memref<5248x128xf32, #tpu.memory_space<vmem_shared>>
        tpu.wait_indirect_dma semaphore(%run_scoped3A : memref<!tpu.dma_semaphore, #tpu.memory_space<semaphore_mem>>) src(%arg8 : memref<128x128xf32, #tpu.memory_space<vmem>>) dst(%dma_wait3A_115 : memref<5248x128xf32, #tpu.memory_space<vmem_shared>>)
        tpu.yield
      }) : () -> ()
      %add3A_54 = arith.constant 3 : i32
      %add3A_55 = arith.addi %add3A_48, %add3A_54 : i32
      %lt3A = arith.constant 80 : i32
      %lt3A_56 = arith.cmpi slt, %add3A_55, %lt3A : i32
      %convert_element_type3A = arith.extui %lt3A_56 : i1 to i32
      %cond3A = arith.constant 0 : i32
      %cond3A_57 = arith.cmpi ne, %convert_element_type3A, %cond3A : i32
      scf.if %cond3A_57 {
        %add3A_104 = arith.constant 3 : i32
        %add3A_105 = arith.addi %add3A_48, %add3A_104 : i32
        %dma_start3A_106 = arith.constant 0 : i32
        %dma_start3A_107 = tpu.memref_slice %arg6[%add3A_105, %dma_start3A_106] : memref<80x128xi32, #tpu.memory_space<vmem>> -> memref<1x128xi32, #tpu.memory_space<vmem>>
        %dma_start3A_108 = tpu.memref_squeeze %dma_start3A_107 : memref<1x128xi32, #tpu.memory_space<vmem>> -> memref<128xi32, #tpu.memory_space<vmem>>
        %dma_start3A_109 = arith.constant 0 : i32
        %dma_start3A_110 = arith.constant 0 : i32
        %dma_start3A_111 = tpu.memref_slice %arg2[%dma_start3A_109, %dma_start3A_110] : memref<10240x128xf32, #tpu.memory_space<hbm>> -> memref<10240x128xf32, #tpu.memory_space<hbm>>
        tpu.enqueue_indirect_dma source(%dma_start3A_111 : memref<10240x128xf32, #tpu.memory_space<hbm>>) target(%arg11 : memref<128x128xf32, #tpu.memory_space<vmem>>) offsets(%dma_start3A_108 : memref<128xi32, #tpu.memory_space<vmem>>) semaphore(%arg16 : memref<!tpu.dma_semaphore, #tpu.memory_space<semaphore_mem>>)
      } else {
      }
      %add3A_58 = arith.constant 1 : i32
      %add3A_59 = arith.addi %mul3A_46, %add3A_58 : i32
      %dma_wait3A_60 = arith.constant 0 : i32
      %dma_wait3A_61 = tpu.memref_slice %arg6[%add3A_59, %dma_wait3A_60] : memref<80x128xi32, #tpu.memory_space<vmem>> -> memref<1x128xi32, #tpu.memory_space<vmem>>
      %dma_wait3A_62 = tpu.memref_squeeze %dma_wait3A_61 : memref<1x128xi32, #tpu.memory_space<vmem>> -> memref<128xi32, #tpu.memory_space<vmem>>
      %dma_wait3A_63 = arith.constant 0 : i32
      %dma_wait3A_64 = arith.constant 0 : i32
      %dma_wait3A_65 = tpu.memref_slice %arg2[%dma_wait3A_63, %dma_wait3A_64] : memref<10240x128xf32, #tpu.memory_space<hbm>> -> memref<10240x128xf32, #tpu.memory_space<hbm>>
      tpu.wait_indirect_dma semaphore(%arg14 : memref<!tpu.dma_semaphore, #tpu.memory_space<semaphore_mem>>) src(%dma_wait3A_65 : memref<10240x128xf32, #tpu.memory_space<hbm>>) dst(%arg9 : memref<128x128xf32, #tpu.memory_space<vmem>>)
      "tpu.region"() ({
        %run_scoped3A = tpu.sem_alloc : memref<!tpu.dma_semaphore, #tpu.memory_space<semaphore_mem>>
        %dma_start3A_104 = arith.constant 0 : i32
        %dma_start3A_105 = tpu.memref_slice %arg7[%add3A_59, %dma_start3A_104] : memref<80x128xi32, #tpu.memory_space<vmem>> -> memref<1x128xi32, #tpu.memory_space<vmem>>
        %dma_start3A_106 = tpu.memref_squeeze %dma_start3A_105 : memref<1x128xi32, #tpu.memory_space<vmem>> -> memref<128xi32, #tpu.memory_space<vmem>>
        %dma_start3A_107 = arith.constant 0 : i32
        %dma_start3A_108 = arith.constant 0 : i32
        %dma_start3A_109 = tpu.memref_slice %arg12[%dma_start3A_107, %dma_start3A_108] : memref<5248x128xf32, #tpu.memory_space<vmem_shared>> -> memref<5248x128xf32, #tpu.memory_space<vmem_shared>>
        tpu.enqueue_indirect_dma source(%arg9 : memref<128x128xf32, #tpu.memory_space<vmem>>) target(%dma_start3A_109 : memref<5248x128xf32, #tpu.memory_space<vmem_shared>>) offsets(%dma_start3A_106 : memref<128xi32, #tpu.memory_space<vmem>>) semaphore(%run_scoped3A : memref<!tpu.dma_semaphore, #tpu.memory_space<semaphore_mem>>) {add = true}
        %dma_wait3A_110 = arith.constant 0 : i32
        %dma_wait3A_111 = tpu.memref_slice %arg7[%add3A_59, %dma_wait3A_110] : memref<80x128xi32, #tpu.memory_space<vmem>> -> memref<1x128xi32, #tpu.memory_space<vmem>>
        %dma_wait3A_112 = tpu.memref_squeeze %dma_wait3A_111 : memref<1x128xi32, #tpu.memory_space<vmem>> -> memref<128xi32, #tpu.memory_space<vmem>>
        %dma_wait3A_113 = arith.constant 0 : i32
        %dma_wait3A_114 = arith.constant 0 : i32
        %dma_wait3A_115 = tpu.memref_slice %arg12[%dma_wait3A_113, %dma_wait3A_114] : memref<5248x128xf32, #tpu.memory_space<vmem_shared>> -> memref<5248x128xf32, #tpu.memory_space<vmem_shared>>
        tpu.wait_indirect_dma semaphore(%run_scoped3A : memref<!tpu.dma_semaphore, #tpu.memory_space<semaphore_mem>>) src(%arg9 : memref<128x128xf32, #tpu.memory_space<vmem>>) dst(%dma_wait3A_115 : memref<5248x128xf32, #tpu.memory_space<vmem_shared>>)
        tpu.yield
      }) : () -> ()
      %add3A_66 = arith.constant 3 : i32
      %add3A_67 = arith.addi %add3A_59, %add3A_66 : i32
      %lt3A_68 = arith.constant 80 : i32
      %lt3A_69 = arith.cmpi slt, %add3A_67, %lt3A_68 : i32
      %convert_element_type3A_70 = arith.extui %lt3A_69 : i1 to i32
      %cond3A_71 = arith.constant 0 : i32
      %cond3A_72 = arith.cmpi ne, %convert_element_type3A_70, %cond3A_71 : i32
      scf.if %cond3A_72 {
        %add3A_104 = arith.constant 3 : i32
        %add3A_105 = arith.addi %add3A_59, %add3A_104 : i32
        %dma_start3A_106 = arith.constant 0 : i32
        %dma_start3A_107 = tpu.memref_slice %arg6[%add3A_105, %dma_start3A_106] : memref<80x128xi32, #tpu.memory_space<vmem>> -> memref<1x128xi32, #tpu.memory_space<vmem>>
        %dma_start3A_108 = tpu.memref_squeeze %dma_start3A_107 : memref<1x128xi32, #tpu.memory_space<vmem>> -> memref<128xi32, #tpu.memory_space<vmem>>
        %dma_start3A_109 = arith.constant 0 : i32
        %dma_start3A_110 = arith.constant 0 : i32
        %dma_start3A_111 = tpu.memref_slice %arg2[%dma_start3A_109, %dma_start3A_110] : memref<10240x128xf32, #tpu.memory_space<hbm>> -> memref<10240x128xf32, #tpu.memory_space<hbm>>
        tpu.enqueue_indirect_dma source(%dma_start3A_111 : memref<10240x128xf32, #tpu.memory_space<hbm>>) target(%arg8 : memref<128x128xf32, #tpu.memory_space<vmem>>) offsets(%dma_start3A_108 : memref<128xi32, #tpu.memory_space<vmem>>) semaphore(%arg13 : memref<!tpu.dma_semaphore, #tpu.memory_space<semaphore_mem>>)
      } else {
      }
      %add3A_73 = arith.constant 2 : i32
      %add3A_74 = arith.addi %mul3A_46, %add3A_73 : i32
      %dma_wait3A_75 = arith.constant 0 : i32
      %dma_wait3A_76 = tpu.memref_slice %arg6[%add3A_74, %dma_wait3A_75] : memref<80x128xi32, #tpu.memory_space<vmem>> -> memref<1x128xi32, #tpu.memory_space<vmem>>
      %dma_wait3A_77 = tpu.memref_squeeze %dma_wait3A_76 : memref<1x128xi32, #tpu.memory_space<vmem>> -> memref<128xi32, #tpu.memory_space<vmem>>
      %dma_wait3A_78 = arith.constant 0 : i32
      %dma_wait3A_79 = arith.constant 0 : i32
      %dma_wait3A_80 = tpu.memref_slice %arg2[%dma_wait3A_78, %dma_wait3A_79] : memref<10240x128xf32, #tpu.memory_space<hbm>> -> memref<10240x128xf32, #tpu.memory_space<hbm>>
      tpu.wait_indirect_dma semaphore(%arg15 : memref<!tpu.dma_semaphore, #tpu.memory_space<semaphore_mem>>) src(%dma_wait3A_80 : memref<10240x128xf32, #tpu.memory_space<hbm>>) dst(%arg10 : memref<128x128xf32, #tpu.memory_space<vmem>>)
      "tpu.region"() ({
        %run_scoped3A = tpu.sem_alloc : memref<!tpu.dma_semaphore, #tpu.memory_space<semaphore_mem>>
        %dma_start3A_104 = arith.constant 0 : i32
        %dma_start3A_105 = tpu.memref_slice %arg7[%add3A_74, %dma_start3A_104] : memref<80x128xi32, #tpu.memory_space<vmem>> -> memref<1x128xi32, #tpu.memory_space<vmem>>
        %dma_start3A_106 = tpu.memref_squeeze %dma_start3A_105 : memref<1x128xi32, #tpu.memory_space<vmem>> -> memref<128xi32, #tpu.memory_space<vmem>>
        %dma_start3A_107 = arith.constant 0 : i32
        %dma_start3A_108 = arith.constant 0 : i32
        %dma_start3A_109 = tpu.memref_slice %arg12[%dma_start3A_107, %dma_start3A_108] : memref<5248x128xf32, #tpu.memory_space<vmem_shared>> -> memref<5248x128xf32, #tpu.memory_space<vmem_shared>>
        tpu.enqueue_indirect_dma source(%arg10 : memref<128x128xf32, #tpu.memory_space<vmem>>) target(%dma_start3A_109 : memref<5248x128xf32, #tpu.memory_space<vmem_shared>>) offsets(%dma_start3A_106 : memref<128xi32, #tpu.memory_space<vmem>>) semaphore(%run_scoped3A : memref<!tpu.dma_semaphore, #tpu.memory_space<semaphore_mem>>) {add = true}
        %dma_wait3A_110 = arith.constant 0 : i32
        %dma_wait3A_111 = tpu.memref_slice %arg7[%add3A_74, %dma_wait3A_110] : memref<80x128xi32, #tpu.memory_space<vmem>> -> memref<1x128xi32, #tpu.memory_space<vmem>>
        %dma_wait3A_112 = tpu.memref_squeeze %dma_wait3A_111 : memref<1x128xi32, #tpu.memory_space<vmem>> -> memref<128xi32, #tpu.memory_space<vmem>>
        %dma_wait3A_113 = arith.constant 0 : i32
        %dma_wait3A_114 = arith.constant 0 : i32
        %dma_wait3A_115 = tpu.memref_slice %arg12[%dma_wait3A_113, %dma_wait3A_114] : memref<5248x128xf32, #tpu.memory_space<vmem_shared>> -> memref<5248x128xf32, #tpu.memory_space<vmem_shared>>
        tpu.wait_indirect_dma semaphore(%run_scoped3A : memref<!tpu.dma_semaphore, #tpu.memory_space<semaphore_mem>>) src(%arg10 : memref<128x128xf32, #tpu.memory_space<vmem>>) dst(%dma_wait3A_115 : memref<5248x128xf32, #tpu.memory_space<vmem_shared>>)
        tpu.yield
      }) : () -> ()
      %add3A_81 = arith.constant 3 : i32
      %add3A_82 = arith.addi %add3A_74, %add3A_81 : i32
      %lt3A_83 = arith.constant 80 : i32
      %lt3A_84 = arith.cmpi slt, %add3A_82, %lt3A_83 : i32
      %convert_element_type3A_85 = arith.extui %lt3A_84 : i1 to i32
      %cond3A_86 = arith.constant 0 : i32
      %cond3A_87 = arith.cmpi ne, %convert_element_type3A_85, %cond3A_86 : i32
      scf.if %cond3A_87 {
        %add3A_104 = arith.constant 3 : i32
        %add3A_105 = arith.addi %add3A_74, %add3A_104 : i32
        %dma_start3A_106 = arith.constant 0 : i32
        %dma_start3A_107 = tpu.memref_slice %arg6[%add3A_105, %dma_start3A_106] : memref<80x128xi32, #tpu.memory_space<vmem>> -> memref<1x128xi32, #tpu.memory_space<vmem>>
        %dma_start3A_108 = tpu.memref_squeeze %dma_start3A_107 : memref<1x128xi32, #tpu.memory_space<vmem>> -> memref<128xi32, #tpu.memory_space<vmem>>
        %dma_start3A_109 = arith.constant 0 : i32
        %dma_start3A_110 = arith.constant 0 : i32
        %dma_start3A_111 = tpu.memref_slice %arg2[%dma_start3A_109, %dma_start3A_110] : memref<10240x128xf32, #tpu.memory_space<hbm>> -> memref<10240x128xf32, #tpu.memory_space<hbm>>
        tpu.enqueue_indirect_dma source(%dma_start3A_111 : memref<10240x128xf32, #tpu.memory_space<hbm>>) target(%arg9 : memref<128x128xf32, #tpu.memory_space<vmem>>) offsets(%dma_start3A_108 : memref<128xi32, #tpu.memory_space<vmem>>) semaphore(%arg14 : memref<!tpu.dma_semaphore, #tpu.memory_space<semaphore_mem>>)
      } else {
      }
      %add3A_88 = arith.constant 3 : i32
      %add3A_89 = arith.addi %mul3A_46, %add3A_88 : i32
      %dma_wait3A_90 = arith.constant 0 : i32
      %dma_wait3A_91 = tpu.memref_slice %arg6[%add3A_89, %dma_wait3A_90] : memref<80x128xi32, #tpu.memory_space<vmem>> -> memref<1x128xi32, #tpu.memory_space<vmem>>
      %dma_wait3A_92 = tpu.memref_squeeze %dma_wait3A_91 : memref<1x128xi32, #tpu.memory_space<vmem>> -> memref<128xi32, #tpu.memory_space<vmem>>
      %dma_wait3A_93 = arith.constant 0 : i32
      %dma_wait3A_94 = arith.constant 0 : i32
      %dma_wait3A_95 = tpu.memref_slice %arg2[%dma_wait3A_93, %dma_wait3A_94] : memref<10240x128xf32, #tpu.memory_space<hbm>> -> memref<10240x128xf32, #tpu.memory_space<hbm>>
      tpu.wait_indirect_dma semaphore(%arg16 : memref<!tpu.dma_semaphore, #tpu.memory_space<semaphore_mem>>) src(%dma_wait3A_95 : memref<10240x128xf32, #tpu.memory_space<hbm>>) dst(%arg11 : memref<128x128xf32, #tpu.memory_space<vmem>>)
      "tpu.region"() ({
        %run_scoped3A = tpu.sem_alloc : memref<!tpu.dma_semaphore, #tpu.memory_space<semaphore_mem>>
        %dma_start3A_104 = arith.constant 0 : i32
        %dma_start3A_105 = tpu.memref_slice %arg7[%add3A_89, %dma_start3A_104] : memref<80x128xi32, #tpu.memory_space<vmem>> -> memref<1x128xi32, #tpu.memory_space<vmem>>
        %dma_start3A_106 = tpu.memref_squeeze %dma_start3A_105 : memref<1x128xi32, #tpu.memory_space<vmem>> -> memref<128xi32, #tpu.memory_space<vmem>>
        %dma_start3A_107 = arith.constant 0 : i32
        %dma_start3A_108 = arith.constant 0 : i32
        %dma_start3A_109 = tpu.memref_slice %arg12[%dma_start3A_107, %dma_start3A_108] : memref<5248x128xf32, #tpu.memory_space<vmem_shared>> -> memref<5248x128xf32, #tpu.memory_space<vmem_shared>>
        tpu.enqueue_indirect_dma source(%arg11 : memref<128x128xf32, #tpu.memory_space<vmem>>) target(%dma_start3A_109 : memref<5248x128xf32, #tpu.memory_space<vmem_shared>>) offsets(%dma_start3A_106 : memref<128xi32, #tpu.memory_space<vmem>>) semaphore(%run_scoped3A : memref<!tpu.dma_semaphore, #tpu.memory_space<semaphore_mem>>) {add = true}
        %dma_wait3A_110 = arith.constant 0 : i32
        %dma_wait3A_111 = tpu.memref_slice %arg7[%add3A_89, %dma_wait3A_110] : memref<80x128xi32, #tpu.memory_space<vmem>> -> memref<1x128xi32, #tpu.memory_space<vmem>>
        %dma_wait3A_112 = tpu.memref_squeeze %dma_wait3A_111 : memref<1x128xi32, #tpu.memory_space<vmem>> -> memref<128xi32, #tpu.memory_space<vmem>>
        %dma_wait3A_113 = arith.constant 0 : i32
        %dma_wait3A_114 = arith.constant 0 : i32
        %dma_wait3A_115 = tpu.memref_slice %arg12[%dma_wait3A_113, %dma_wait3A_114] : memref<5248x128xf32, #tpu.memory_space<vmem_shared>> -> memref<5248x128xf32, #tpu.memory_space<vmem_shared>>
        tpu.wait_indirect_dma semaphore(%run_scoped3A : memref<!tpu.dma_semaphore, #tpu.memory_space<semaphore_mem>>) src(%arg11 : memref<128x128xf32, #tpu.memory_space<vmem>>) dst(%dma_wait3A_115 : memref<5248x128xf32, #tpu.memory_space<vmem_shared>>)
        tpu.yield
      }) : () -> ()
      %add3A_96 = arith.constant 3 : i32
      %add3A_97 = arith.addi %add3A_89, %add3A_96 : i32
      %lt3A_98 = arith.constant 80 : i32
      %lt3A_99 = arith.cmpi slt, %add3A_97, %lt3A_98 : i32
      %convert_element_type3A_100 = arith.extui %lt3A_99 : i1 to i32
      %cond3A_101 = arith.constant 0 : i32
      %cond3A_102 = arith.cmpi ne, %convert_element_type3A_100, %cond3A_101 : i32
      scf.if %cond3A_102 {
        %add3A_104 = arith.constant 3 : i32
        %add3A_105 = arith.addi %add3A_89, %add3A_104 : i32
        %dma_start3A_106 = arith.constant 0 : i32
        %dma_start3A_107 = tpu.memref_slice %arg6[%add3A_105, %dma_start3A_106] : memref<80x128xi32, #tpu.memory_space<vmem>> -> memref<1x128xi32, #tpu.memory_space<vmem>>
        %dma_start3A_108 = tpu.memref_squeeze %dma_start3A_107 : memref<1x128xi32, #tpu.memory_space<vmem>> -> memref<128xi32, #tpu.memory_space<vmem>>
        %dma_start3A_109 = arith.constant 0 : i32
        %dma_start3A_110 = arith.constant 0 : i32
        %dma_start3A_111 = tpu.memref_slice %arg2[%dma_start3A_109, %dma_start3A_110] : memref<10240x128xf32, #tpu.memory_space<hbm>> -> memref<10240x128xf32, #tpu.memory_space<hbm>>
        tpu.enqueue_indirect_dma source(%dma_start3A_111 : memref<10240x128xf32, #tpu.memory_space<hbm>>) target(%arg10 : memref<128x128xf32, #tpu.memory_space<vmem>>) offsets(%dma_start3A_108 : memref<128xi32, #tpu.memory_space<vmem>>) semaphore(%arg15 : memref<!tpu.dma_semaphore, #tpu.memory_space<semaphore_mem>>)
      } else {
      }
      %scan3A_103 = arith.constant 0 : i32
      scf.yield %scan3A_103 : i32
    }
    %scan3A_41 = arith.constant 20 : i32
    %barrier3A_42 = arith.constant 0 : index
    tpu.barrier barrier_id(%barrier3A_42)
    "tpu.region"() ({
      %run_scoped3A = tpu.sem_alloc : memref<!tpu.dma_semaphore, #tpu.memory_space<semaphore_mem>>
      %dma_start3A_43 = arith.constant 0 : i32
      %dma_start3A_44 = tpu.memref_slice %arg5[%arg0, %mul3A_2, %dma_start3A_43] : memref<2x5248x128xf32, #tpu.memory_space<hbm>> -> memref<1x328x128xf32, #tpu.memory_space<hbm>>
      %dma_start3A_45 = tpu.memref_squeeze %dma_start3A_44 : memref<1x328x128xf32, #tpu.memory_space<hbm>> -> memref<328x128xf32, #tpu.memory_space<hbm>>
      %dma_start3A_46 = arith.constant 0 : i32
      %dma_start3A_47 = tpu.memref_slice %arg12[%mul3A_2, %dma_start3A_46] : memref<5248x128xf32, #tpu.memory_space<vmem_shared>> -> memref<328x128xf32, #tpu.memory_space<vmem_shared>>
      tpu.enqueue_dma source(%dma_start3A_47 : memref<328x128xf32, #tpu.memory_space<vmem_shared>>) target(%dma_start3A_45 : memref<328x128xf32, #tpu.memory_space<hbm>>) target_semaphore(%run_scoped3A : memref<!tpu.dma_semaphore, #tpu.memory_space<semaphore_mem>>)
      %dma_wait3A = arith.constant 0 : i32
      %dma_wait3A_48 = tpu.memref_slice %arg5[%arg0, %mul3A_2, %dma_wait3A] : memref<2x5248x128xf32, #tpu.memory_space<hbm>> -> memref<1x328x128xf32, #tpu.memory_space<hbm>>
      %dma_wait3A_49 = tpu.memref_squeeze %dma_wait3A_48 : memref<1x328x128xf32, #tpu.memory_space<hbm>> -> memref<328x128xf32, #tpu.memory_space<hbm>>
      %dma_wait3A_50 = arith.constant 0 : i32
      %dma_wait3A_51 = tpu.memref_slice %arg12[%mul3A_2, %dma_wait3A_50] : memref<5248x128xf32, #tpu.memory_space<vmem_shared>> -> memref<328x128xf32, #tpu.memory_space<vmem_shared>>
      tpu.wait_dma2 semaphore(%run_scoped3A : memref<!tpu.dma_semaphore, #tpu.memory_space<semaphore_mem>>) src(%dma_wait3A_51 : memref<328x128xf32, #tpu.memory_space<vmem_shared>>) dst(%dma_wait3A_49 : memref<328x128xf32, #tpu.memory_space<hbm>>)
      tpu.yield
    }) : () -> ()
    return
  }
}

#map = affine_map<(d0, d1) -> (0, 0)>
#map1 = affine_map<(d0, d1) -> (0, 0, 0, 0)>
#map2 = affine_map<(d0, d1) -> (0, 0, 0)>
module attributes {stable_mosaic.version = 14 : i64} {
  func.func @_prop_body(%arg0: i32, %arg1: i32, %arg2: memref<10240x128xf32, #tpu.memory_space<hbm>>, %arg3: memref<2x32x80x128xi32, #tpu.memory_space<hbm>>, %arg4: memref<2x32x80x128xi32, #tpu.memory_space<hbm>>, %arg5: memref<2x5248x128xf32, #tpu.memory_space<hbm>>, %arg6: memref<80x128xi32, #tpu.memory_space<vmem>>, %arg7: memref<80x128xi32, #tpu.memory_space<vmem>>, %arg8: memref<128x128xf32, #tpu.memory_space<vmem>>, %arg9: memref<128x128xf32, #tpu.memory_space<vmem>>, %arg10: memref<128x128xf32, #tpu.memory_space<vmem>>, %arg11: memref<128x128xf32, #tpu.memory_space<vmem>>, %arg12: memref<5248x128xf32, #tpu.memory_space<vmem_shared>>, %arg13: memref<!tpu.dma_semaphore, #tpu.memory_space<semaphore_mem>>, %arg14: memref<!tpu.dma_semaphore, #tpu.memory_space<semaphore_mem>>, %arg15: memref<!tpu.dma_semaphore, #tpu.memory_space<semaphore_mem>>, %arg16: memref<!tpu.dma_semaphore, #tpu.memory_space<semaphore_mem>>) attributes {dimension_semantics = [#tpu.dimension_semantics<core_parallel>, #tpu.dimension_semantics<subcore_parallel>], iteration_bounds = array<i64: 2, 16>, scalar_prefetch = 0 : i64, scratch_operands = 11 : i64, tpu.core_type = #tpu.core_type<sc_vector_subcore>, window_params = [{transform_indices = #map}, {transform_indices = #map1}, {transform_indices = #map1}, {transform_indices = #map2}]} {
    %mul3A = arith.constant 2 : i32
    %mul3A_0 = arith.muli %arg1, %mul3A : i32
    %add3A = arith.addi %mul3A_0, %arg0 : i32
    %mul3A_1 = arith.constant 328 : i32
    %mul3A_2 = arith.muli %arg1, %mul3A_1 : i32
    %scan3A = arith.constant 0 : i32
    %scan3A_3 = arith.constant 0 : i32
    %scan3A_4 = arith.constant 128 : i32
    %scan3A_5 = arith.addi %scan3A_3, %scan3A_4 : i32
    %scan3A_6 = arith.constant 1 : i32
    %scan3A_7 = scf.for %scan3A_43 = %scan3A_3 to %scan3A_5 step %scan3A_6 iter_args(%scan3A_44 = %scan3A) -> (i32)  : i32 {
      %broadcast_in_dim3A = arith.constant 0.000000e+00 : f32
      %broadcast_in_dim3A_45 = vector.broadcast %broadcast_in_dim3A : f32 to vector<16xf32>
      %swap3A = arith.index_cast %scan3A_43 : i32 to index
      %swap3A_46 = arith.constant 0 : index
      %swap3A_47 = tpu.vector_load %arg8[%swap3A, %swap3A_46] {strides = array<i32>} : memref<128x128xf32, #tpu.memory_space<vmem>>, vector<1x16xf32>,
      %swap3A_48 = vector.shape_cast %swap3A_47 : vector<1x16xf32> to vector<16xf32>
      %swap3A_49 = vector.shape_cast %broadcast_in_dim3A_45 : vector<16xf32> to vector<1x16xf32>
      tpu.vector_store %arg8[%swap3A, %swap3A_46], %swap3A_49 {strides = array<i32>} : memref<128x128xf32, #tpu.memory_space<vmem>>, vector<1x16xf32>,
      %broadcast_in_dim3A_50 = arith.constant 0.000000e+00 : f32
      %broadcast_in_dim3A_51 = vector.broadcast %broadcast_in_dim3A_50 : f32 to vector<16xf32>
      %swap3A_52 = arith.index_cast %scan3A_43 : i32 to index
      %swap3A_53 = arith.constant 16 : index
      %swap3A_54 = tpu.vector_load %arg8[%swap3A_52, %swap3A_53] {strides = array<i32>} : memref<128x128xf32, #tpu.memory_space<vmem>>, vector<1x16xf32>,
      %swap3A_55 = vector.shape_cast %swap3A_54 : vector<1x16xf32> to vector<16xf32>
      %swap3A_56 = vector.shape_cast %broadcast_in_dim3A_51 : vector<16xf32> to vector<1x16xf32>
      tpu.vector_store %arg8[%swap3A_52, %swap3A_53], %swap3A_56 {strides = array<i32>} : memref<128x128xf32, #tpu.memory_space<vmem>>, vector<1x16xf32>,
      %broadcast_in_dim3A_57 = arith.constant 0.000000e+00 : f32
      %broadcast_in_dim3A_58 = vector.broadcast %broadcast_in_dim3A_57 : f32 to vector<16xf32>
      %swap3A_59 = arith.index_cast %scan3A_43 : i32 to index
      %swap3A_60 = arith.constant 32 : index
      %swap3A_61 = tpu.vector_load %arg8[%swap3A_59, %swap3A_60] {strides = array<i32>} : memref<128x128xf32, #tpu.memory_space<vmem>>, vector<1x16xf32>,
      %swap3A_62 = vector.shape_cast %swap3A_61 : vector<1x16xf32> to vector<16xf32>
      %swap3A_63 = vector.shape_cast %broadcast_in_dim3A_58 : vector<16xf32> to vector<1x16xf32>
      tpu.vector_store %arg8[%swap3A_59, %swap3A_60], %swap3A_63 {strides = array<i32>} : memref<128x128xf32, #tpu.memory_space<vmem>>, vector<1x16xf32>,
      %broadcast_in_dim3A_64 = arith.constant 0.000000e+00 : f32
      %broadcast_in_dim3A_65 = vector.broadcast %broadcast_in_dim3A_64 : f32 to vector<16xf32>
      %swap3A_66 = arith.index_cast %scan3A_43 : i32 to index
      %swap3A_67 = arith.constant 48 : index
      %swap3A_68 = tpu.vector_load %arg8[%swap3A_66, %swap3A_67] {strides = array<i32>} : memref<128x128xf32, #tpu.memory_space<vmem>>, vector<1x16xf32>,
      %swap3A_69 = vector.shape_cast %swap3A_68 : vector<1x16xf32> to vector<16xf32>
      %swap3A_70 = vector.shape_cast %broadcast_in_dim3A_65 : vector<16xf32> to vector<1x16xf32>
      tpu.vector_store %arg8[%swap3A_66, %swap3A_67], %swap3A_70 {strides = array<i32>} : memref<128x128xf32, #tpu.memory_space<vmem>>, vector<1x16xf32>,
      %broadcast_in_dim3A_71 = arith.constant 0.000000e+00 : f32
      %broadcast_in_dim3A_72 = vector.broadcast %broadcast_in_dim3A_71 : f32 to vector<16xf32>
      %swap3A_73 = arith.index_cast %scan3A_43 : i32 to index
      %swap3A_74 = arith.constant 64 : index
      %swap3A_75 = tpu.vector_load %arg8[%swap3A_73, %swap3A_74] {strides = array<i32>} : memref<128x128xf32, #tpu.memory_space<vmem>>, vector<1x16xf32>,
      %swap3A_76 = vector.shape_cast %swap3A_75 : vector<1x16xf32> to vector<16xf32>
      %swap3A_77 = vector.shape_cast %broadcast_in_dim3A_72 : vector<16xf32> to vector<1x16xf32>
      tpu.vector_store %arg8[%swap3A_73, %swap3A_74], %swap3A_77 {strides = array<i32>} : memref<128x128xf32, #tpu.memory_space<vmem>>, vector<1x16xf32>,
      %broadcast_in_dim3A_78 = arith.constant 0.000000e+00 : f32
      %broadcast_in_dim3A_79 = vector.broadcast %broadcast_in_dim3A_78 : f32 to vector<16xf32>
      %swap3A_80 = arith.index_cast %scan3A_43 : i32 to index
      %swap3A_81 = arith.constant 80 : index
      %swap3A_82 = tpu.vector_load %arg8[%swap3A_80, %swap3A_81] {strides = array<i32>} : memref<128x128xf32, #tpu.memory_space<vmem>>, vector<1x16xf32>,
      %swap3A_83 = vector.shape_cast %swap3A_82 : vector<1x16xf32> to vector<16xf32>
      %swap3A_84 = vector.shape_cast %broadcast_in_dim3A_79 : vector<16xf32> to vector<1x16xf32>
      tpu.vector_store %arg8[%swap3A_80, %swap3A_81], %swap3A_84 {strides = array<i32>} : memref<128x128xf32, #tpu.memory_space<vmem>>, vector<1x16xf32>,
      %broadcast_in_dim3A_85 = arith.constant 0.000000e+00 : f32
      %broadcast_in_dim3A_86 = vector.broadcast %broadcast_in_dim3A_85 : f32 to vector<16xf32>
      %swap3A_87 = arith.index_cast %scan3A_43 : i32 to index
      %swap3A_88 = arith.constant 96 : index
      %swap3A_89 = tpu.vector_load %arg8[%swap3A_87, %swap3A_88] {strides = array<i32>} : memref<128x128xf32, #tpu.memory_space<vmem>>, vector<1x16xf32>,
      %swap3A_90 = vector.shape_cast %swap3A_89 : vector<1x16xf32> to vector<16xf32>
      %swap3A_91 = vector.shape_cast %broadcast_in_dim3A_86 : vector<16xf32> to vector<1x16xf32>
      tpu.vector_store %arg8[%swap3A_87, %swap3A_88], %swap3A_91 {strides = array<i32>} : memref<128x128xf32, #tpu.memory_space<vmem>>, vector<1x16xf32>,
      %broadcast_in_dim3A_92 = arith.constant 0.000000e+00 : f32
      %broadcast_in_dim3A_93 = vector.broadcast %broadcast_in_dim3A_92 : f32 to vector<16xf32>
      %swap3A_94 = arith.index_cast %scan3A_43 : i32 to index
      %swap3A_95 = arith.constant 112 : index
      %swap3A_96 = tpu.vector_load %arg8[%swap3A_94, %swap3A_95] {strides = array<i32>} : memref<128x128xf32, #tpu.memory_space<vmem>>, vector<1x16xf32>,
      %swap3A_97 = vector.shape_cast %swap3A_96 : vector<1x16xf32> to vector<16xf32>
      %swap3A_98 = vector.shape_cast %broadcast_in_dim3A_93 : vector<16xf32> to vector<1x16xf32>
      tpu.vector_store %arg8[%swap3A_94, %swap3A_95], %swap3A_98 {strides = array<i32>} : memref<128x128xf32, #tpu.memory_space<vmem>>, vector<1x16xf32>,
      %scan3A_99 = arith.constant 0 : i32
      scf.yield %scan3A_99 : i32
    }
    %scan3A_8 = arith.constant 128 : i32
    %add3A_9 = arith.constant 0 : i32
    %add3A_10 = arith.addi %mul3A_2, %add3A_9 : i32
    "tpu.region"() ({
      %run_scoped3A = tpu.sem_alloc : memref<!tpu.dma_semaphore, #tpu.memory_space<semaphore_mem>>
      %dma_start3A_43 = arith.constant 0 : i32
      %dma_start3A_44 = arith.constant 0 : i32
      %dma_start3A_45 = tpu.memref_slice %arg8[%dma_start3A_43, %dma_start3A_44] : memref<128x128xf32, #tpu.memory_space<vmem>> -> memref<128x128xf32, #tpu.memory_space<vmem>>
      %dma_start3A_46 = arith.constant 0 : i32
      %dma_start3A_47 = tpu.memref_slice %arg12[%add3A_10, %dma_start3A_46] : memref<5248x128xf32, #tpu.memory_space<vmem_shared>> -> memref<128x128xf32, #tpu.memory_space<vmem_shared>>
      %dma_start3A_48 = arith.constant 0 : i32
      %dma_start3A_49 = tpu.memref_slice %arg12[%add3A_10, %dma_start3A_48] : memref<5248x128xf32, #tpu.memory_space<vmem_shared>> -> memref<128x128xf32, #tpu.memory_space<vmem_shared>>
      %dma_start3A_50 = arith.constant 0 : i32
      %dma_start3A_51 = arith.constant 0 : i32
      %dma_start3A_52 = tpu.memref_slice %arg8[%dma_start3A_50, %dma_start3A_51] : memref<128x128xf32, #tpu.memory_space<vmem>> -> memref<128x128xf32, #tpu.memory_space<vmem>>
      tpu.enqueue_dma source(%dma_start3A_52 : memref<128x128xf32, #tpu.memory_space<vmem>>) target(%dma_start3A_49 : memref<128x128xf32, #tpu.memory_space<vmem_shared>>) target_semaphore(%run_scoped3A : memref<!tpu.dma_semaphore, #tpu.memory_space<semaphore_mem>>)
      %dma_wait3A = arith.constant 0 : i32
      %dma_wait3A_53 = arith.constant 0 : i32
      %dma_wait3A_54 = tpu.memref_slice %arg8[%dma_wait3A, %dma_wait3A_53] : memref<128x128xf32, #tpu.memory_space<vmem>> -> memref<128x128xf32, #tpu.memory_space<vmem>>
      %dma_wait3A_55 = arith.constant 0 : i32
      %dma_wait3A_56 = tpu.memref_slice %arg12[%add3A_10, %dma_wait3A_55] : memref<5248x128xf32, #tpu.memory_space<vmem_shared>> -> memref<128x128xf32, #tpu.memory_space<vmem_shared>>
      %dma_wait3A_57 = arith.constant 0 : i32
      %dma_wait3A_58 = tpu.memref_slice %arg12[%add3A_10, %dma_wait3A_57] : memref<5248x128xf32, #tpu.memory_space<vmem_shared>> -> memref<128x128xf32, #tpu.memory_space<vmem_shared>>
      %dma_wait3A_59 = arith.constant 0 : i32
      %dma_wait3A_60 = arith.constant 0 : i32
      %dma_wait3A_61 = tpu.memref_slice %arg8[%dma_wait3A_59, %dma_wait3A_60] : memref<128x128xf32, #tpu.memory_space<vmem>> -> memref<128x128xf32, #tpu.memory_space<vmem>>
      tpu.wait_dma2 semaphore(%run_scoped3A : memref<!tpu.dma_semaphore, #tpu.memory_space<semaphore_mem>>) src(%dma_wait3A_61 : memref<128x128xf32, #tpu.memory_space<vmem>>) dst(%dma_wait3A_58 : memref<128x128xf32, #tpu.memory_space<vmem_shared>>)
      tpu.yield
    }) : () -> ()
    %add3A_11 = arith.constant 128 : i32
    %add3A_12 = arith.addi %mul3A_2, %add3A_11 : i32
    "tpu.region"() ({
      %run_scoped3A = tpu.sem_alloc : memref<!tpu.dma_semaphore, #tpu.memory_space<semaphore_mem>>
      %dma_start3A_43 = arith.constant 0 : i32
      %dma_start3A_44 = arith.constant 0 : i32
      %dma_start3A_45 = tpu.memref_slice %arg8[%dma_start3A_43, %dma_start3A_44] : memref<128x128xf32, #tpu.memory_space<vmem>> -> memref<128x128xf32, #tpu.memory_space<vmem>>
      %dma_start3A_46 = arith.constant 0 : i32
      %dma_start3A_47 = tpu.memref_slice %arg12[%add3A_12, %dma_start3A_46] : memref<5248x128xf32, #tpu.memory_space<vmem_shared>> -> memref<128x128xf32, #tpu.memory_space<vmem_shared>>
      %dma_start3A_48 = arith.constant 0 : i32
      %dma_start3A_49 = tpu.memref_slice %arg12[%add3A_12, %dma_start3A_48] : memref<5248x128xf32, #tpu.memory_space<vmem_shared>> -> memref<128x128xf32, #tpu.memory_space<vmem_shared>>
      %dma_start3A_50 = arith.constant 0 : i32
      %dma_start3A_51 = arith.constant 0 : i32
      %dma_start3A_52 = tpu.memref_slice %arg8[%dma_start3A_50, %dma_start3A_51] : memref<128x128xf32, #tpu.memory_space<vmem>> -> memref<128x128xf32, #tpu.memory_space<vmem>>
      tpu.enqueue_dma source(%dma_start3A_52 : memref<128x128xf32, #tpu.memory_space<vmem>>) target(%dma_start3A_49 : memref<128x128xf32, #tpu.memory_space<vmem_shared>>) target_semaphore(%run_scoped3A : memref<!tpu.dma_semaphore, #tpu.memory_space<semaphore_mem>>)
      %dma_wait3A = arith.constant 0 : i32
      %dma_wait3A_53 = arith.constant 0 : i32
      %dma_wait3A_54 = tpu.memref_slice %arg8[%dma_wait3A, %dma_wait3A_53] : memref<128x128xf32, #tpu.memory_space<vmem>> -> memref<128x128xf32, #tpu.memory_space<vmem>>
      %dma_wait3A_55 = arith.constant 0 : i32
      %dma_wait3A_56 = tpu.memref_slice %arg12[%add3A_12, %dma_wait3A_55] : memref<5248x128xf32, #tpu.memory_space<vmem_shared>> -> memref<128x128xf32, #tpu.memory_space<vmem_shared>>
      %dma_wait3A_57 = arith.constant 0 : i32
      %dma_wait3A_58 = tpu.memref_slice %arg12[%add3A_12, %dma_wait3A_57] : memref<5248x128xf32, #tpu.memory_space<vmem_shared>> -> memref<128x128xf32, #tpu.memory_space<vmem_shared>>
      %dma_wait3A_59 = arith.constant 0 : i32
      %dma_wait3A_60 = arith.constant 0 : i32
      %dma_wait3A_61 = tpu.memref_slice %arg8[%dma_wait3A_59, %dma_wait3A_60] : memref<128x128xf32, #tpu.memory_space<vmem>> -> memref<128x128xf32, #tpu.memory_space<vmem>>
      tpu.wait_dma2 semaphore(%run_scoped3A : memref<!tpu.dma_semaphore, #tpu.memory_space<semaphore_mem>>) src(%dma_wait3A_61 : memref<128x128xf32, #tpu.memory_space<vmem>>) dst(%dma_wait3A_58 : memref<128x128xf32, #tpu.memory_space<vmem_shared>>)
      tpu.yield
    }) : () -> ()
    %add3A_13 = arith.constant 256 : i32
    %add3A_14 = arith.addi %mul3A_2, %add3A_13 : i32
    "tpu.region"() ({
      %run_scoped3A = tpu.sem_alloc : memref<!tpu.dma_semaphore, #tpu.memory_space<semaphore_mem>>
      %dma_start3A_43 = arith.constant 0 : i32
      %dma_start3A_44 = arith.constant 0 : i32
      %dma_start3A_45 = tpu.memref_slice %arg8[%dma_start3A_43, %dma_start3A_44] : memref<128x128xf32, #tpu.memory_space<vmem>> -> memref<72x128xf32, #tpu.memory_space<vmem>>
      %dma_start3A_46 = arith.constant 0 : i32
      %dma_start3A_47 = tpu.memref_slice %arg12[%add3A_14, %dma_start3A_46] : memref<5248x128xf32, #tpu.memory_space<vmem_shared>> -> memref<72x128xf32, #tpu.memory_space<vmem_shared>>
      %dma_start3A_48 = arith.constant 0 : i32
      %dma_start3A_49 = tpu.memref_slice %arg12[%add3A_14, %dma_start3A_48] : memref<5248x128xf32, #tpu.memory_space<vmem_shared>> -> memref<72x128xf32, #tpu.memory_space<vmem_shared>>
      %dma_start3A_50 = arith.constant 0 : i32
      %dma_start3A_51 = arith.constant 0 : i32
      %dma_start3A_52 = tpu.memref_slice %arg8[%dma_start3A_50, %dma_start3A_51] : memref<128x128xf32, #tpu.memory_space<vmem>> -> memref<72x128xf32, #tpu.memory_space<vmem>>
      tpu.enqueue_dma source(%dma_start3A_52 : memref<72x128xf32, #tpu.memory_space<vmem>>) target(%dma_start3A_49 : memref<72x128xf32, #tpu.memory_space<vmem_shared>>) target_semaphore(%run_scoped3A : memref<!tpu.dma_semaphore, #tpu.memory_space<semaphore_mem>>)
      %dma_wait3A = arith.constant 0 : i32
      %dma_wait3A_53 = arith.constant 0 : i32
      %dma_wait3A_54 = tpu.memref_slice %arg8[%dma_wait3A, %dma_wait3A_53] : memref<128x128xf32, #tpu.memory_space<vmem>> -> memref<72x128xf32, #tpu.memory_space<vmem>>
      %dma_wait3A_55 = arith.constant 0 : i32
      %dma_wait3A_56 = tpu.memref_slice %arg12[%add3A_14, %dma_wait3A_55] : memref<5248x128xf32, #tpu.memory_space<vmem_shared>> -> memref<72x128xf32, #tpu.memory_space<vmem_shared>>
      %dma_wait3A_57 = arith.constant 0 : i32
      %dma_wait3A_58 = tpu.memref_slice %arg12[%add3A_14, %dma_wait3A_57] : memref<5248x128xf32, #tpu.memory_space<vmem_shared>> -> memref<72x128xf32, #tpu.memory_space<vmem_shared>>
      %dma_wait3A_59 = arith.constant 0 : i32
      %dma_wait3A_60 = arith.constant 0 : i32
      %dma_wait3A_61 = tpu.memref_slice %arg8[%dma_wait3A_59, %dma_wait3A_60] : memref<128x128xf32, #tpu.memory_space<vmem>> -> memref<72x128xf32, #tpu.memory_space<vmem>>
      tpu.wait_dma2 semaphore(%run_scoped3A : memref<!tpu.dma_semaphore, #tpu.memory_space<semaphore_mem>>) src(%dma_wait3A_61 : memref<72x128xf32, #tpu.memory_space<vmem>>) dst(%dma_wait3A_58 : memref<72x128xf32, #tpu.memory_space<vmem_shared>>)
      tpu.yield
    }) : () -> ()
    "tpu.region"() ({
      %run_scoped3A = tpu.sem_alloc : memref<!tpu.dma_semaphore, #tpu.memory_space<semaphore_mem>>
      %dma_start3A_43 = arith.constant 0 : i32
      %dma_start3A_44 = arith.constant 0 : i32
      %dma_start3A_45 = tpu.memref_slice %arg3[%arg0, %add3A, %dma_start3A_43, %dma_start3A_44] : memref<2x32x80x128xi32, #tpu.memory_space<hbm>> -> memref<1x1x80x128xi32, #tpu.memory_space<hbm>>
      %dma_start3A_46 = tpu.memref_squeeze %dma_start3A_45 : memref<1x1x80x128xi32, #tpu.memory_space<hbm>> -> memref<80x128xi32, #tpu.memory_space<hbm>>
      %dma_start3A_47 = arith.constant 0 : i32
      %dma_start3A_48 = arith.constant 0 : i32
      %dma_start3A_49 = tpu.memref_slice %arg3[%arg0, %add3A, %dma_start3A_47, %dma_start3A_48] : memref<2x32x80x128xi32, #tpu.memory_space<hbm>> -> memref<1x1x80x128xi32, #tpu.memory_space<hbm>>
      %dma_start3A_50 = tpu.memref_squeeze %dma_start3A_49 : memref<1x1x80x128xi32, #tpu.memory_space<hbm>> -> memref<80x128xi32, #tpu.memory_space<hbm>>
      tpu.enqueue_dma source(%dma_start3A_50 : memref<80x128xi32, #tpu.memory_space<hbm>>) target(%arg6 : memref<80x128xi32, #tpu.memory_space<vmem>>) target_semaphore(%run_scoped3A : memref<!tpu.dma_semaphore, #tpu.memory_space<semaphore_mem>>)
      %dma_wait3A = arith.constant 0 : i32
      %dma_wait3A_51 = arith.constant 0 : i32
      %dma_wait3A_52 = tpu.memref_slice %arg3[%arg0, %add3A, %dma_wait3A, %dma_wait3A_51] : memref<2x32x80x128xi32, #tpu.memory_space<hbm>> -> memref<1x1x80x128xi32, #tpu.memory_space<hbm>>
      %dma_wait3A_53 = tpu.memref_squeeze %dma_wait3A_52 : memref<1x1x80x128xi32, #tpu.memory_space<hbm>> -> memref<80x128xi32, #tpu.memory_space<hbm>>
      %dma_wait3A_54 = arith.constant 0 : i32
      %dma_wait3A_55 = arith.constant 0 : i32
      %dma_wait3A_56 = tpu.memref_slice %arg3[%arg0, %add3A, %dma_wait3A_54, %dma_wait3A_55] : memref<2x32x80x128xi32, #tpu.memory_space<hbm>> -> memref<1x1x80x128xi32, #tpu.memory_space<hbm>>
      %dma_wait3A_57 = tpu.memref_squeeze %dma_wait3A_56 : memref<1x1x80x128xi32, #tpu.memory_space<hbm>> -> memref<80x128xi32, #tpu.memory_space<hbm>>
      tpu.wait_dma2 semaphore(%run_scoped3A : memref<!tpu.dma_semaphore, #tpu.memory_space<semaphore_mem>>) src(%dma_wait3A_57 : memref<80x128xi32, #tpu.memory_space<hbm>>) dst(%arg6 : memref<80x128xi32, #tpu.memory_space<vmem>>)
      tpu.yield
    }) : () -> ()
    "tpu.region"() ({
      %run_scoped3A = tpu.sem_alloc : memref<!tpu.dma_semaphore, #tpu.memory_space<semaphore_mem>>
      %dma_start3A_43 = arith.constant 0 : i32
      %dma_start3A_44 = arith.constant 0 : i32
      %dma_start3A_45 = tpu.memref_slice %arg4[%arg0, %add3A, %dma_start3A_43, %dma_start3A_44] : memref<2x32x80x128xi32, #tpu.memory_space<hbm>> -> memref<1x1x80x128xi32, #tpu.memory_space<hbm>>
      %dma_start3A_46 = tpu.memref_squeeze %dma_start3A_45 : memref<1x1x80x128xi32, #tpu.memory_space<hbm>> -> memref<80x128xi32, #tpu.memory_space<hbm>>
      %dma_start3A_47 = arith.constant 0 : i32
      %dma_start3A_48 = arith.constant 0 : i32
      %dma_start3A_49 = tpu.memref_slice %arg4[%arg0, %add3A, %dma_start3A_47, %dma_start3A_48] : memref<2x32x80x128xi32, #tpu.memory_space<hbm>> -> memref<1x1x80x128xi32, #tpu.memory_space<hbm>>
      %dma_start3A_50 = tpu.memref_squeeze %dma_start3A_49 : memref<1x1x80x128xi32, #tpu.memory_space<hbm>> -> memref<80x128xi32, #tpu.memory_space<hbm>>
      tpu.enqueue_dma source(%dma_start3A_50 : memref<80x128xi32, #tpu.memory_space<hbm>>) target(%arg7 : memref<80x128xi32, #tpu.memory_space<vmem>>) target_semaphore(%run_scoped3A : memref<!tpu.dma_semaphore, #tpu.memory_space<semaphore_mem>>)
      %dma_wait3A = arith.constant 0 : i32
      %dma_wait3A_51 = arith.constant 0 : i32
      %dma_wait3A_52 = tpu.memref_slice %arg4[%arg0, %add3A, %dma_wait3A, %dma_wait3A_51] : memref<2x32x80x128xi32, #tpu.memory_space<hbm>> -> memref<1x1x80x128xi32, #tpu.memory_space<hbm>>
      %dma_wait3A_53 = tpu.memref_squeeze %dma_wait3A_52 : memref<1x1x80x128xi32, #tpu.memory_space<hbm>> -> memref<80x128xi32, #tpu.memory_space<hbm>>
      %dma_wait3A_54 = arith.constant 0 : i32
      %dma_wait3A_55 = arith.constant 0 : i32
      %dma_wait3A_56 = tpu.memref_slice %arg4[%arg0, %add3A, %dma_wait3A_54, %dma_wait3A_55] : memref<2x32x80x128xi32, #tpu.memory_space<hbm>> -> memref<1x1x80x128xi32, #tpu.memory_space<hbm>>
      %dma_wait3A_57 = tpu.memref_squeeze %dma_wait3A_56 : memref<1x1x80x128xi32, #tpu.memory_space<hbm>> -> memref<80x128xi32, #tpu.memory_space<hbm>>
      tpu.wait_dma2 semaphore(%run_scoped3A : memref<!tpu.dma_semaphore, #tpu.memory_space<semaphore_mem>>) src(%dma_wait3A_57 : memref<80x128xi32, #tpu.memory_space<hbm>>) dst(%arg7 : memref<80x128xi32, #tpu.memory_space<vmem>>)
      tpu.yield
    }) : () -> ()
    %barrier3A = arith.constant 0 : index
    tpu.barrier barrier_id(%barrier3A)
    %dma_start3A = arith.constant 0 : i32
    %dma_start3A_15 = arith.constant 0 : i32
    %dma_start3A_16 = tpu.memref_slice %arg6[%dma_start3A, %dma_start3A_15] : memref<80x128xi32, #tpu.memory_space<vmem>> -> memref<1x128xi32, #tpu.memory_space<vmem>>
    %dma_start3A_17 = tpu.memref_squeeze %dma_start3A_16 : memref<1x128xi32, #tpu.memory_space<vmem>> -> memref<128xi32, #tpu.memory_space<vmem>>
    %dma_start3A_18 = arith.constant 0 : i32
    %dma_start3A_19 = arith.constant 0 : i32
    %dma_start3A_20 = tpu.memref_slice %arg2[%dma_start3A_18, %dma_start3A_19] : memref<10240x128xf32, #tpu.memory_space<hbm>> -> memref<10240x128xf32, #tpu.memory_space<hbm>>
    tpu.enqueue_indirect_dma source(%dma_start3A_20 : memref<10240x128xf32, #tpu.memory_space<hbm>>) target(%arg8 : memref<128x128xf32, #tpu.memory_space<vmem>>) offsets(%dma_start3A_17 : memref<128xi32, #tpu.memory_space<vmem>>) semaphore(%arg13 : memref<!tpu.dma_semaphore, #tpu.memory_space<semaphore_mem>>)
    %dma_start3A_21 = arith.constant 1 : i32
    %dma_start3A_22 = arith.constant 0 : i32
    %dma_start3A_23 = tpu.memref_slice %arg6[%dma_start3A_21, %dma_start3A_22] : memref<80x128xi32, #tpu.memory_space<vmem>> -> memref<1x128xi32, #tpu.memory_space<vmem>>
    %dma_start3A_24 = tpu.memref_squeeze %dma_start3A_23 : memref<1x128xi32, #tpu.memory_space<vmem>> -> memref<128xi32, #tpu.memory_space<vmem>>
    %dma_start3A_25 = arith.constant 0 : i32
    %dma_start3A_26 = arith.constant 0 : i32
    %dma_start3A_27 = tpu.memref_slice %arg2[%dma_start3A_25, %dma_start3A_26] : memref<10240x128xf32, #tpu.memory_space<hbm>> -> memref<10240x128xf32, #tpu.memory_space<hbm>>
    tpu.enqueue_indirect_dma source(%dma_start3A_27 : memref<10240x128xf32, #tpu.memory_space<hbm>>) target(%arg9 : memref<128x128xf32, #tpu.memory_space<vmem>>) offsets(%dma_start3A_24 : memref<128xi32, #tpu.memory_space<vmem>>) semaphore(%arg14 : memref<!tpu.dma_semaphore, #tpu.memory_space<semaphore_mem>>)
    %dma_start3A_28 = arith.constant 2 : i32
    %dma_start3A_29 = arith.constant 0 : i32
    %dma_start3A_30 = tpu.memref_slice %arg6[%dma_start3A_28, %dma_start3A_29] : memref<80x128xi32, #tpu.memory_space<vmem>> -> memref<1x128xi32, #tpu.memory_space<vmem>>
    %dma_start3A_31 = tpu.memref_squeeze %dma_start3A_30 : memref<1x128xi32, #tpu.memory_space<vmem>> -> memref<128xi32, #tpu.memory_space<vmem>>
    %dma_start3A_32 = arith.constant 0 : i32
    %dma_start3A_33 = arith.constant 0 : i32
    %dma_start3A_34 = tpu.memref_slice %arg2[%dma_start3A_32, %dma_start3A_33] : memref<10240x128xf32, #tpu.memory_space<hbm>> -> memref<10240x128xf32, #tpu.memory_space<hbm>>
    tpu.enqueue_indirect_dma source(%dma_start3A_34 : memref<10240x128xf32, #tpu.memory_space<hbm>>) target(%arg10 : memref<128x128xf32, #tpu.memory_space<vmem>>) offsets(%dma_start3A_31 : memref<128xi32, #tpu.memory_space<vmem>>) semaphore(%arg15 : memref<!tpu.dma_semaphore, #tpu.memory_space<semaphore_mem>>)
    %scan3A_35 = arith.constant 0 : i32
    %scan3A_36 = arith.constant 0 : i32
    %scan3A_37 = arith.constant 20 : i32
    %scan3A_38 = arith.addi %scan3A_36, %scan3A_37 : i32
    %scan3A_39 = arith.constant 1 : i32
    %scan3A_40 = scf.for %scan3A_43 = %scan3A_36 to %scan3A_38 step %scan3A_39 iter_args(%scan3A_44 = %scan3A_35) -> (i32)  : i32 {
      %mul3A_45 = arith.constant 4 : i32
      %mul3A_46 = arith.muli %mul3A_45, %scan3A_43 : i32
      %add3A_47 = arith.constant 0 : i32
      %add3A_48 = arith.addi %mul3A_46, %add3A_47 : i32
      %dma_wait3A = arith.constant 0 : i32
      %dma_wait3A_49 = tpu.memref_slice %arg6[%add3A_48, %dma_wait3A] : memref<80x128xi32, #tpu.memory_space<vmem>> -> memref<1x128xi32, #tpu.memory_space<vmem>>
      %dma_wait3A_50 = tpu.memref_squeeze %dma_wait3A_49 : memref<1x128xi32, #tpu.memory_space<vmem>> -> memref<128xi32, #tpu.memory_space<vmem>>
      %dma_wait3A_51 = arith.constant 0 : i32
      %dma_wait3A_52 = arith.constant 0 : i32
      %dma_wait3A_53 = tpu.memref_slice %arg2[%dma_wait3A_51, %dma_wait3A_52] : memref<10240x128xf32, #tpu.memory_space<hbm>> -> memref<10240x128xf32, #tpu.memory_space<hbm>>
      tpu.wait_indirect_dma semaphore(%arg13 : memref<!tpu.dma_semaphore, #tpu.memory_space<semaphore_mem>>) src(%dma_wait3A_53 : memref<10240x128xf32, #tpu.memory_space<hbm>>) dst(%arg8 : memref<128x128xf32, #tpu.memory_space<vmem>>)
      "tpu.region"() ({
        %run_scoped3A = tpu.sem_alloc : memref<!tpu.dma_semaphore, #tpu.memory_space<semaphore_mem>>
        %dma_start3A_104 = arith.constant 0 : i32
        %dma_start3A_105 = tpu.memref_slice %arg7[%add3A_48, %dma_start3A_104] : memref<80x128xi32, #tpu.memory_space<vmem>> -> memref<1x128xi32, #tpu.memory_space<vmem>>
        %dma_start3A_106 = tpu.memref_squeeze %dma_start3A_105 : memref<1x128xi32, #tpu.memory_space<vmem>> -> memref<128xi32, #tpu.memory_space<vmem>>
        %dma_start3A_107 = arith.constant 0 : i32
        %dma_start3A_108 = arith.constant 0 : i32
        %dma_start3A_109 = tpu.memref_slice %arg12[%dma_start3A_107, %dma_start3A_108] : memref<5248x128xf32, #tpu.memory_space<vmem_shared>> -> memref<5248x128xf32, #tpu.memory_space<vmem_shared>>
        tpu.enqueue_indirect_dma source(%arg8 : memref<128x128xf32, #tpu.memory_space<vmem>>) target(%dma_start3A_109 : memref<5248x128xf32, #tpu.memory_space<vmem_shared>>) offsets(%dma_start3A_106 : memref<128xi32, #tpu.memory_space<vmem>>) semaphore(%run_scoped3A : memref<!tpu.dma_semaphore, #tpu.memory_space<semaphore_mem>>) {add = true}
        %dma_wait3A_110 = arith.constant 0 : i32
        %dma_wait3A_111 = tpu.memref_slice %arg7[%add3A_48, %dma_wait3A_110] : memref<80x128xi32, #tpu.memory_space<vmem>> -> memref<1x128xi32, #tpu.memory_space<vmem>>
        %dma_wait3A_112 = tpu.memref_squeeze %dma_wait3A_111 : memref<1x128xi32, #tpu.memory_space<vmem>> -> memref<128xi32, #tpu.memory_space<vmem>>
        %dma_wait3A_113 = arith.constant 0 : i32
        %dma_wait3A_114 = arith.constant 0 : i32
        %dma_wait3A_115 = tpu.memref_slice %arg12[%dma_wait3A_113, %dma_wait3A_114] : memref<5248x128xf32, #tpu.memory_space<vmem_shared>> -> memref<5248x128xf32, #tpu.memory_space<vmem_shared>>
        tpu.wait_indirect_dma semaphore(%run_scoped3A : memref<!tpu.dma_semaphore, #tpu.memory_space<semaphore_mem>>) src(%arg8 : memref<128x128xf32, #tpu.memory_space<vmem>>) dst(%dma_wait3A_115 : memref<5248x128xf32, #tpu.memory_space<vmem_shared>>)
        tpu.yield
      }) : () -> ()
      %add3A_54 = arith.constant 3 : i32
      %add3A_55 = arith.addi %add3A_48, %add3A_54 : i32
      %lt3A = arith.constant 80 : i32
      %lt3A_56 = arith.cmpi slt, %add3A_55, %lt3A : i32
      %convert_element_type3A = arith.extui %lt3A_56 : i1 to i32
      %cond3A = arith.constant 0 : i32
      %cond3A_57 = arith.cmpi ne, %convert_element_type3A, %cond3A : i32
      scf.if %cond3A_57 {
        %add3A_104 = arith.constant 3 : i32
        %add3A_105 = arith.addi %add3A_48, %add3A_104 : i32
        %dma_start3A_106 = arith.constant 0 : i32
        %dma_start3A_107 = tpu.memref_slice %arg6[%add3A_105, %dma_start3A_106] : memref<80x128xi32, #tpu.memory_space<vmem>> -> memref<1x128xi32, #tpu.memory_space<vmem>>
        %dma_start3A_108 = tpu.memref_squeeze %dma_start3A_107 : memref<1x128xi32, #tpu.memory_space<vmem>> -> memref<128xi32, #tpu.memory_space<vmem>>
        %dma_start3A_109 = arith.constant 0 : i32
        %dma_start3A_110 = arith.constant 0 : i32
        %dma_start3A_111 = tpu.memref_slice %arg2[%dma_start3A_109, %dma_start3A_110] : memref<10240x128xf32, #tpu.memory_space<hbm>> -> memref<10240x128xf32, #tpu.memory_space<hbm>>
        tpu.enqueue_indirect_dma source(%dma_start3A_111 : memref<10240x128xf32, #tpu.memory_space<hbm>>) target(%arg11 : memref<128x128xf32, #tpu.memory_space<vmem>>) offsets(%dma_start3A_108 : memref<128xi32, #tpu.memory_space<vmem>>) semaphore(%arg16 : memref<!tpu.dma_semaphore, #tpu.memory_space<semaphore_mem>>)
      } else {
      }
      %add3A_58 = arith.constant 1 : i32
      %add3A_59 = arith.addi %mul3A_46, %add3A_58 : i32
      %dma_wait3A_60 = arith.constant 0 : i32
      %dma_wait3A_61 = tpu.memref_slice %arg6[%add3A_59, %dma_wait3A_60] : memref<80x128xi32, #tpu.memory_space<vmem>> -> memref<1x128xi32, #tpu.memory_space<vmem>>
      %dma_wait3A_62 = tpu.memref_squeeze %dma_wait3A_61 : memref<1x128xi32, #tpu.memory_space<vmem>> -> memref<128xi32, #tpu.memory_space<vmem>>
      %dma_wait3A_63 = arith.constant 0 : i32
      %dma_wait3A_64 = arith.constant 0 : i32
      %dma_wait3A_65 = tpu.memref_slice %arg2[%dma_wait3A_63, %dma_wait3A_64] : memref<10240x128xf32, #tpu.memory_space<hbm>> -> memref<10240x128xf32, #tpu.memory_space<hbm>>
      tpu.wait_indirect_dma semaphore(%arg14 : memref<!tpu.dma_semaphore, #tpu.memory_space<semaphore_mem>>) src(%dma_wait3A_65 : memref<10240x128xf32, #tpu.memory_space<hbm>>) dst(%arg9 : memref<128x128xf32, #tpu.memory_space<vmem>>)
      "tpu.region"() ({
        %run_scoped3A = tpu.sem_alloc : memref<!tpu.dma_semaphore, #tpu.memory_space<semaphore_mem>>
        %dma_start3A_104 = arith.constant 0 : i32
        %dma_start3A_105 = tpu.memref_slice %arg7[%add3A_59, %dma_start3A_104] : memref<80x128xi32, #tpu.memory_space<vmem>> -> memref<1x128xi32, #tpu.memory_space<vmem>>
        %dma_start3A_106 = tpu.memref_squeeze %dma_start3A_105 : memref<1x128xi32, #tpu.memory_space<vmem>> -> memref<128xi32, #tpu.memory_space<vmem>>
        %dma_start3A_107 = arith.constant 0 : i32
        %dma_start3A_108 = arith.constant 0 : i32
        %dma_start3A_109 = tpu.memref_slice %arg12[%dma_start3A_107, %dma_start3A_108] : memref<5248x128xf32, #tpu.memory_space<vmem_shared>> -> memref<5248x128xf32, #tpu.memory_space<vmem_shared>>
        tpu.enqueue_indirect_dma source(%arg9 : memref<128x128xf32, #tpu.memory_space<vmem>>) target(%dma_start3A_109 : memref<5248x128xf32, #tpu.memory_space<vmem_shared>>) offsets(%dma_start3A_106 : memref<128xi32, #tpu.memory_space<vmem>>) semaphore(%run_scoped3A : memref<!tpu.dma_semaphore, #tpu.memory_space<semaphore_mem>>) {add = true}
        %dma_wait3A_110 = arith.constant 0 : i32
        %dma_wait3A_111 = tpu.memref_slice %arg7[%add3A_59, %dma_wait3A_110] : memref<80x128xi32, #tpu.memory_space<vmem>> -> memref<1x128xi32, #tpu.memory_space<vmem>>
        %dma_wait3A_112 = tpu.memref_squeeze %dma_wait3A_111 : memref<1x128xi32, #tpu.memory_space<vmem>> -> memref<128xi32, #tpu.memory_space<vmem>>
        %dma_wait3A_113 = arith.constant 0 : i32
        %dma_wait3A_114 = arith.constant 0 : i32
        %dma_wait3A_115 = tpu.memref_slice %arg12[%dma_wait3A_113, %dma_wait3A_114] : memref<5248x128xf32, #tpu.memory_space<vmem_shared>> -> memref<5248x128xf32, #tpu.memory_space<vmem_shared>>
        tpu.wait_indirect_dma semaphore(%run_scoped3A : memref<!tpu.dma_semaphore, #tpu.memory_space<semaphore_mem>>) src(%arg9 : memref<128x128xf32, #tpu.memory_space<vmem>>) dst(%dma_wait3A_115 : memref<5248x128xf32, #tpu.memory_space<vmem_shared>>)
        tpu.yield
      }) : () -> ()
      %add3A_66 = arith.constant 3 : i32
      %add3A_67 = arith.addi %add3A_59, %add3A_66 : i32
      %lt3A_68 = arith.constant 80 : i32
      %lt3A_69 = arith.cmpi slt, %add3A_67, %lt3A_68 : i32
      %convert_element_type3A_70 = arith.extui %lt3A_69 : i1 to i32
      %cond3A_71 = arith.constant 0 : i32
      %cond3A_72 = arith.cmpi ne, %convert_element_type3A_70, %cond3A_71 : i32
      scf.if %cond3A_72 {
        %add3A_104 = arith.constant 3 : i32
        %add3A_105 = arith.addi %add3A_59, %add3A_104 : i32
        %dma_start3A_106 = arith.constant 0 : i32
        %dma_start3A_107 = tpu.memref_slice %arg6[%add3A_105, %dma_start3A_106] : memref<80x128xi32, #tpu.memory_space<vmem>> -> memref<1x128xi32, #tpu.memory_space<vmem>>
        %dma_start3A_108 = tpu.memref_squeeze %dma_start3A_107 : memref<1x128xi32, #tpu.memory_space<vmem>> -> memref<128xi32, #tpu.memory_space<vmem>>
        %dma_start3A_109 = arith.constant 0 : i32
        %dma_start3A_110 = arith.constant 0 : i32
        %dma_start3A_111 = tpu.memref_slice %arg2[%dma_start3A_109, %dma_start3A_110] : memref<10240x128xf32, #tpu.memory_space<hbm>> -> memref<10240x128xf32, #tpu.memory_space<hbm>>
        tpu.enqueue_indirect_dma source(%dma_start3A_111 : memref<10240x128xf32, #tpu.memory_space<hbm>>) target(%arg8 : memref<128x128xf32, #tpu.memory_space<vmem>>) offsets(%dma_start3A_108 : memref<128xi32, #tpu.memory_space<vmem>>) semaphore(%arg13 : memref<!tpu.dma_semaphore, #tpu.memory_space<semaphore_mem>>)
      } else {
      }
      %add3A_73 = arith.constant 2 : i32
      %add3A_74 = arith.addi %mul3A_46, %add3A_73 : i32
      %dma_wait3A_75 = arith.constant 0 : i32
      %dma_wait3A_76 = tpu.memref_slice %arg6[%add3A_74, %dma_wait3A_75] : memref<80x128xi32, #tpu.memory_space<vmem>> -> memref<1x128xi32, #tpu.memory_space<vmem>>
      %dma_wait3A_77 = tpu.memref_squeeze %dma_wait3A_76 : memref<1x128xi32, #tpu.memory_space<vmem>> -> memref<128xi32, #tpu.memory_space<vmem>>
      %dma_wait3A_78 = arith.constant 0 : i32
      %dma_wait3A_79 = arith.constant 0 : i32
      %dma_wait3A_80 = tpu.memref_slice %arg2[%dma_wait3A_78, %dma_wait3A_79] : memref<10240x128xf32, #tpu.memory_space<hbm>> -> memref<10240x128xf32, #tpu.memory_space<hbm>>
      tpu.wait_indirect_dma semaphore(%arg15 : memref<!tpu.dma_semaphore, #tpu.memory_space<semaphore_mem>>) src(%dma_wait3A_80 : memref<10240x128xf32, #tpu.memory_space<hbm>>) dst(%arg10 : memref<128x128xf32, #tpu.memory_space<vmem>>)
      "tpu.region"() ({
        %run_scoped3A = tpu.sem_alloc : memref<!tpu.dma_semaphore, #tpu.memory_space<semaphore_mem>>
        %dma_start3A_104 = arith.constant 0 : i32
        %dma_start3A_105 = tpu.memref_slice %arg7[%add3A_74, %dma_start3A_104] : memref<80x128xi32, #tpu.memory_space<vmem>> -> memref<1x128xi32, #tpu.memory_space<vmem>>
        %dma_start3A_106 = tpu.memref_squeeze %dma_start3A_105 : memref<1x128xi32, #tpu.memory_space<vmem>> -> memref<128xi32, #tpu.memory_space<vmem>>
        %dma_start3A_107 = arith.constant 0 : i32
        %dma_start3A_108 = arith.constant 0 : i32
        %dma_start3A_109 = tpu.memref_slice %arg12[%dma_start3A_107, %dma_start3A_108] : memref<5248x128xf32, #tpu.memory_space<vmem_shared>> -> memref<5248x128xf32, #tpu.memory_space<vmem_shared>>
        tpu.enqueue_indirect_dma source(%arg10 : memref<128x128xf32, #tpu.memory_space<vmem>>) target(%dma_start3A_109 : memref<5248x128xf32, #tpu.memory_space<vmem_shared>>) offsets(%dma_start3A_106 : memref<128xi32, #tpu.memory_space<vmem>>) semaphore(%run_scoped3A : memref<!tpu.dma_semaphore, #tpu.memory_space<semaphore_mem>>) {add = true}
        %dma_wait3A_110 = arith.constant 0 : i32
        %dma_wait3A_111 = tpu.memref_slice %arg7[%add3A_74, %dma_wait3A_110] : memref<80x128xi32, #tpu.memory_space<vmem>> -> memref<1x128xi32, #tpu.memory_space<vmem>>
        %dma_wait3A_112 = tpu.memref_squeeze %dma_wait3A_111 : memref<1x128xi32, #tpu.memory_space<vmem>> -> memref<128xi32, #tpu.memory_space<vmem>>
        %dma_wait3A_113 = arith.constant 0 : i32
        %dma_wait3A_114 = arith.constant 0 : i32
        %dma_wait3A_115 = tpu.memref_slice %arg12[%dma_wait3A_113, %dma_wait3A_114] : memref<5248x128xf32, #tpu.memory_space<vmem_shared>> -> memref<5248x128xf32, #tpu.memory_space<vmem_shared>>
        tpu.wait_indirect_dma semaphore(%run_scoped3A : memref<!tpu.dma_semaphore, #tpu.memory_space<semaphore_mem>>) src(%arg10 : memref<128x128xf32, #tpu.memory_space<vmem>>) dst(%dma_wait3A_115 : memref<5248x128xf32, #tpu.memory_space<vmem_shared>>)
        tpu.yield
      }) : () -> ()
      %add3A_81 = arith.constant 3 : i32
      %add3A_82 = arith.addi %add3A_74, %add3A_81 : i32
      %lt3A_83 = arith.constant 80 : i32
      %lt3A_84 = arith.cmpi slt, %add3A_82, %lt3A_83 : i32
      %convert_element_type3A_85 = arith.extui %lt3A_84 : i1 to i32
      %cond3A_86 = arith.constant 0 : i32
      %cond3A_87 = arith.cmpi ne, %convert_element_type3A_85, %cond3A_86 : i32
      scf.if %cond3A_87 {
        %add3A_104 = arith.constant 3 : i32
        %add3A_105 = arith.addi %add3A_74, %add3A_104 : i32
        %dma_start3A_106 = arith.constant 0 : i32
        %dma_start3A_107 = tpu.memref_slice %arg6[%add3A_105, %dma_start3A_106] : memref<80x128xi32, #tpu.memory_space<vmem>> -> memref<1x128xi32, #tpu.memory_space<vmem>>
        %dma_start3A_108 = tpu.memref_squeeze %dma_start3A_107 : memref<1x128xi32, #tpu.memory_space<vmem>> -> memref<128xi32, #tpu.memory_space<vmem>>
        %dma_start3A_109 = arith.constant 0 : i32
        %dma_start3A_110 = arith.constant 0 : i32
        %dma_start3A_111 = tpu.memref_slice %arg2[%dma_start3A_109, %dma_start3A_110] : memref<10240x128xf32, #tpu.memory_space<hbm>> -> memref<10240x128xf32, #tpu.memory_space<hbm>>
        tpu.enqueue_indirect_dma source(%dma_start3A_111 : memref<10240x128xf32, #tpu.memory_space<hbm>>) target(%arg9 : memref<128x128xf32, #tpu.memory_space<vmem>>) offsets(%dma_start3A_108 : memref<128xi32, #tpu.memory_space<vmem>>) semaphore(%arg14 : memref<!tpu.dma_semaphore, #tpu.memory_space<semaphore_mem>>)
      } else {
      }
      %add3A_88 = arith.constant 3 : i32
      %add3A_89 = arith.addi %mul3A_46, %add3A_88 : i32
      %dma_wait3A_90 = arith.constant 0 : i32
      %dma_wait3A_91 = tpu.memref_slice %arg6[%add3A_89, %dma_wait3A_90] : memref<80x128xi32, #tpu.memory_space<vmem>> -> memref<1x128xi32, #tpu.memory_space<vmem>>
      %dma_wait3A_92 = tpu.memref_squeeze %dma_wait3A_91 : memref<1x128xi32, #tpu.memory_space<vmem>> -> memref<128xi32, #tpu.memory_space<vmem>>
      %dma_wait3A_93 = arith.constant 0 : i32
      %dma_wait3A_94 = arith.constant 0 : i32
      %dma_wait3A_95 = tpu.memref_slice %arg2[%dma_wait3A_93, %dma_wait3A_94] : memref<10240x128xf32, #tpu.memory_space<hbm>> -> memref<10240x128xf32, #tpu.memory_space<hbm>>
      tpu.wait_indirect_dma semaphore(%arg16 : memref<!tpu.dma_semaphore, #tpu.memory_space<semaphore_mem>>) src(%dma_wait3A_95 : memref<10240x128xf32, #tpu.memory_space<hbm>>) dst(%arg11 : memref<128x128xf32, #tpu.memory_space<vmem>>)
      "tpu.region"() ({
        %run_scoped3A = tpu.sem_alloc : memref<!tpu.dma_semaphore, #tpu.memory_space<semaphore_mem>>
        %dma_start3A_104 = arith.constant 0 : i32
        %dma_start3A_105 = tpu.memref_slice %arg7[%add3A_89, %dma_start3A_104] : memref<80x128xi32, #tpu.memory_space<vmem>> -> memref<1x128xi32, #tpu.memory_space<vmem>>
        %dma_start3A_106 = tpu.memref_squeeze %dma_start3A_105 : memref<1x128xi32, #tpu.memory_space<vmem>> -> memref<128xi32, #tpu.memory_space<vmem>>
        %dma_start3A_107 = arith.constant 0 : i32
        %dma_start3A_108 = arith.constant 0 : i32
        %dma_start3A_109 = tpu.memref_slice %arg12[%dma_start3A_107, %dma_start3A_108] : memref<5248x128xf32, #tpu.memory_space<vmem_shared>> -> memref<5248x128xf32, #tpu.memory_space<vmem_shared>>
        tpu.enqueue_indirect_dma source(%arg11 : memref<128x128xf32, #tpu.memory_space<vmem>>) target(%dma_start3A_109 : memref<5248x128xf32, #tpu.memory_space<vmem_shared>>) offsets(%dma_start3A_106 : memref<128xi32, #tpu.memory_space<vmem>>) semaphore(%run_scoped3A : memref<!tpu.dma_semaphore, #tpu.memory_space<semaphore_mem>>) {add = true}
        %dma_wait3A_110 = arith.constant 0 : i32
        %dma_wait3A_111 = tpu.memref_slice %arg7[%add3A_89, %dma_wait3A_110] : memref<80x128xi32, #tpu.memory_space<vmem>> -> memref<1x128xi32, #tpu.memory_space<vmem>>
        %dma_wait3A_112 = tpu.memref_squeeze %dma_wait3A_111 : memref<1x128xi32, #tpu.memory_space<vmem>> -> memref<128xi32, #tpu.memory_space<vmem>>
        %dma_wait3A_113 = arith.constant 0 : i32
        %dma_wait3A_114 = arith.constant 0 : i32
        %dma_wait3A_115 = tpu.memref_slice %arg12[%dma_wait3A_113, %dma_wait3A_114] : memref<5248x128xf32, #tpu.memory_space<vmem_shared>> -> memref<5248x128xf32, #tpu.memory_space<vmem_shared>>
        tpu.wait_indirect_dma semaphore(%run_scoped3A : memref<!tpu.dma_semaphore, #tpu.memory_space<semaphore_mem>>) src(%arg11 : memref<128x128xf32, #tpu.memory_space<vmem>>) dst(%dma_wait3A_115 : memref<5248x128xf32, #tpu.memory_space<vmem_shared>>)
        tpu.yield
      }) : () -> ()
      %add3A_96 = arith.constant 3 : i32
      %add3A_97 = arith.addi %add3A_89, %add3A_96 : i32
      %lt3A_98 = arith.constant 80 : i32
      %lt3A_99 = arith.cmpi slt, %add3A_97, %lt3A_98 : i32
      %convert_element_type3A_100 = arith.extui %lt3A_99 : i1 to i32
      %cond3A_101 = arith.constant 0 : i32
      %cond3A_102 = arith.cmpi ne, %convert_element_type3A_100, %cond3A_101 : i32
      scf.if %cond3A_102 {
        %add3A_104 = arith.constant 3 : i32
        %add3A_105 = arith.addi %add3A_89, %add3A_104 : i32
        %dma_start3A_106 = arith.constant 0 : i32
        %dma_start3A_107 = tpu.memref_slice %arg6[%add3A_105, %dma_start3A_106] : memref<80x128xi32, #tpu.memory_space<vmem>> -> memref<1x128xi32, #tpu.memory_space<vmem>>
        %dma_start3A_108 = tpu.memref_squeeze %dma_start3A_107 : memref<1x128xi32, #tpu.memory_space<vmem>> -> memref<128xi32, #tpu.memory_space<vmem>>
        %dma_start3A_109 = arith.constant 0 : i32
        %dma_start3A_110 = arith.constant 0 : i32
        %dma_start3A_111 = tpu.memref_slice %arg2[%dma_start3A_109, %dma_start3A_110] : memref<10240x128xf32, #tpu.memory_space<hbm>> -> memref<10240x128xf32, #tpu.memory_space<hbm>>
        tpu.enqueue_indirect_dma source(%dma_start3A_111 : memref<10240x128xf32, #tpu.memory_space<hbm>>) target(%arg10 : memref<128x128xf32, #tpu.memory_space<vmem>>) offsets(%dma_start3A_108 : memref<128xi32, #tpu.memory_space<vmem>>) semaphore(%arg15 : memref<!tpu.dma_semaphore, #tpu.memory_space<semaphore_mem>>)
      } else {
      }
      %scan3A_103 = arith.constant 0 : i32
      scf.yield %scan3A_103 : i32
    }
    %scan3A_41 = arith.constant 20 : i32
    %barrier3A_42 = arith.constant 0 : index
    tpu.barrier barrier_id(%barrier3A_42)
    "tpu.region"() ({
      %run_scoped3A = tpu.sem_alloc : memref<!tpu.dma_semaphore, #tpu.memory_space<semaphore_mem>>
      %dma_start3A_43 = arith.constant 0 : i32
      %dma_start3A_44 = tpu.memref_slice %arg5[%arg0, %mul3A_2, %dma_start3A_43] : memref<2x5248x128xf32, #tpu.memory_space<hbm>> -> memref<1x328x128xf32, #tpu.memory_space<hbm>>
      %dma_start3A_45 = tpu.memref_squeeze %dma_start3A_44 : memref<1x328x128xf32, #tpu.memory_space<hbm>> -> memref<328x128xf32, #tpu.memory_space<hbm>>
      %dma_start3A_46 = arith.constant 0 : i32
      %dma_start3A_47 = tpu.memref_slice %arg12[%mul3A_2, %dma_start3A_46] : memref<5248x128xf32, #tpu.memory_space<vmem_shared>> -> memref<328x128xf32, #tpu.memory_space<vmem_shared>>
      tpu.enqueue_dma source(%dma_start3A_47 : memref<328x128xf32, #tpu.memory_space<vmem_shared>>) target(%dma_start3A_45 : memref<328x128xf32, #tpu.memory_space<hbm>>) target_semaphore(%run_scoped3A : memref<!tpu.dma_semaphore, #tpu.memory_space<semaphore_mem>>)
      %dma_wait3A = arith.constant 0 : i32
      %dma_wait3A_48 = tpu.memref_slice %arg5[%arg0, %mul3A_2, %dma_wait3A] : memref<2x5248x128xf32, #tpu.memory_space<hbm>> -> memref<1x328x128xf32, #tpu.memory_space<hbm>>
      %dma_wait3A_49 = tpu.memref_squeeze %dma_wait3A_48 : memref<1x328x128xf32, #tpu.memory_space<hbm>> -> memref<328x128xf32, #tpu.memory_space<hbm>>
      %dma_wait3A_50 = arith.constant 0 : i32
      %dma_wait3A_51 = tpu.memref_slice %arg12[%mul3A_2, %dma_wait3A_50] : memref<5248x128xf32, #tpu.memory_space<vmem_shared>> -> memref<328x128xf32, #tpu.memory_space<vmem_shared>>
      tpu.wait_dma2 semaphore(%run_scoped3A : memref<!tpu.dma_semaphore, #tpu.memory_space<semaphore_mem>>) src(%dma_wait3A_51 : memref<328x128xf32, #tpu.memory_space<vmem_shared>>) dst(%dma_wait3A_49 : memref<328x128xf32, #tpu.memory_space<hbm>>)
      tpu.yield
    }) : () -> ()
    return
  }
}

#map = affine_map<(d0, d1) -> (0, 0)>
#map1 = affine_map<(d0, d1) -> (0, 0, 0)>
module attributes {stable_mosaic.version = 14 : i64} {
  func.func @_gather_body(%arg0: i32, %arg1: i32, %arg2: memref<10240x128xf32, #tpu.memory_space<hbm>>, %arg3: memref<32x12x128xi32, #tpu.memory_space<hbm>>, %arg4: memref<49152x128xf32, #tpu.memory_space<hbm>>, %arg5: memref<12x128xi32, #tpu.memory_space<vmem>>, %arg6: memref<128x128xf32, #tpu.memory_space<vmem>>, %arg7: memref<128x128xf32, #tpu.memory_space<vmem>>, %arg8: memref<!tpu.dma_semaphore, #tpu.memory_space<semaphore_mem>>, %arg9: memref<!tpu.dma_semaphore, #tpu.memory_space<semaphore_mem>>) attributes {dimension_semantics = [#tpu.dimension_semantics<core_parallel>, #tpu.dimension_semantics<subcore_parallel>], iteration_bounds = array<i64: 2, 16>, scalar_prefetch = 0 : i64, scratch_operands = 5 : i64, tpu.core_type = #tpu.core_type<sc_vector_subcore>, window_params = [{transform_indices = #map}, {transform_indices = #map1}, {transform_indices = #map}]} {
    %mul3A = arith.constant 2 : i32
    %mul3A_0 = arith.muli %arg1, %mul3A : i32
    %add3A = arith.addi %mul3A_0, %arg0 : i32
    %mul3A_1 = arith.constant 1536 : i32
    %mul3A_2 = arith.muli %add3A, %mul3A_1 : i32
    "tpu.region"() ({
      %run_scoped3A = tpu.sem_alloc : memref<!tpu.dma_semaphore, #tpu.memory_space<semaphore_mem>>
      %dma_start3A_15 = arith.constant 0 : i32
      %dma_start3A_16 = arith.constant 0 : i32
      %dma_start3A_17 = tpu.memref_slice %arg3[%add3A, %dma_start3A_15, %dma_start3A_16] : memref<32x12x128xi32, #tpu.memory_space<hbm>> -> memref<1x12x128xi32, #tpu.memory_space<hbm>>
      %dma_start3A_18 = tpu.memref_squeeze %dma_start3A_17 : memref<1x12x128xi32, #tpu.memory_space<hbm>> -> memref<12x128xi32, #tpu.memory_space<hbm>>
      %dma_start3A_19 = arith.constant 0 : i32
      %dma_start3A_20 = arith.constant 0 : i32
      %dma_start3A_21 = tpu.memref_slice %arg3[%add3A, %dma_start3A_19, %dma_start3A_20] : memref<32x12x128xi32, #tpu.memory_space<hbm>> -> memref<1x12x128xi32, #tpu.memory_space<hbm>>
      %dma_start3A_22 = tpu.memref_squeeze %dma_start3A_21 : memref<1x12x128xi32, #tpu.memory_space<hbm>> -> memref<12x128xi32, #tpu.memory_space<hbm>>
      tpu.enqueue_dma source(%dma_start3A_22 : memref<12x128xi32, #tpu.memory_space<hbm>>) target(%arg5 : memref<12x128xi32, #tpu.memory_space<vmem>>) target_semaphore(%run_scoped3A : memref<!tpu.dma_semaphore, #tpu.memory_space<semaphore_mem>>)
      %dma_wait3A = arith.constant 0 : i32
      %dma_wait3A_23 = arith.constant 0 : i32
      %dma_wait3A_24 = tpu.memref_slice %arg3[%add3A, %dma_wait3A, %dma_wait3A_23] : memref<32x12x128xi32, #tpu.memory_space<hbm>> -> memref<1x12x128xi32, #tpu.memory_space<hbm>>
      %dma_wait3A_25 = tpu.memref_squeeze %dma_wait3A_24 : memref<1x12x128xi32, #tpu.memory_space<hbm>> -> memref<12x128xi32, #tpu.memory_space<hbm>>
      %dma_wait3A_26 = arith.constant 0 : i32
      %dma_wait3A_27 = arith.constant 0 : i32
      %dma_wait3A_28 = tpu.memref_slice %arg3[%add3A, %dma_wait3A_26, %dma_wait3A_27] : memref<32x12x128xi32, #tpu.memory_space<hbm>> -> memref<1x12x128xi32, #tpu.memory_space<hbm>>
      %dma_wait3A_29 = tpu.memref_squeeze %dma_wait3A_28 : memref<1x12x128xi32, #tpu.memory_space<hbm>> -> memref<12x128xi32, #tpu.memory_space<hbm>>
      tpu.wait_dma2 semaphore(%run_scoped3A : memref<!tpu.dma_semaphore, #tpu.memory_space<semaphore_mem>>) src(%dma_wait3A_29 : memref<12x128xi32, #tpu.memory_space<hbm>>) dst(%arg5 : memref<12x128xi32, #tpu.memory_space<vmem>>)
      tpu.yield
    }) : () -> ()
    %dma_start3A = arith.constant 0 : i32
    %dma_start3A_3 = arith.constant 0 : i32
    %dma_start3A_4 = tpu.memref_slice %arg5[%dma_start3A, %dma_start3A_3] : memref<12x128xi32, #tpu.memory_space<vmem>> -> memref<1x128xi32, #tpu.memory_space<vmem>>
    %dma_start3A_5 = tpu.memref_squeeze %dma_start3A_4 : memref<1x128xi32, #tpu.memory_space<vmem>> -> memref<128xi32, #tpu.memory_space<vmem>>
    %dma_start3A_6 = arith.constant 0 : i32
    %dma_start3A_7 = arith.constant 0 : i32
    %dma_start3A_8 = tpu.memref_slice %arg2[%dma_start3A_6, %dma_start3A_7] : memref<10240x128xf32, #tpu.memory_space<hbm>> -> memref<10240x128xf32, #tpu.memory_space<hbm>>
    tpu.enqueue_indirect_dma source(%dma_start3A_8 : memref<10240x128xf32, #tpu.memory_space<hbm>>) target(%arg6 : memref<128x128xf32, #tpu.memory_space<vmem>>) offsets(%dma_start3A_5 : memref<128xi32, #tpu.memory_space<vmem>>) semaphore(%arg8 : memref<!tpu.dma_semaphore, #tpu.memory_space<semaphore_mem>>)
    %scan3A = arith.constant 0 : i32
    %scan3A_9 = arith.constant 0 : i32
    %scan3A_10 = arith.constant 6 : i32
    %scan3A_11 = arith.addi %scan3A_9, %scan3A_10 : i32
    %scan3A_12 = arith.constant 1 : i32
    %scan3A_13 = scf.for %scan3A_15 = %scan3A_9 to %scan3A_11 step %scan3A_12 iter_args(%scan3A_16 = %scan3A) -> (i32)  : i32 {
      %mul3A_17 = arith.constant 2 : i32
      %mul3A_18 = arith.muli %mul3A_17, %scan3A_15 : i32
      %add3A_19 = arith.constant 1 : i32
      %add3A_20 = arith.addi %mul3A_18, %add3A_19 : i32
      %dma_start3A_21 = arith.constant 0 : i32
      %dma_start3A_22 = tpu.memref_slice %arg5[%add3A_20, %dma_start3A_21] : memref<12x128xi32, #tpu.memory_space<vmem>> -> memref<1x128xi32, #tpu.memory_space<vmem>>
      %dma_start3A_23 = tpu.memref_squeeze %dma_start3A_22 : memref<1x128xi32, #tpu.memory_space<vmem>> -> memref<128xi32, #tpu.memory_space<vmem>>
      %dma_start3A_24 = arith.constant 0 : i32
      %dma_start3A_25 = arith.constant 0 : i32
      %dma_start3A_26 = tpu.memref_slice %arg2[%dma_start3A_24, %dma_start3A_25] : memref<10240x128xf32, #tpu.memory_space<hbm>> -> memref<10240x128xf32, #tpu.memory_space<hbm>>
      tpu.enqueue_indirect_dma source(%dma_start3A_26 : memref<10240x128xf32, #tpu.memory_space<hbm>>) target(%arg7 : memref<128x128xf32, #tpu.memory_space<vmem>>) offsets(%dma_start3A_23 : memref<128xi32, #tpu.memory_space<vmem>>) semaphore(%arg9 : memref<!tpu.dma_semaphore, #tpu.memory_space<semaphore_mem>>)
      %dma_wait3A = arith.constant 0 : i32
      %dma_wait3A_27 = tpu.memref_slice %arg5[%mul3A_18, %dma_wait3A] : memref<12x128xi32, #tpu.memory_space<vmem>> -> memref<1x128xi32, #tpu.memory_space<vmem>>
      %dma_wait3A_28 = tpu.memref_squeeze %dma_wait3A_27 : memref<1x128xi32, #tpu.memory_space<vmem>> -> memref<128xi32, #tpu.memory_space<vmem>>
      %dma_wait3A_29 = arith.constant 0 : i32
      %dma_wait3A_30 = arith.constant 0 : i32
      %dma_wait3A_31 = tpu.memref_slice %arg2[%dma_wait3A_29, %dma_wait3A_30] : memref<10240x128xf32, #tpu.memory_space<hbm>> -> memref<10240x128xf32, #tpu.memory_space<hbm>>
      tpu.wait_indirect_dma semaphore(%arg8 : memref<!tpu.dma_semaphore, #tpu.memory_space<semaphore_mem>>) src(%dma_wait3A_31 : memref<10240x128xf32, #tpu.memory_space<hbm>>) dst(%arg6 : memref<128x128xf32, #tpu.memory_space<vmem>>)
      %mul3A_32 = arith.constant 128 : i32
      %mul3A_33 = arith.muli %mul3A_18, %mul3A_32 : i32
      %add3A_34 = arith.addi %mul3A_2, %mul3A_33 : i32
      "tpu.region"() ({
        %run_scoped3A = tpu.sem_alloc : memref<!tpu.dma_semaphore, #tpu.memory_space<semaphore_mem>>
        %dma_start3A_51 = arith.constant 0 : i32
        %dma_start3A_52 = tpu.memref_slice %arg4[%add3A_34, %dma_start3A_51] : memref<49152x128xf32, #tpu.memory_space<hbm>> -> memref<128x128xf32, #tpu.memory_space<hbm>>
        %dma_start3A_53 = arith.constant 0 : i32
        %dma_start3A_54 = tpu.memref_slice %arg4[%add3A_34, %dma_start3A_53] : memref<49152x128xf32, #tpu.memory_space<hbm>> -> memref<128x128xf32, #tpu.memory_space<hbm>>
        tpu.enqueue_dma source(%arg6 : memref<128x128xf32, #tpu.memory_space<vmem>>) target(%dma_start3A_54 : memref<128x128xf32, #tpu.memory_space<hbm>>) target_semaphore(%run_scoped3A : memref<!tpu.dma_semaphore, #tpu.memory_space<semaphore_mem>>)
        %dma_wait3A_55 = arith.constant 0 : i32
        %dma_wait3A_56 = tpu.memref_slice %arg4[%add3A_34, %dma_wait3A_55] : memref<49152x128xf32, #tpu.memory_space<hbm>> -> memref<128x128xf32, #tpu.memory_space<hbm>>
        %dma_wait3A_57 = arith.constant 0 : i32
        %dma_wait3A_58 = tpu.memref_slice %arg4[%add3A_34, %dma_wait3A_57] : memref<49152x128xf32, #tpu.memory_space<hbm>> -> memref<128x128xf32, #tpu.memory_space<hbm>>
        tpu.wait_dma2 semaphore(%run_scoped3A : memref<!tpu.dma_semaphore, #tpu.memory_space<semaphore_mem>>) src(%arg6 : memref<128x128xf32, #tpu.memory_space<vmem>>) dst(%dma_wait3A_58 : memref<128x128xf32, #tpu.memory_space<hbm>>)
        tpu.yield
      }) : () -> ()
      %lt3A = arith.constant 5 : i32
      %lt3A_35 = arith.cmpi slt, %scan3A_15, %lt3A : i32
      %convert_element_type3A = arith.extui %lt3A_35 : i1 to i32
      %cond3A = arith.constant 0 : i32
      %cond3A_36 = arith.cmpi ne, %convert_element_type3A, %cond3A : i32
      scf.if %cond3A_36 {
        %add3A_51 = arith.constant 2 : i32
        %add3A_52 = arith.addi %mul3A_18, %add3A_51 : i32
        %dma_start3A_53 = arith.constant 0 : i32
        %dma_start3A_54 = tpu.memref_slice %arg5[%add3A_52, %dma_start3A_53] : memref<12x128xi32, #tpu.memory_space<vmem>> -> memref<1x128xi32, #tpu.memory_space<vmem>>
        %dma_start3A_55 = tpu.memref_squeeze %dma_start3A_54 : memref<1x128xi32, #tpu.memory_space<vmem>> -> memref<128xi32, #tpu.memory_space<vmem>>
        %dma_start3A_56 = arith.constant 0 : i32
        %dma_start3A_57 = arith.constant 0 : i32
        %dma_start3A_58 = tpu.memref_slice %arg2[%dma_start3A_56, %dma_start3A_57] : memref<10240x128xf32, #tpu.memory_space<hbm>> -> memref<10240x128xf32, #tpu.memory_space<hbm>>
        tpu.enqueue_indirect_dma source(%dma_start3A_58 : memref<10240x128xf32, #tpu.memory_space<hbm>>) target(%arg6 : memref<128x128xf32, #tpu.memory_space<vmem>>) offsets(%dma_start3A_55 : memref<128xi32, #tpu.memory_space<vmem>>) semaphore(%arg8 : memref<!tpu.dma_semaphore, #tpu.memory_space<semaphore_mem>>)
      } else {
      }
      %add3A_37 = arith.constant 1 : i32
      %add3A_38 = arith.addi %mul3A_18, %add3A_37 : i32
      %dma_wait3A_39 = arith.constant 0 : i32
      %dma_wait3A_40 = tpu.memref_slice %arg5[%add3A_38, %dma_wait3A_39] : memref<12x128xi32, #tpu.memory_space<vmem>> -> memref<1x128xi32, #tpu.memory_space<vmem>>
      %dma_wait3A_41 = tpu.memref_squeeze %dma_wait3A_40 : memref<1x128xi32, #tpu.memory_space<vmem>> -> memref<128xi32, #tpu.memory_space<vmem>>
      %dma_wait3A_42 = arith.constant 0 : i32
      %dma_wait3A_43 = arith.constant 0 : i32
      %dma_wait3A_44 = tpu.memref_slice %arg2[%dma_wait3A_42, %dma_wait3A_43] : memref<10240x128xf32, #tpu.memory_space<hbm>> -> memref<10240x128xf32, #tpu.memory_space<hbm>>
      tpu.wait_indirect_dma semaphore(%arg9 : memref<!tpu.dma_semaphore, #tpu.memory_space<semaphore_mem>>) src(%dma_wait3A_44 : memref<10240x128xf32, #tpu.memory_space<hbm>>) dst(%arg7 : memref<128x128xf32, #tpu.memory_space<vmem>>)
      %add3A_45 = arith.constant 1 : i32
      %add3A_46 = arith.addi %mul3A_18, %add3A_45 : i32
      %mul3A_47 = arith.constant 128 : i32
      %mul3A_48 = arith.muli %add3A_46, %mul3A_47 : i32
      %add3A_49 = arith.addi %mul3A_2, %mul3A_48 : i32
      "tpu.region"() ({
        %run_scoped3A = tpu.sem_alloc : memref<!tpu.dma_semaphore, #tpu.memory_space<semaphore_mem>>
        %dma_start3A_51 = arith.constant 0 : i32
        %dma_start3A_52 = tpu.memref_slice %arg4[%add3A_49, %dma_start3A_51] : memref<49152x128xf32, #tpu.memory_space<hbm>> -> memref<128x128xf32, #tpu.memory_space<hbm>>
        %dma_start3A_53 = arith.constant 0 : i32
        %dma_start3A_54 = tpu.memref_slice %arg4[%add3A_49, %dma_start3A_53] : memref<49152x128xf32, #tpu.memory_space<hbm>> -> memref<128x128xf32, #tpu.memory_space<hbm>>
        tpu.enqueue_dma source(%arg7 : memref<128x128xf32, #tpu.memory_space<vmem>>) target(%dma_start3A_54 : memref<128x128xf32, #tpu.memory_space<hbm>>) target_semaphore(%run_scoped3A : memref<!tpu.dma_semaphore, #tpu.memory_space<semaphore_mem>>)
        %dma_wait3A_55 = arith.constant 0 : i32
        %dma_wait3A_56 = tpu.memref_slice %arg4[%add3A_49, %dma_wait3A_55] : memref<49152x128xf32, #tpu.memory_space<hbm>> -> memref<128x128xf32, #tpu.memory_space<hbm>>
        %dma_wait3A_57 = arith.constant 0 : i32
        %dma_wait3A_58 = tpu.memref_slice %arg4[%add3A_49, %dma_wait3A_57] : memref<49152x128xf32, #tpu.memory_space<hbm>> -> memref<128x128xf32, #tpu.memory_space<hbm>>
        tpu.wait_dma2 semaphore(%run_scoped3A : memref<!tpu.dma_semaphore, #tpu.memory_space<semaphore_mem>>) src(%arg7 : memref<128x128xf32, #tpu.memory_space<vmem>>) dst(%dma_wait3A_58 : memref<128x128xf32, #tpu.memory_space<hbm>>)
        tpu.yield
      }) : () -> ()
      %scan3A_50 = arith.constant 0 : i32
      scf.yield %scan3A_50 : i32
    }
    %scan3A_14 = arith.constant 6 : i32
    return
  }
}

module attributes {stable_mosaic.version = 14 : i64} {
  func.func @_scale_body(%arg0: i32, %arg1: memref<1x2560x128xf32, #tpu.memory_space<vmem>>, %arg2: memref<2560x128xf32, #tpu.memory_space<vmem>>, %arg3: memref<2560x128xf32, #tpu.memory_space<vmem>>, %arg4: memref<2560x128xf32, #tpu.memory_space<vmem>>, %arg5: memref<2560x128xf32, #tpu.memory_space<vmem>>) attributes {dimension_semantics = [#tpu.dimension_semantics<arbitrary>], iteration_bounds = array<i64: 4>, scalar_prefetch = 0 : i64, scratch_operands = 0 : i64, tpu.core_type = #tpu.core_type<tc>, window_params = [{transform_indices = @transform_0, window_bounds = array<i64: 1, 2560, 128>}, {transform_indices = @transform_1, window_bounds = array<i64: 2560, 128>}, {transform_indices = @transform_2, window_bounds = array<i64: 2560, 128>}, {transform_indices = @transform_3, window_bounds = array<i64: 2560, 128>}, {transform_indices = @transform_4, window_bounds = array<i64: 2560, 128>}]} {
    %get3A = arith.constant 0 : index
    %get3A_0 = arith.constant 0 : index
    %get3A_1 = arith.constant 0 : index
    %get3A_2 = vector.load %arg1[%get3A, %get3A_0, %get3A_1] : memref<1x2560x128xf32, #tpu.memory_space<vmem>>, vector<1x2560x128xf32>
    %get3A_3 = vector.shape_cast %get3A_2 : vector<1x2560x128xf32> to vector<2560x128xf32>
    %slice3A = vector.extract_strided_slice %get3A_3 {offsets = [0, 0], sizes = [2560, 1], strides = [1, 1]} : vector<2560x128xf32> to vector<2560x1xf32>
    %gt3A = arith.constant 0.000000e+00 : f32
    %gt3A_4 = vector.broadcast %gt3A : f32 to vector<2560x1xf32>
    %gt3A_5 = arith.cmpf ogt, %slice3A, %gt3A_4 : vector<2560x1xf32>
    %rsqrt3A = math.rsqrt %slice3A : vector<2560x1xf32>
    %jit3A = arith.constant 0.000000e+00 : f32
    %broadcast_in_dim3A = vector.broadcast %jit3A : f32 to vector<2560x1xf32>
    %select_n3A = arith.select %gt3A_5, %rsqrt3A, %broadcast_in_dim3A : vector<2560x1xi1>, vector<2560x1xf32>
    %broadcast_in_dim3A_6 = vector.shape_cast %select_n3A : vector<2560x1xf32> to vector<2560x1xf32>
    %broadcast_in_dim3A_7 = vector.broadcast %broadcast_in_dim3A_6 : vector<2560x1xf32> to vector<2560x128xf32>
    %swap3A = arith.constant 0 : index
    %swap3A_8 = arith.constant 0 : index
    %swap3A_9 = vector.load %arg3[%swap3A, %swap3A_8] : memref<2560x128xf32, #tpu.memory_space<vmem>>, vector<2560x128xf32>
    tpu.vector_store %arg3[%swap3A, %swap3A_8], %broadcast_in_dim3A_7 {strides = array<i32>} : memref<2560x128xf32, #tpu.memory_space<vmem>>, vector<2560x128xf32>,
    %mul3A = arith.mulf %broadcast_in_dim3A_7, %broadcast_in_dim3A_7 : vector<2560x128xf32>
    %swap3A_10 = arith.constant 0 : index
    %swap3A_11 = arith.constant 0 : index
    %swap3A_12 = vector.load %arg4[%swap3A_10, %swap3A_11] : memref<2560x128xf32, #tpu.memory_space<vmem>>, vector<2560x128xf32>
    tpu.vector_store %arg4[%swap3A_10, %swap3A_11], %mul3A {strides = array<i32>} : memref<2560x128xf32, #tpu.memory_space<vmem>>, vector<2560x128xf32>,
    %get3A_13 = arith.constant 0 : index
    %get3A_14 = arith.constant 0 : index
    %get3A_15 = vector.load %arg2[%get3A_13, %get3A_14] : memref<2560x128xf32, #tpu.memory_space<vmem>>, vector<2560x128xf32>
    %mul3A_16 = arith.mulf %get3A_15, %broadcast_in_dim3A_7 : vector<2560x128xf32>
    %swap3A_17 = arith.constant 0 : index
    %swap3A_18 = arith.constant 0 : index
    %swap3A_19 = vector.load %arg5[%swap3A_17, %swap3A_18] : memref<2560x128xf32, #tpu.memory_space<vmem>>, vector<2560x128xf32>
    tpu.vector_store %arg5[%swap3A_17, %swap3A_18], %mul3A_16 {strides = array<i32>} : memref<2560x128xf32, #tpu.memory_space<vmem>>, vector<2560x128xf32>,
    return
  }
  func.func @transform_0(%arg0: i32) -> (i32, i32, i32) {
    %jit3A = arith.constant 2 : i32
    %div3A = arith.divsi %arg0, %jit3A : i32
    %sign3A = arith.constant 0 : i32
    %sign3A_0 = arith.cmpi sgt, %arg0, %sign3A : i32
    %sign3A_1 = arith.extui %sign3A_0 : i1 to i32
    %sign3A_2 = arith.constant 0 : i32
    %sign3A_3 = arith.cmpi slt, %arg0, %sign3A_2 : i32
    %sign3A_4 = arith.extui %sign3A_3 : i1 to i32
    %sign3A_5 = arith.subi %sign3A_1, %sign3A_4 : i32
    %sign3A_6 = arith.constant 0 : i32
    %sign3A_7 = arith.cmpi sgt, %jit3A, %sign3A_6 : i32
    %sign3A_8 = arith.extui %sign3A_7 : i1 to i32
    %sign3A_9 = arith.constant 0 : i32
    %sign3A_10 = arith.cmpi slt, %jit3A, %sign3A_9 : i32
    %sign3A_11 = arith.extui %sign3A_10 : i1 to i32
    %sign3A_12 = arith.subi %sign3A_8, %sign3A_11 : i32
    %ne3A = arith.cmpi ne, %sign3A_5, %sign3A_12 : i32
    %rem3A = arith.remsi %arg0, %jit3A : i32
    %ne3A_13 = arith.constant 0 : i32
    %ne3A_14 = arith.cmpi ne, %rem3A, %ne3A_13 : i32
    %and3A = arith.andi %ne3A, %ne3A_14 : i1
    %sub3A = arith.constant 1 : i32
    %sub3A_15 = arith.subi %div3A, %sub3A : i32
    %select_n3A = arith.select %and3A, %sub3A_15, %div3A : i32
    %jit3A_16 = arith.constant 2 : i32
    %eq3A = arith.constant 0 : i32
    %eq3A_17 = arith.cmpi eq, %jit3A_16, %eq3A : i32
    %jit3A_18 = arith.constant 1 : i32
    %select_n3A_19 = arith.select %eq3A_17, %jit3A_18, %jit3A_16 : i32
    %rem3A_20 = arith.remsi %arg0, %select_n3A_19 : i32
    %ne3A_21 = arith.constant 0 : i32
    %ne3A_22 = arith.cmpi ne, %rem3A_20, %ne3A_21 : i32
    %lt3A = arith.constant 0 : i32
    %lt3A_23 = arith.cmpi slt, %rem3A_20, %lt3A : i32
    %lt3A_24 = arith.constant 0 : i32
    %lt3A_25 = arith.cmpi slt, %select_n3A_19, %lt3A_24 : i32
    %ne3A_26 = arith.xori %lt3A_23, %lt3A_25 : i1
    %and3A_27 = arith.andi %ne3A_26, %ne3A_22 : i1
    %add3A = arith.addi %rem3A_20, %select_n3A_19 : i32
    %select_n3A_28 = arith.select %and3A_27, %add3A, %rem3A_20 : i32
    %c0_i32 = arith.constant 0 : i32
    %c0_i32_29 = arith.constant 0 : i32
    return %select_n3A, %select_n3A_28, %c0_i32 : i32, i32, i32
  }
  func.func @transform_1(%arg0: i32) -> (i32, i32) {
    %c0_i32 = arith.constant 0 : i32
    %c0_i32_0 = arith.constant 0 : i32
    return %arg0, %c0_i32 : i32, i32
  }
  func.func @transform_2(%arg0: i32) -> (i32, i32) {
    %c0_i32 = arith.constant 0 : i32
    %c0_i32_0 = arith.constant 0 : i32
    return %arg0, %c0_i32 : i32, i32
  }
  func.func @transform_3(%arg0: i32) -> (i32, i32) {
    %c0_i32 = arith.constant 0 : i32
    %c0_i32_0 = arith.constant 0 : i32
    return %arg0, %c0_i32 : i32, i32
  }
  func.func @transform_4(%arg0: i32) -> (i32, i32) {
    %c0_i32 = arith.constant 0 : i32
    %c0_i32_0 = arith.constant 0 : i32
    return %arg0, %c0_i32 : i32, i32
  }
}

module attributes {stable_mosaic.version = 14 : i64} {
  func.func @_combine_body(%arg0: i32, %arg1: memref<1x2560x128xf32, #tpu.memory_space<vmem>>, %arg2: memref<2560x128xf32, #tpu.memory_space<vmem>>, %arg3: memref<2560x128xf32, #tpu.memory_space<vmem>>, %arg4: memref<2560x128xf32, #tpu.memory_space<vmem>>, %arg5: memref<2560x128xf32, #tpu.memory_space<vmem>>) attributes {dimension_semantics = [#tpu.dimension_semantics<arbitrary>], iteration_bounds = array<i64: 4>, scalar_prefetch = 0 : i64, scratch_operands = 0 : i64, tpu.core_type = #tpu.core_type<tc>, window_params = [{transform_indices = @transform_0, window_bounds = array<i64: 1, 2560, 128>}, {transform_indices = @transform_1, window_bounds = array<i64: 2560, 128>}, {transform_indices = @transform_2, window_bounds = array<i64: 2560, 128>}, {transform_indices = @transform_3, window_bounds = array<i64: 2560, 128>}, {transform_indices = @transform_4, window_bounds = array<i64: 2560, 128>}]} {
    %get3A = arith.constant 0 : index
    %get3A_0 = arith.constant 0 : index
    %get3A_1 = arith.constant 0 : index
    %get3A_2 = vector.load %arg1[%get3A, %get3A_0, %get3A_1] : memref<1x2560x128xf32, #tpu.memory_space<vmem>>, vector<1x2560x128xf32>
    %get3A_3 = vector.shape_cast %get3A_2 : vector<1x2560x128xf32> to vector<2560x128xf32>
    %get3A_4 = arith.constant 0 : index
    %get3A_5 = arith.constant 0 : index
    %get3A_6 = vector.load %arg2[%get3A_4, %get3A_5] : memref<2560x128xf32, #tpu.memory_space<vmem>>, vector<2560x128xf32>
    %mul3A = arith.mulf %get3A_6, %get3A_3 : vector<2560x128xf32>
    %swap3A = arith.constant 0 : index
    %swap3A_7 = arith.constant 0 : index
    %swap3A_8 = vector.load %arg4[%swap3A, %swap3A_7] : memref<2560x128xf32, #tpu.memory_space<vmem>>, vector<2560x128xf32>
    tpu.vector_store %arg4[%swap3A, %swap3A_7], %mul3A {strides = array<i32>} : memref<2560x128xf32, #tpu.memory_space<vmem>>, vector<2560x128xf32>,
    %get3A_9 = arith.constant 0 : index
    %get3A_10 = arith.constant 0 : index
    %get3A_11 = vector.load %arg3[%get3A_9, %get3A_10] : memref<2560x128xf32, #tpu.memory_space<vmem>>, vector<2560x128xf32>
    %add3A = arith.addf %get3A_11, %get3A_3 : vector<2560x128xf32>
    %swap3A_12 = arith.constant 0 : index
    %swap3A_13 = arith.constant 0 : index
    %swap3A_14 = vector.load %arg5[%swap3A_12, %swap3A_13] : memref<2560x128xf32, #tpu.memory_space<vmem>>, vector<2560x128xf32>
    tpu.vector_store %arg5[%swap3A_12, %swap3A_13], %add3A {strides = array<i32>} : memref<2560x128xf32, #tpu.memory_space<vmem>>, vector<2560x128xf32>,
    return
  }
  func.func @transform_0(%arg0: i32) -> (i32, i32, i32) {
    %jit3A = arith.constant 2 : i32
    %div3A = arith.divsi %arg0, %jit3A : i32
    %sign3A = arith.constant 0 : i32
    %sign3A_0 = arith.cmpi sgt, %arg0, %sign3A : i32
    %sign3A_1 = arith.extui %sign3A_0 : i1 to i32
    %sign3A_2 = arith.constant 0 : i32
    %sign3A_3 = arith.cmpi slt, %arg0, %sign3A_2 : i32
    %sign3A_4 = arith.extui %sign3A_3 : i1 to i32
    %sign3A_5 = arith.subi %sign3A_1, %sign3A_4 : i32
    %sign3A_6 = arith.constant 0 : i32
    %sign3A_7 = arith.cmpi sgt, %jit3A, %sign3A_6 : i32
    %sign3A_8 = arith.extui %sign3A_7 : i1 to i32
    %sign3A_9 = arith.constant 0 : i32
    %sign3A_10 = arith.cmpi slt, %jit3A, %sign3A_9 : i32
    %sign3A_11 = arith.extui %sign3A_10 : i1 to i32
    %sign3A_12 = arith.subi %sign3A_8, %sign3A_11 : i32
    %ne3A = arith.cmpi ne, %sign3A_5, %sign3A_12 : i32
    %rem3A = arith.remsi %arg0, %jit3A : i32
    %ne3A_13 = arith.constant 0 : i32
    %ne3A_14 = arith.cmpi ne, %rem3A, %ne3A_13 : i32
    %and3A = arith.andi %ne3A, %ne3A_14 : i1
    %sub3A = arith.constant 1 : i32
    %sub3A_15 = arith.subi %div3A, %sub3A : i32
    %select_n3A = arith.select %and3A, %sub3A_15, %div3A : i32
    %jit3A_16 = arith.constant 2 : i32
    %eq3A = arith.constant 0 : i32
    %eq3A_17 = arith.cmpi eq, %jit3A_16, %eq3A : i32
    %jit3A_18 = arith.constant 1 : i32
    %select_n3A_19 = arith.select %eq3A_17, %jit3A_18, %jit3A_16 : i32
    %rem3A_20 = arith.remsi %arg0, %select_n3A_19 : i32
    %ne3A_21 = arith.constant 0 : i32
    %ne3A_22 = arith.cmpi ne, %rem3A_20, %ne3A_21 : i32
    %lt3A = arith.constant 0 : i32
    %lt3A_23 = arith.cmpi slt, %rem3A_20, %lt3A : i32
    %lt3A_24 = arith.constant 0 : i32
    %lt3A_25 = arith.cmpi slt, %select_n3A_19, %lt3A_24 : i32
    %ne3A_26 = arith.xori %lt3A_23, %lt3A_25 : i1
    %and3A_27 = arith.andi %ne3A_26, %ne3A_22 : i1
    %add3A = arith.addi %rem3A_20, %select_n3A_19 : i32
    %select_n3A_28 = arith.select %and3A_27, %add3A, %rem3A_20 : i32
    %c0_i32 = arith.constant 0 : i32
    %c0_i32_29 = arith.constant 0 : i32
    return %select_n3A, %select_n3A_28, %c0_i32 : i32, i32, i32
  }
  func.func @transform_1(%arg0: i32) -> (i32, i32) {
    %c0_i32 = arith.constant 0 : i32
    %c0_i32_0 = arith.constant 0 : i32
    return %arg0, %c0_i32 : i32, i32
  }
  func.func @transform_2(%arg0: i32) -> (i32, i32) {
    %c0_i32 = arith.constant 0 : i32
    %c0_i32_0 = arith.constant 0 : i32
    return %arg0, %c0_i32 : i32, i32
  }
  func.func @transform_3(%arg0: i32) -> (i32, i32) {
    %c0_i32 = arith.constant 0 : i32
    %c0_i32_0 = arith.constant 0 : i32
    return %arg0, %c0_i32 : i32, i32
  }
  func.func @transform_4(%arg0: i32) -> (i32, i32) {
    %c0_i32 = arith.constant 0 : i32
    %c0_i32_0 = arith.constant 0 : i32
    return %arg0, %c0_i32 : i32, i32
  }
}

module attributes {stable_mosaic.version = 14 : i64} {
  func.func @_final_out_body(%arg0: i32, %arg1: memref<1x2560x128xf32, #tpu.memory_space<vmem>>, %arg2: memref<2560x128xf32, #tpu.memory_space<vmem>>, %arg3: memref<2560x128xf32, #tpu.memory_space<vmem>>, %arg4: memref<2560x128xf32, #tpu.memory_space<vmem>>, %arg5: memref<2560x128xf32, #tpu.memory_space<vmem>>) attributes {dimension_semantics = [#tpu.dimension_semantics<arbitrary>], iteration_bounds = array<i64: 4>, scalar_prefetch = 0 : i64, scratch_operands = 0 : i64, tpu.core_type = #tpu.core_type<tc>, window_params = [{transform_indices = @transform_0, window_bounds = array<i64: 1, 2560, 128>}, {transform_indices = @transform_1, window_bounds = array<i64: 2560, 128>}, {transform_indices = @transform_2, window_bounds = array<i64: 2560, 128>}, {transform_indices = @transform_3, window_bounds = array<i64: 2560, 128>}, {transform_indices = @transform_4, window_bounds = array<i64: 2560, 128>}]} {
    %get3A = arith.constant 0 : index
    %get3A_0 = arith.constant 0 : index
    %get3A_1 = arith.constant 0 : index
    %get3A_2 = vector.load %arg1[%get3A, %get3A_0, %get3A_1] : memref<1x2560x128xf32, #tpu.memory_space<vmem>>, vector<1x2560x128xf32>
    %get3A_3 = vector.shape_cast %get3A_2 : vector<1x2560x128xf32> to vector<2560x128xf32>
    %get3A_4 = arith.constant 0 : index
    %get3A_5 = arith.constant 0 : index
    %get3A_6 = vector.load %arg2[%get3A_4, %get3A_5] : memref<2560x128xf32, #tpu.memory_space<vmem>>, vector<2560x128xf32>
    %get3A_7 = arith.constant 0 : index
    %get3A_8 = arith.constant 0 : index
    %get3A_9 = vector.load %arg3[%get3A_7, %get3A_8] : memref<2560x128xf32, #tpu.memory_space<vmem>>, vector<2560x128xf32>
    %get3A_10 = arith.constant 0 : index
    %get3A_11 = arith.constant 0 : index
    %get3A_12 = vector.load %arg4[%get3A_10, %get3A_11] : memref<2560x128xf32, #tpu.memory_space<vmem>>, vector<2560x128xf32>
    %add3A = arith.addf %get3A_12, %get3A_3 : vector<2560x128xf32>
    %mul3A = arith.mulf %get3A_9, %add3A : vector<2560x128xf32>
    %add3A_13 = arith.addf %get3A_6, %mul3A : vector<2560x128xf32>
    %mul3A_14 = arith.constant 2.500000e-01 : f32
    %mul3A_15 = vector.broadcast %mul3A_14 : f32 to vector<2560x128xf32>
    %mul3A_16 = arith.mulf %add3A_13, %mul3A_15 : vector<2560x128xf32>
    %swap3A = arith.constant 0 : index
    %swap3A_17 = arith.constant 0 : index
    %swap3A_18 = vector.load %arg5[%swap3A, %swap3A_17] : memref<2560x128xf32, #tpu.memory_space<vmem>>, vector<2560x128xf32>
    tpu.vector_store %arg5[%swap3A, %swap3A_17], %mul3A_16 {strides = array<i32>} : memref<2560x128xf32, #tpu.memory_space<vmem>>, vector<2560x128xf32>,
    return
  }
  func.func @transform_0(%arg0: i32) -> (i32, i32, i32) {
    %jit3A = arith.constant 2 : i32
    %div3A = arith.divsi %arg0, %jit3A : i32
    %sign3A = arith.constant 0 : i32
    %sign3A_0 = arith.cmpi sgt, %arg0, %sign3A : i32
    %sign3A_1 = arith.extui %sign3A_0 : i1 to i32
    %sign3A_2 = arith.constant 0 : i32
    %sign3A_3 = arith.cmpi slt, %arg0, %sign3A_2 : i32
    %sign3A_4 = arith.extui %sign3A_3 : i1 to i32
    %sign3A_5 = arith.subi %sign3A_1, %sign3A_4 : i32
    %sign3A_6 = arith.constant 0 : i32
    %sign3A_7 = arith.cmpi sgt, %jit3A, %sign3A_6 : i32
    %sign3A_8 = arith.extui %sign3A_7 : i1 to i32
    %sign3A_9 = arith.constant 0 : i32
    %sign3A_10 = arith.cmpi slt, %jit3A, %sign3A_9 : i32
    %sign3A_11 = arith.extui %sign3A_10 : i1 to i32
    %sign3A_12 = arith.subi %sign3A_8, %sign3A_11 : i32
    %ne3A = arith.cmpi ne, %sign3A_5, %sign3A_12 : i32
    %rem3A = arith.remsi %arg0, %jit3A : i32
    %ne3A_13 = arith.constant 0 : i32
    %ne3A_14 = arith.cmpi ne, %rem3A, %ne3A_13 : i32
    %and3A = arith.andi %ne3A, %ne3A_14 : i1
    %sub3A = arith.constant 1 : i32
    %sub3A_15 = arith.subi %div3A, %sub3A : i32
    %select_n3A = arith.select %and3A, %sub3A_15, %div3A : i32
    %jit3A_16 = arith.constant 2 : i32
    %eq3A = arith.constant 0 : i32
    %eq3A_17 = arith.cmpi eq, %jit3A_16, %eq3A : i32
    %jit3A_18 = arith.constant 1 : i32
    %select_n3A_19 = arith.select %eq3A_17, %jit3A_18, %jit3A_16 : i32
    %rem3A_20 = arith.remsi %arg0, %select_n3A_19 : i32
    %ne3A_21 = arith.constant 0 : i32
    %ne3A_22 = arith.cmpi ne, %rem3A_20, %ne3A_21 : i32
    %lt3A = arith.constant 0 : i32
    %lt3A_23 = arith.cmpi slt, %rem3A_20, %lt3A : i32
    %lt3A_24 = arith.constant 0 : i32
    %lt3A_25 = arith.cmpi slt, %select_n3A_19, %lt3A_24 : i32
    %ne3A_26 = arith.xori %lt3A_23, %lt3A_25 : i1
    %and3A_27 = arith.andi %ne3A_26, %ne3A_22 : i1
    %add3A = arith.addi %rem3A_20, %select_n3A_19 : i32
    %select_n3A_28 = arith.select %and3A_27, %add3A, %rem3A_20 : i32
    %c0_i32 = arith.constant 0 : i32
    %c0_i32_29 = arith.constant 0 : i32
    return %select_n3A, %select_n3A_28, %c0_i32 : i32, i32, i32
  }
  func.func @transform_1(%arg0: i32) -> (i32, i32) {
    %c0_i32 = arith.constant 0 : i32
    %c0_i32_0 = arith.constant 0 : i32
    return %arg0, %c0_i32 : i32, i32
  }
  func.func @transform_2(%arg0: i32) -> (i32, i32) {
    %c0_i32 = arith.constant 0 : i32
    %c0_i32_0 = arith.constant 0 : i32
    return %arg0, %c0_i32 : i32, i32
  }
  func.func @transform_3(%arg0: i32) -> (i32, i32) {
    %c0_i32 = arith.constant 0 : i32
    %c0_i32_0 = arith.constant 0 : i32
    return %arg0, %c0_i32 : i32, i32
  }
  func.func @transform_4(%arg0: i32) -> (i32, i32) {
    %c0_i32 = arith.constant 0 : i32
    %c0_i32_0 = arith.constant 0 : i32
    return %arg0, %c0_i32 : i32, i32
  }
}

module attributes {stable_mosaic.version = 14 : i64} {
  func.func @_loss_body(%arg0: i32, %arg1: memref<1x2048x128xf32, #tpu.memory_space<vmem>>, %arg2: memref<1x2048x128xf32, #tpu.memory_space<vmem>>, %arg3: memref<1x2048x128xf32, #tpu.memory_space<vmem>>, %arg4: memref<1x1xf32, #tpu.memory_space<vmem>>) attributes {dimension_semantics = [#tpu.dimension_semantics<arbitrary>], iteration_bounds = array<i64: 8>, scalar_prefetch = 0 : i64, scratch_operands = 0 : i64, tpu.core_type = #tpu.core_type<tc>, window_params = [{transform_indices = @transform_0, window_bounds = array<i64: 1, 2048, 128>}, {transform_indices = @transform_1, window_bounds = array<i64: 1, 2048, 128>}, {transform_indices = @transform_2, window_bounds = array<i64: 1, 2048, 128>}, {pipeline_mode = #tpu.pipeline_mode<synchronous>, transform_indices = @transform_3, window_bounds = array<i64: 1, 1>}]} {
    %get3A = arith.constant 0 : index
    %get3A_0 = arith.constant 0 : index
    %get3A_1 = arith.constant 0 : index
    %get3A_2 = vector.load %arg1[%get3A, %get3A_0, %get3A_1] : memref<1x2048x128xf32, #tpu.memory_space<vmem>>, vector<1x2048x128xf32>
    %get3A_3 = vector.shape_cast %get3A_2 : vector<1x2048x128xf32> to vector<2048x128xf32>
    %get3A_4 = arith.constant 0 : index
    %get3A_5 = arith.constant 0 : index
    %get3A_6 = arith.constant 0 : index
    %get3A_7 = vector.load %arg2[%get3A_4, %get3A_5, %get3A_6] : memref<1x2048x128xf32, #tpu.memory_space<vmem>>, vector<1x2048x128xf32>
    %get3A_8 = vector.shape_cast %get3A_7 : vector<1x2048x128xf32> to vector<2048x128xf32>
    %get3A_9 = arith.constant 0 : index
    %get3A_10 = arith.constant 0 : index
    %get3A_11 = arith.constant 0 : index
    %get3A_12 = vector.load %arg3[%get3A_9, %get3A_10, %get3A_11] : memref<1x2048x128xf32, #tpu.memory_space<vmem>>, vector<1x2048x128xf32>
    %get3A_13 = vector.shape_cast %get3A_12 : vector<1x2048x128xf32> to vector<2048x128xf32>
    %sub3A = arith.subf %get3A_8, %get3A_13 : vector<2048x128xf32>
    %mul3A = arith.mulf %get3A_3, %sub3A : vector<2048x128xf32>
    %reduce_sum3A = arith.constant dense<0.000000e+00> : vector<2048xf32>
    %reduce_sum3A_14 = vector.multi_reduction <add>, %mul3A, %reduce_sum3A [1] : vector<2048x128xf32> to vector<2048xf32>
    %neg3A = arith.constant 0.000000e+00 : f32
    %neg3A_15 = vector.broadcast %neg3A : f32 to vector<2048xf32>
    %neg3A_16 = arith.subf %neg3A_15, %reduce_sum3A_14 : vector<2048xf32>
    %max3A = arith.constant 0.000000e+00 : f32
    %max3A_17 = vector.broadcast %max3A : f32 to vector<2048xf32>
    %max3A_18 = arith.maximumf %neg3A_16, %max3A_17 : vector<2048xf32>
    %abs3A = math.absf %reduce_sum3A_14 : vector<2048xf32>
    %neg3A_19 = arith.constant 0.000000e+00 : f32
    %neg3A_20 = vector.broadcast %neg3A_19 : f32 to vector<2048xf32>
    %neg3A_21 = arith.subf %neg3A_20, %abs3A : vector<2048xf32>
    %exp3A = math.exp %neg3A_21 : vector<2048xf32>
    %add3A = arith.constant 1.000000e+00 : f32
    %add3A_22 = vector.broadcast %add3A : f32 to vector<2048xf32>
    %add3A_23 = arith.addf %add3A_22, %exp3A : vector<2048xf32>
    %log3A = math.log %add3A_23 : vector<2048xf32>
    %add3A_24 = arith.addf %max3A_18, %log3A : vector<2048xf32>
    %reduce_sum3A_25 = vector.shape_cast %add3A_24 : vector<2048xf32> to vector<1x2048xf32>
    %reduce_sum3A_26 = arith.constant dense<0.000000e+00> : vector<1xf32>
    %reduce_sum3A_27 = vector.multi_reduction <add>, %reduce_sum3A_25, %reduce_sum3A_26 [1] : vector<1x2048xf32> to vector<1xf32>
    %reduce_sum3A_28 = vector.shape_cast %reduce_sum3A_27 : vector<1xf32> to vector<1x1xf32>
    %reduce_sum3A_29 = vector.extract %reduce_sum3A_28[0, 0] : f32 from vector<1x1xf32>
    %eq3A = arith.constant 0 : i32
    %eq3A_30 = arith.cmpi eq, %arg0, %eq3A : i32
    %convert_element_type3A = arith.extui %eq3A_30 : i1 to i32
    %cond3A = arith.constant 0 : i32
    %cond3A_31 = arith.cmpi ne, %convert_element_type3A, %cond3A : i32
    scf.if %cond3A_31 {
      %broadcast_in_dim3A = arith.constant 0.000000e+00 : f32
      %broadcast_in_dim3A_40 = vector.broadcast %broadcast_in_dim3A : f32 to vector<1x1xf32>
      %swap3A_41 = arith.constant 0 : index
      %swap3A_42 = arith.constant 0 : index
      %swap3A_43 = vector.load %arg4[%swap3A_41, %swap3A_42] : memref<1x1xf32, #tpu.memory_space<vmem>>, vector<1x1xf32>
      tpu.vector_store %arg4[%swap3A_41, %swap3A_42], %broadcast_in_dim3A_40 {strides = array<i32>} : memref<1x1xf32, #tpu.memory_space<vmem>>, vector<1x1xf32>,
    } else {
    }
    %get3A_32 = arith.constant 0 : index
    %get3A_33 = arith.constant 0 : index
    %get3A_34 = vector.load %arg4[%get3A_32, %get3A_33] : memref<1x1xf32, #tpu.memory_space<vmem>>, vector<1x1xf32>
    %div3A = arith.constant 1.638400e+04 : f32
    %div3A_35 = arith.divf %reduce_sum3A_29, %div3A : f32
    %add3A_36 = vector.broadcast %div3A_35 : f32 to vector<1x1xf32>
    %add3A_37 = arith.addf %get3A_34, %add3A_36 : vector<1x1xf32>
    %swap3A = arith.constant 0 : index
    %swap3A_38 = arith.constant 0 : index
    %swap3A_39 = vector.load %arg4[%swap3A, %swap3A_38] : memref<1x1xf32, #tpu.memory_space<vmem>>, vector<1x1xf32>
    tpu.vector_store %arg4[%swap3A, %swap3A_38], %add3A_37 {strides = array<i32>} : memref<1x1xf32, #tpu.memory_space<vmem>>, vector<1x1xf32>,
    return
  }
  func.func @transform_0(%arg0: i32) -> (i32, i32, i32) {
    %c0_i32 = arith.constant 0 : i32
    %c0_i32_0 = arith.constant 0 : i32
    %c0_i32_1 = arith.constant 0 : i32
    return %c0_i32, %arg0, %c0_i32_0 : i32, i32, i32
  }
  func.func @transform_1(%arg0: i32) -> (i32, i32, i32) {
    %c1_i32 = arith.constant 1 : i32
    %c0_i32 = arith.constant 0 : i32
    %c0_i32_0 = arith.constant 0 : i32
    return %c1_i32, %arg0, %c0_i32 : i32, i32, i32
  }
  func.func @transform_2(%arg0: i32) -> (i32, i32, i32) {
    %c2_i32 = arith.constant 2 : i32
    %c0_i32 = arith.constant 0 : i32
    %c0_i32_0 = arith.constant 0 : i32
    return %c2_i32, %arg0, %c0_i32 : i32, i32, i32
  }
  func.func @transform_3(%arg0: i32) -> (i32, i32) {
    %c0_i32 = arith.constant 0 : i32
    %c0_i32_0 = arith.constant 0 : i32
    %c0_i32_1 = arith.constant 0 : i32
    return %c0_i32, %c0_i32_0 : i32, i32
  }
}

</mosaic_0001>

<sc_bundles>
// kernel: _run.12.cloned.1.call-start
scs
__scs_entry_jumppad:
0x0: {  	(pc) =	sbr.rel $0x88, $3  }
0x1: {  	(tag) =	ssettag $0x0;
	lr =	simm.s32 $0x1  }
0x2: {  	[smem:$0x3F9C] =	sst lr;
	_ =	strace $0xD0000000  }
0x3: {  	_ = 	snop  }
0x4: {  	_ = 	snop  }
0x5: {  	_ = 	snop  }
0x6: {  	_ = 	snop  }
0x7: {  	_ = 	snop  }
__scs_overlays_trampoline_lowered:
0x8: {  	[smem:$0x3FAB] =	sst s0  }
0x9: {  	[smem:$0x3FAC] =	sst s1  }
0xa: {  	[smem:$0x3FAD] =	sst s2  }
0xb: {  	[smem:$0x3FAE] =	sst s3  }
0xc: {  	[smem:$0x3FAF] =	sst s4  }
0xd: {  	[smem:$0x3FB0] =	sst s5  }
0xe: {  	[smem:$0x3FB1] =	sst s6  }
0xf: {  	[smem:$0x3FB2] =	sst s7  }
0x10: {  	[smem:$0x3FB3] =	sst s8  }
0x11: {  	[smem:$0x3FB4] =	sst s9;
	s0 =	simm.s32 @!p0 $0x0  }
0x12: {  	s1 =	sld [smem:$0x3F9A];
	s0 =	simm.s32 @p0 $0x1  }
0x13: {  	[smem:$0x3FB5] =	sst s0;
	s0 =	simm.s32 @!p1 $0x0  }
0x14: {  	s2 =	sld [smem:$0x3F99];
	s0 =	simm.s32 @p1 $0x1  }
0x15: {  	[smem:$0x3FB6] =	sst s0;
	s0 =	simm.s32 @!p2 $0x0  }
0x16: {  	s3 =	sld [smem:$0x3FDB];
	s0 =	simm.s32 @p2 $0x1  }
0x17: {  	s4 =	simm.s32 $0x1BF5;
	[smem:$0x3FB8] =	sst s0  }
0x18: {  	s0 =	sld [smem:$0x3F9B];
	_ =	swait.ge [sflag:s4], $0x0  }
0x19: {  	s7 =	sld [smem:$0x3F9C]  }
0x1a: {  	s8 =	sadd.s32 $0xFFFFE003, lr  }
0x1b: {  	s9 =	sadd.s32 $0xFFFFFEF7, lr;
	s5 =	simm.s32 $0xFFFFFFFF;
	p2 =	slt.u32 s8, $0xFFFFF086  }
0x1c: {  	p1 =	slt.u32 s9, $0xF7A;
	s5 =	simm.s32 @!p2 $0x0  }
0x1d: {  	s5 =	simm.s32 @p1 $0x1;
	p0 =	seq.s32 s7, s2  }
0x1e: {  	s7 =	smul.u32 @!p0 $0xF7A, s2;
	p2 =	seq.s32 @!p0 s5, $0x0  }
0x1f: {  	s9 =	smul.u32 $0xF7A, s1;
	s8 =	simm.s32 @!p0 $0x1BF5;
	p2 =	por !p2, p0  }
0x20: {  	[sflag:s8] =	ssyncset.s32 @!p0 $0xFFFFF086;
	s6 =	sadd.s32 @!p0 s3, s7;
	s7 =	simm.s32 @!p0 $0x108  }
0x21: {  	s3 =	sadd.s32 s3, s9;
	s6 =	sadd.s32 @!p0 $0x88, s6;
	s7 =	simm.s32 @p2 $0x1082  }
0x22: {  	[simem:s7], [sflag:s8] =	dma.local @!p0 [hbm:s6], $0xF7A  }
0x23: {  	s9 =	sor.u32 $0xD0000000, s2;
	s6 =	simm.s32 $0x108;
	_ =	swait.ge @!p0 [sflag:s8], $0x0  }
0x24: {  	s3 =	sadd.s32 $0x88, s3;
	s6 =	simm.s32 @!p1 $0x1082;
	[sflag:s4] =	ssyncset.s32 $0xFFFFF086  }
0x25: {  	[simem:s6], [sflag:s4] =	dma.local [hbm:s3], $0xF7A  }
0x26: {  	[smem:$0x3F9C] =	sst s1;
	(tag) =	ssettag s2;
	_ =	strace s9  }
0x27: {  	s1 =	sld [smem:$0x3FAC]  }
0x28: {  	s2 =	sld [smem:$0x3FAD]  }
0x29: {  	s4 =	sld [smem:$0x3FAF]  }
0x2a: {  	p0 =	seq.s32 s5, $0x0;
	s5 =	sld [smem:$0x3FB0]  }
0x2b: {  	s6 =	sld [smem:$0x3FB1]  }
0x2c: {  	s7 =	sld [smem:$0x3FB2]  }
0x2d: {  	s3 =	simm.s32 $0x108;
	s8 =	sld [smem:$0x3FB3]  }
0x2e: {  	s3 =	simm.s32 @!p0 $0x1082;
	s9 =	sld [smem:$0x3FB4]  }
0x2f: {  	lr =	sadd.s32 s0, s3;
	s0 =	sld [smem:$0x3FAB]  }
0x30: {  	s3 =	sld [smem:$0x3FAE]  }
0x31: {  	[smem:$0x3FB7] =	sst s10  }
0x32: {  	s10 =	sld [smem:$0x3FB5];
	_ =	sdelay $0x3  }
0x33: {  	p0 =	seq.s32 s10, $0x1;
	s10 =	sld [smem:$0x3FB7];
	_ =	sdelay $0x3  }
0x34: {  	[smem:$0x3FB7] =	sst s10  }
0x35: {  	s10 =	sld [smem:$0x3FB6];
	_ =	sdelay $0x3  }
0x36: {  	p1 =	seq.s32 s10, $0x1;
	s10 =	sld [smem:$0x3FB7];
	_ =	sdelay $0x3  }
0x37: {  	[smem:$0x3FB7] =	sst s10  }
0x38: {  	s10 =	sld [smem:$0x3FB8]  }
0x39: {  	_ = 	snop;
	(pc) =	sbr.ind lr, $3  }
0x3a: {  	_ = 	snop  }
0x3b: {  	_ = 	snop  }
0x3c: {  	p2 =	seq.s32 s10, $0x1;
	s10 =	sld [smem:$0x3FB7]  }
0x3d: {  	_ =	shalt  }
0x3e: {  	_ =	shalt  }
0x3f: {  	_ =	shalt  }
0x40: {  	_ =	shalt  }
0x41: {  	_ =	shalt  }
0x42: {  	_ =	shalt  }
0x43: {  	_ =	shalt  }
0x44: {  	_ =	shalt  }
0x45: {  	_ =	shalt  }
0x46: {  	_ =	shalt  }
0x47: {  	_ =	shalt  }
0x48: {  	_ =	shalt  }
0x49: {  	_ =	shalt  }
0x4a: {  	_ =	shalt  }
0x4b: {  	_ =	shalt  }
0x4c: {  	_ =	shalt  }
0x4d: {  	_ =	shalt  }
0x4e: {  	_ =	shalt  }
0x4f: {  	_ =	shalt  }
0x50: {  	_ =	shalt  }
0x51: {  	_ =	shalt  }
0x52: {  	_ =	shalt  }
0x53: {  	_ =	shalt  }
0x54: {  	_ =	shalt  }
0x55: {  	_ =	shalt  }
0x56: {  	_ =	shalt  }
0x57: {  	_ =	shalt  }
0x58: {  	_ =	shalt  }
0x59: {  	_ =	shalt  }
0x5a: {  	_ =	shalt  }
0x5b: {  	_ =	shalt  }
0x5c: {  	_ =	shalt  }
0x5d: {  	_ =	shalt  }
0x5e: {  	_ =	shalt  }
0x5f: {  	_ =	shalt  }
0x60: {  	_ =	shalt  }
0x61: {  	_ =	shalt  }
0x62: {  	_ =	shalt  }
0x63: {  	_ =	shalt  }
0x64: {  	_ =	shalt  }
0x65: {  	_ =	shalt  }
0x66: {  	_ =	shalt  }
0x67: {  	_ =	shalt  }
0x68: {  	_ =	shalt  }
0x69: {  	_ =	shalt  }
0x6a: {  	_ =	shalt  }
0x6b: {  	_ =	shalt  }
0x6c: {  	_ =	shalt  }
0x6d: {  	_ =	shalt  }
0x6e: {  	_ =	shalt  }
0x6f: {  	_ =	shalt  }
0x70: {  	_ =	shalt  }
0x71: {  	_ =	shalt  }
0x72: {  	_ =	shalt  }
0x73: {  	_ =	shalt  }
0x74: {  	_ =	shalt  }
0x75: {  	_ =	shalt  }
0x76: {  	_ =	shalt  }
0x77: {  	_ =	shalt  }
0x78: {  	_ =	shalt  }
0x79: {  	_ =	shalt  }
0x7a: {  	_ =	shalt  }
0x7b: {  	_ =	shalt  }
0x7c: {  	_ =	shalt  }
0x7d: {  	_ =	shalt  }
0x7e: {  	_ =	shalt  }
0x7f: {  	_ =	shalt  }
0x80: {  	_ =	shalt  }
0x81: {  	_ =	shalt  }
0x82: {  	_ =	shalt  }
0x83: {  	_ =	shalt  }
0x84: {  	_ =	shalt  }
0x85: {  	_ =	shalt  }
0x86: {  	_ =	shalt  }
0x87: {  	_ =	shalt  }
.Lfunc_end0:
.L_simem_size_0:
called_computation_lowered:
.L_overlay_start_0:
0x88: {  	s2 =	sld [smem:$0x3FD9]  }
0x89: {  	s3 =	sld [smem:$0x3FFE];
	_ =	sdelay $0x1  }
0x8a: {  	s1 =	srdreg.scid  }
0x8b: {  	s0 =	sand.u32 $0x1, s1  }
0x8c: {  	s16 =	sshll.u32 s0, $0xA;
	s2 =	sadd.s32 s3, s2  }
0x8d: {  	s2 =	sadd.s32 s2, s16  }
0x8e: {  	[smem:$0x3FC3] =	sst s2  }
0x8f: {  	_ = 	snop  }
0x90: {  	(tm) =	ssettm $0x1  }
0x91: {  	s17 =	sld [smem:$0x3FFB];
	_ =	sdelay $0x3  }
0x92: {  	_ =	strace s17  }
0x93: {  	s2 =	sld [smem:$0x3FFC];
	_ =	sdelay $0x3  }
0x94: {  	_ =	strace s2  }
0x95: {  	s2 =	sld [smem:$0x3FFD];
	_ =	sdelay $0x3  }
0x96: {  	_ =	strace s2  }
0x97: {  	_ =	strace $0x8FFFFFFF  }
0x98: {  	s18 =	sld [smem:$0x3FDB];
	_ =	sdelay $0x1  }
0x99: {  	s19 =	simm.s32 $_scs_section_size  }
0x9a: {  	s4 =	simm.s32 $_size__tile_overlayer_lowered;
	s5 =	simm.s32 $_tile_overlayer_lowered  }
0x9b: {  	s22 =	simm.s32 $0x1BFF;
	s21 =	sshll.u32 s5, $0x1;
	s2 =	sadd.s32 s19, s18  }
0x9c: {  	s6 =	simm.s32 $0x0;
	s20 =	sshll.u32 s4, $0x1;
	s4 =	sadd.s32 s21, s2  }
0x9d: {  	[timem:s6], [sflag:s22] =	dma.local [hbm:s4], s20  }
0x9e: {  	_ =	swait.ge [sflag:s22], s20  }
0x9f: {  	s3 =	ssub.s32 $0x0, s20;
	[sflag:s22] =	ssyncset.done $0x0  }
0xa0: {  	[sflag:s22] =	ssyncadd.s32 s3;
	_ =	sdelay $0x1  }
0xa1: {  	s23 =	simm.s32 $0x1B8B  }
0xa2: {  	_ =	swait.ge [sflag:s23], $0x1  }
0xa3: {  	[sflag:s23] =	ssyncset.done $0x0  }
0xa4: {  	s25 =	simm.s32 $0x1B8E;
	s24 =	sld [smem:$0x3FFE];
	[sflag:s23] =	ssyncadd.s32 $0xFFFFFFFF  }
0xa5: {  	s26 =	simm.s32 $execute0_lowered;
	[smem:$0x3FD2] =	sst s25  }
0xa6: {  	s4 =	sshll.u32 s26, $0x1;
	_ =	strace $0x80000046;
	[dreg:$0x1] =	wrdreg $0xFFFFFFFF  }
0xa7: {  	s28 =	simm.s32 $_size_execute0_lowered;
	s2 =	sadd.s32 s2, s4;
	[dreg:$0x0] =	wrdreg $0x0  }
0xa8: {  	s4 =	sshll.u32 s28, $0x1;
	[dreg:$0x2] =	wrdreg s2  }
0xa9: {  	[dreg:$0x3] =	wrdreg s4  }
0xaa: {  	[dreg:$0x4] =	wrdreg $0xC0  }
0xab: {  	_ =	task [dreg:s6], $0x5FFFF  }
0xac: {  	[dreg:$0x1] =	wrdreg $0xFFFFFFFF  }
0xad: {  	[dreg:$0x0] =	wrdreg $0x60  }
0xae: {  	[dreg:$0x2] =	wrdreg s24  }
0xaf: {  	[dreg:$0x3] =	wrdreg $0xA8000  }
0xb0: {  	[dreg:$0x4] =	wrdreg $0x9  }
0xb1: {  	_ =	task.clear_ibuf [dreg:s6], $0x5FFFF;
	_ =	strace $0x90000046  }
0xb2: {  	s29 =	simm.s32 $0x9;
	_ =	strace $0x80000048  }
0xb3: {  	_ =	swait.ge [sflag:s29], $0x1  }
0xb4: {  	[sflag:s29] =	ssyncadd.s32 $0xFFFFFFFF  }
0xb5: {  	_ =	strace $0x90000048  }
0xb6: {  	_ =	sfence  }
0xb7: {  	s30 =	sld [smem:$0x0];
	_ =	sdelay $0x2  }
0xb8: {  	s31 =	sshll.u32 s1, $0xD;
	s1 =	sshrl.u32 s1, $0x2  }
0xb9: {  	s3 =	sand.u32 $0x4000, s31;
	s1 =	sadd.s32 s1, s30  }
0xba: {  	s0 =	sor.u32 s3, s0;
	s1 =	sshll.u32 s1, $0x11  }
0xbb: {  	s0 =	sor.u32 s1, s0  }
0xbc: {  	s0 =	sadd.s32 $0x8F2B, s0  }
0xbd: {  	[sflag:s0] =	ssyncadd.remote.s32 $0x1  }
0xbe: {  	_ =	sfence.sel $0xFFFF  }
0xbf: {  	[dreg:$0x0] =	wrdreg $0xFFFFFFFF;
	(pc) =	sbr.abs _section_cstart, $3  }
0xc0: {  	[dreg:$0x1] =	wrdreg $0xFFFFFFFF  }
0xc1: {  	_ =	task.clear_ibuf [dreg:s6], $0x2FFFF;
	_ =	strace $0x9FFFFFFF  }
0xc2: {  	(tm) =	ssettm $0x7FFFFFFF  }
0xc3: {  	_ =	shalt  }
tec
execute0_lowered:
.L_overlay_start_1:
0x0: {  	(tag) =	ssettag $0x1  }
0x1: {  	s1 =	srdreg.scid;
	s0 =	stileid.u32  }
0x2: {  	s4 =	rddreg [dreg:$0x0];
	s6 =	smul.u32 $0x5000, s0  }
0x3: {  	s2 =	rddreg [dreg:$0x1];
	s3 =	simm.s32 $0x0;
	s26 =	smul.u32 $0xA400, s0  }
0x4: {  	s12 =	simm.s32 $0x80;
	s5 =	sand.u32 $0x1, s1;
	s9 =	smul.u32 $0x29000, s0  }
0x5: {  	s13 =	simm.s32 $0x2800;
	s1 =	rddreg [dreg:$0x2];
	s7 =	smul.u32 $0x52800, s5  }
0x6: {  	[smem:$0x7FF] =	sst s3;
	s14 =	sshll.u32 s0, $0x6;
	s8 =	smul.u32 $0xA4000, s5  }
0x7: {  	_ =	strace $0x80000047;
	s5 =	ssub.s32 $0x2, s5;
	s14 =	sor.u32 $0x1C01, s14  }
0x8: {  	s29 =	sshrl.u32 s5, $0x1;
	s30 =	sshrl.u32 s9, $0x2;
	s6 =	sadd.s32 s7, s6  }
0x9: {  	s28 =	sadd.s32 s26, s8;
	s11 =	ssub.s32 s5, s29;
	s6 =	sshrl.u32 s6, $0x3  }
0xa: {  	s9 =	smax.u32 s11, $0x1;
	s10 =	sadd.s32 s6, s4;
	s6 =	sshrl.u32 s28, $0x3  }
0xb: {  	s11 =	simm.s32 $0x1;
	s31 =	sadd.s32 s6, s4;
	s4 =	sadd.s32 s30, s2  }
0xc: {  	s7 =	sadd.s32 $0x3A00, s10;
	s10 =	simm.s32 $0x6800;
	s5 =	sadd.s32 $0x4000, s4  }
0xd: {  	v0 =	vimm.f32 $0.0e+00;
	v1 =	vimm.f32 $1.000000000e+00;
	s6 =	sadd.s32 $0x8000, s4;
	s8 =	sadd.s32 $0x17A00, s31;
	s15 =	sshrl.u32 s4, $0x3  }
.LBB2_1:
0xe: {  	s16 =	simm.s32 $0x0;
	s17 =	simm.s32 $0x200  }
.LBB2_2:
0xf: {  	p0 =	sne.s32 s17, $0xFE00;
	[tilespmem:s16+$0x6870] =	vst v0  }
0x10: {  	[tilespmem:s16+$0x6800] =	vst v0  }
0x11: {  	[tilespmem:s16+$0x6810] =	vst v0  }
.Ltmp0:
0x12: {  	[tilespmem:s16+$0x6820] =	vst v0;
	(pc) =	sbr.rel @p0 .LBB2_2-.Ltmp0, $4  }
0x13: {  	[tilespmem:s16+$0x6830] =	vst v0  }
0x14: {  	[tilespmem:s16+$0x6840] =	vst v0  }
0x15: {  	[tilespmem:s16+$0x6850] =	vst v0  }
0x16: {  	[tilespmem:s16+$0x6860] =	vst v0;
	s16 =	sshra.s32 s17, $0x2;
	s17 =	sadd.s32 $0x200, s17  }
0x17: {  	[tilespmem:s16+$0x6870] =	vst v0  }
0x18: {  	[tilespmem:s16+$0x6800] =	vst v0  }
0x19: {  	[tilespmem:s16+$0x6810] =	vst v0  }
0x1a: {  	[tilespmem:s16+$0x6820] =	vst v0  }
0x1b: {  	[tilespmem:s16+$0x6830] =	vst v0  }
0x1c: {  	[tilespmem:s16+$0x6840] =	vst v0  }
0x1d: {  	[tilespmem:s16+$0x6850] =	vst v0  }
0x1e: {  	[tilespmem:s16+$0x6860] =	vst v0;
	s16 =	simm.s32 $0x0;
	s17 =	simm.s32 $0x200  }
.LBB2_4:
0x1f: {  	p0 =	sne.s32 s17, $0xFE00;
	[tilespmem:s16+$0x2870] =	vst v1  }
0x20: {  	[tilespmem:s16+$0x2800] =	vst v1  }
0x21: {  	[tilespmem:s16+$0x2810] =	vst v1  }
.Ltmp1:
0x22: {  	[tilespmem:s16+$0x2820] =	vst v1;
	(pc) =	sbr.rel @p0 .LBB2_4-.Ltmp1, $4  }
0x23: {  	[tilespmem:s16+$0x2830] =	vst v1  }
0x24: {  	[tilespmem:s16+$0x2840] =	vst v1  }
0x25: {  	[tilespmem:s16+$0x2850] =	vst v1  }
0x26: {  	[tilespmem:s16+$0x2860] =	vst v1;
	s16 =	sshra.s32 s17, $0x2;
	s17 =	sadd.s32 $0x200, s17  }
0x27: {  	[tilespmem:s16+$0x2870] =	vst v1  }
0x28: {  	[tilespmem:s16+$0x2800] =	vst v1  }
0x29: {  	[tilespmem:s16+$0x2810] =	vst v1  }
0x2a: {  	[tilespmem:s16+$0x2820] =	vst v1  }
0x2b: {  	[tilespmem:s16+$0x2830] =	vst v1  }
0x2c: {  	[tilespmem:s16+$0x2840] =	vst v1  }
0x2d: {  	[tilespmem:s16+$0x2850] =	vst v1  }
0x2e: {  	[tilespmem:s16+$0x2860] =	vst v1  }
0x2f: {  	[spmem:s4] =	stream.linear.scatter [tilespmem:s10], [sflag:$0x1], $0x4000, $0x38;
	[tilespmem:$0x14C00] =	vst v63  }
0x30: {  	_ =	swait.ge [sflag:s11], $0x4000  }
0x31: {  	[sflag:s11] =	ssyncset.done $0x0  }
0x32: {  	[sflag:s11] =	ssyncadd.s32 $0xFFFFC000  }
0x33: {  	[spmem:s5] =	stream.linear.scatter [tilespmem:s10], [sflag:$0x1], $0x4000, $0x38;
	[tilespmem:$0x14C00] =	vst v63  }
0x34: {  	_ =	swait.ge [sflag:s11], $0x4000  }
0x35: {  	[sflag:s11] =	ssyncset.done $0x0  }
0x36: {  	[sflag:s11] =	ssyncadd.s32 $0xFFFFC000  }
0x37: {  	[spmem:s6] =	stream.linear.scatter [tilespmem:s10], [sflag:$0x1], $0x2400, $0x38;
	[tilespmem:$0x14C00] =	vst v63  }
0x38: {  	_ =	swait.ge [sflag:s11], $0x2400  }
0x39: {  	[sflag:s11] =	ssyncset.done $0x0  }
0x3a: {  	s30 =	simm.s32 $0x0;
	[sflag:s11] =	ssyncadd.s32 $0xFFFFDC00  }
0x3b: {  	[tilespmem:s30], [sflag:$0x1] =	stream.linear.gather [hbm4b:s7+s30], $0x2800, $0x38;
	[tilespmem:$0x14C00] =	vst v63  }
0x3c: {  	_ =	swait.ge [sflag:s11], $0x2800  }
0x3d: {  	[sflag:s11] =	ssyncset.done $0x0  }
0x3e: {  	[sflag:s11] =	ssyncadd.s32 $0xFFFFD800  }
0x3f: {  	s31 =	simm.s32 $0x0;
	[bflag:$0x0] =	sbarrier.arrive $0xFFFF  }
0x40: {  	[spmem:s2] =	stream.indirect.scatter.add.f32 [tilespmem:s13], [sflag:$0x1], $0x80, s31, s12, $0xb8;
	[tilespmem:$0x14C00] =	vst v63  }
0x41: {  	_ =	swait.ge [sflag:s11], $0x4000  }
0x42: {  	s16 =	simm.s32 $0x200;
	[sflag:s11] =	ssyncset.done $0x0  }
.LBB2_6:
0x43: {  	s17 =	sshra.s32 s16, $0x2;
	[sflag:s11] =	ssyncadd.s32 $0xFFFFC000;
	p0 =	sne.s32 s16, $0x9E00  }
0x44: {  	[spmem:s2] =	stream.indirect.scatter.add.f32 [tilespmem:s13], [sflag:$0x1], $0x80, s17, s12, $0xb8;
	[tilespmem:$0x14C00] =	vst v63  }
.Ltmp2:
0x45: {  	_ = 	snop;
	(pc) =	sbr.rel @p0 .LBB2_6-.Ltmp2, $4  }
0x46: {  	_ = 	snop  }
0x47: {  	s16 =	sadd.s32 $0x200, s16  }
0x48: {  	_ =	swait.ge [sflag:s11], $0x4000  }
0x49: {  	[sflag:s11] =	ssyncset.done $0x0  }
0x4a: {  	s3 =	sadd.s32 $0x1, s3  }
0x4b: {  	[sflag:s11] =	ssyncadd.s32 $0xFFFFC000;
	p0 =	sne.s32 s3, s9  }
.Ltmp3:
0x4c: {  	[bflag:$0x0] =	sbarrier.arrive $0xFFFF;
	(pc) =	sbr.rel @p0 .LBB2_1-.Ltmp3, $4  }
0x4d: {  	[hbm:s8], [sflag:s14] =	dma.local [spmem:s15], $0x1480  }
0x4e: {  	_ =	swait.ge [sflag:s11], $0x1480  }
0x4f: {  	[sflag:s11] =	ssyncset.done $0x0  }
0x50: {  	[sflag:s11] =	ssyncadd.s32 $0xFFFFEB80  }
0x51: {  	_ =	sfence.sel $0x180000  }
0x52: {  	[bflag:$0x0] =	sbarrier.arrive $0xFFFF  }
0x53: {  	p0 =	sne.s32 s0, $0x0;
	_ =	strace $0x90000047  }
0x54: {  	s0 =	sadd.s32 @!p0 $0x100000, s1;
	[bflag:$0x2] =	sbarrier.arrive $0xFFFF  }
0x55: {  	[sflag:s0] =	ssyncadd.tile.s32 @!p0 $0x1;
	_ =	shalt  }
.Lfunc_end2:
_tile_overlayer_lowered:
.L_overlay_start_2:
0x56: {  	(tag) =	ssettag $0x2  }
0x57: {  	s0 =	rddreg [dreg:$0x0];
	s2 =	stileid.u32  }
0x58: {  	s1 =	rddreg [dreg:$0x1];
	p0 =	sne.s32 s2, $0x0  }
0x59: {  	s3 =	rddreg [dreg:$0x2];
	[bflag:$0x3] =	sbarrier.arrive $0xFFFF;
	s2 =	simm.s32 @!p0 $0x1C01  }
0x5a: {  	[timem:s3], [sflag:s2] =	dma.local @!p0 [hbm:s0], s1  }
0x5b: {  	s0 =	simm.s32 @!p0 $0x1  }
0x5c: {  	_ =	swait.ge @!p0 [sflag:s0], s1  }
0x5d: {  	s1 =	ssub.s32 @!p0 $0x0, s1;
	[sflag:s0] =	ssyncset.done @!p0 $0x0  }
0x5e: {  	[sflag:s0] =	ssyncadd.s32 @!p0 s1  }
0x5f: {  	[bflag:$0x3] =	sbarrier.arrive $0xFFFF  }
0x60: {  	_ =	shalt  }

// kernel: _run.15.cloned.1.call-start
scs
__scs_entry_jumppad:
0x0: {  	(pc) =	sbr.rel $0x88, $3  }
0x1: {  	(tag) =	ssettag $0x0;
	lr =	simm.s32 $0x1  }
0x2: {  	[smem:$0x3F9C] =	sst lr;
	_ =	strace $0xD0000000  }
0x3: {  	_ = 	snop  }
0x4: {  	_ = 	snop  }
0x5: {  	_ = 	snop  }
0x6: {  	_ = 	snop  }
0x7: {  	_ = 	snop  }
__scs_overlays_trampoline_lowered:
0x8: {  	[smem:$0x3FAB] =	sst s0  }
0x9: {  	[smem:$0x3FAC] =	sst s1  }
0xa: {  	[smem:$0x3FAD] =	sst s2  }
0xb: {  	[smem:$0x3FAE] =	sst s3  }
0xc: {  	[smem:$0x3FAF] =	sst s4  }
0xd: {  	[smem:$0x3FB0] =	sst s5  }
0xe: {  	[smem:$0x3FB1] =	sst s6  }
0xf: {  	[smem:$0x3FB2] =	sst s7  }
0x10: {  	[smem:$0x3FB3] =	sst s8  }
0x11: {  	[smem:$0x3FB4] =	sst s9;
	s0 =	simm.s32 @!p0 $0x0  }
0x12: {  	s1 =	sld [smem:$0x3F9A];
	s0 =	simm.s32 @p0 $0x1  }
0x13: {  	[smem:$0x3FB5] =	sst s0;
	s0 =	simm.s32 @!p1 $0x0  }
0x14: {  	s2 =	sld [smem:$0x3F99];
	s0 =	simm.s32 @p1 $0x1  }
0x15: {  	[smem:$0x3FB6] =	sst s0;
	s0 =	simm.s32 @!p2 $0x0  }
0x16: {  	s3 =	sld [smem:$0x3FDB];
	s0 =	simm.s32 @p2 $0x1  }
0x17: {  	s4 =	simm.s32 $0x1BF5;
	[smem:$0x3FB8] =	sst s0  }
0x18: {  	s0 =	sld [smem:$0x3F9B];
	_ =	swait.ge [sflag:s4], $0x0  }
0x19: {  	s7 =	sld [smem:$0x3F9C]  }
0x1a: {  	s8 =	sadd.s32 $0xFFFFE003, lr  }
0x1b: {  	s9 =	sadd.s32 $0xFFFFFEF7, lr;
	s5 =	simm.s32 $0xFFFFFFFF;
	p2 =	slt.u32 s8, $0xFFFFF086  }
0x1c: {  	p1 =	slt.u32 s9, $0xF7A;
	s5 =	simm.s32 @!p2 $0x0  }
0x1d: {  	s5 =	simm.s32 @p1 $0x1;
	p0 =	seq.s32 s7, s2  }
0x1e: {  	s7 =	smul.u32 @!p0 $0xF7A, s2;
	p2 =	seq.s32 @!p0 s5, $0x0  }
0x1f: {  	s9 =	smul.u32 $0xF7A, s1;
	s8 =	simm.s32 @!p0 $0x1BF5;
	p2 =	por !p2, p0  }
0x20: {  	[sflag:s8] =	ssyncset.s32 @!p0 $0xFFFFF086;
	s6 =	sadd.s32 @!p0 s3, s7;
	s7 =	simm.s32 @!p0 $0x108  }
0x21: {  	s3 =	sadd.s32 s3, s9;
	s6 =	sadd.s32 @!p0 $0x88, s6;
	s7 =	simm.s32 @p2 $0x1082  }
0x22: {  	[simem:s7], [sflag:s8] =	dma.local @!p0 [hbm:s6], $0xF7A  }
0x23: {  	s9 =	sor.u32 $0xD0000000, s2;
	s6 =	simm.s32 $0x108;
	_ =	swait.ge @!p0 [sflag:s8], $0x0  }
0x24: {  	s3 =	sadd.s32 $0x88, s3;
	s6 =	simm.s32 @!p1 $0x1082;
	[sflag:s4] =	ssyncset.s32 $0xFFFFF086  }
0x25: {  	[simem:s6], [sflag:s4] =	dma.local [hbm:s3], $0xF7A  }
0x26: {  	[smem:$0x3F9C] =	sst s1;
	(tag) =	ssettag s2;
	_ =	strace s9  }
0x27: {  	s1 =	sld [smem:$0x3FAC]  }
0x28: {  	s2 =	sld [smem:$0x3FAD]  }
0x29: {  	s4 =	sld [smem:$0x3FAF]  }
0x2a: {  	p0 =	seq.s32 s5, $0x0;
	s5 =	sld [smem:$0x3FB0]  }
0x2b: {  	s6 =	sld [smem:$0x3FB1]  }
0x2c: {  	s7 =	sld [smem:$0x3FB2]  }
0x2d: {  	s3 =	simm.s32 $0x108;
	s8 =	sld [smem:$0x3FB3]  }
0x2e: {  	s3 =	simm.s32 @!p0 $0x1082;
	s9 =	sld [smem:$0x3FB4]  }
0x2f: {  	lr =	sadd.s32 s0, s3;
	s0 =	sld [smem:$0x3FAB]  }
0x30: {  	s3 =	sld [smem:$0x3FAE]  }
0x31: {  	[smem:$0x3FB7] =	sst s10  }
0x32: {  	s10 =	sld [smem:$0x3FB5];
	_ =	sdelay $0x3  }
0x33: {  	p0 =	seq.s32 s10, $0x1;
	s10 =	sld [smem:$0x3FB7];
	_ =	sdelay $0x3  }
0x34: {  	[smem:$0x3FB7] =	sst s10  }
0x35: {  	s10 =	sld [smem:$0x3FB6];
	_ =	sdelay $0x3  }
0x36: {  	p1 =	seq.s32 s10, $0x1;
	s10 =	sld [smem:$0x3FB7];
	_ =	sdelay $0x3  }
0x37: {  	[smem:$0x3FB7] =	sst s10  }
0x38: {  	s10 =	sld [smem:$0x3FB8]  }
0x39: {  	_ = 	snop;
	(pc) =	sbr.ind lr, $3  }
0x3a: {  	_ = 	snop  }
0x3b: {  	_ = 	snop  }
0x3c: {  	p2 =	seq.s32 s10, $0x1;
	s10 =	sld [smem:$0x3FB7]  }
0x3d: {  	_ =	shalt  }
0x3e: {  	_ =	shalt  }
0x3f: {  	_ =	shalt  }
0x40: {  	_ =	shalt  }
0x41: {  	_ =	shalt  }
0x42: {  	_ =	shalt  }
0x43: {  	_ =	shalt  }
0x44: {  	_ =	shalt  }
0x45: {  	_ =	shalt  }
0x46: {  	_ =	shalt  }
0x47: {  	_ =	shalt  }
0x48: {  	_ =	shalt  }
0x49: {  	_ =	shalt  }
0x4a: {  	_ =	shalt  }
0x4b: {  	_ =	shalt  }
0x4c: {  	_ =	shalt  }
0x4d: {  	_ =	shalt  }
0x4e: {  	_ =	shalt  }
0x4f: {  	_ =	shalt  }
0x50: {  	_ =	shalt  }
0x51: {  	_ =	shalt  }
0x52: {  	_ =	shalt  }
0x53: {  	_ =	shalt  }
0x54: {  	_ =	shalt  }
0x55: {  	_ =	shalt  }
0x56: {  	_ =	shalt  }
0x57: {  	_ =	shalt  }
0x58: {  	_ =	shalt  }
0x59: {  	_ =	shalt  }
0x5a: {  	_ =	shalt  }
0x5b: {  	_ =	shalt  }
0x5c: {  	_ =	shalt  }
0x5d: {  	_ =	shalt  }
0x5e: {  	_ =	shalt  }
0x5f: {  	_ =	shalt  }
0x60: {  	_ =	shalt  }
0x61: {  	_ =	shalt  }
0x62: {  	_ =	shalt  }
0x63: {  	_ =	shalt  }
0x64: {  	_ =	shalt  }
0x65: {  	_ =	shalt  }
0x66: {  	_ =	shalt  }
0x67: {  	_ =	shalt  }
0x68: {  	_ =	shalt  }
0x69: {  	_ =	shalt  }
0x6a: {  	_ =	shalt  }
0x6b: {  	_ =	shalt  }
0x6c: {  	_ =	shalt  }
0x6d: {  	_ =	shalt  }
0x6e: {  	_ =	shalt  }
0x6f: {  	_ =	shalt  }
0x70: {  	_ =	shalt  }
0x71: {  	_ =	shalt  }
0x72: {  	_ =	shalt  }
0x73: {  	_ =	shalt  }
0x74: {  	_ =	shalt  }
0x75: {  	_ =	shalt  }
0x76: {  	_ =	shalt  }
0x77: {  	_ =	shalt  }
0x78: {  	_ =	shalt  }
0x79: {  	_ =	shalt  }
0x7a: {  	_ =	shalt  }
0x7b: {  	_ =	shalt  }
0x7c: {  	_ =	shalt  }
0x7d: {  	_ =	shalt  }
0x7e: {  	_ =	shalt  }
0x7f: {  	_ =	shalt  }
0x80: {  	_ =	shalt  }
0x81: {  	_ =	shalt  }
0x82: {  	_ =	shalt  }
0x83: {  	_ =	shalt  }
0x84: {  	_ =	shalt  }
0x85: {  	_ =	shalt  }
0x86: {  	_ =	shalt  }
0x87: {  	_ =	shalt  }
.Lfunc_end0:
.L_simem_size_0:
called_computation.1_lowered:
.L_overlay_start_0:
0x88: {  	s2 =	sld [smem:$0x3FD9]  }
0x89: {  	s3 =	sld [smem:$0x3FFE];
	_ =	sdelay $0x1  }
0x8a: {  	s1 =	srdreg.scid  }
0x8b: {  	s0 =	sand.u32 $0x1, s1  }
0x8c: {  	s16 =	sshll.u32 s0, $0xA;
	s2 =	sadd.s32 s3, s2  }
0x8d: {  	s2 =	sadd.s32 s2, s16  }
0x8e: {  	[smem:$0x3FC3] =	sst s2  }
0x8f: {  	_ = 	snop  }
0x90: {  	(tm) =	ssettm $0x1  }
0x91: {  	s17 =	sld [smem:$0x3FFB];
	_ =	sdelay $0x3  }
0x92: {  	_ =	strace s17  }
0x93: {  	s2 =	sld [smem:$0x3FFC];
	_ =	sdelay $0x3  }
0x94: {  	_ =	strace s2  }
0x95: {  	s2 =	sld [smem:$0x3FFD];
	_ =	sdelay $0x3  }
0x96: {  	_ =	strace s2  }
0x97: {  	_ =	strace $0x8FFFFFFF  }
0x98: {  	s18 =	sld [smem:$0x3FDB];
	_ =	sdelay $0x1  }
0x99: {  	s19 =	simm.s32 $_scs_section_size  }
0x9a: {  	s4 =	simm.s32 $_size__tile_overlayer_lowered;
	s5 =	simm.s32 $_tile_overlayer_lowered  }
0x9b: {  	s22 =	simm.s32 $0x1BFF;
	s21 =	sshll.u32 s5, $0x1;
	s2 =	sadd.s32 s19, s18  }
0x9c: {  	s6 =	simm.s32 $0x0;
	s20 =	sshll.u32 s4, $0x1;
	s4 =	sadd.s32 s21, s2  }
0x9d: {  	[timem:s6], [sflag:s22] =	dma.local [hbm:s4], s20  }
0x9e: {  	_ =	swait.ge [sflag:s22], s20  }
0x9f: {  	s3 =	ssub.s32 $0x0, s20;
	[sflag:s22] =	ssyncset.done $0x0  }
0xa0: {  	[sflag:s22] =	ssyncadd.s32 s3;
	_ =	sdelay $0x1  }
0xa1: {  	s23 =	simm.s32 $0x1B8B  }
0xa2: {  	_ =	swait.ge [sflag:s23], $0x1  }
0xa3: {  	[sflag:s23] =	ssyncset.done $0x0  }
0xa4: {  	s25 =	simm.s32 $0x1B8E;
	s24 =	sld [smem:$0x3FFE];
	[sflag:s23] =	ssyncadd.s32 $0xFFFFFFFF  }
0xa5: {  	s26 =	simm.s32 $execute0_lowered;
	[smem:$0x3FD2] =	sst s25  }
0xa6: {  	s4 =	sshll.u32 s26, $0x1;
	_ =	strace $0x80000049;
	[dreg:$0x1] =	wrdreg $0xFFFFFFFF  }
0xa7: {  	s28 =	simm.s32 $_size_execute0_lowered;
	s2 =	sadd.s32 s2, s4;
	[dreg:$0x0] =	wrdreg $0x0  }
0xa8: {  	s4 =	sshll.u32 s28, $0x1;
	[dreg:$0x2] =	wrdreg s2  }
0xa9: {  	[dreg:$0x3] =	wrdreg s4  }
0xaa: {  	[dreg:$0x4] =	wrdreg $0xC0  }
0xab: {  	_ =	task [dreg:s6], $0x5FFFF  }
0xac: {  	[dreg:$0x1] =	wrdreg $0xFFFFFFFF  }
0xad: {  	[dreg:$0x0] =	wrdreg $0x60  }
0xae: {  	[dreg:$0x2] =	wrdreg s24  }
0xaf: {  	[dreg:$0x3] =	wrdreg $0x150000  }
0xb0: {  	[dreg:$0x4] =	wrdreg $0x9  }
0xb1: {  	_ =	task.clear_ibuf [dreg:s6], $0x5FFFF;
	_ =	strace $0x90000049  }
0xb2: {  	s29 =	simm.s32 $0x9;
	_ =	strace $0x8000004B  }
0xb3: {  	_ =	swait.ge [sflag:s29], $0x1  }
0xb4: {  	[sflag:s29] =	ssyncadd.s32 $0xFFFFFFFF  }
0xb5: {  	_ =	strace $0x9000004B  }
0xb6: {  	_ =	sfence  }
0xb7: {  	s30 =	sld [smem:$0x0];
	_ =	sdelay $0x2  }
0xb8: {  	s31 =	sshll.u32 s1, $0xD;
	s1 =	sshrl.u32 s1, $0x2  }
0xb9: {  	s3 =	sand.u32 $0x4000, s31;
	s1 =	sadd.s32 s1, s30  }
0xba: {  	s0 =	sor.u32 s3, s0;
	s1 =	sshll.u32 s1, $0x11  }
0xbb: {  	s0 =	sor.u32 s1, s0  }
0xbc: {  	s0 =	sadd.s32 $0x8F2B, s0  }
0xbd: {  	[sflag:s0] =	ssyncadd.remote.s32 $0x1  }
0xbe: {  	_ =	sfence.sel $0xFFFF  }
0xbf: {  	[dreg:$0x0] =	wrdreg $0xFFFFFFFF;
	(pc) =	sbr.abs _section_cstart, $3  }
0xc0: {  	[dreg:$0x1] =	wrdreg $0xFFFFFFFF  }
0xc1: {  	_ =	task.clear_ibuf [dreg:s6], $0x2FFFF;
	_ =	strace $0x9FFFFFFF  }
0xc2: {  	(tm) =	ssettm $0x7FFFFFFF  }
0xc3: {  	_ =	shalt  }
tec
execute0_lowered:
.L_overlay_start_1:
0x0: {  	(tag) =	ssettag $0x1  }
0x1: {  	s1 =	srdreg.scid  }
0x2: {  	s0 =	stileid.u32;
	s5 =	rddreg [dreg:$0x0]  }
0x3: {  	s2 =	rddreg [dreg:$0x1];
	s3 =	simm.s32 $0x0;
	s12 =	simm.s32 $0x5000  }
0x4: {  	s13 =	simm.s32 $0x5;
	s14 =	simm.s32 $0x2800;
	s15 =	simm.s32 $0x80  }
0x5: {  	s16 =	simm.s32 $0x9000;
	s17 =	simm.s32 $0x100;
	s18 =	simm.s32 $0xD000  }
0x6: {  	s19 =	simm.s32 $0x1;
	s20 =	simm.s32 $0x11000;
	s4 =	smul.u32 $0x5000, s0  }
0x7: {  	s21 =	simm.s32 $0x2;
	s22 =	simm.s32 $0x3;
	s25 =	smul.u32 $0xA400, s0  }
0x8: {  	s23 =	simm.s32 $0x4;
	s6 =	sand.u32 $0x1, s1;
	s10 =	smul.u32 $0x29000, s0  }
0x9: {  	s24 =	simm.s32 $0x4E00;
	s28 =	simm.s32 $0x4F00;
	s7 =	smul.u32 $0x52800, s6  }
0xa: {  	s29 =	simm.s32 $0x4F80;
	[smem:$0x7FF] =	sst s3;
	s8 =	smul.u32 $0xA4000, s6  }
0xb: {  	_ =	strace $0x8000004A;
	s6 =	ssub.s32 $0x2, s6;
	s26 =	sshrl.u32 s10, $0x2  }
0xc: {  	s31 =	sshrl.u32 s6, $0x1;
	s4 =	sadd.s32 s7, s4;
	s7 =	sadd.s32 s25, s8  }
0xd: {  	s11 =	ssub.s32 s6, s31;
	s25 =	simm.s32 $0x2780;
	s9 =	sshrl.u32 s4, $0x3  }
0xe: {  	s4 =	sadd.s32 $0x3A00, s5;
	s7 =	sshrl.u32 s7, $0x3;
	s11 =	smax.u32 s11, $0x1  }
0xf: {  	s9 =	sadd.s32 s9, s5;
	s30 =	sadd.s32 s7, s5;
	s5 =	sadd.s32 s26, s2  }
0x10: {  	s26 =	simm.s32 $0x4E80;
	s6 =	sadd.s32 $0x4000, s5;
	s7 =	sadd.s32 $0x8000, s5  }
0x11: {  	v0 =	vimm.f32 $0.0e+00;
	s8 =	sadd.s32 $0x40A00, s9;
	s9 =	sadd.s32 $0x54A00, s9;
	s10 =	sadd.s32 $0x90A00, s30  }
.LBB2_1:
0x12: {  	s30 =	simm.s32 $0x0;
	s31 =	simm.s32 $0x200  }
.LBB2_2:
0x13: {  	p0 =	sne.s32 s31, $0xFE00;
	[tilespmem:s30+$0x5070] =	vst v0  }
0x14: {  	[tilespmem:s30+$0x5000] =	vst v0  }
0x15: {  	[tilespmem:s30+$0x5010] =	vst v0  }
.Ltmp0:
0x16: {  	[tilespmem:s30+$0x5020] =	vst v0;
	(pc) =	sbr.rel @p0 .LBB2_2-.Ltmp0, $4  }
0x17: {  	[tilespmem:s30+$0x5030] =	vst v0  }
0x18: {  	[tilespmem:s30+$0x5040] =	vst v0  }
0x19: {  	[tilespmem:s30+$0x5050] =	vst v0  }
0x1a: {  	[tilespmem:s30+$0x5060] =	vst v0;
	s30 =	sshra.s32 s31, $0x2;
	s31 =	sadd.s32 $0x200, s31  }
0x1b: {  	[tilespmem:s30+$0x5070] =	vst v0  }
0x1c: {  	[tilespmem:s30+$0x5000] =	vst v0  }
0x1d: {  	[tilespmem:s30+$0x5010] =	vst v0  }
0x1e: {  	[tilespmem:s30+$0x5020] =	vst v0  }
0x1f: {  	[tilespmem:s30+$0x5030] =	vst v0  }
0x20: {  	[tilespmem:s30+$0x5040] =	vst v0  }
0x21: {  	[tilespmem:s30+$0x5050] =	vst v0  }
0x22: {  	[tilespmem:s30+$0x5060] =	vst v0  }
0x23: {  	[spmem:s5] =	stream.linear.scatter [tilespmem:s12], [sflag:$0x5], $0x4000, $0x38;
	[tilespmem:$0x1F400] =	vst v63  }
0x24: {  	_ =	swait.ge [sflag:s13], $0x4000  }
0x25: {  	[sflag:s13] =	ssyncset.done $0x0  }
0x26: {  	[sflag:s13] =	ssyncadd.s32 $0xFFFFC000  }
0x27: {  	[spmem:s6] =	stream.linear.scatter [tilespmem:s12], [sflag:$0x5], $0x4000, $0x38;
	[tilespmem:$0x1F400] =	vst v63  }
0x28: {  	_ =	swait.ge [sflag:s13], $0x4000  }
0x29: {  	[sflag:s13] =	ssyncset.done $0x0  }
0x2a: {  	[sflag:s13] =	ssyncadd.s32 $0xFFFFC000  }
0x2b: {  	[spmem:s7] =	stream.linear.scatter [tilespmem:s12], [sflag:$0x5], $0x2400, $0x38;
	[tilespmem:$0x1F400] =	vst v63  }
0x2c: {  	_ =	swait.ge [sflag:s13], $0x2400  }
0x2d: {  	[sflag:s13] =	ssyncset.done $0x0  }
0x2e: {  	s30 =	simm.s32 $0x0;
	[sflag:s13] =	ssyncadd.s32 $0xFFFFDC00  }
0x2f: {  	[tilespmem:s30], [sflag:$0x5] =	stream.linear.gather [hbm4b:s8+s30], $0x2800, $0x38;
	[tilespmem:$0x1F400] =	vst v63  }
0x30: {  	_ =	swait.ge [sflag:s13], $0x2800  }
0x31: {  	[sflag:s13] =	ssyncset.done $0x0  }
0x32: {  	[sflag:s13] =	ssyncadd.s32 $0xFFFFD800  }
0x33: {  	[tilespmem:s14], [sflag:$0x5] =	stream.linear.gather [hbm4b:s9+s30], $0x2800, $0x38;
	[tilespmem:$0x1F400] =	vst v63  }
0x34: {  	_ =	swait.ge [sflag:s13], $0x2800  }
0x35: {  	[sflag:s13] =	ssyncset.done $0x0  }
0x36: {  	[sflag:s13] =	ssyncadd.s32 $0xFFFFD800  }
0x37: {  	[bflag:$0x0] =	sbarrier.arrive $0xFFFF  }
0x38: {  	[tilespmem:s12], [sflag:$0x1] =	stream.indirect.gather [hbm4b:s4+s15], $0x80, s30, s15, $0xb8;
	[tilespmem:$0x1F400] =	vst v63  }
0x39: {  	_ = 	snop  }
0x3a: {  	[tilespmem:s16], [sflag:$0x2] =	stream.indirect.gather [hbm4b:s4+s15], $0x80, s15, s15, $0xb8;
	[tilespmem:$0x1F400] =	vst v63  }
0x3b: {  	_ = 	snop  }
0x3c: {  	[tilespmem:s18], [sflag:$0x3] =	stream.indirect.gather [hbm4b:s4+s15], $0x80, s17, s15, $0xb8;
	[tilespmem:$0x1F400] =	vst v63  }
0x3d: {  	_ =	swait.ge [sflag:s19], $0x4000  }
0x3e: {  	[sflag:s19] =	ssyncset.done $0x0  }
0x3f: {  	s30 =	simm.s32 $0x2800;
	[sflag:s19] =	ssyncadd.s32 $0xFFFFC000  }
0x40: {  	[spmem:s2] =	stream.indirect.scatter.add.f32 [tilespmem:s12], [sflag:$0x5], $0x80, s30, s15, $0xb8;
	[tilespmem:$0x1F400] =	vst v63  }
0x41: {  	_ =	swait.ge [sflag:s13], $0x4000  }
0x42: {  	[sflag:s13] =	ssyncset.done $0x0  }
0x43: {  	s30 =	simm.s32 $0x180;
	[sflag:s13] =	ssyncadd.s32 $0xFFFFC000  }
0x44: {  	[tilespmem:s20], [sflag:$0x4] =	stream.indirect.gather [hbm4b:s4+s15], $0x80, s30, s15, $0xb8;
	[tilespmem:$0x1F400] =	vst v63  }
0x45: {  	_ =	swait.ge [sflag:s21], $0x4000  }
0x46: {  	[sflag:s21] =	ssyncset.done $0x0  }
0x47: {  	s30 =	simm.s32 $0x2880;
	[sflag:s21] =	ssyncadd.s32 $0xFFFFC000  }
0x48: {  	[spmem:s2] =	stream.indirect.scatter.add.f32 [tilespmem:s16], [sflag:$0x5], $0x80, s30, s15, $0xb8;
	[tilespmem:$0x1F400] =	vst v63  }
0x49: {  	_ =	swait.ge [sflag:s13], $0x4000  }
0x4a: {  	[sflag:s13] =	ssyncset.done $0x0  }
0x4b: {  	s30 =	simm.s32 $0x200;
	[sflag:s13] =	ssyncadd.s32 $0xFFFFC000  }
0x4c: {  	[tilespmem:s12], [sflag:$0x1] =	stream.indirect.gather [hbm4b:s4+s15], $0x80, s30, s15, $0xb8;
	[tilespmem:$0x1F400] =	vst v63  }
0x4d: {  	_ =	swait.ge [sflag:s22], $0x4000  }
0x4e: {  	[sflag:s22] =	ssyncset.done $0x0  }
0x4f: {  	s30 =	simm.s32 $0x2900;
	[sflag:s22] =	ssyncadd.s32 $0xFFFFC000  }
0x50: {  	[spmem:s2] =	stream.indirect.scatter.add.f32 [tilespmem:s18], [sflag:$0x5], $0x80, s30, s15, $0xb8;
	[tilespmem:$0x1F400] =	vst v63  }
0x51: {  	_ =	swait.ge [sflag:s13], $0x4000  }
0x52: {  	[sflag:s13] =	ssyncset.done $0x0  }
0x53: {  	s30 =	simm.s32 $0x280;
	[sflag:s13] =	ssyncadd.s32 $0xFFFFC000  }
0x54: {  	[tilespmem:s16], [sflag:$0x2] =	stream.indirect.gather [hbm4b:s4+s15], $0x80, s30, s15, $0xb8;
	[tilespmem:$0x1F400] =	vst v63  }
0x55: {  	_ =	swait.ge [sflag:s23], $0x4000  }
0x56: {  	[sflag:s23] =	ssyncset.done $0x0  }
0x57: {  	s30 =	simm.s32 $0x2980;
	[sflag:s23] =	ssyncadd.s32 $0xFFFFC000  }
0x58: {  	[spmem:s2] =	stream.indirect.scatter.add.f32 [tilespmem:s20], [sflag:$0x5], $0x80, s30, s15, $0xb8;
	[tilespmem:$0x1F400] =	vst v63  }
0x59: {  	_ =	swait.ge [sflag:s13], $0x4000  }
0x5a: {  	[sflag:s13] =	ssyncset.done $0x0  }
0x5b: {  	s31 =	simm.s32 $0x300;
	s30 =	simm.s32 $0x800;
	[sflag:s13] =	ssyncadd.s32 $0xFFFFC000  }
.LBB2_4:
0x5c: {  	[tilespmem:s18], [sflag:$0x3] =	stream.indirect.gather [hbm4b:s4+s15], $0x80, s31, s15, $0xb8;
	[tilespmem:$0x1F400] =	vst v63  }
0x5d: {  	s31 =	smov.u32 s30  }
0x5e: {  	p0 =	sne.s32 s30, $0x9000;
	s30 =	sadd.s32 $0x800, s30;
	_ =	swait.ge [sflag:s19], $0x4000  }
0x5f: {  	s31 =	sshra.s32 s31, $0x2;
	[sflag:s19] =	ssyncset.done $0x0  }
0x60: {  	s1 =	sadd.s32 $0x2800, s31;
	[sflag:s19] =	ssyncadd.s32 $0xFFFFC000  }
0x61: {  	[spmem:s2] =	stream.indirect.scatter.add.f32 [tilespmem:s12], [sflag:$0x5], $0x80, s1, s15, $0xb8;
	[tilespmem:$0x1F400] =	vst v63  }
0x62: {  	_ =	swait.ge [sflag:s13], $0x4000  }
0x63: {  	[sflag:s13] =	ssyncset.done $0x0  }
0x64: {  	s1 =	sadd.s32 $0x180, s31;
	[sflag:s13] =	ssyncadd.s32 $0xFFFFC000  }
0x65: {  	[tilespmem:s20], [sflag:$0x4] =	stream.indirect.gather [hbm4b:s4+s15], $0x80, s1, s15, $0xb8;
	[tilespmem:$0x1F400] =	vst v63  }
0x66: {  	_ =	swait.ge [sflag:s21], $0x4000  }
0x67: {  	[sflag:s21] =	ssyncset.done $0x0  }
0x68: {  	s1 =	sadd.s32 $0x2880, s31;
	[sflag:s21] =	ssyncadd.s32 $0xFFFFC000  }
0x69: {  	[spmem:s2] =	stream.indirect.scatter.add.f32 [tilespmem:s16], [sflag:$0x5], $0x80, s1, s15, $0xb8;
	[tilespmem:$0x1F400] =	vst v63  }
0x6a: {  	_ =	swait.ge [sflag:s13], $0x4000  }
0x6b: {  	[sflag:s13] =	ssyncset.done $0x0  }
0x6c: {  	s1 =	sadd.s32 $0x200, s31;
	[sflag:s13] =	ssyncadd.s32 $0xFFFFC000  }
0x6d: {  	[tilespmem:s12], [sflag:$0x1] =	stream.indirect.gather [hbm4b:s4+s15], $0x80, s1, s15, $0xb8;
	[tilespmem:$0x1F400] =	vst v63  }
0x6e: {  	_ =	swait.ge [sflag:s22], $0x4000  }
0x6f: {  	[sflag:s22] =	ssyncset.done $0x0  }
0x70: {  	s1 =	sadd.s32 $0x2900, s31;
	[sflag:s22] =	ssyncadd.s32 $0xFFFFC000  }
0x71: {  	[spmem:s2] =	stream.indirect.scatter.add.f32 [tilespmem:s18], [sflag:$0x5], $0x80, s1, s15, $0xb8;
	[tilespmem:$0x1F400] =	vst v63  }
0x72: {  	_ =	swait.ge [sflag:s13], $0x4000  }
0x73: {  	[sflag:s13] =	ssyncset.done $0x0  }
0x74: {  	s1 =	sadd.s32 $0x280, s31;
	[sflag:s13] =	ssyncadd.s32 $0xFFFFC000  }
0x75: {  	[tilespmem:s16], [sflag:$0x2] =	stream.indirect.gather [hbm4b:s4+s15], $0x80, s1, s15, $0xb8;
	[tilespmem:$0x1F400] =	vst v63  }
0x76: {  	_ =	swait.ge [sflag:s23], $0x4000  }
0x77: {  	[sflag:s23] =	ssyncset.done $0x0  }
.Ltmp1:
0x78: {  	s1 =	sadd.s32 $0x2980, s31;
	[sflag:s23] =	ssyncadd.s32 $0xFFFFC000;
	(pc) =	sbr.rel @p0 .LBB2_4-.Ltmp1, $4  }
0x79: {  	[spmem:s2] =	stream.indirect.scatter.add.f32 [tilespmem:s20], [sflag:$0x5], $0x80, s1, s15, $0xb8;
	[tilespmem:$0x1F400] =	vst v63  }
0x7a: {  	_ =	swait.ge [sflag:s13], $0x4000  }
0x7b: {  	[sflag:s13] =	ssyncset.done $0x0  }
0x7c: {  	s31 =	sadd.s32 $0x300, s31;
	[sflag:s13] =	ssyncadd.s32 $0xFFFFC000  }
0x7d: {  	[tilespmem:s18], [sflag:$0x3] =	stream.indirect.gather [hbm4b:s4+s15], $0x80, s31, s15, $0xb8;
	[tilespmem:$0x1F400] =	vst v63  }
0x7e: {  	_ =	swait.ge [sflag:s19], $0x4000  }
0x7f: {  	[sflag:s19] =	ssyncset.done $0x0  }
0x80: {  	[sflag:s19] =	ssyncadd.s32 $0xFFFFC000  }
0x81: {  	[spmem:s2] =	stream.indirect.scatter.add.f32 [tilespmem:s12], [sflag:$0x5], $0x80, s24, s15, $0xb8;
	[tilespmem:$0x1F400] =	vst v63  }
0x82: {  	_ =	swait.ge [sflag:s13], $0x4000  }
0x83: {  	[sflag:s13] =	ssyncset.done $0x0  }
0x84: {  	[sflag:s13] =	ssyncadd.s32 $0xFFFFC000  }
0x85: {  	[tilespmem:s20], [sflag:$0x4] =	stream.indirect.gather [hbm4b:s4+s15], $0x80, s25, s15, $0xb8;
	[tilespmem:$0x1F400] =	vst v63  }
0x86: {  	_ =	swait.ge [sflag:s21], $0x4000  }
0x87: {  	[sflag:s21] =	ssyncset.done $0x0  }
0x88: {  	[sflag:s21] =	ssyncadd.s32 $0xFFFFC000  }
0x89: {  	[spmem:s2] =	stream.indirect.scatter.add.f32 [tilespmem:s16], [sflag:$0x5], $0x80, s26, s15, $0xb8;
	[tilespmem:$0x1F400] =	vst v63  }
0x8a: {  	_ =	swait.ge [sflag:s13], $0x4000  }
0x8b: {  	[sflag:s13] =	ssyncset.done $0x0  }
0x8c: {  	[sflag:s13] =	ssyncadd.s32 $0xFFFFC000  }
0x8d: {  	_ =	swait.ge [sflag:s22], $0x4000  }
0x8e: {  	[sflag:s22] =	ssyncset.done $0x0  }
0x8f: {  	[sflag:s22] =	ssyncadd.s32 $0xFFFFC000  }
0x90: {  	[spmem:s2] =	stream.indirect.scatter.add.f32 [tilespmem:s18], [sflag:$0x5], $0x80, s28, s15, $0xb8;
	[tilespmem:$0x1F400] =	vst v63  }
0x91: {  	_ =	swait.ge [sflag:s13], $0x4000  }
0x92: {  	[sflag:s13] =	ssyncset.done $0x0  }
0x93: {  	[sflag:s13] =	ssyncadd.s32 $0xFFFFC000  }
0x94: {  	_ =	swait.ge [sflag:s23], $0x4000  }
0x95: {  	[sflag:s23] =	ssyncset.done $0x0  }
0x96: {  	[sflag:s23] =	ssyncadd.s32 $0xFFFFC000  }
0x97: {  	[spmem:s2] =	stream.indirect.scatter.add.f32 [tilespmem:s20], [sflag:$0x5], $0x80, s29, s15, $0xb8;
	[tilespmem:$0x1F400] =	vst v63  }
0x98: {  	_ =	swait.ge [sflag:s13], $0x4000  }
0x99: {  	s1 =	sshll.u32 s0, $0x6;
	s3 =	sadd.s32 $0x1, s3;
	[sflag:s13] =	ssyncset.done $0x0  }
0x9a: {  	s30 =	sshrl.u32 s5, $0x3;
	p0 =	sne.s32 s3, s11;
	[sflag:s13] =	ssyncadd.s32 $0xFFFFC000  }
.Ltmp2:
0x9b: {  	s1 =	sor.u32 $0x1C05, s1;
	[bflag:$0x0] =	sbarrier.arrive $0xFFFF;
	(pc) =	sbr.rel @p0 .LBB2_1-.Ltmp2, $4  }
0x9c: {  	[hbm:s10], [sflag:s1] =	dma.local [spmem:s30], $0x1480  }
0x9d: {  	_ =	swait.ge [sflag:s13], $0x1480  }
0x9e: {  	[sflag:s13] =	ssyncset.done $0x0  }
0x9f: {  	[sflag:s13] =	ssyncadd.s32 $0xFFFFEB80  }
0xa0: {  	_ =	sfence.sel $0x180000  }
0xa1: {  	[bflag:$0x0] =	sbarrier.arrive $0xFFFF  }
0xa2: {  	_ =	strace $0x9000004A  }
0xa3: {  	[bflag:$0x2] =	sbarrier.arrive $0xFFFF  }
0xa4: {  	p0 =	sne.s32 s0, $0x0;
	s0 =	rddreg [dreg:$0x2]  }
0xa5: {  	s0 =	sadd.s32 @!p0 $0x100000, s0  }
0xa6: {  	[sflag:s0] =	ssyncadd.tile.s32 @!p0 $0x1;
	_ =	shalt  }
.Lfunc_end2:
_tile_overlayer_lowered:
.L_overlay_start_2:
0xa7: {  	(tag) =	ssettag $0x2  }
0xa8: {  	s0 =	rddreg [dreg:$0x0];
	s2 =	stileid.u32  }
0xa9: {  	s1 =	rddreg [dreg:$0x1];
	p0 =	sne.s32 s2, $0x0  }
0xaa: {  	s3 =	rddreg [dreg:$0x2];
	[bflag:$0x3] =	sbarrier.arrive $0xFFFF;
	s2 =	simm.s32 @!p0 $0x1C05  }
0xab: {  	[timem:s3], [sflag:s2] =	dma.local @!p0 [hbm:s0], s1  }
0xac: {  	s0 =	simm.s32 @!p0 $0x5  }
0xad: {  	_ =	swait.ge @!p0 [sflag:s0], s1  }
0xae: {  	s1 =	ssub.s32 @!p0 $0x0, s1;
	[sflag:s0] =	ssyncset.done @!p0 $0x0  }
0xaf: {  	[sflag:s0] =	ssyncadd.s32 @!p0 s1  }
0xb0: {  	[bflag:$0x3] =	sbarrier.arrive $0xFFFF  }
0xb1: {  	_ =	shalt  }

// kernel: _run.18.cloned.1.call-start
scs
__scs_entry_jumppad:
0x0: {  	(pc) =	sbr.rel $0x88, $3  }
0x1: {  	(tag) =	ssettag $0x0;
	lr =	simm.s32 $0x1  }
0x2: {  	[smem:$0x3F9C] =	sst lr;
	_ =	strace $0xD0000000  }
0x3: {  	_ = 	snop  }
0x4: {  	_ = 	snop  }
0x5: {  	_ = 	snop  }
0x6: {  	_ = 	snop  }
0x7: {  	_ = 	snop  }
__scs_overlays_trampoline_lowered:
0x8: {  	[smem:$0x3FAB] =	sst s0  }
0x9: {  	[smem:$0x3FAC] =	sst s1  }
0xa: {  	[smem:$0x3FAD] =	sst s2  }
0xb: {  	[smem:$0x3FAE] =	sst s3  }
0xc: {  	[smem:$0x3FAF] =	sst s4  }
0xd: {  	[smem:$0x3FB0] =	sst s5  }
0xe: {  	[smem:$0x3FB1] =	sst s6  }
0xf: {  	[smem:$0x3FB2] =	sst s7  }
0x10: {  	[smem:$0x3FB3] =	sst s8  }
0x11: {  	[smem:$0x3FB4] =	sst s9;
	s0 =	simm.s32 @!p0 $0x0  }
0x12: {  	s1 =	sld [smem:$0x3F9A];
	s0 =	simm.s32 @p0 $0x1  }
0x13: {  	[smem:$0x3FB5] =	sst s0;
	s0 =	simm.s32 @!p1 $0x0  }
0x14: {  	s2 =	sld [smem:$0x3F99];
	s0 =	simm.s32 @p1 $0x1  }
0x15: {  	[smem:$0x3FB6] =	sst s0;
	s0 =	simm.s32 @!p2 $0x0  }
0x16: {  	s3 =	sld [smem:$0x3FDB];
	s0 =	simm.s32 @p2 $0x1  }
0x17: {  	s4 =	simm.s32 $0x1BF5;
	[smem:$0x3FB8] =	sst s0  }
0x18: {  	s0 =	sld [smem:$0x3F9B];
	_ =	swait.ge [sflag:s4], $0x0  }
0x19: {  	s7 =	sld [smem:$0x3F9C]  }
0x1a: {  	s8 =	sadd.s32 $0xFFFFE003, lr  }
0x1b: {  	s9 =	sadd.s32 $0xFFFFFEF7, lr;
	s5 =	simm.s32 $0xFFFFFFFF;
	p2 =	slt.u32 s8, $0xFFFFF086  }
0x1c: {  	p1 =	slt.u32 s9, $0xF7A;
	s5 =	simm.s32 @!p2 $0x0  }
0x1d: {  	s5 =	simm.s32 @p1 $0x1;
	p0 =	seq.s32 s7, s2  }
0x1e: {  	s7 =	smul.u32 @!p0 $0xF7A, s2;
	p2 =	seq.s32 @!p0 s5, $0x0  }
0x1f: {  	s9 =	smul.u32 $0xF7A, s1;
	s8 =	simm.s32 @!p0 $0x1BF5;
	p2 =	por !p2, p0  }
0x20: {  	[sflag:s8] =	ssyncset.s32 @!p0 $0xFFFFF086;
	s6 =	sadd.s32 @!p0 s3, s7;
	s7 =	simm.s32 @!p0 $0x108  }
0x21: {  	s3 =	sadd.s32 s3, s9;
	s6 =	sadd.s32 @!p0 $0x88, s6;
	s7 =	simm.s32 @p2 $0x1082  }
0x22: {  	[simem:s7], [sflag:s8] =	dma.local @!p0 [hbm:s6], $0xF7A  }
0x23: {  	s9 =	sor.u32 $0xD0000000, s2;
	s6 =	simm.s32 $0x108;
	_ =	swait.ge @!p0 [sflag:s8], $0x0  }
0x24: {  	s3 =	sadd.s32 $0x88, s3;
	s6 =	simm.s32 @!p1 $0x1082;
	[sflag:s4] =	ssyncset.s32 $0xFFFFF086  }
0x25: {  	[simem:s6], [sflag:s4] =	dma.local [hbm:s3], $0xF7A  }
0x26: {  	[smem:$0x3F9C] =	sst s1;
	(tag) =	ssettag s2;
	_ =	strace s9  }
0x27: {  	s1 =	sld [smem:$0x3FAC]  }
0x28: {  	s2 =	sld [smem:$0x3FAD]  }
0x29: {  	s4 =	sld [smem:$0x3FAF]  }
0x2a: {  	p0 =	seq.s32 s5, $0x0;
	s5 =	sld [smem:$0x3FB0]  }
0x2b: {  	s6 =	sld [smem:$0x3FB1]  }
0x2c: {  	s7 =	sld [smem:$0x3FB2]  }
0x2d: {  	s3 =	simm.s32 $0x108;
	s8 =	sld [smem:$0x3FB3]  }
0x2e: {  	s3 =	simm.s32 @!p0 $0x1082;
	s9 =	sld [smem:$0x3FB4]  }
0x2f: {  	lr =	sadd.s32 s0, s3;
	s0 =	sld [smem:$0x3FAB]  }
0x30: {  	s3 =	sld [smem:$0x3FAE]  }
0x31: {  	[smem:$0x3FB7] =	sst s10  }
0x32: {  	s10 =	sld [smem:$0x3FB5];
	_ =	sdelay $0x3  }
0x33: {  	p0 =	seq.s32 s10, $0x1;
	s10 =	sld [smem:$0x3FB7];
	_ =	sdelay $0x3  }
0x34: {  	[smem:$0x3FB7] =	sst s10  }
0x35: {  	s10 =	sld [smem:$0x3FB6];
	_ =	sdelay $0x3  }
0x36: {  	p1 =	seq.s32 s10, $0x1;
	s10 =	sld [smem:$0x3FB7];
	_ =	sdelay $0x3  }
0x37: {  	[smem:$0x3FB7] =	sst s10  }
0x38: {  	s10 =	sld [smem:$0x3FB8]  }
0x39: {  	_ = 	snop;
	(pc) =	sbr.ind lr, $3  }
0x3a: {  	_ = 	snop  }
0x3b: {  	_ = 	snop  }
0x3c: {  	p2 =	seq.s32 s10, $0x1;
	s10 =	sld [smem:$0x3FB7]  }
0x3d: {  	_ =	shalt  }
0x3e: {  	_ =	shalt  }
0x3f: {  	_ =	shalt  }
0x40: {  	_ =	shalt  }
0x41: {  	_ =	shalt  }
0x42: {  	_ =	shalt  }
0x43: {  	_ =	shalt  }
0x44: {  	_ =	shalt  }
0x45: {  	_ =	shalt  }
0x46: {  	_ =	shalt  }
0x47: {  	_ =	shalt  }
0x48: {  	_ =	shalt  }
0x49: {  	_ =	shalt  }
0x4a: {  	_ =	shalt  }
0x4b: {  	_ =	shalt  }
0x4c: {  	_ =	shalt  }
0x4d: {  	_ =	shalt  }
0x4e: {  	_ =	shalt  }
0x4f: {  	_ =	shalt  }
0x50: {  	_ =	shalt  }
0x51: {  	_ =	shalt  }
0x52: {  	_ =	shalt  }
0x53: {  	_ =	shalt  }
0x54: {  	_ =	shalt  }
0x55: {  	_ =	shalt  }
0x56: {  	_ =	shalt  }
0x57: {  	_ =	shalt  }
0x58: {  	_ =	shalt  }
0x59: {  	_ =	shalt  }
0x5a: {  	_ =	shalt  }
0x5b: {  	_ =	shalt  }
0x5c: {  	_ =	shalt  }
0x5d: {  	_ =	shalt  }
0x5e: {  	_ =	shalt  }
0x5f: {  	_ =	shalt  }
0x60: {  	_ =	shalt  }
0x61: {  	_ =	shalt  }
0x62: {  	_ =	shalt  }
0x63: {  	_ =	shalt  }
0x64: {  	_ =	shalt  }
0x65: {  	_ =	shalt  }
0x66: {  	_ =	shalt  }
0x67: {  	_ =	shalt  }
0x68: {  	_ =	shalt  }
0x69: {  	_ =	shalt  }
0x6a: {  	_ =	shalt  }
0x6b: {  	_ =	shalt  }
0x6c: {  	_ =	shalt  }
0x6d: {  	_ =	shalt  }
0x6e: {  	_ =	shalt  }
0x6f: {  	_ =	shalt  }
0x70: {  	_ =	shalt  }
0x71: {  	_ =	shalt  }
0x72: {  	_ =	shalt  }
0x73: {  	_ =	shalt  }
0x74: {  	_ =	shalt  }
0x75: {  	_ =	shalt  }
0x76: {  	_ =	shalt  }
0x77: {  	_ =	shalt  }
0x78: {  	_ =	shalt  }
0x79: {  	_ =	shalt  }
0x7a: {  	_ =	shalt  }
0x7b: {  	_ =	shalt  }
0x7c: {  	_ =	shalt  }
0x7d: {  	_ =	shalt  }
0x7e: {  	_ =	shalt  }
0x7f: {  	_ =	shalt  }
0x80: {  	_ =	shalt  }
0x81: {  	_ =	shalt  }
0x82: {  	_ =	shalt  }
0x83: {  	_ =	shalt  }
0x84: {  	_ =	shalt  }
0x85: {  	_ =	shalt  }
0x86: {  	_ =	shalt  }
0x87: {  	_ =	shalt  }
.Lfunc_end0:
.L_simem_size_0:
called_computation.2_lowered:
.L_overlay_start_0:
0x88: {  	s2 =	sld [smem:$0x3FD9]  }
0x89: {  	s3 =	sld [smem:$0x3FFE];
	_ =	sdelay $0x1  }
0x8a: {  	s1 =	srdreg.scid  }
0x8b: {  	s0 =	sand.u32 $0x1, s1  }
0x8c: {  	s16 =	sshll.u32 s0, $0xA;
	s2 =	sadd.s32 s3, s2  }
0x8d: {  	s2 =	sadd.s32 s2, s16  }
0x8e: {  	[smem:$0x3FC3] =	sst s2  }
0x8f: {  	_ = 	snop  }
0x90: {  	(tm) =	ssettm $0x1  }
0x91: {  	s17 =	sld [smem:$0x3FFB];
	_ =	sdelay $0x3  }
0x92: {  	_ =	strace s17  }
0x93: {  	s2 =	sld [smem:$0x3FFC];
	_ =	sdelay $0x3  }
0x94: {  	_ =	strace s2  }
0x95: {  	s2 =	sld [smem:$0x3FFD];
	_ =	sdelay $0x3  }
0x96: {  	_ =	strace s2  }
0x97: {  	_ =	strace $0x8FFFFFFF  }
0x98: {  	s18 =	sld [smem:$0x3FDB];
	_ =	sdelay $0x1  }
0x99: {  	s19 =	simm.s32 $_scs_section_size  }
0x9a: {  	s4 =	simm.s32 $_size__tile_overlayer_lowered;
	s5 =	simm.s32 $_tile_overlayer_lowered  }
0x9b: {  	s22 =	simm.s32 $0x1BFF;
	s21 =	sshll.u32 s5, $0x1;
	s2 =	sadd.s32 s19, s18  }
0x9c: {  	s6 =	simm.s32 $0x0;
	s20 =	sshll.u32 s4, $0x1;
	s4 =	sadd.s32 s21, s2  }
0x9d: {  	[timem:s6], [sflag:s22] =	dma.local [hbm:s4], s20  }
0x9e: {  	_ =	swait.ge [sflag:s22], s20  }
0x9f: {  	s3 =	ssub.s32 $0x0, s20;
	[sflag:s22] =	ssyncset.done $0x0  }
0xa0: {  	[sflag:s22] =	ssyncadd.s32 s3;
	_ =	sdelay $0x1  }
0xa1: {  	s23 =	simm.s32 $0x1B8B  }
0xa2: {  	_ =	swait.ge [sflag:s23], $0x1  }
0xa3: {  	[sflag:s23] =	ssyncset.done $0x0  }
0xa4: {  	s25 =	simm.s32 $0x1B8E;
	s24 =	sld [smem:$0x3FFE];
	[sflag:s23] =	ssyncadd.s32 $0xFFFFFFFF  }
0xa5: {  	s26 =	simm.s32 $execute0_lowered;
	[smem:$0x3FD2] =	sst s25  }
0xa6: {  	s4 =	sshll.u32 s26, $0x1;
	_ =	strace $0x8000004C;
	[dreg:$0x1] =	wrdreg $0xFFFFFFFF  }
0xa7: {  	s28 =	simm.s32 $_size_execute0_lowered;
	s2 =	sadd.s32 s2, s4;
	[dreg:$0x0] =	wrdreg $0x0  }
0xa8: {  	s4 =	sshll.u32 s28, $0x1;
	[dreg:$0x2] =	wrdreg s2  }
0xa9: {  	[dreg:$0x3] =	wrdreg s4  }
0xaa: {  	[dreg:$0x4] =	wrdreg $0xC0  }
0xab: {  	_ =	task [dreg:s6], $0x5FFFF  }
0xac: {  	[dreg:$0x1] =	wrdreg $0xFFFFFFFF  }
0xad: {  	[dreg:$0x0] =	wrdreg $0x60  }
0xae: {  	[dreg:$0x2] =	wrdreg s24  }
0xaf: {  	[dreg:$0x3] =	wrdreg $0x150000  }
0xb0: {  	[dreg:$0x4] =	wrdreg $0x9  }
0xb1: {  	_ =	task.clear_ibuf [dreg:s6], $0x5FFFF;
	_ =	strace $0x9000004C  }
0xb2: {  	s29 =	simm.s32 $0x9;
	_ =	strace $0x8000004E  }
0xb3: {  	_ =	swait.ge [sflag:s29], $0x1  }
0xb4: {  	[sflag:s29] =	ssyncadd.s32 $0xFFFFFFFF  }
0xb5: {  	_ =	strace $0x9000004E  }
0xb6: {  	_ =	sfence  }
0xb7: {  	s30 =	sld [smem:$0x0];
	_ =	sdelay $0x2  }
0xb8: {  	s31 =	sshll.u32 s1, $0xD;
	s1 =	sshrl.u32 s1, $0x2  }
0xb9: {  	s3 =	sand.u32 $0x4000, s31;
	s1 =	sadd.s32 s1, s30  }
0xba: {  	s0 =	sor.u32 s3, s0;
	s1 =	sshll.u32 s1, $0x11  }
0xbb: {  	s0 =	sor.u32 s1, s0  }
0xbc: {  	s0 =	sadd.s32 $0x8F2B, s0  }
0xbd: {  	[sflag:s0] =	ssyncadd.remote.s32 $0x1  }
0xbe: {  	_ =	sfence.sel $0xFFFF  }
0xbf: {  	[dreg:$0x0] =	wrdreg $0xFFFFFFFF;
	(pc) =	sbr.abs _section_cstart, $3  }
0xc0: {  	[dreg:$0x1] =	wrdreg $0xFFFFFFFF  }
0xc1: {  	_ =	task.clear_ibuf [dreg:s6], $0x2FFFF;
	_ =	strace $0x9FFFFFFF  }
0xc2: {  	(tm) =	ssettm $0x7FFFFFFF  }
0xc3: {  	_ =	shalt  }
tec
execute0_lowered:
.L_overlay_start_1:
0x0: {  	(tag) =	ssettag $0x1  }
0x1: {  	s1 =	srdreg.scid  }
0x2: {  	s0 =	stileid.u32;
	s5 =	rddreg [dreg:$0x0]  }
0x3: {  	s2 =	rddreg [dreg:$0x1];
	s3 =	simm.s32 $0x0;
	s12 =	simm.s32 $0x5000  }
0x4: {  	s13 =	simm.s32 $0x5;
	s14 =	simm.s32 $0x2800;
	s15 =	simm.s32 $0x80  }
0x5: {  	s16 =	simm.s32 $0x9000;
	s17 =	simm.s32 $0x100;
	s18 =	simm.s32 $0xD000  }
0x6: {  	s19 =	simm.s32 $0x1;
	s20 =	simm.s32 $0x11000;
	s4 =	smul.u32 $0x5000, s0  }
0x7: {  	s21 =	simm.s32 $0x2;
	s22 =	simm.s32 $0x3;
	s25 =	smul.u32 $0xA400, s0  }
0x8: {  	s23 =	simm.s32 $0x4;
	s6 =	sand.u32 $0x1, s1;
	s10 =	smul.u32 $0x29000, s0  }
0x9: {  	s24 =	simm.s32 $0x4E00;
	s28 =	simm.s32 $0x4F00;
	s7 =	smul.u32 $0x52800, s6  }
0xa: {  	s29 =	simm.s32 $0x4F80;
	[smem:$0x7FF] =	sst s3;
	s8 =	smul.u32 $0xA4000, s6  }
0xb: {  	_ =	strace $0x8000004D;
	s6 =	ssub.s32 $0x2, s6;
	s26 =	sshrl.u32 s10, $0x2  }
0xc: {  	s31 =	sshrl.u32 s6, $0x1;
	s4 =	sadd.s32 s7, s4;
	s7 =	sadd.s32 s25, s8  }
0xd: {  	s11 =	ssub.s32 s6, s31;
	s25 =	simm.s32 $0x2780;
	s9 =	sshrl.u32 s4, $0x3  }
0xe: {  	s4 =	sadd.s32 $0x3A00, s5;
	s7 =	sshrl.u32 s7, $0x3;
	s11 =	smax.u32 s11, $0x1  }
0xf: {  	s9 =	sadd.s32 s9, s5;
	s30 =	sadd.s32 s7, s5;
	s5 =	sadd.s32 s26, s2  }
0x10: {  	s26 =	simm.s32 $0x4E80;
	s6 =	sadd.s32 $0x4000, s5;
	s7 =	sadd.s32 $0x8000, s5  }
0x11: {  	v0 =	vimm.f32 $0.0e+00;
	s8 =	sadd.s32 $0x40A00, s9;
	s9 =	sadd.s32 $0x54A00, s9;
	s10 =	sadd.s32 $0x90A00, s30  }
.LBB2_1:
0x12: {  	s30 =	simm.s32 $0x0;
	s31 =	simm.s32 $0x200  }
.LBB2_2:
0x13: {  	p0 =	sne.s32 s31, $0xFE00;
	[tilespmem:s30+$0x5070] =	vst v0  }
0x14: {  	[tilespmem:s30+$0x5000] =	vst v0  }
0x15: {  	[tilespmem:s30+$0x5010] =	vst v0  }
.Ltmp0:
0x16: {  	[tilespmem:s30+$0x5020] =	vst v0;
	(pc) =	sbr.rel @p0 .LBB2_2-.Ltmp0, $4  }
0x17: {  	[tilespmem:s30+$0x5030] =	vst v0  }
0x18: {  	[tilespmem:s30+$0x5040] =	vst v0  }
0x19: {  	[tilespmem:s30+$0x5050] =	vst v0  }
0x1a: {  	[tilespmem:s30+$0x5060] =	vst v0;
	s30 =	sshra.s32 s31, $0x2;
	s31 =	sadd.s32 $0x200, s31  }
0x1b: {  	[tilespmem:s30+$0x5070] =	vst v0  }
0x1c: {  	[tilespmem:s30+$0x5000] =	vst v0  }
0x1d: {  	[tilespmem:s30+$0x5010] =	vst v0  }
0x1e: {  	[tilespmem:s30+$0x5020] =	vst v0  }
0x1f: {  	[tilespmem:s30+$0x5030] =	vst v0  }
0x20: {  	[tilespmem:s30+$0x5040] =	vst v0  }
0x21: {  	[tilespmem:s30+$0x5050] =	vst v0  }
0x22: {  	[tilespmem:s30+$0x5060] =	vst v0  }
0x23: {  	[spmem:s5] =	stream.linear.scatter [tilespmem:s12], [sflag:$0x5], $0x4000, $0x38;
	[tilespmem:$0x1F400] =	vst v63  }
0x24: {  	_ =	swait.ge [sflag:s13], $0x4000  }
0x25: {  	[sflag:s13] =	ssyncset.done $0x0  }
0x26: {  	[sflag:s13] =	ssyncadd.s32 $0xFFFFC000  }
0x27: {  	[spmem:s6] =	stream.linear.scatter [tilespmem:s12], [sflag:$0x5], $0x4000, $0x38;
	[tilespmem:$0x1F400] =	vst v63  }
0x28: {  	_ =	swait.ge [sflag:s13], $0x4000  }
0x29: {  	[sflag:s13] =	ssyncset.done $0x0  }
0x2a: {  	[sflag:s13] =	ssyncadd.s32 $0xFFFFC000  }
0x2b: {  	[spmem:s7] =	stream.linear.scatter [tilespmem:s12], [sflag:$0x5], $0x2400, $0x38;
	[tilespmem:$0x1F400] =	vst v63  }
0x2c: {  	_ =	swait.ge [sflag:s13], $0x2400  }
0x2d: {  	[sflag:s13] =	ssyncset.done $0x0  }
0x2e: {  	s30 =	simm.s32 $0x0;
	[sflag:s13] =	ssyncadd.s32 $0xFFFFDC00  }
0x2f: {  	[tilespmem:s30], [sflag:$0x5] =	stream.linear.gather [hbm4b:s8+s30], $0x2800, $0x38;
	[tilespmem:$0x1F400] =	vst v63  }
0x30: {  	_ =	swait.ge [sflag:s13], $0x2800  }
0x31: {  	[sflag:s13] =	ssyncset.done $0x0  }
0x32: {  	[sflag:s13] =	ssyncadd.s32 $0xFFFFD800  }
0x33: {  	[tilespmem:s14], [sflag:$0x5] =	stream.linear.gather [hbm4b:s9+s30], $0x2800, $0x38;
	[tilespmem:$0x1F400] =	vst v63  }
0x34: {  	_ =	swait.ge [sflag:s13], $0x2800  }
0x35: {  	[sflag:s13] =	ssyncset.done $0x0  }
0x36: {  	[sflag:s13] =	ssyncadd.s32 $0xFFFFD800  }
0x37: {  	[bflag:$0x0] =	sbarrier.arrive $0xFFFF  }
0x38: {  	[tilespmem:s12], [sflag:$0x1] =	stream.indirect.gather [hbm4b:s4+s15], $0x80, s30, s15, $0xb8;
	[tilespmem:$0x1F400] =	vst v63  }
0x39: {  	_ = 	snop  }
0x3a: {  	[tilespmem:s16], [sflag:$0x2] =	stream.indirect.gather [hbm4b:s4+s15], $0x80, s15, s15, $0xb8;
	[tilespmem:$0x1F400] =	vst v63  }
0x3b: {  	_ = 	snop  }
0x3c: {  	[tilespmem:s18], [sflag:$0x3] =	stream.indirect.gather [hbm4b:s4+s15], $0x80, s17, s15, $0xb8;
	[tilespmem:$0x1F400] =	vst v63  }
0x3d: {  	_ =	swait.ge [sflag:s19], $0x4000  }
0x3e: {  	[sflag:s19] =	ssyncset.done $0x0  }
0x3f: {  	s30 =	simm.s32 $0x2800;
	[sflag:s19] =	ssyncadd.s32 $0xFFFFC000  }
0x40: {  	[spmem:s2] =	stream.indirect.scatter.add.f32 [tilespmem:s12], [sflag:$0x5], $0x80, s30, s15, $0xb8;
	[tilespmem:$0x1F400] =	vst v63  }
0x41: {  	_ =	swait.ge [sflag:s13], $0x4000  }
0x42: {  	[sflag:s13] =	ssyncset.done $0x0  }
0x43: {  	s30 =	simm.s32 $0x180;
	[sflag:s13] =	ssyncadd.s32 $0xFFFFC000  }
0x44: {  	[tilespmem:s20], [sflag:$0x4] =	stream.indirect.gather [hbm4b:s4+s15], $0x80, s30, s15, $0xb8;
	[tilespmem:$0x1F400] =	vst v63  }
0x45: {  	_ =	swait.ge [sflag:s21], $0x4000  }
0x46: {  	[sflag:s21] =	ssyncset.done $0x0  }
0x47: {  	s30 =	simm.s32 $0x2880;
	[sflag:s21] =	ssyncadd.s32 $0xFFFFC000  }
0x48: {  	[spmem:s2] =	stream.indirect.scatter.add.f32 [tilespmem:s16], [sflag:$0x5], $0x80, s30, s15, $0xb8;
	[tilespmem:$0x1F400] =	vst v63  }
0x49: {  	_ =	swait.ge [sflag:s13], $0x4000  }
0x4a: {  	[sflag:s13] =	ssyncset.done $0x0  }
0x4b: {  	s30 =	simm.s32 $0x200;
	[sflag:s13] =	ssyncadd.s32 $0xFFFFC000  }
0x4c: {  	[tilespmem:s12], [sflag:$0x1] =	stream.indirect.gather [hbm4b:s4+s15], $0x80, s30, s15, $0xb8;
	[tilespmem:$0x1F400] =	vst v63  }
0x4d: {  	_ =	swait.ge [sflag:s22], $0x4000  }
0x4e: {  	[sflag:s22] =	ssyncset.done $0x0  }
0x4f: {  	s30 =	simm.s32 $0x2900;
	[sflag:s22] =	ssyncadd.s32 $0xFFFFC000  }
0x50: {  	[spmem:s2] =	stream.indirect.scatter.add.f32 [tilespmem:s18], [sflag:$0x5], $0x80, s30, s15, $0xb8;
	[tilespmem:$0x1F400] =	vst v63  }
0x51: {  	_ =	swait.ge [sflag:s13], $0x4000  }
0x52: {  	[sflag:s13] =	ssyncset.done $0x0  }
0x53: {  	s30 =	simm.s32 $0x280;
	[sflag:s13] =	ssyncadd.s32 $0xFFFFC000  }
0x54: {  	[tilespmem:s16], [sflag:$0x2] =	stream.indirect.gather [hbm4b:s4+s15], $0x80, s30, s15, $0xb8;
	[tilespmem:$0x1F400] =	vst v63  }
0x55: {  	_ =	swait.ge [sflag:s23], $0x4000  }
0x56: {  	[sflag:s23] =	ssyncset.done $0x0  }
0x57: {  	s30 =	simm.s32 $0x2980;
	[sflag:s23] =	ssyncadd.s32 $0xFFFFC000  }
0x58: {  	[spmem:s2] =	stream.indirect.scatter.add.f32 [tilespmem:s20], [sflag:$0x5], $0x80, s30, s15, $0xb8;
	[tilespmem:$0x1F400] =	vst v63  }
0x59: {  	_ =	swait.ge [sflag:s13], $0x4000  }
0x5a: {  	[sflag:s13] =	ssyncset.done $0x0  }
0x5b: {  	s31 =	simm.s32 $0x300;
	s30 =	simm.s32 $0x800;
	[sflag:s13] =	ssyncadd.s32 $0xFFFFC000  }
.LBB2_4:
0x5c: {  	[tilespmem:s18], [sflag:$0x3] =	stream.indirect.gather [hbm4b:s4+s15], $0x80, s31, s15, $0xb8;
	[tilespmem:$0x1F400] =	vst v63  }
0x5d: {  	s31 =	smov.u32 s30  }
0x5e: {  	p0 =	sne.s32 s30, $0x9000;
	s30 =	sadd.s32 $0x800, s30;
	_ =	swait.ge [sflag:s19], $0x4000  }
0x5f: {  	s31 =	sshra.s32 s31, $0x2;
	[sflag:s19] =	ssyncset.done $0x0  }
0x60: {  	s1 =	sadd.s32 $0x2800, s31;
	[sflag:s19] =	ssyncadd.s32 $0xFFFFC000  }
0x61: {  	[spmem:s2] =	stream.indirect.scatter.add.f32 [tilespmem:s12], [sflag:$0x5], $0x80, s1, s15, $0xb8;
	[tilespmem:$0x1F400] =	vst v63  }
0x62: {  	_ =	swait.ge [sflag:s13], $0x4000  }
0x63: {  	[sflag:s13] =	ssyncset.done $0x0  }
0x64: {  	s1 =	sadd.s32 $0x180, s31;
	[sflag:s13] =	ssyncadd.s32 $0xFFFFC000  }
0x65: {  	[tilespmem:s20], [sflag:$0x4] =	stream.indirect.gather [hbm4b:s4+s15], $0x80, s1, s15, $0xb8;
	[tilespmem:$0x1F400] =	vst v63  }
0x66: {  	_ =	swait.ge [sflag:s21], $0x4000  }
0x67: {  	[sflag:s21] =	ssyncset.done $0x0  }
0x68: {  	s1 =	sadd.s32 $0x2880, s31;
	[sflag:s21] =	ssyncadd.s32 $0xFFFFC000  }
0x69: {  	[spmem:s2] =	stream.indirect.scatter.add.f32 [tilespmem:s16], [sflag:$0x5], $0x80, s1, s15, $0xb8;
	[tilespmem:$0x1F400] =	vst v63  }
0x6a: {  	_ =	swait.ge [sflag:s13], $0x4000  }
0x6b: {  	[sflag:s13] =	ssyncset.done $0x0  }
0x6c: {  	s1 =	sadd.s32 $0x200, s31;
	[sflag:s13] =	ssyncadd.s32 $0xFFFFC000  }
0x6d: {  	[tilespmem:s12], [sflag:$0x1] =	stream.indirect.gather [hbm4b:s4+s15], $0x80, s1, s15, $0xb8;
	[tilespmem:$0x1F400] =	vst v63  }
0x6e: {  	_ =	swait.ge [sflag:s22], $0x4000  }
0x6f: {  	[sflag:s22] =	ssyncset.done $0x0  }
0x70: {  	s1 =	sadd.s32 $0x2900, s31;
	[sflag:s22] =	ssyncadd.s32 $0xFFFFC000  }
0x71: {  	[spmem:s2] =	stream.indirect.scatter.add.f32 [tilespmem:s18], [sflag:$0x5], $0x80, s1, s15, $0xb8;
	[tilespmem:$0x1F400] =	vst v63  }
0x72: {  	_ =	swait.ge [sflag:s13], $0x4000  }
0x73: {  	[sflag:s13] =	ssyncset.done $0x0  }
0x74: {  	s1 =	sadd.s32 $0x280, s31;
	[sflag:s13] =	ssyncadd.s32 $0xFFFFC000  }
0x75: {  	[tilespmem:s16], [sflag:$0x2] =	stream.indirect.gather [hbm4b:s4+s15], $0x80, s1, s15, $0xb8;
	[tilespmem:$0x1F400] =	vst v63  }
0x76: {  	_ =	swait.ge [sflag:s23], $0x4000  }
0x77: {  	[sflag:s23] =	ssyncset.done $0x0  }
.Ltmp1:
0x78: {  	s1 =	sadd.s32 $0x2980, s31;
	[sflag:s23] =	ssyncadd.s32 $0xFFFFC000;
	(pc) =	sbr.rel @p0 .LBB2_4-.Ltmp1, $4  }
0x79: {  	[spmem:s2] =	stream.indirect.scatter.add.f32 [tilespmem:s20], [sflag:$0x5], $0x80, s1, s15, $0xb8;
	[tilespmem:$0x1F400] =	vst v63  }
0x7a: {  	_ =	swait.ge [sflag:s13], $0x4000  }
0x7b: {  	[sflag:s13] =	ssyncset.done $0x0  }
0x7c: {  	s31 =	sadd.s32 $0x300, s31;
	[sflag:s13] =	ssyncadd.s32 $0xFFFFC000  }
0x7d: {  	[tilespmem:s18], [sflag:$0x3] =	stream.indirect.gather [hbm4b:s4+s15], $0x80, s31, s15, $0xb8;
	[tilespmem:$0x1F400] =	vst v63  }
0x7e: {  	_ =	swait.ge [sflag:s19], $0x4000  }
0x7f: {  	[sflag:s19] =	ssyncset.done $0x0  }
0x80: {  	[sflag:s19] =	ssyncadd.s32 $0xFFFFC000  }
0x81: {  	[spmem:s2] =	stream.indirect.scatter.add.f32 [tilespmem:s12], [sflag:$0x5], $0x80, s24, s15, $0xb8;
	[tilespmem:$0x1F400] =	vst v63  }
0x82: {  	_ =	swait.ge [sflag:s13], $0x4000  }
0x83: {  	[sflag:s13] =	ssyncset.done $0x0  }
0x84: {  	[sflag:s13] =	ssyncadd.s32 $0xFFFFC000  }
0x85: {  	[tilespmem:s20], [sflag:$0x4] =	stream.indirect.gather [hbm4b:s4+s15], $0x80, s25, s15, $0xb8;
	[tilespmem:$0x1F400] =	vst v63  }
0x86: {  	_ =	swait.ge [sflag:s21], $0x4000  }
0x87: {  	[sflag:s21] =	ssyncset.done $0x0  }
0x88: {  	[sflag:s21] =	ssyncadd.s32 $0xFFFFC000  }
0x89: {  	[spmem:s2] =	stream.indirect.scatter.add.f32 [tilespmem:s16], [sflag:$0x5], $0x80, s26, s15, $0xb8;
	[tilespmem:$0x1F400] =	vst v63  }
0x8a: {  	_ =	swait.ge [sflag:s13], $0x4000  }
0x8b: {  	[sflag:s13] =	ssyncset.done $0x0  }
0x8c: {  	[sflag:s13] =	ssyncadd.s32 $0xFFFFC000  }
0x8d: {  	_ =	swait.ge [sflag:s22], $0x4000  }
0x8e: {  	[sflag:s22] =	ssyncset.done $0x0  }
0x8f: {  	[sflag:s22] =	ssyncadd.s32 $0xFFFFC000  }
0x90: {  	[spmem:s2] =	stream.indirect.scatter.add.f32 [tilespmem:s18], [sflag:$0x5], $0x80, s28, s15, $0xb8;
	[tilespmem:$0x1F400] =	vst v63  }
0x91: {  	_ =	swait.ge [sflag:s13], $0x4000  }
0x92: {  	[sflag:s13] =	ssyncset.done $0x0  }
0x93: {  	[sflag:s13] =	ssyncadd.s32 $0xFFFFC000  }
0x94: {  	_ =	swait.ge [sflag:s23], $0x4000  }
0x95: {  	[sflag:s23] =	ssyncset.done $0x0  }
0x96: {  	[sflag:s23] =	ssyncadd.s32 $0xFFFFC000  }
0x97: {  	[spmem:s2] =	stream.indirect.scatter.add.f32 [tilespmem:s20], [sflag:$0x5], $0x80, s29, s15, $0xb8;
	[tilespmem:$0x1F400] =	vst v63  }
0x98: {  	_ =	swait.ge [sflag:s13], $0x4000  }
0x99: {  	s1 =	sshll.u32 s0, $0x6;
	s3 =	sadd.s32 $0x1, s3;
	[sflag:s13] =	ssyncset.done $0x0  }
0x9a: {  	s30 =	sshrl.u32 s5, $0x3;
	p0 =	sne.s32 s3, s11;
	[sflag:s13] =	ssyncadd.s32 $0xFFFFC000  }
.Ltmp2:
0x9b: {  	s1 =	sor.u32 $0x1C05, s1;
	[bflag:$0x0] =	sbarrier.arrive $0xFFFF;
	(pc) =	sbr.rel @p0 .LBB2_1-.Ltmp2, $4  }
0x9c: {  	[hbm:s10], [sflag:s1] =	dma.local [spmem:s30], $0x1480  }
0x9d: {  	_ =	swait.ge [sflag:s13], $0x1480  }
0x9e: {  	[sflag:s13] =	ssyncset.done $0x0  }
0x9f: {  	[sflag:s13] =	ssyncadd.s32 $0xFFFFEB80  }
0xa0: {  	_ =	sfence.sel $0x180000  }
0xa1: {  	[bflag:$0x0] =	sbarrier.arrive $0xFFFF  }
0xa2: {  	_ =	strace $0x9000004D  }
0xa3: {  	[bflag:$0x2] =	sbarrier.arrive $0xFFFF  }
0xa4: {  	p0 =	sne.s32 s0, $0x0;
	s0 =	rddreg [dreg:$0x2]  }
0xa5: {  	s0 =	sadd.s32 @!p0 $0x100000, s0  }
0xa6: {  	[sflag:s0] =	ssyncadd.tile.s32 @!p0 $0x1;
	_ =	shalt  }
.Lfunc_end2:
_tile_overlayer_lowered:
.L_overlay_start_2:
0xa7: {  	(tag) =	ssettag $0x2  }
0xa8: {  	s0 =	rddreg [dreg:$0x0];
	s2 =	stileid.u32  }
0xa9: {  	s1 =	rddreg [dreg:$0x1];
	p0 =	sne.s32 s2, $0x0  }
0xaa: {  	s3 =	rddreg [dreg:$0x2];
	[bflag:$0x3] =	sbarrier.arrive $0xFFFF;
	s2 =	simm.s32 @!p0 $0x1C05  }
0xab: {  	[timem:s3], [sflag:s2] =	dma.local @!p0 [hbm:s0], s1  }
0xac: {  	s0 =	simm.s32 @!p0 $0x5  }
0xad: {  	_ =	swait.ge @!p0 [sflag:s0], s1  }
0xae: {  	s1 =	ssub.s32 @!p0 $0x0, s1;
	[sflag:s0] =	ssyncset.done @!p0 $0x0  }
0xaf: {  	[sflag:s0] =	ssyncadd.s32 @!p0 s1  }
0xb0: {  	[bflag:$0x3] =	sbarrier.arrive $0xFFFF  }
0xb1: {  	_ =	shalt  }

// kernel: _run.21.cloned.1.call-start
scs
__scs_entry_jumppad:
0x0: {  	(pc) =	sbr.rel $0x88, $3  }
0x1: {  	(tag) =	ssettag $0x0;
	lr =	simm.s32 $0x1  }
0x2: {  	[smem:$0x3F9C] =	sst lr;
	_ =	strace $0xD0000000  }
0x3: {  	_ = 	snop  }
0x4: {  	_ = 	snop  }
0x5: {  	_ = 	snop  }
0x6: {  	_ = 	snop  }
0x7: {  	_ = 	snop  }
__scs_overlays_trampoline_lowered:
0x8: {  	[smem:$0x3FAB] =	sst s0  }
0x9: {  	[smem:$0x3FAC] =	sst s1  }
0xa: {  	[smem:$0x3FAD] =	sst s2  }
0xb: {  	[smem:$0x3FAE] =	sst s3  }
0xc: {  	[smem:$0x3FAF] =	sst s4  }
0xd: {  	[smem:$0x3FB0] =	sst s5  }
0xe: {  	[smem:$0x3FB1] =	sst s6  }
0xf: {  	[smem:$0x3FB2] =	sst s7  }
0x10: {  	[smem:$0x3FB3] =	sst s8  }
0x11: {  	[smem:$0x3FB4] =	sst s9;
	s0 =	simm.s32 @!p0 $0x0  }
0x12: {  	s1 =	sld [smem:$0x3F9A];
	s0 =	simm.s32 @p0 $0x1  }
0x13: {  	[smem:$0x3FB5] =	sst s0;
	s0 =	simm.s32 @!p1 $0x0  }
0x14: {  	s2 =	sld [smem:$0x3F99];
	s0 =	simm.s32 @p1 $0x1  }
0x15: {  	[smem:$0x3FB6] =	sst s0;
	s0 =	simm.s32 @!p2 $0x0  }
0x16: {  	s3 =	sld [smem:$0x3FDB];
	s0 =	simm.s32 @p2 $0x1  }
0x17: {  	s4 =	simm.s32 $0x1BF5;
	[smem:$0x3FB8] =	sst s0  }
0x18: {  	s0 =	sld [smem:$0x3F9B];
	_ =	swait.ge [sflag:s4], $0x0  }
0x19: {  	s7 =	sld [smem:$0x3F9C]  }
0x1a: {  	s8 =	sadd.s32 $0xFFFFE003, lr  }
0x1b: {  	s9 =	sadd.s32 $0xFFFFFEF7, lr;
	s5 =	simm.s32 $0xFFFFFFFF;
	p2 =	slt.u32 s8, $0xFFFFF086  }
0x1c: {  	p1 =	slt.u32 s9, $0xF7A;
	s5 =	simm.s32 @!p2 $0x0  }
0x1d: {  	s5 =	simm.s32 @p1 $0x1;
	p0 =	seq.s32 s7, s2  }
0x1e: {  	s7 =	smul.u32 @!p0 $0xF7A, s2;
	p2 =	seq.s32 @!p0 s5, $0x0  }
0x1f: {  	s9 =	smul.u32 $0xF7A, s1;
	s8 =	simm.s32 @!p0 $0x1BF5;
	p2 =	por !p2, p0  }
0x20: {  	[sflag:s8] =	ssyncset.s32 @!p0 $0xFFFFF086;
	s6 =	sadd.s32 @!p0 s3, s7;
	s7 =	simm.s32 @!p0 $0x108  }
0x21: {  	s3 =	sadd.s32 s3, s9;
	s6 =	sadd.s32 @!p0 $0x88, s6;
	s7 =	simm.s32 @p2 $0x1082  }
0x22: {  	[simem:s7], [sflag:s8] =	dma.local @!p0 [hbm:s6], $0xF7A  }
0x23: {  	s9 =	sor.u32 $0xD0000000, s2;
	s6 =	simm.s32 $0x108;
	_ =	swait.ge @!p0 [sflag:s8], $0x0  }
0x24: {  	s3 =	sadd.s32 $0x88, s3;
	s6 =	simm.s32 @!p1 $0x1082;
	[sflag:s4] =	ssyncset.s32 $0xFFFFF086  }
0x25: {  	[simem:s6], [sflag:s4] =	dma.local [hbm:s3], $0xF7A  }
0x26: {  	[smem:$0x3F9C] =	sst s1;
	(tag) =	ssettag s2;
	_ =	strace s9  }
0x27: {  	s1 =	sld [smem:$0x3FAC]  }
0x28: {  	s2 =	sld [smem:$0x3FAD]  }
0x29: {  	s4 =	sld [smem:$0x3FAF]  }
0x2a: {  	p0 =	seq.s32 s5, $0x0;
	s5 =	sld [smem:$0x3FB0]  }
0x2b: {  	s6 =	sld [smem:$0x3FB1]  }
0x2c: {  	s7 =	sld [smem:$0x3FB2]  }
0x2d: {  	s3 =	simm.s32 $0x108;
	s8 =	sld [smem:$0x3FB3]  }
0x2e: {  	s3 =	simm.s32 @!p0 $0x1082;
	s9 =	sld [smem:$0x3FB4]  }
0x2f: {  	lr =	sadd.s32 s0, s3;
	s0 =	sld [smem:$0x3FAB]  }
0x30: {  	s3 =	sld [smem:$0x3FAE]  }
0x31: {  	[smem:$0x3FB7] =	sst s10  }
0x32: {  	s10 =	sld [smem:$0x3FB5];
	_ =	sdelay $0x3  }
0x33: {  	p0 =	seq.s32 s10, $0x1;
	s10 =	sld [smem:$0x3FB7];
	_ =	sdelay $0x3  }
0x34: {  	[smem:$0x3FB7] =	sst s10  }
0x35: {  	s10 =	sld [smem:$0x3FB6];
	_ =	sdelay $0x3  }
0x36: {  	p1 =	seq.s32 s10, $0x1;
	s10 =	sld [smem:$0x3FB7];
	_ =	sdelay $0x3  }
0x37: {  	[smem:$0x3FB7] =	sst s10  }
0x38: {  	s10 =	sld [smem:$0x3FB8]  }
0x39: {  	_ = 	snop;
	(pc) =	sbr.ind lr, $3  }
0x3a: {  	_ = 	snop  }
0x3b: {  	_ = 	snop  }
0x3c: {  	p2 =	seq.s32 s10, $0x1;
	s10 =	sld [smem:$0x3FB7]  }
0x3d: {  	_ =	shalt  }
0x3e: {  	_ =	shalt  }
0x3f: {  	_ =	shalt  }
0x40: {  	_ =	shalt  }
0x41: {  	_ =	shalt  }
0x42: {  	_ =	shalt  }
0x43: {  	_ =	shalt  }
0x44: {  	_ =	shalt  }
0x45: {  	_ =	shalt  }
0x46: {  	_ =	shalt  }
0x47: {  	_ =	shalt  }
0x48: {  	_ =	shalt  }
0x49: {  	_ =	shalt  }
0x4a: {  	_ =	shalt  }
0x4b: {  	_ =	shalt  }
0x4c: {  	_ =	shalt  }
0x4d: {  	_ =	shalt  }
0x4e: {  	_ =	shalt  }
0x4f: {  	_ =	shalt  }
0x50: {  	_ =	shalt  }
0x51: {  	_ =	shalt  }
0x52: {  	_ =	shalt  }
0x53: {  	_ =	shalt  }
0x54: {  	_ =	shalt  }
0x55: {  	_ =	shalt  }
0x56: {  	_ =	shalt  }
0x57: {  	_ =	shalt  }
0x58: {  	_ =	shalt  }
0x59: {  	_ =	shalt  }
0x5a: {  	_ =	shalt  }
0x5b: {  	_ =	shalt  }
0x5c: {  	_ =	shalt  }
0x5d: {  	_ =	shalt  }
0x5e: {  	_ =	shalt  }
0x5f: {  	_ =	shalt  }
0x60: {  	_ =	shalt  }
0x61: {  	_ =	shalt  }
0x62: {  	_ =	shalt  }
0x63: {  	_ =	shalt  }
0x64: {  	_ =	shalt  }
0x65: {  	_ =	shalt  }
0x66: {  	_ =	shalt  }
0x67: {  	_ =	shalt  }
0x68: {  	_ =	shalt  }
0x69: {  	_ =	shalt  }
0x6a: {  	_ =	shalt  }
0x6b: {  	_ =	shalt  }
0x6c: {  	_ =	shalt  }
0x6d: {  	_ =	shalt  }
0x6e: {  	_ =	shalt  }
0x6f: {  	_ =	shalt  }
0x70: {  	_ =	shalt  }
0x71: {  	_ =	shalt  }
0x72: {  	_ =	shalt  }
0x73: {  	_ =	shalt  }
0x74: {  	_ =	shalt  }
0x75: {  	_ =	shalt  }
0x76: {  	_ =	shalt  }
0x77: {  	_ =	shalt  }
0x78: {  	_ =	shalt  }
0x79: {  	_ =	shalt  }
0x7a: {  	_ =	shalt  }
0x7b: {  	_ =	shalt  }
0x7c: {  	_ =	shalt  }
0x7d: {  	_ =	shalt  }
0x7e: {  	_ =	shalt  }
0x7f: {  	_ =	shalt  }
0x80: {  	_ =	shalt  }
0x81: {  	_ =	shalt  }
0x82: {  	_ =	shalt  }
0x83: {  	_ =	shalt  }
0x84: {  	_ =	shalt  }
0x85: {  	_ =	shalt  }
0x86: {  	_ =	shalt  }
0x87: {  	_ =	shalt  }
.Lfunc_end0:
.L_simem_size_0:
called_computation.3_lowered:
.L_overlay_start_0:
0x88: {  	s2 =	sld [smem:$0x3FD9]  }
0x89: {  	s3 =	sld [smem:$0x3FFE];
	_ =	sdelay $0x1  }
0x8a: {  	s1 =	srdreg.scid  }
0x8b: {  	s0 =	sand.u32 $0x1, s1  }
0x8c: {  	s16 =	sshll.u32 s0, $0xA;
	s2 =	sadd.s32 s3, s2  }
0x8d: {  	s2 =	sadd.s32 s2, s16  }
0x8e: {  	[smem:$0x3FC3] =	sst s2  }
0x8f: {  	_ = 	snop  }
0x90: {  	(tm) =	ssettm $0x1  }
0x91: {  	s17 =	sld [smem:$0x3FFB];
	_ =	sdelay $0x3  }
0x92: {  	_ =	strace s17  }
0x93: {  	s2 =	sld [smem:$0x3FFC];
	_ =	sdelay $0x3  }
0x94: {  	_ =	strace s2  }
0x95: {  	s2 =	sld [smem:$0x3FFD];
	_ =	sdelay $0x3  }
0x96: {  	_ =	strace s2  }
0x97: {  	_ =	strace $0x8FFFFFFF  }
0x98: {  	s18 =	sld [smem:$0x3FDB];
	_ =	sdelay $0x1  }
0x99: {  	s19 =	simm.s32 $_scs_section_size  }
0x9a: {  	s4 =	simm.s32 $_size__tile_overlayer_lowered;
	s5 =	simm.s32 $_tile_overlayer_lowered  }
0x9b: {  	s22 =	simm.s32 $0x1BFF;
	s21 =	sshll.u32 s5, $0x1;
	s2 =	sadd.s32 s19, s18  }
0x9c: {  	s6 =	simm.s32 $0x0;
	s20 =	sshll.u32 s4, $0x1;
	s4 =	sadd.s32 s21, s2  }
0x9d: {  	[timem:s6], [sflag:s22] =	dma.local [hbm:s4], s20  }
0x9e: {  	_ =	swait.ge [sflag:s22], s20  }
0x9f: {  	s3 =	ssub.s32 $0x0, s20;
	[sflag:s22] =	ssyncset.done $0x0  }
0xa0: {  	[sflag:s22] =	ssyncadd.s32 s3;
	_ =	sdelay $0x1  }
0xa1: {  	s23 =	simm.s32 $0x1B8B  }
0xa2: {  	_ =	swait.ge [sflag:s23], $0x1  }
0xa3: {  	[sflag:s23] =	ssyncset.done $0x0  }
0xa4: {  	s25 =	simm.s32 $0x1B8E;
	s24 =	sld [smem:$0x3FFE];
	[sflag:s23] =	ssyncadd.s32 $0xFFFFFFFF  }
0xa5: {  	s26 =	simm.s32 $execute0_lowered;
	[smem:$0x3FD2] =	sst s25  }
0xa6: {  	s4 =	sshll.u32 s26, $0x1;
	_ =	strace $0x8000004F;
	[dreg:$0x1] =	wrdreg $0xFFFFFFFF  }
0xa7: {  	s28 =	simm.s32 $_size_execute0_lowered;
	s2 =	sadd.s32 s2, s4;
	[dreg:$0x0] =	wrdreg $0x0  }
0xa8: {  	s4 =	sshll.u32 s28, $0x1;
	[dreg:$0x2] =	wrdreg s2  }
0xa9: {  	[dreg:$0x3] =	wrdreg s4  }
0xaa: {  	[dreg:$0x4] =	wrdreg $0xC0  }
0xab: {  	_ =	task [dreg:s6], $0x5FFFF  }
0xac: {  	[dreg:$0x1] =	wrdreg $0xFFFFFFFF  }
0xad: {  	[dreg:$0x0] =	wrdreg $0x60  }
0xae: {  	[dreg:$0x2] =	wrdreg s24  }
0xaf: {  	[dreg:$0x3] =	wrdreg $0x150000  }
0xb0: {  	[dreg:$0x4] =	wrdreg $0x9  }
0xb1: {  	_ =	task.clear_ibuf [dreg:s6], $0x5FFFF;
	_ =	strace $0x9000004F  }
0xb2: {  	s29 =	simm.s32 $0x9;
	_ =	strace $0x80000051  }
0xb3: {  	_ =	swait.ge [sflag:s29], $0x1  }
0xb4: {  	[sflag:s29] =	ssyncadd.s32 $0xFFFFFFFF  }
0xb5: {  	_ =	strace $0x90000051  }
0xb6: {  	_ =	sfence  }
0xb7: {  	s30 =	sld [smem:$0x0];
	_ =	sdelay $0x2  }
0xb8: {  	s31 =	sshll.u32 s1, $0xD;
	s1 =	sshrl.u32 s1, $0x2  }
0xb9: {  	s3 =	sand.u32 $0x4000, s31;
	s1 =	sadd.s32 s1, s30  }
0xba: {  	s0 =	sor.u32 s3, s0;
	s1 =	sshll.u32 s1, $0x11  }
0xbb: {  	s0 =	sor.u32 s1, s0  }
0xbc: {  	s0 =	sadd.s32 $0x8F2B, s0  }
0xbd: {  	[sflag:s0] =	ssyncadd.remote.s32 $0x1  }
0xbe: {  	_ =	sfence.sel $0xFFFF  }
0xbf: {  	[dreg:$0x0] =	wrdreg $0xFFFFFFFF;
	(pc) =	sbr.abs _section_cstart, $3  }
0xc0: {  	[dreg:$0x1] =	wrdreg $0xFFFFFFFF  }
0xc1: {  	_ =	task.clear_ibuf [dreg:s6], $0x2FFFF;
	_ =	strace $0x9FFFFFFF  }
0xc2: {  	(tm) =	ssettm $0x7FFFFFFF  }
0xc3: {  	_ =	shalt  }
tec
execute0_lowered:
.L_overlay_start_1:
0x0: {  	(tag) =	ssettag $0x1  }
0x1: {  	s1 =	srdreg.scid  }
0x2: {  	s0 =	stileid.u32;
	s5 =	rddreg [dreg:$0x0]  }
0x3: {  	s2 =	rddreg [dreg:$0x1];
	s3 =	simm.s32 $0x0;
	s12 =	simm.s32 $0x5000  }
0x4: {  	s13 =	simm.s32 $0x5;
	s14 =	simm.s32 $0x2800;
	s15 =	simm.s32 $0x80  }
0x5: {  	s16 =	simm.s32 $0x9000;
	s17 =	simm.s32 $0x100;
	s18 =	simm.s32 $0xD000  }
0x6: {  	s19 =	simm.s32 $0x1;
	s20 =	simm.s32 $0x11000;
	s4 =	smul.u32 $0x5000, s0  }
0x7: {  	s21 =	simm.s32 $0x2;
	s22 =	simm.s32 $0x3;
	s25 =	smul.u32 $0xA400, s0  }
0x8: {  	s23 =	simm.s32 $0x4;
	s6 =	sand.u32 $0x1, s1;
	s10 =	smul.u32 $0x29000, s0  }
0x9: {  	s24 =	simm.s32 $0x4E00;
	s28 =	simm.s32 $0x4F00;
	s7 =	smul.u32 $0x52800, s6  }
0xa: {  	s29 =	simm.s32 $0x4F80;
	[smem:$0x7FF] =	sst s3;
	s8 =	smul.u32 $0xA4000, s6  }
0xb: {  	_ =	strace $0x80000050;
	s6 =	ssub.s32 $0x2, s6;
	s26 =	sshrl.u32 s10, $0x2  }
0xc: {  	s31 =	sshrl.u32 s6, $0x1;
	s4 =	sadd.s32 s7, s4;
	s7 =	sadd.s32 s25, s8  }
0xd: {  	s11 =	ssub.s32 s6, s31;
	s25 =	simm.s32 $0x2780;
	s9 =	sshrl.u32 s4, $0x3  }
0xe: {  	s4 =	sadd.s32 $0x3A00, s5;
	s7 =	sshrl.u32 s7, $0x3;
	s11 =	smax.u32 s11, $0x1  }
0xf: {  	s9 =	sadd.s32 s9, s5;
	s30 =	sadd.s32 s7, s5;
	s5 =	sadd.s32 s26, s2  }
0x10: {  	s26 =	simm.s32 $0x4E80;
	s6 =	sadd.s32 $0x4000, s5;
	s7 =	sadd.s32 $0x8000, s5  }
0x11: {  	v0 =	vimm.f32 $0.0e+00;
	s8 =	sadd.s32 $0x40A00, s9;
	s9 =	sadd.s32 $0x54A00, s9;
	s10 =	sadd.s32 $0x90A00, s30  }
.LBB2_1:
0x12: {  	s30 =	simm.s32 $0x0;
	s31 =	simm.s32 $0x200  }
.LBB2_2:
0x13: {  	p0 =	sne.s32 s31, $0xFE00;
	[tilespmem:s30+$0x5070] =	vst v0  }
0x14: {  	[tilespmem:s30+$0x5000] =	vst v0  }
0x15: {  	[tilespmem:s30+$0x5010] =	vst v0  }
.Ltmp0:
0x16: {  	[tilespmem:s30+$0x5020] =	vst v0;
	(pc) =	sbr.rel @p0 .LBB2_2-.Ltmp0, $4  }
0x17: {  	[tilespmem:s30+$0x5030] =	vst v0  }
0x18: {  	[tilespmem:s30+$0x5040] =	vst v0  }
0x19: {  	[tilespmem:s30+$0x5050] =	vst v0  }
0x1a: {  	[tilespmem:s30+$0x5060] =	vst v0;
	s30 =	sshra.s32 s31, $0x2;
	s31 =	sadd.s32 $0x200, s31  }
0x1b: {  	[tilespmem:s30+$0x5070] =	vst v0  }
0x1c: {  	[tilespmem:s30+$0x5000] =	vst v0  }
0x1d: {  	[tilespmem:s30+$0x5010] =	vst v0  }
0x1e: {  	[tilespmem:s30+$0x5020] =	vst v0  }
0x1f: {  	[tilespmem:s30+$0x5030] =	vst v0  }
0x20: {  	[tilespmem:s30+$0x5040] =	vst v0  }
0x21: {  	[tilespmem:s30+$0x5050] =	vst v0  }
0x22: {  	[tilespmem:s30+$0x5060] =	vst v0  }
0x23: {  	[spmem:s5] =	stream.linear.scatter [tilespmem:s12], [sflag:$0x5], $0x4000, $0x38;
	[tilespmem:$0x1F400] =	vst v63  }
0x24: {  	_ =	swait.ge [sflag:s13], $0x4000  }
0x25: {  	[sflag:s13] =	ssyncset.done $0x0  }
0x26: {  	[sflag:s13] =	ssyncadd.s32 $0xFFFFC000  }
0x27: {  	[spmem:s6] =	stream.linear.scatter [tilespmem:s12], [sflag:$0x5], $0x4000, $0x38;
	[tilespmem:$0x1F400] =	vst v63  }
0x28: {  	_ =	swait.ge [sflag:s13], $0x4000  }
0x29: {  	[sflag:s13] =	ssyncset.done $0x0  }
0x2a: {  	[sflag:s13] =	ssyncadd.s32 $0xFFFFC000  }
0x2b: {  	[spmem:s7] =	stream.linear.scatter [tilespmem:s12], [sflag:$0x5], $0x2400, $0x38;
	[tilespmem:$0x1F400] =	vst v63  }
0x2c: {  	_ =	swait.ge [sflag:s13], $0x2400  }
0x2d: {  	[sflag:s13] =	ssyncset.done $0x0  }
0x2e: {  	s30 =	simm.s32 $0x0;
	[sflag:s13] =	ssyncadd.s32 $0xFFFFDC00  }
0x2f: {  	[tilespmem:s30], [sflag:$0x5] =	stream.linear.gather [hbm4b:s8+s30], $0x2800, $0x38;
	[tilespmem:$0x1F400] =	vst v63  }
0x30: {  	_ =	swait.ge [sflag:s13], $0x2800  }
0x31: {  	[sflag:s13] =	ssyncset.done $0x0  }
0x32: {  	[sflag:s13] =	ssyncadd.s32 $0xFFFFD800  }
0x33: {  	[tilespmem:s14], [sflag:$0x5] =	stream.linear.gather [hbm4b:s9+s30], $0x2800, $0x38;
	[tilespmem:$0x1F400] =	vst v63  }
0x34: {  	_ =	swait.ge [sflag:s13], $0x2800  }
0x35: {  	[sflag:s13] =	ssyncset.done $0x0  }
0x36: {  	[sflag:s13] =	ssyncadd.s32 $0xFFFFD800  }
0x37: {  	[bflag:$0x0] =	sbarrier.arrive $0xFFFF  }
0x38: {  	[tilespmem:s12], [sflag:$0x1] =	stream.indirect.gather [hbm4b:s4+s15], $0x80, s30, s15, $0xb8;
	[tilespmem:$0x1F400] =	vst v63  }
0x39: {  	_ = 	snop  }
0x3a: {  	[tilespmem:s16], [sflag:$0x2] =	stream.indirect.gather [hbm4b:s4+s15], $0x80, s15, s15, $0xb8;
	[tilespmem:$0x1F400] =	vst v63  }
0x3b: {  	_ = 	snop  }
0x3c: {  	[tilespmem:s18], [sflag:$0x3] =	stream.indirect.gather [hbm4b:s4+s15], $0x80, s17, s15, $0xb8;
	[tilespmem:$0x1F400] =	vst v63  }
0x3d: {  	_ =	swait.ge [sflag:s19], $0x4000  }
0x3e: {  	[sflag:s19] =	ssyncset.done $0x0  }
0x3f: {  	s30 =	simm.s32 $0x2800;
	[sflag:s19] =	ssyncadd.s32 $0xFFFFC000  }
0x40: {  	[spmem:s2] =	stream.indirect.scatter.add.f32 [tilespmem:s12], [sflag:$0x5], $0x80, s30, s15, $0xb8;
	[tilespmem:$0x1F400] =	vst v63  }
0x41: {  	_ =	swait.ge [sflag:s13], $0x4000  }
0x42: {  	[sflag:s13] =	ssyncset.done $0x0  }
0x43: {  	s30 =	simm.s32 $0x180;
	[sflag:s13] =	ssyncadd.s32 $0xFFFFC000  }
0x44: {  	[tilespmem:s20], [sflag:$0x4] =	stream.indirect.gather [hbm4b:s4+s15], $0x80, s30, s15, $0xb8;
	[tilespmem:$0x1F400] =	vst v63  }
0x45: {  	_ =	swait.ge [sflag:s21], $0x4000  }
0x46: {  	[sflag:s21] =	ssyncset.done $0x0  }
0x47: {  	s30 =	simm.s32 $0x2880;
	[sflag:s21] =	ssyncadd.s32 $0xFFFFC000  }
0x48: {  	[spmem:s2] =	stream.indirect.scatter.add.f32 [tilespmem:s16], [sflag:$0x5], $0x80, s30, s15, $0xb8;
	[tilespmem:$0x1F400] =	vst v63  }
0x49: {  	_ =	swait.ge [sflag:s13], $0x4000  }
0x4a: {  	[sflag:s13] =	ssyncset.done $0x0  }
0x4b: {  	s30 =	simm.s32 $0x200;
	[sflag:s13] =	ssyncadd.s32 $0xFFFFC000  }
0x4c: {  	[tilespmem:s12], [sflag:$0x1] =	stream.indirect.gather [hbm4b:s4+s15], $0x80, s30, s15, $0xb8;
	[tilespmem:$0x1F400] =	vst v63  }
0x4d: {  	_ =	swait.ge [sflag:s22], $0x4000  }
0x4e: {  	[sflag:s22] =	ssyncset.done $0x0  }
0x4f: {  	s30 =	simm.s32 $0x2900;
	[sflag:s22] =	ssyncadd.s32 $0xFFFFC000  }
0x50: {  	[spmem:s2] =	stream.indirect.scatter.add.f32 [tilespmem:s18], [sflag:$0x5], $0x80, s30, s15, $0xb8;
	[tilespmem:$0x1F400] =	vst v63  }
0x51: {  	_ =	swait.ge [sflag:s13], $0x4000  }
0x52: {  	[sflag:s13] =	ssyncset.done $0x0  }
0x53: {  	s30 =	simm.s32 $0x280;
	[sflag:s13] =	ssyncadd.s32 $0xFFFFC000  }
0x54: {  	[tilespmem:s16], [sflag:$0x2] =	stream.indirect.gather [hbm4b:s4+s15], $0x80, s30, s15, $0xb8;
	[tilespmem:$0x1F400] =	vst v63  }
0x55: {  	_ =	swait.ge [sflag:s23], $0x4000  }
0x56: {  	[sflag:s23] =	ssyncset.done $0x0  }
0x57: {  	s30 =	simm.s32 $0x2980;
	[sflag:s23] =	ssyncadd.s32 $0xFFFFC000  }
0x58: {  	[spmem:s2] =	stream.indirect.scatter.add.f32 [tilespmem:s20], [sflag:$0x5], $0x80, s30, s15, $0xb8;
	[tilespmem:$0x1F400] =	vst v63  }
0x59: {  	_ =	swait.ge [sflag:s13], $0x4000  }
0x5a: {  	[sflag:s13] =	ssyncset.done $0x0  }
0x5b: {  	s31 =	simm.s32 $0x300;
	s30 =	simm.s32 $0x800;
	[sflag:s13] =	ssyncadd.s32 $0xFFFFC000  }
.LBB2_4:
0x5c: {  	[tilespmem:s18], [sflag:$0x3] =	stream.indirect.gather [hbm4b:s4+s15], $0x80, s31, s15, $0xb8;
	[tilespmem:$0x1F400] =	vst v63  }
0x5d: {  	s31 =	smov.u32 s30  }
0x5e: {  	p0 =	sne.s32 s30, $0x9000;
	s30 =	sadd.s32 $0x800, s30;
	_ =	swait.ge [sflag:s19], $0x4000  }
0x5f: {  	s31 =	sshra.s32 s31, $0x2;
	[sflag:s19] =	ssyncset.done $0x0  }
0x60: {  	s1 =	sadd.s32 $0x2800, s31;
	[sflag:s19] =	ssyncadd.s32 $0xFFFFC000  }
0x61: {  	[spmem:s2] =	stream.indirect.scatter.add.f32 [tilespmem:s12], [sflag:$0x5], $0x80, s1, s15, $0xb8;
	[tilespmem:$0x1F400] =	vst v63  }
0x62: {  	_ =	swait.ge [sflag:s13], $0x4000  }
0x63: {  	[sflag:s13] =	ssyncset.done $0x0  }
0x64: {  	s1 =	sadd.s32 $0x180, s31;
	[sflag:s13] =	ssyncadd.s32 $0xFFFFC000  }
0x65: {  	[tilespmem:s20], [sflag:$0x4] =	stream.indirect.gather [hbm4b:s4+s15], $0x80, s1, s15, $0xb8;
	[tilespmem:$0x1F400] =	vst v63  }
0x66: {  	_ =	swait.ge [sflag:s21], $0x4000  }
0x67: {  	[sflag:s21] =	ssyncset.done $0x0  }
0x68: {  	s1 =	sadd.s32 $0x2880, s31;
	[sflag:s21] =	ssyncadd.s32 $0xFFFFC000  }
0x69: {  	[spmem:s2] =	stream.indirect.scatter.add.f32 [tilespmem:s16], [sflag:$0x5], $0x80, s1, s15, $0xb8;
	[tilespmem:$0x1F400] =	vst v63  }
0x6a: {  	_ =	swait.ge [sflag:s13], $0x4000  }
0x6b: {  	[sflag:s13] =	ssyncset.done $0x0  }
0x6c: {  	s1 =	sadd.s32 $0x200, s31;
	[sflag:s13] =	ssyncadd.s32 $0xFFFFC000  }
0x6d: {  	[tilespmem:s12], [sflag:$0x1] =	stream.indirect.gather [hbm4b:s4+s15], $0x80, s1, s15, $0xb8;
	[tilespmem:$0x1F400] =	vst v63  }
0x6e: {  	_ =	swait.ge [sflag:s22], $0x4000  }
0x6f: {  	[sflag:s22] =	ssyncset.done $0x0  }
0x70: {  	s1 =	sadd.s32 $0x2900, s31;
	[sflag:s22] =	ssyncadd.s32 $0xFFFFC000  }
0x71: {  	[spmem:s2] =	stream.indirect.scatter.add.f32 [tilespmem:s18], [sflag:$0x5], $0x80, s1, s15, $0xb8;
	[tilespmem:$0x1F400] =	vst v63  }
0x72: {  	_ =	swait.ge [sflag:s13], $0x4000  }
0x73: {  	[sflag:s13] =	ssyncset.done $0x0  }
0x74: {  	s1 =	sadd.s32 $0x280, s31;
	[sflag:s13] =	ssyncadd.s32 $0xFFFFC000  }
0x75: {  	[tilespmem:s16], [sflag:$0x2] =	stream.indirect.gather [hbm4b:s4+s15], $0x80, s1, s15, $0xb8;
	[tilespmem:$0x1F400] =	vst v63  }
0x76: {  	_ =	swait.ge [sflag:s23], $0x4000  }
0x77: {  	[sflag:s23] =	ssyncset.done $0x0  }
.Ltmp1:
0x78: {  	s1 =	sadd.s32 $0x2980, s31;
	[sflag:s23] =	ssyncadd.s32 $0xFFFFC000;
	(pc) =	sbr.rel @p0 .LBB2_4-.Ltmp1, $4  }
0x79: {  	[spmem:s2] =	stream.indirect.scatter.add.f32 [tilespmem:s20], [sflag:$0x5], $0x80, s1, s15, $0xb8;
	[tilespmem:$0x1F400] =	vst v63  }
0x7a: {  	_ =	swait.ge [sflag:s13], $0x4000  }
0x7b: {  	[sflag:s13] =	ssyncset.done $0x0  }
0x7c: {  	s31 =	sadd.s32 $0x300, s31;
	[sflag:s13] =	ssyncadd.s32 $0xFFFFC000  }
0x7d: {  	[tilespmem:s18], [sflag:$0x3] =	stream.indirect.gather [hbm4b:s4+s15], $0x80, s31, s15, $0xb8;
	[tilespmem:$0x1F400] =	vst v63  }
0x7e: {  	_ =	swait.ge [sflag:s19], $0x4000  }
0x7f: {  	[sflag:s19] =	ssyncset.done $0x0  }
0x80: {  	[sflag:s19] =	ssyncadd.s32 $0xFFFFC000  }
0x81: {  	[spmem:s2] =	stream.indirect.scatter.add.f32 [tilespmem:s12], [sflag:$0x5], $0x80, s24, s15, $0xb8;
	[tilespmem:$0x1F400] =	vst v63  }
0x82: {  	_ =	swait.ge [sflag:s13], $0x4000  }
0x83: {  	[sflag:s13] =	ssyncset.done $0x0  }
0x84: {  	[sflag:s13] =	ssyncadd.s32 $0xFFFFC000  }
0x85: {  	[tilespmem:s20], [sflag:$0x4] =	stream.indirect.gather [hbm4b:s4+s15], $0x80, s25, s15, $0xb8;
	[tilespmem:$0x1F400] =	vst v63  }
0x86: {  	_ =	swait.ge [sflag:s21], $0x4000  }
0x87: {  	[sflag:s21] =	ssyncset.done $0x0  }
0x88: {  	[sflag:s21] =	ssyncadd.s32 $0xFFFFC000  }
0x89: {  	[spmem:s2] =	stream.indirect.scatter.add.f32 [tilespmem:s16], [sflag:$0x5], $0x80, s26, s15, $0xb8;
	[tilespmem:$0x1F400] =	vst v63  }
0x8a: {  	_ =	swait.ge [sflag:s13], $0x4000  }
0x8b: {  	[sflag:s13] =	ssyncset.done $0x0  }
0x8c: {  	[sflag:s13] =	ssyncadd.s32 $0xFFFFC000  }
0x8d: {  	_ =	swait.ge [sflag:s22], $0x4000  }
0x8e: {  	[sflag:s22] =	ssyncset.done $0x0  }
0x8f: {  	[sflag:s22] =	ssyncadd.s32 $0xFFFFC000  }
0x90: {  	[spmem:s2] =	stream.indirect.scatter.add.f32 [tilespmem:s18], [sflag:$0x5], $0x80, s28, s15, $0xb8;
	[tilespmem:$0x1F400] =	vst v63  }
0x91: {  	_ =	swait.ge [sflag:s13], $0x4000  }
0x92: {  	[sflag:s13] =	ssyncset.done $0x0  }
0x93: {  	[sflag:s13] =	ssyncadd.s32 $0xFFFFC000  }
0x94: {  	_ =	swait.ge [sflag:s23], $0x4000  }
0x95: {  	[sflag:s23] =	ssyncset.done $0x0  }
0x96: {  	[sflag:s23] =	ssyncadd.s32 $0xFFFFC000  }
0x97: {  	[spmem:s2] =	stream.indirect.scatter.add.f32 [tilespmem:s20], [sflag:$0x5], $0x80, s29, s15, $0xb8;
	[tilespmem:$0x1F400] =	vst v63  }
0x98: {  	_ =	swait.ge [sflag:s13], $0x4000  }
0x99: {  	s1 =	sshll.u32 s0, $0x6;
	s3 =	sadd.s32 $0x1, s3;
	[sflag:s13] =	ssyncset.done $0x0  }
0x9a: {  	s30 =	sshrl.u32 s5, $0x3;
	p0 =	sne.s32 s3, s11;
	[sflag:s13] =	ssyncadd.s32 $0xFFFFC000  }
.Ltmp2:
0x9b: {  	s1 =	sor.u32 $0x1C05, s1;
	[bflag:$0x0] =	sbarrier.arrive $0xFFFF;
	(pc) =	sbr.rel @p0 .LBB2_1-.Ltmp2, $4  }
0x9c: {  	[hbm:s10], [sflag:s1] =	dma.local [spmem:s30], $0x1480  }
0x9d: {  	_ =	swait.ge [sflag:s13], $0x1480  }
0x9e: {  	[sflag:s13] =	ssyncset.done $0x0  }
0x9f: {  	[sflag:s13] =	ssyncadd.s32 $0xFFFFEB80  }
0xa0: {  	_ =	sfence.sel $0x180000  }
0xa1: {  	[bflag:$0x0] =	sbarrier.arrive $0xFFFF  }
0xa2: {  	_ =	strace $0x90000050  }
0xa3: {  	[bflag:$0x2] =	sbarrier.arrive $0xFFFF  }
0xa4: {  	p0 =	sne.s32 s0, $0x0;
	s0 =	rddreg [dreg:$0x2]  }
0xa5: {  	s0 =	sadd.s32 @!p0 $0x100000, s0  }
0xa6: {  	[sflag:s0] =	ssyncadd.tile.s32 @!p0 $0x1;
	_ =	shalt  }
.Lfunc_end2:
_tile_overlayer_lowered:
.L_overlay_start_2:
0xa7: {  	(tag) =	ssettag $0x2  }
0xa8: {  	s0 =	rddreg [dreg:$0x0];
	s2 =	stileid.u32  }
0xa9: {  	s1 =	rddreg [dreg:$0x1];
	p0 =	sne.s32 s2, $0x0  }
0xaa: {  	s3 =	rddreg [dreg:$0x2];
	[bflag:$0x3] =	sbarrier.arrive $0xFFFF;
	s2 =	simm.s32 @!p0 $0x1C05  }
0xab: {  	[timem:s3], [sflag:s2] =	dma.local @!p0 [hbm:s0], s1  }
0xac: {  	s0 =	simm.s32 @!p0 $0x5  }
0xad: {  	_ =	swait.ge @!p0 [sflag:s0], s1  }
0xae: {  	s1 =	ssub.s32 @!p0 $0x0, s1;
	[sflag:s0] =	ssyncset.done @!p0 $0x0  }
0xaf: {  	[sflag:s0] =	ssyncadd.s32 @!p0 s1  }
0xb0: {  	[bflag:$0x3] =	sbarrier.arrive $0xFFFF  }
0xb1: {  	_ =	shalt  }

// kernel: _run.24.cloned.1.call-start
scs
__scs_entry_jumppad:
0x0: {  	(pc) =	sbr.rel $0x88, $3  }
0x1: {  	(tag) =	ssettag $0x0;
	lr =	simm.s32 $0x1  }
0x2: {  	[smem:$0x3F9C] =	sst lr;
	_ =	strace $0xD0000000  }
0x3: {  	_ = 	snop  }
0x4: {  	_ = 	snop  }
0x5: {  	_ = 	snop  }
0x6: {  	_ = 	snop  }
0x7: {  	_ = 	snop  }
__scs_overlays_trampoline_lowered:
0x8: {  	[smem:$0x3FAB] =	sst s0  }
0x9: {  	[smem:$0x3FAC] =	sst s1  }
0xa: {  	[smem:$0x3FAD] =	sst s2  }
0xb: {  	[smem:$0x3FAE] =	sst s3  }
0xc: {  	[smem:$0x3FAF] =	sst s4  }
0xd: {  	[smem:$0x3FB0] =	sst s5  }
0xe: {  	[smem:$0x3FB1] =	sst s6  }
0xf: {  	[smem:$0x3FB2] =	sst s7  }
0x10: {  	[smem:$0x3FB3] =	sst s8  }
0x11: {  	[smem:$0x3FB4] =	sst s9;
	s0 =	simm.s32 @!p0 $0x0  }
0x12: {  	s1 =	sld [smem:$0x3F9A];
	s0 =	simm.s32 @p0 $0x1  }
0x13: {  	[smem:$0x3FB5] =	sst s0;
	s0 =	simm.s32 @!p1 $0x0  }
0x14: {  	s2 =	sld [smem:$0x3F99];
	s0 =	simm.s32 @p1 $0x1  }
0x15: {  	[smem:$0x3FB6] =	sst s0;
	s0 =	simm.s32 @!p2 $0x0  }
0x16: {  	s3 =	sld [smem:$0x3FDB];
	s0 =	simm.s32 @p2 $0x1  }
0x17: {  	s4 =	simm.s32 $0x1BF5;
	[smem:$0x3FB8] =	sst s0  }
0x18: {  	s0 =	sld [smem:$0x3F9B];
	_ =	swait.ge [sflag:s4], $0x0  }
0x19: {  	s7 =	sld [smem:$0x3F9C]  }
0x1a: {  	s8 =	sadd.s32 $0xFFFFE003, lr  }
0x1b: {  	s9 =	sadd.s32 $0xFFFFFEF7, lr;
	s5 =	simm.s32 $0xFFFFFFFF;
	p2 =	slt.u32 s8, $0xFFFFF086  }
0x1c: {  	p1 =	slt.u32 s9, $0xF7A;
	s5 =	simm.s32 @!p2 $0x0  }
0x1d: {  	s5 =	simm.s32 @p1 $0x1;
	p0 =	seq.s32 s7, s2  }
0x1e: {  	s7 =	smul.u32 @!p0 $0xF7A, s2;
	p2 =	seq.s32 @!p0 s5, $0x0  }
0x1f: {  	s9 =	smul.u32 $0xF7A, s1;
	s8 =	simm.s32 @!p0 $0x1BF5;
	p2 =	por !p2, p0  }
0x20: {  	[sflag:s8] =	ssyncset.s32 @!p0 $0xFFFFF086;
	s6 =	sadd.s32 @!p0 s3, s7;
	s7 =	simm.s32 @!p0 $0x108  }
0x21: {  	s3 =	sadd.s32 s3, s9;
	s6 =	sadd.s32 @!p0 $0x88, s6;
	s7 =	simm.s32 @p2 $0x1082  }
0x22: {  	[simem:s7], [sflag:s8] =	dma.local @!p0 [hbm:s6], $0xF7A  }
0x23: {  	s9 =	sor.u32 $0xD0000000, s2;
	s6 =	simm.s32 $0x108;
	_ =	swait.ge @!p0 [sflag:s8], $0x0  }
0x24: {  	s3 =	sadd.s32 $0x88, s3;
	s6 =	simm.s32 @!p1 $0x1082;
	[sflag:s4] =	ssyncset.s32 $0xFFFFF086  }
0x25: {  	[simem:s6], [sflag:s4] =	dma.local [hbm:s3], $0xF7A  }
0x26: {  	[smem:$0x3F9C] =	sst s1;
	(tag) =	ssettag s2;
	_ =	strace s9  }
0x27: {  	s1 =	sld [smem:$0x3FAC]  }
0x28: {  	s2 =	sld [smem:$0x3FAD]  }
0x29: {  	s4 =	sld [smem:$0x3FAF]  }
0x2a: {  	p0 =	seq.s32 s5, $0x0;
	s5 =	sld [smem:$0x3FB0]  }
0x2b: {  	s6 =	sld [smem:$0x3FB1]  }
0x2c: {  	s7 =	sld [smem:$0x3FB2]  }
0x2d: {  	s3 =	simm.s32 $0x108;
	s8 =	sld [smem:$0x3FB3]  }
0x2e: {  	s3 =	simm.s32 @!p0 $0x1082;
	s9 =	sld [smem:$0x3FB4]  }
0x2f: {  	lr =	sadd.s32 s0, s3;
	s0 =	sld [smem:$0x3FAB]  }
0x30: {  	s3 =	sld [smem:$0x3FAE]  }
0x31: {  	[smem:$0x3FB7] =	sst s10  }
0x32: {  	s10 =	sld [smem:$0x3FB5];
	_ =	sdelay $0x3  }
0x33: {  	p0 =	seq.s32 s10, $0x1;
	s10 =	sld [smem:$0x3FB7];
	_ =	sdelay $0x3  }
0x34: {  	[smem:$0x3FB7] =	sst s10  }
0x35: {  	s10 =	sld [smem:$0x3FB6];
	_ =	sdelay $0x3  }
0x36: {  	p1 =	seq.s32 s10, $0x1;
	s10 =	sld [smem:$0x3FB7];
	_ =	sdelay $0x3  }
0x37: {  	[smem:$0x3FB7] =	sst s10  }
0x38: {  	s10 =	sld [smem:$0x3FB8]  }
0x39: {  	_ = 	snop;
	(pc) =	sbr.ind lr, $3  }
0x3a: {  	_ = 	snop  }
0x3b: {  	_ = 	snop  }
0x3c: {  	p2 =	seq.s32 s10, $0x1;
	s10 =	sld [smem:$0x3FB7]  }
0x3d: {  	_ =	shalt  }
0x3e: {  	_ =	shalt  }
0x3f: {  	_ =	shalt  }
0x40: {  	_ =	shalt  }
0x41: {  	_ =	shalt  }
0x42: {  	_ =	shalt  }
0x43: {  	_ =	shalt  }
0x44: {  	_ =	shalt  }
0x45: {  	_ =	shalt  }
0x46: {  	_ =	shalt  }
0x47: {  	_ =	shalt  }
0x48: {  	_ =	shalt  }
0x49: {  	_ =	shalt  }
0x4a: {  	_ =	shalt  }
0x4b: {  	_ =	shalt  }
0x4c: {  	_ =	shalt  }
0x4d: {  	_ =	shalt  }
0x4e: {  	_ =	shalt  }
0x4f: {  	_ =	shalt  }
0x50: {  	_ =	shalt  }
0x51: {  	_ =	shalt  }
0x52: {  	_ =	shalt  }
0x53: {  	_ =	shalt  }
0x54: {  	_ =	shalt  }
0x55: {  	_ =	shalt  }
0x56: {  	_ =	shalt  }
0x57: {  	_ =	shalt  }
0x58: {  	_ =	shalt  }
0x59: {  	_ =	shalt  }
0x5a: {  	_ =	shalt  }
0x5b: {  	_ =	shalt  }
0x5c: {  	_ =	shalt  }
0x5d: {  	_ =	shalt  }
0x5e: {  	_ =	shalt  }
0x5f: {  	_ =	shalt  }
0x60: {  	_ =	shalt  }
0x61: {  	_ =	shalt  }
0x62: {  	_ =	shalt  }
0x63: {  	_ =	shalt  }
0x64: {  	_ =	shalt  }
0x65: {  	_ =	shalt  }
0x66: {  	_ =	shalt  }
0x67: {  	_ =	shalt  }
0x68: {  	_ =	shalt  }
0x69: {  	_ =	shalt  }
0x6a: {  	_ =	shalt  }
0x6b: {  	_ =	shalt  }
0x6c: {  	_ =	shalt  }
0x6d: {  	_ =	shalt  }
0x6e: {  	_ =	shalt  }
0x6f: {  	_ =	shalt  }
0x70: {  	_ =	shalt  }
0x71: {  	_ =	shalt  }
0x72: {  	_ =	shalt  }
0x73: {  	_ =	shalt  }
0x74: {  	_ =	shalt  }
0x75: {  	_ =	shalt  }
0x76: {  	_ =	shalt  }
0x77: {  	_ =	shalt  }
0x78: {  	_ =	shalt  }
0x79: {  	_ =	shalt  }
0x7a: {  	_ =	shalt  }
0x7b: {  	_ =	shalt  }
0x7c: {  	_ =	shalt  }
0x7d: {  	_ =	shalt  }
0x7e: {  	_ =	shalt  }
0x7f: {  	_ =	shalt  }
0x80: {  	_ =	shalt  }
0x81: {  	_ =	shalt  }
0x82: {  	_ =	shalt  }
0x83: {  	_ =	shalt  }
0x84: {  	_ =	shalt  }
0x85: {  	_ =	shalt  }
0x86: {  	_ =	shalt  }
0x87: {  	_ =	shalt  }
.Lfunc_end0:
.L_simem_size_0:
called_computation.4_lowered:
.L_overlay_start_0:
0x88: {  	s2 =	sld [smem:$0x3FD9]  }
0x89: {  	s3 =	sld [smem:$0x3FFE];
	_ =	sdelay $0x1  }
0x8a: {  	s1 =	srdreg.scid  }
0x8b: {  	s0 =	sand.u32 $0x1, s1  }
0x8c: {  	s16 =	sshll.u32 s0, $0xA;
	s2 =	sadd.s32 s3, s2  }
0x8d: {  	s2 =	sadd.s32 s2, s16  }
0x8e: {  	[smem:$0x3FC3] =	sst s2  }
0x8f: {  	_ = 	snop  }
0x90: {  	(tm) =	ssettm $0x1  }
0x91: {  	s17 =	sld [smem:$0x3FFB];
	_ =	sdelay $0x3  }
0x92: {  	_ =	strace s17  }
0x93: {  	s2 =	sld [smem:$0x3FFC];
	_ =	sdelay $0x3  }
0x94: {  	_ =	strace s2  }
0x95: {  	s2 =	sld [smem:$0x3FFD];
	_ =	sdelay $0x3  }
0x96: {  	_ =	strace s2  }
0x97: {  	_ =	strace $0x8FFFFFFF  }
0x98: {  	s18 =	sld [smem:$0x3FDB];
	_ =	sdelay $0x1  }
0x99: {  	s19 =	simm.s32 $_scs_section_size  }
0x9a: {  	s4 =	simm.s32 $_size__tile_overlayer_lowered;
	s5 =	simm.s32 $_tile_overlayer_lowered  }
0x9b: {  	s22 =	simm.s32 $0x1BFF;
	s21 =	sshll.u32 s5, $0x1;
	s2 =	sadd.s32 s19, s18  }
0x9c: {  	s6 =	simm.s32 $0x0;
	s20 =	sshll.u32 s4, $0x1;
	s4 =	sadd.s32 s21, s2  }
0x9d: {  	[timem:s6], [sflag:s22] =	dma.local [hbm:s4], s20  }
0x9e: {  	_ =	swait.ge [sflag:s22], s20  }
0x9f: {  	s3 =	ssub.s32 $0x0, s20;
	[sflag:s22] =	ssyncset.done $0x0  }
0xa0: {  	[sflag:s22] =	ssyncadd.s32 s3;
	_ =	sdelay $0x1  }
0xa1: {  	s23 =	simm.s32 $0x1B8B  }
0xa2: {  	_ =	swait.ge [sflag:s23], $0x1  }
0xa3: {  	[sflag:s23] =	ssyncset.done $0x0  }
0xa4: {  	s25 =	simm.s32 $0x1B8E;
	s24 =	sld [smem:$0x3FFE];
	[sflag:s23] =	ssyncadd.s32 $0xFFFFFFFF  }
0xa5: {  	s26 =	simm.s32 $execute0_lowered;
	[smem:$0x3FD2] =	sst s25  }
0xa6: {  	s4 =	sshll.u32 s26, $0x1;
	_ =	strace $0x80000052;
	[dreg:$0x1] =	wrdreg $0xFFFFFFFF  }
0xa7: {  	s28 =	simm.s32 $_size_execute0_lowered;
	s2 =	sadd.s32 s2, s4;
	[dreg:$0x0] =	wrdreg $0x0  }
0xa8: {  	s4 =	sshll.u32 s28, $0x1;
	[dreg:$0x2] =	wrdreg s2  }
0xa9: {  	[dreg:$0x3] =	wrdreg s4  }
0xaa: {  	[dreg:$0x4] =	wrdreg $0xC0  }
0xab: {  	_ =	task [dreg:s6], $0x5FFFF  }
0xac: {  	[dreg:$0x1] =	wrdreg $0xFFFFFFFF  }
0xad: {  	[dreg:$0x0] =	wrdreg $0x60  }
0xae: {  	[dreg:$0x2] =	wrdreg s24  }
0xaf: {  	[dreg:$0x3] =	wrdreg $0x9  }
0xb0: {  	_ =	task.clear_ibuf [dreg:s6], $0x4FFFF;
	_ =	strace $0x90000052  }
0xb1: {  	s29 =	simm.s32 $0x9;
	_ =	strace $0x80000054  }
0xb2: {  	_ =	swait.ge [sflag:s29], $0x1  }
0xb3: {  	[sflag:s29] =	ssyncadd.s32 $0xFFFFFFFF  }
0xb4: {  	_ =	strace $0x90000054  }
0xb5: {  	_ =	sfence  }
0xb6: {  	s30 =	sld [smem:$0x0];
	_ =	sdelay $0x2  }
0xb7: {  	s31 =	sshll.u32 s1, $0xD;
	s1 =	sshrl.u32 s1, $0x2  }
0xb8: {  	s3 =	sand.u32 $0x4000, s31;
	s1 =	sadd.s32 s1, s30  }
0xb9: {  	s0 =	sor.u32 s3, s0;
	s1 =	sshll.u32 s1, $0x11  }
0xba: {  	s0 =	sor.u32 s1, s0  }
0xbb: {  	s0 =	sadd.s32 $0x8F2B, s0  }
0xbc: {  	[sflag:s0] =	ssyncadd.remote.s32 $0x1  }
0xbd: {  	_ =	sfence.sel $0xFFFF  }
0xbe: {  	[dreg:$0x0] =	wrdreg $0xFFFFFFFF;
	(pc) =	sbr.abs _section_cstart, $3  }
0xbf: {  	[dreg:$0x1] =	wrdreg $0xFFFFFFFF  }
0xc0: {  	_ =	task.clear_ibuf [dreg:s6], $0x2FFFF;
	_ =	strace $0x9FFFFFFF  }
0xc1: {  	(tm) =	ssettm $0x7FFFFFFF  }
tec
execute0_lowered:
.L_overlay_start_1:
0x0: {  	(tag) =	ssettag $0x1  }
0x1: {  	s1 =	srdreg.scid;
	s0 =	stileid.u32  }
0x2: {  	s1 =	sand.u32 $0x1, s1;
	s2 =	sshll.u32 s0, $0x1  }
0x3: {  	s7 =	sor.u32 s1, s2  }
0x4: {  	s4 =	rddreg [dreg:$0x0];
	s3 =	sshll.u32 s7, $0x8  }
0x5: {  	s2 =	simm.s32 $0x0;
	s5 =	smul.u32 $0x6000, s7;
	s3 =	sadd.s32 s3, s4  }
0x6: {  	s9 =	sadd.s32 $0x2DA00, s4;
	[smem:$0x7FF] =	sst s2;
	s3 =	sadd.s32 $0x2BA00, s3  }
0x7: {  	_ =	strace $0x80000053;
	s31 =	sadd.s32 s9, s5;
	[dreg:$0x2] =	wrdreg s3  }
0x8: {  	s26 =	sadd.s32 $0x800, s31;
	s25 =	rddreg [dreg:$0x2]  }
0x9: {  	s3 =	simm.s32 $0x3;
	[dreg:$0x3] =	wrdreg s26  }
0xa: {  	[tilespmem:s2], [sflag:$0x3] =	stream.linear.gather [hbm4b:s25+s2], $0x600, $0x38;
	[tilespmem:$0x8800] =	vst v63  }
0xb: {  	_ =	swait.ge [sflag:s3], $0x600  }
0xc: {  	s6 =	simm.s32 $0x800;
	[sflag:s3] =	ssyncset.done $0x0  }
0xd: {  	s4 =	sadd.s32 $0x3A00, s4;
	s5 =	simm.s32 $0x80;
	[sflag:s3] =	ssyncadd.s32 $0xFFFFFA00  }
0xe: {  	[tilespmem:s6], [sflag:$0x1] =	stream.indirect.gather [hbm4b:s4+s5], $0x80, s2, s5, $0xb8;
	[tilespmem:$0x8800] =	vst v63  }
0xf: {  	s8 =	simm.s32 $0x1;
	s10 =	smul.u32 $0x30000, s7;
	s7 =	simm.s32 $0x4800  }
0x10: {  	[tilespmem:s7], [sflag:$0x2] =	stream.indirect.gather [hbm4b:s4+s5], $0x80, s5, s5, $0xb8;
	[tilespmem:$0x8800] =	vst v63  }
0x11: {  	_ =	swait.ge [sflag:s8], $0x4000  }
0x12: {  	s10 =	sshrl.u32 s10, $0x3;
	[sflag:s8] =	ssyncset.done $0x0  }
0x13: {  	s9 =	sadd.s32 s9, s10;
	[sflag:s8] =	ssyncadd.s32 $0xFFFFC000  }
0x14: {  	[hbm4b:s9+s2] =	stream.linear.scatter [tilespmem:s6], [sflag:$0x3], $0x4000, $0x38;
	[tilespmem:$0x8800] =	vst v63  }
0x15: {  	_ =	swait.ge [sflag:s3], $0x4000  }
0x16: {  	[sflag:s3] =	ssyncset.done $0x0  }
0x17: {  	s11 =	simm.s32 $0x2;
	s10 =	simm.s32 $0x100;
	[sflag:s3] =	ssyncadd.s32 $0xFFFFC000  }
0x18: {  	[tilespmem:s6], [sflag:$0x1] =	stream.indirect.gather [hbm4b:s4+s5], $0x80, s10, s5, $0xb8;
	[tilespmem:$0x8800] =	vst v63  }
0x19: {  	_ =	swait.ge [sflag:s11], $0x4000  }
0x1a: {  	[sflag:s11] =	ssyncset.done $0x0  }
0x1b: {  	s12 =	rddreg [dreg:$0x3];
	[sflag:s11] =	ssyncadd.s32 $0xFFFFC000  }
0x1c: {  	[hbm4b:s12+s2] =	stream.linear.scatter [tilespmem:s7], [sflag:$0x3], $0x4000, $0x38;
	[tilespmem:$0x8800] =	vst v63  }
0x1d: {  	_ =	swait.ge [sflag:s3], $0x4000  }
0x1e: {  	[sflag:s3] =	ssyncset.done $0x0  }
0x1f: {  	s12 =	simm.s32 $0x180;
	[sflag:s3] =	ssyncadd.s32 $0xFFFFC000  }
0x20: {  	[tilespmem:s7], [sflag:$0x2] =	stream.indirect.gather [hbm4b:s4+s5], $0x80, s12, s5, $0xb8;
	[tilespmem:$0x8800] =	vst v63  }
0x21: {  	_ =	swait.ge [sflag:s8], $0x4000  }
0x22: {  	[sflag:s8] =	ssyncset.done $0x0  }
0x23: {  	s13 =	sadd.s32 $0x1000, s9;
	[sflag:s8] =	ssyncadd.s32 $0xFFFFC000  }
0x24: {  	[hbm4b:s13+s2] =	stream.linear.scatter [tilespmem:s6], [sflag:$0x3], $0x4000, $0x38;
	[tilespmem:$0x8800] =	vst v63  }
0x25: {  	_ =	swait.ge [sflag:s3], $0x4000  }
0x26: {  	[sflag:s3] =	ssyncset.done $0x0  }
0x27: {  	s14 =	simm.s32 $0x200;
	[sflag:s3] =	ssyncadd.s32 $0xFFFFC000  }
0x28: {  	[tilespmem:s6], [sflag:$0x1] =	stream.indirect.gather [hbm4b:s4+s5], $0x80, s14, s5, $0xb8;
	[tilespmem:$0x8800] =	vst v63  }
0x29: {  	_ =	swait.ge [sflag:s11], $0x4000  }
0x2a: {  	[sflag:s11] =	ssyncset.done $0x0  }
0x2b: {  	s15 =	sadd.s32 $0x1800, s31;
	[sflag:s11] =	ssyncadd.s32 $0xFFFFC000  }
0x2c: {  	[hbm4b:s15+s2] =	stream.linear.scatter [tilespmem:s7], [sflag:$0x3], $0x4000, $0x38;
	[tilespmem:$0x8800] =	vst v63  }
0x2d: {  	_ =	swait.ge [sflag:s3], $0x4000  }
0x2e: {  	[sflag:s3] =	ssyncset.done $0x0  }
0x2f: {  	s16 =	simm.s32 $0x280;
	[sflag:s3] =	ssyncadd.s32 $0xFFFFC000  }
0x30: {  	[tilespmem:s7], [sflag:$0x2] =	stream.indirect.gather [hbm4b:s4+s5], $0x80, s16, s5, $0xb8;
	[tilespmem:$0x8800] =	vst v63  }
0x31: {  	_ =	swait.ge [sflag:s8], $0x4000  }
0x32: {  	[sflag:s8] =	ssyncset.done $0x0  }
0x33: {  	s17 =	sadd.s32 $0x2000, s9;
	[sflag:s8] =	ssyncadd.s32 $0xFFFFC000  }
0x34: {  	[hbm4b:s17+s2] =	stream.linear.scatter [tilespmem:s6], [sflag:$0x3], $0x4000, $0x38;
	[tilespmem:$0x8800] =	vst v63  }
0x35: {  	_ =	swait.ge [sflag:s3], $0x4000  }
0x36: {  	[sflag:s3] =	ssyncset.done $0x0  }
0x37: {  	s18 =	simm.s32 $0x300;
	[sflag:s3] =	ssyncadd.s32 $0xFFFFC000  }
0x38: {  	[tilespmem:s6], [sflag:$0x1] =	stream.indirect.gather [hbm4b:s4+s5], $0x80, s18, s5, $0xb8;
	[tilespmem:$0x8800] =	vst v63  }
0x39: {  	_ =	swait.ge [sflag:s11], $0x4000  }
0x3a: {  	[sflag:s11] =	ssyncset.done $0x0  }
0x3b: {  	s19 =	sadd.s32 $0x2800, s31;
	[sflag:s11] =	ssyncadd.s32 $0xFFFFC000  }
0x3c: {  	[hbm4b:s19+s2] =	stream.linear.scatter [tilespmem:s7], [sflag:$0x3], $0x4000, $0x38;
	[tilespmem:$0x8800] =	vst v63  }
0x3d: {  	_ =	swait.ge [sflag:s3], $0x4000  }
0x3e: {  	[sflag:s3] =	ssyncset.done $0x0  }
0x3f: {  	s20 =	simm.s32 $0x380;
	[sflag:s3] =	ssyncadd.s32 $0xFFFFC000  }
0x40: {  	[tilespmem:s7], [sflag:$0x2] =	stream.indirect.gather [hbm4b:s4+s5], $0x80, s20, s5, $0xb8;
	[tilespmem:$0x8800] =	vst v63  }
0x41: {  	_ =	swait.ge [sflag:s8], $0x4000  }
0x42: {  	[sflag:s8] =	ssyncset.done $0x0  }
0x43: {  	s21 =	sadd.s32 $0x3000, s9;
	[sflag:s8] =	ssyncadd.s32 $0xFFFFC000  }
0x44: {  	[hbm4b:s21+s2] =	stream.linear.scatter [tilespmem:s6], [sflag:$0x3], $0x4000, $0x38;
	[tilespmem:$0x8800] =	vst v63  }
0x45: {  	_ =	swait.ge [sflag:s3], $0x4000  }
0x46: {  	[sflag:s3] =	ssyncset.done $0x0  }
0x47: {  	s22 =	simm.s32 $0x400;
	[sflag:s3] =	ssyncadd.s32 $0xFFFFC000  }
0x48: {  	[tilespmem:s6], [sflag:$0x1] =	stream.indirect.gather [hbm4b:s4+s5], $0x80, s22, s5, $0xb8;
	[tilespmem:$0x8800] =	vst v63  }
0x49: {  	_ =	swait.ge [sflag:s11], $0x4000  }
0x4a: {  	[sflag:s11] =	ssyncset.done $0x0  }
0x4b: {  	s23 =	sadd.s32 $0x3800, s31;
	[sflag:s11] =	ssyncadd.s32 $0xFFFFC000  }
0x4c: {  	[hbm4b:s23+s2] =	stream.linear.scatter [tilespmem:s7], [sflag:$0x3], $0x4000, $0x38;
	[tilespmem:$0x8800] =	vst v63  }
0x4d: {  	_ =	swait.ge [sflag:s3], $0x4000  }
0x4e: {  	[sflag:s3] =	ssyncset.done $0x0  }
0x4f: {  	s24 =	simm.s32 $0x480;
	[sflag:s3] =	ssyncadd.s32 $0xFFFFC000  }
0x50: {  	[tilespmem:s7], [sflag:$0x2] =	stream.indirect.gather [hbm4b:s4+s5], $0x80, s24, s5, $0xb8;
	[tilespmem:$0x8800] =	vst v63  }
0x51: {  	_ =	swait.ge [sflag:s8], $0x4000  }
0x52: {  	[sflag:s8] =	ssyncset.done $0x0  }
0x53: {  	s25 =	sadd.s32 $0x4000, s9;
	[sflag:s8] =	ssyncadd.s32 $0xFFFFC000  }
0x54: {  	[hbm4b:s25+s2] =	stream.linear.scatter [tilespmem:s6], [sflag:$0x3], $0x4000, $0x38;
	[tilespmem:$0x8800] =	vst v63  }
0x55: {  	_ =	swait.ge [sflag:s3], $0x4000  }
0x56: {  	[sflag:s3] =	ssyncset.done $0x0  }
0x57: {  	s26 =	simm.s32 $0x500;
	[sflag:s3] =	ssyncadd.s32 $0xFFFFC000  }
0x58: {  	[tilespmem:s6], [sflag:$0x1] =	stream.indirect.gather [hbm4b:s4+s5], $0x80, s26, s5, $0xb8;
	[tilespmem:$0x8800] =	vst v63  }
0x59: {  	_ =	swait.ge [sflag:s11], $0x4000  }
0x5a: {  	[sflag:s11] =	ssyncset.done $0x0  }
0x5b: {  	s28 =	sadd.s32 $0x4800, s31;
	[sflag:s11] =	ssyncadd.s32 $0xFFFFC000  }
0x5c: {  	[hbm4b:s28+s2] =	stream.linear.scatter [tilespmem:s7], [sflag:$0x3], $0x4000, $0x38;
	[tilespmem:$0x8800] =	vst v63  }
0x5d: {  	_ =	swait.ge [sflag:s3], $0x4000  }
0x5e: {  	[sflag:s3] =	ssyncset.done $0x0  }
0x5f: {  	s29 =	simm.s32 $0x580;
	[sflag:s3] =	ssyncadd.s32 $0xFFFFC000  }
0x60: {  	[tilespmem:s7], [sflag:$0x2] =	stream.indirect.gather [hbm4b:s4+s5], $0x80, s29, s5, $0xb8;
	[tilespmem:$0x8800] =	vst v63  }
0x61: {  	_ =	swait.ge [sflag:s8], $0x4000  }
0x62: {  	s1 =	ssub.s32 $0x2, s1;
	[sflag:s8] =	ssyncset.done $0x0  }
0x63: {  	s0 =	sshrl.u32 s1, $0x1;
	s30 =	sadd.s32 $0x5000, s9;
	[sflag:s8] =	ssyncadd.s32 $0xFFFFC000  }
0x64: {  	[hbm4b:s30+s2] =	stream.linear.scatter [tilespmem:s6], [sflag:$0x3], $0x4000, $0x38;
	[tilespmem:$0x8800] =	vst v63  }
0x65: {  	s0 =	ssub.s32 s1, s0;
	_ =	swait.ge [sflag:s3], $0x4000  }
0x66: {  	s0 =	smax.u32 s0, $0x1;
	[sflag:s3] =	ssyncset.done $0x0  }
0x67: {  	p0 =	sne.s32 s0, $0x1;
	[sflag:s3] =	ssyncadd.s32 $0xFFFFC000  }
.Ltmp0:
0x68: {  	_ =	swait.ge [sflag:s11], $0x4000;
	(pc) =	sbr.rel @!p0 .LBB2_2-.Ltmp0, $4  }
0x69: {  	[sflag:s11] =	ssyncset.done $0x0  }
0x6a: {  	s31 =	sadd.s32 $0x5800, s31;
	[sflag:s11] =	ssyncadd.s32 $0xFFFFC000  }
0x6b: {  	[hbm4b:s31+s2] =	stream.linear.scatter [tilespmem:s7], [sflag:$0x3], $0x4000, $0x38;
	[tilespmem:$0x8800] =	vst v63  }
0x6c: {  	s1 =	sadd.s32 $0xFFFFFFFF, s0;
	_ =	swait.ge [sflag:s3], $0x4000  }
.LBB2_1:
0x6d: {  	[sflag:s3] =	ssyncset.done $0x0  }
0x6e: {  	s0 =	rddreg [dreg:$0x2];
	[sflag:s3] =	ssyncadd.s32 $0xFFFFC000  }
0x6f: {  	[tilespmem:s2], [sflag:$0x3] =	stream.linear.gather [hbm4b:s0+s2], $0x600, $0x38;
	[tilespmem:$0x8800] =	vst v63  }
0x70: {  	_ =	swait.ge [sflag:s3], $0x600  }
0x71: {  	[sflag:s3] =	ssyncset.done $0x0  }
0x72: {  	[sflag:s3] =	ssyncadd.s32 $0xFFFFFA00  }
0x73: {  	[tilespmem:s6], [sflag:$0x1] =	stream.indirect.gather [hbm4b:s4+s5], $0x80, s2, s5, $0xb8;
	[tilespmem:$0x8800] =	vst v63  }
0x74: {  	_ = 	snop  }
0x75: {  	[tilespmem:s7], [sflag:$0x2] =	stream.indirect.gather [hbm4b:s4+s5], $0x80, s5, s5, $0xb8;
	[tilespmem:$0x8800] =	vst v63  }
0x76: {  	_ =	swait.ge [sflag:s8], $0x4000  }
0x77: {  	[sflag:s8] =	ssyncset.done $0x0  }
0x78: {  	[sflag:s8] =	ssyncadd.s32 $0xFFFFC000  }
0x79: {  	[hbm4b:s9+s2] =	stream.linear.scatter [tilespmem:s6], [sflag:$0x3], $0x4000, $0x38;
	[tilespmem:$0x8800] =	vst v63  }
0x7a: {  	_ =	swait.ge [sflag:s3], $0x4000  }
0x7b: {  	[sflag:s3] =	ssyncset.done $0x0  }
0x7c: {  	[sflag:s3] =	ssyncadd.s32 $0xFFFFC000  }
0x7d: {  	[tilespmem:s6], [sflag:$0x1] =	stream.indirect.gather [hbm4b:s4+s5], $0x80, s10, s5, $0xb8;
	[tilespmem:$0x8800] =	vst v63  }
0x7e: {  	_ =	swait.ge [sflag:s11], $0x4000  }
0x7f: {  	[sflag:s11] =	ssyncset.done $0x0  }
0x80: {  	s0 =	rddreg [dreg:$0x3];
	[sflag:s11] =	ssyncadd.s32 $0xFFFFC000  }
0x81: {  	[hbm4b:s0+s2] =	stream.linear.scatter [tilespmem:s7], [sflag:$0x3], $0x4000, $0x38;
	[tilespmem:$0x8800] =	vst v63  }
0x82: {  	_ =	swait.ge [sflag:s3], $0x4000  }
0x83: {  	[sflag:s3] =	ssyncset.done $0x0  }
0x84: {  	[sflag:s3] =	ssyncadd.s32 $0xFFFFC000  }
0x85: {  	[tilespmem:s7], [sflag:$0x2] =	stream.indirect.gather [hbm4b:s4+s5], $0x80, s12, s5, $0xb8;
	[tilespmem:$0x8800] =	vst v63  }
0x86: {  	_ =	swait.ge [sflag:s8], $0x4000  }
0x87: {  	[sflag:s8] =	ssyncset.done $0x0  }
0x88: {  	[sflag:s8] =	ssyncadd.s32 $0xFFFFC000  }
0x89: {  	[hbm4b:s13+s2] =	stream.linear.scatter [tilespmem:s6], [sflag:$0x3], $0x4000, $0x38;
	[tilespmem:$0x8800] =	vst v63  }
0x8a: {  	_ =	swait.ge [sflag:s3], $0x4000  }
0x8b: {  	[sflag:s3] =	ssyncset.done $0x0  }
0x8c: {  	[sflag:s3] =	ssyncadd.s32 $0xFFFFC000  }
0x8d: {  	[tilespmem:s6], [sflag:$0x1] =	stream.indirect.gather [hbm4b:s4+s5], $0x80, s14, s5, $0xb8;
	[tilespmem:$0x8800] =	vst v63  }
0x8e: {  	_ =	swait.ge [sflag:s11], $0x4000  }
0x8f: {  	[sflag:s11] =	ssyncset.done $0x0  }
0x90: {  	[sflag:s11] =	ssyncadd.s32 $0xFFFFC000  }
0x91: {  	[hbm4b:s15+s2] =	stream.linear.scatter [tilespmem:s7], [sflag:$0x3], $0x4000, $0x38;
	[tilespmem:$0x8800] =	vst v63  }
0x92: {  	_ =	swait.ge [sflag:s3], $0x4000  }
0x93: {  	[sflag:s3] =	ssyncset.done $0x0  }
0x94: {  	[sflag:s3] =	ssyncadd.s32 $0xFFFFC000  }
0x95: {  	[tilespmem:s7], [sflag:$0x2] =	stream.indirect.gather [hbm4b:s4+s5], $0x80, s16, s5, $0xb8;
	[tilespmem:$0x8800] =	vst v63  }
0x96: {  	_ =	swait.ge [sflag:s8], $0x4000  }
0x97: {  	[sflag:s8] =	ssyncset.done $0x0  }
0x98: {  	[sflag:s8] =	ssyncadd.s32 $0xFFFFC000  }
0x99: {  	[hbm4b:s17+s2] =	stream.linear.scatter [tilespmem:s6], [sflag:$0x3], $0x4000, $0x38;
	[tilespmem:$0x8800] =	vst v63  }
0x9a: {  	_ =	swait.ge [sflag:s3], $0x4000  }
0x9b: {  	[sflag:s3] =	ssyncset.done $0x0  }
0x9c: {  	[sflag:s3] =	ssyncadd.s32 $0xFFFFC000  }
0x9d: {  	[tilespmem:s6], [sflag:$0x1] =	stream.indirect.gather [hbm4b:s4+s5], $0x80, s18, s5, $0xb8;
	[tilespmem:$0x8800] =	vst v63  }
0x9e: {  	_ =	swait.ge [sflag:s11], $0x4000  }
0x9f: {  	[sflag:s11] =	ssyncset.done $0x0  }
0xa0: {  	[sflag:s11] =	ssyncadd.s32 $0xFFFFC000  }
0xa1: {  	[hbm4b:s19+s2] =	stream.linear.scatter [tilespmem:s7], [sflag:$0x3], $0x4000, $0x38;
	[tilespmem:$0x8800] =	vst v63  }
0xa2: {  	_ =	swait.ge [sflag:s3], $0x4000  }
0xa3: {  	[sflag:s3] =	ssyncset.done $0x0  }
0xa4: {  	[sflag:s3] =	ssyncadd.s32 $0xFFFFC000  }
0xa5: {  	[tilespmem:s7], [sflag:$0x2] =	stream.indirect.gather [hbm4b:s4+s5], $0x80, s20, s5, $0xb8;
	[tilespmem:$0x8800] =	vst v63  }
0xa6: {  	_ =	swait.ge [sflag:s8], $0x4000  }
0xa7: {  	[sflag:s8] =	ssyncset.done $0x0  }
0xa8: {  	[sflag:s8] =	ssyncadd.s32 $0xFFFFC000  }
0xa9: {  	[hbm4b:s21+s2] =	stream.linear.scatter [tilespmem:s6], [sflag:$0x3], $0x4000, $0x38;
	[tilespmem:$0x8800] =	vst v63  }
0xaa: {  	_ =	swait.ge [sflag:s3], $0x4000  }
0xab: {  	[sflag:s3] =	ssyncset.done $0x0  }
0xac: {  	[sflag:s3] =	ssyncadd.s32 $0xFFFFC000  }
0xad: {  	[tilespmem:s6], [sflag:$0x1] =	stream.indirect.gather [hbm4b:s4+s5], $0x80, s22, s5, $0xb8;
	[tilespmem:$0x8800] =	vst v63  }
0xae: {  	_ =	swait.ge [sflag:s11], $0x4000  }
0xaf: {  	[sflag:s11] =	ssyncset.done $0x0  }
0xb0: {  	[sflag:s11] =	ssyncadd.s32 $0xFFFFC000  }
0xb1: {  	[hbm4b:s23+s2] =	stream.linear.scatter [tilespmem:s7], [sflag:$0x3], $0x4000, $0x38;
	[tilespmem:$0x8800] =	vst v63  }
0xb2: {  	_ =	swait.ge [sflag:s3], $0x4000  }
0xb3: {  	[sflag:s3] =	ssyncset.done $0x0  }
0xb4: {  	[sflag:s3] =	ssyncadd.s32 $0xFFFFC000  }
0xb5: {  	[tilespmem:s7], [sflag:$0x2] =	stream.indirect.gather [hbm4b:s4+s5], $0x80, s24, s5, $0xb8;
	[tilespmem:$0x8800] =	vst v63  }
0xb6: {  	_ =	swait.ge [sflag:s8], $0x4000  }
0xb7: {  	[sflag:s8] =	ssyncset.done $0x0  }
0xb8: {  	[sflag:s8] =	ssyncadd.s32 $0xFFFFC000  }
0xb9: {  	[hbm4b:s25+s2] =	stream.linear.scatter [tilespmem:s6], [sflag:$0x3], $0x4000, $0x38;
	[tilespmem:$0x8800] =	vst v63  }
0xba: {  	_ =	swait.ge [sflag:s3], $0x4000  }
0xbb: {  	[sflag:s3] =	ssyncset.done $0x0  }
0xbc: {  	[sflag:s3] =	ssyncadd.s32 $0xFFFFC000  }
0xbd: {  	[tilespmem:s6], [sflag:$0x1] =	stream.indirect.gather [hbm4b:s4+s5], $0x80, s26, s5, $0xb8;
	[tilespmem:$0x8800] =	vst v63  }
0xbe: {  	_ =	swait.ge [sflag:s11], $0x4000  }
0xbf: {  	[sflag:s11] =	ssyncset.done $0x0  }
0xc0: {  	[sflag:s11] =	ssyncadd.s32 $0xFFFFC000  }
0xc1: {  	[hbm4b:s28+s2] =	stream.linear.scatter [tilespmem:s7], [sflag:$0x3], $0x4000, $0x38;
	[tilespmem:$0x8800] =	vst v63  }
0xc2: {  	_ =	swait.ge [sflag:s3], $0x4000  }
0xc3: {  	[sflag:s3] =	ssyncset.done $0x0  }
0xc4: {  	[sflag:s3] =	ssyncadd.s32 $0xFFFFC000  }
0xc5: {  	[tilespmem:s7], [sflag:$0x2] =	stream.indirect.gather [hbm4b:s4+s5], $0x80, s29, s5, $0xb8;
	[tilespmem:$0x8800] =	vst v63  }
0xc6: {  	_ =	swait.ge [sflag:s8], $0x4000  }
0xc7: {  	[sflag:s8] =	ssyncset.done $0x0  }
0xc8: {  	[sflag:s8] =	ssyncadd.s32 $0xFFFFC000  }
0xc9: {  	[hbm4b:s30+s2] =	stream.linear.scatter [tilespmem:s6], [sflag:$0x3], $0x4000, $0x38;
	[tilespmem:$0x8800] =	vst v63  }
0xca: {  	_ =	swait.ge [sflag:s3], $0x4000  }
0xcb: {  	[sflag:s3] =	ssyncset.done $0x0  }
0xcc: {  	p0 =	sne.s32 s1, $0x1;
	[sflag:s3] =	ssyncadd.s32 $0xFFFFC000  }
.Ltmp1:
0xcd: {  	_ =	swait.ge [sflag:s11], $0x4000;
	(pc) =	sbr.rel @p0 .LBB2_1-.Ltmp1, $4  }
0xce: {  	[sflag:s11] =	ssyncset.done $0x0  }
0xcf: {  	[sflag:s11] =	ssyncadd.s32 $0xFFFFC000  }
0xd0: {  	[hbm4b:s31+s2] =	stream.linear.scatter [tilespmem:s7], [sflag:$0x3], $0x4000, $0x38;
	[tilespmem:$0x8800] =	vst v63  }
0xd1: {  	s1 =	sadd.s32 $0xFFFFFFFF, s1;
	_ =	swait.ge [sflag:s3], $0x4000  }
.LBB2_2:
0xd2: {  	[sflag:s3] =	ssyncset.done $0x0  }
0xd3: {  	[sflag:s3] =	ssyncadd.s32 $0xFFFFC000  }
0xd4: {  	_ =	sfence.sel $0x180000  }
0xd5: {  	[bflag:$0x0] =	sbarrier.arrive $0xFFFF  }
0xd6: {  	_ =	strace $0x90000053  }
0xd7: {  	s0 =	stileid.u32;
	[bflag:$0x2] =	sbarrier.arrive $0xFFFF  }
0xd8: {  	p0 =	sne.s32 s0, $0x0;
	s0 =	rddreg [dreg:$0x1]  }
0xd9: {  	s0 =	sadd.s32 @!p0 $0x100000, s0  }
0xda: {  	[sflag:s0] =	ssyncadd.tile.s32 @!p0 $0x1;
	_ =	shalt  }
.Lfunc_end2:
_tile_overlayer_lowered:
.L_overlay_start_2:
0xdb: {  	(tag) =	ssettag $0x2  }
0xdc: {  	s0 =	rddreg [dreg:$0x0];
	s2 =	stileid.u32  }
0xdd: {  	s1 =	rddreg [dreg:$0x1];
	p0 =	sne.s32 s2, $0x0  }
0xde: {  	s3 =	rddreg [dreg:$0x2];
	[bflag:$0x3] =	sbarrier.arrive $0xFFFF;
	s2 =	simm.s32 @!p0 $0x1C03  }
0xdf: {  	[timem:s3], [sflag:s2] =	dma.local @!p0 [hbm:s0], s1  }
0xe0: {  	s0 =	simm.s32 @!p0 $0x3  }
0xe1: {  	_ =	swait.ge @!p0 [sflag:s0], s1  }
0xe2: {  	s1 =	ssub.s32 @!p0 $0x0, s1;
	[sflag:s0] =	ssyncset.done @!p0 $0x0  }
0xe3: {  	[sflag:s0] =	ssyncadd.s32 @!p0 s1  }
0xe4: {  	[bflag:$0x3] =	sbarrier.arrive $0xFFFF  }
0xe5: {  	_ =	shalt  }

</sc_bundles>
